<compile_context>
chip_gen: v7x
topology: tpu7x:2x2x1
jax: 0.10.2.dev20260603
libtpu: 0.0.44.dev20260713+nightly
codegen_flags: <defaults>
</compile_context>

<pallas_src>
import functools

import jax
import jax.numpy as jnp
from jax import lax
from jax.experimental import pallas as pl
from jax.experimental.pallas import tpu as pltpu
from jax.experimental.pallas import tpu_sc as plsc

_N = 50000
_E = 1600000
_L = 128
_NBLK = _E // _L
_NW = 32
_NS = 16
_BPW = _NBLK // _NW
_TAIL = _NBLK - _NW * _BPW
_KB = 10
_NCHUNK = _BPW // _KB
_ST = 3128


def _worker_id():
    c = lax.axis_index("c")
    s = lax.axis_index("s")
    return s * 2 + c, c, s


def _tiled_copy_rows(src, dst, s, n_rows):
    last = n_rows - 15 * _ST

    @pl.when(s < 15)
    def _():
        pltpu.sync_copy(src.at[pl.ds(s * _ST, _ST)], dst.at[pl.ds(s * _ST, _ST)])

    @pl.when(s == 15)
    def _():
        pltpu.sync_copy(src.at[pl.ds(15 * _ST, last)], dst.at[pl.ds(15 * _ST, last)])


def _sc_gather_pairs(tab, row2d, col2d):
    n, d = tab.shape
    mesh = plsc.VectorSubcoreMesh(core_axis_name="c", subcore_axis_name="s")

    def body(tab_hbm, row_hbm, col_hbm, gi_hbm, gj_hbm, tab_sh, idxr, idxc, bufi, bufj, sem):
        w, c, s = _worker_id()
        _tiled_copy_rows(tab_hbm, tab_sh, s, _N)
        plsc.subcore_barrier()

        def do_blocks(b0, nb):
            pltpu.sync_copy(row_hbm.at[pl.ds(b0, nb)], idxr.at[pl.ds(0, nb)])
            pltpu.sync_copy(col_hbm.at[pl.ds(b0, nb)], idxc.at[pl.ds(0, nb)])
            cps = []
            for j in range(nb):
                cps.append(pltpu.async_copy(
                    tab_sh.at[idxc.at[j, 0]],
                    bufi.at[pl.ds(j * _L, _L)], sem))
                cps.append(pltpu.async_copy(
                    tab_sh.at[idxr.at[j, 0]],
                    bufj.at[pl.ds(j * _L, _L)], sem))
            for cp in cps:
                cp.wait()
            pltpu.sync_copy(bufi.at[pl.ds(0, nb * _L)], gi_hbm.at[pl.ds(b0 * _L, nb * _L)])
            pltpu.sync_copy(bufj.at[pl.ds(0, nb * _L)], gj_hbm.at[pl.ds(b0 * _L, nb * _L)])

        def chunk(g, carry):
            do_blocks(w * _BPW + g * _KB, _KB)
            return carry
        lax.fori_loop(0, _NCHUNK, chunk, 0)

        @pl.when(w < _TAIL)
        def _():
            do_blocks(_NBLK - _TAIL + w, 1)

    fn = pl.kernel(
        body,
        out_type=(jax.ShapeDtypeStruct((_E, d), jnp.float32),
                  jax.ShapeDtypeStruct((_E, d), jnp.float32)),
        mesh=mesh,
        compiler_params=pltpu.CompilerParams(use_tc_tiling_on_sc=False),
        scratch_types=[
            pltpu.VMEM_SHARED((n, d), jnp.float32),
            pltpu.VMEM((_KB, 1, _L), jnp.int32),
            pltpu.VMEM((_KB, 1, _L), jnp.int32),
            pltpu.VMEM((_KB * _L, d), jnp.float32),
            pltpu.VMEM((_KB * _L, d), jnp.float32),
            pltpu.SemaphoreType.DMA,
        ],
    )
    return fn(tab, row2d, col2d)


def _sc_scatter_add(m2, col2d, zeros):
    d = m2.shape[1]
    mesh = plsc.VectorSubcoreMesh(core_axis_name="c", subcore_axis_name="s")

    def body(m2_hbm, col_hbm, z_hbm, out_hbm, acc_sh, idx, buf, sem):
        w, c, s = _worker_id()
        _tiled_copy_rows(z_hbm, acc_sh, s, _N)
        plsc.subcore_barrier()

        def do_blocks(b0, nb):
            pltpu.sync_copy(col_hbm.at[pl.ds(b0, nb)], idx.at[pl.ds(0, nb)])
            pltpu.sync_copy(m2_hbm.at[pl.ds(b0 * _L, nb * _L)],
                            buf.at[pl.ds(0, nb * _L)])
            for j in range(nb):
                pltpu.sync_copy(buf.at[pl.ds(j * _L, _L)],
                                acc_sh.at[idx.at[j, 0]], add=True)

        def chunk(g, carry):
            do_blocks(w * _BPW + g * _KB, _KB)
            return carry
        lax.fori_loop(0, _NCHUNK, chunk, 0)

        @pl.when(w < _TAIL)
        def _():
            do_blocks(_NBLK - _TAIL + w, 1)

        plsc.subcore_barrier()
        _tiled_copy_rows(acc_sh, out_hbm.at[c], s, _N)

    fn = pl.kernel(
        body,
        out_type=jax.ShapeDtypeStruct((2, _N, d), jnp.float32),
        mesh=mesh,
        compiler_params=pltpu.CompilerParams(use_tc_tiling_on_sc=False),
        scratch_types=[
            pltpu.VMEM_SHARED((_N, d), jnp.float32),
            pltpu.VMEM((_KB, 1, _L), jnp.int32),
            pltpu.VMEM((_KB * _L, d), jnp.float32),
            pltpu.SemaphoreType.DMA,
        ],
    )
    return fn(m2, col2d, zeros)


def _elu(v):
    return jnp.where(v > 0, v, jnp.exp(jnp.minimum(v, 0.0)) - 1.0)


def _node_mlp_body(x_ref, dn_ref, w1_ref, b1_ref, w2_ref, b2_ref, w3_ref, b3_ref, o_ref):
    xn = x_ref[...] * dn_ref[...]
    h = jnp.tanh(jnp.dot(xn, w1_ref[...], preferred_element_type=jnp.float32) + b1_ref[...])
    h = jnp.tanh(jnp.dot(h, w2_ref[...], preferred_element_type=jnp.float32) + b2_ref[...])
    h = jnp.tanh(jnp.dot(h, w3_ref[...], preferred_element_type=jnp.float32) + b3_ref[...])
    o_ref[...] = jnp.concatenate([h, xn], axis=1)


def _tc_node_mlp(x, datanorm, W1, b1, W2, b2, W3, b3):
    bn = 5000
    grid = (_N // bn,)
    full = lambda a: pl.BlockSpec(a.shape, lambda i: (0,) * a.ndim)
    return pl.pallas_call(
        _node_mlp_body,
        grid=grid,
        in_specs=[pl.BlockSpec((bn, 5), lambda i: (i, 0)),
                  full(datanorm), full(W1), full(b1), full(W2), full(b2),
                  full(W3), full(b3)],
        out_specs=pl.BlockSpec((bn, 21), lambda i: (i, 0)),
        out_shape=jax.ShapeDtypeStruct((_N, 21), jnp.float32),
    )(x, datanorm, W1, b1, W2, b2, W3, b3)


def _edge_mlp1_body(xi_ref, xj_ref, wa_ref, wb_ref, b1_ref, w2_ref, b2_ref, o_ref):
    m = (jnp.dot(xi_ref[...], wa_ref[...], preferred_element_type=jnp.float32)
         + jnp.dot(xj_ref[...], wb_ref[...], preferred_element_type=jnp.float32)
         + b1_ref[...])
    m = _elu(m)
    m = _elu(jnp.dot(m, w2_ref[...], preferred_element_type=jnp.float32) + b2_ref[...])
    o_ref[...] = m


def _tc_edge_mlp1(xi, xj, wa, wb, b1, w2, b2):
    be = 4000
    grid = (_E // be,)
    full = lambda a: pl.BlockSpec(a.shape, lambda i: (0,) * a.ndim)
    return pl.pallas_call(
        _edge_mlp1_body,
        grid=grid,
        in_specs=[pl.BlockSpec((be, 21), lambda i: (i, 0)),
                  pl.BlockSpec((be, 21), lambda i: (i, 0)),
                  full(wa), full(wb), full(b1), full(w2), full(b2)],
        out_specs=pl.BlockSpec((be, 16), lambda i: (i, 0)),
        out_shape=jax.ShapeDtypeStruct((_E, 16), jnp.float32),
    )(xi, xj, wa, wb, b1, w2, b2)


def _sum_partials_body(p_ref, o_ref):
    o_ref[...] = p_ref[0] + p_ref[1]


def _tc_sum_partials(partials):
    bn = 5000
    grid = (_N // bn,)
    return pl.pallas_call(
        _sum_partials_body,
        grid=grid,
        in_specs=[pl.BlockSpec((2, bn, 16), lambda i: (0, i, 0))],
        out_specs=pl.BlockSpec((bn, 16), lambda i: (i, 0)),
        out_shape=jax.ShapeDtypeStruct((_N, 16), jnp.float32),
    )(partials)


def _edge_mlp2_body(hr_ref, hc_ref, wa_ref, wb_ref, b1_ref, w2_ref, b2_ref,
                    w3_ref, b3_ref, o_ref):
    e = (jnp.dot(hr_ref[...], wa_ref[...], preferred_element_type=jnp.float32)
         + jnp.dot(hc_ref[...], wb_ref[...], preferred_element_type=jnp.float32)
         + b1_ref[...])
    e = _elu(e)
    e = _elu(jnp.dot(e, w2_ref[...], preferred_element_type=jnp.float32) + b2_ref[...])
    e = jnp.dot(e, w3_ref[...], preferred_element_type=jnp.float32) + b3_ref[...]
    m = jnp.max(e, axis=1, keepdims=True)
    sh = e - m
    lse = jnp.log(jnp.sum(jnp.exp(sh), axis=1, keepdims=True))
    o_ref[...] = sh - lse


def _tc_edge_mlp2(hr, hc, wa, wb, b1, w2, b2, w3, b3):
    be = 4000
    grid = (_E // be,)
    full = lambda a: pl.BlockSpec(a.shape, lambda i: (0,) * a.ndim)
    return pl.pallas_call(
        _edge_mlp2_body,
        grid=grid,
        in_specs=[pl.BlockSpec((be, 16), lambda i: (i, 0)),
                  pl.BlockSpec((be, 16), lambda i: (i, 0)),
                  full(wa), full(wb), full(b1), full(w2), full(b2),
                  full(w3), full(b3)],
        out_specs=pl.BlockSpec((be, 4), lambda i: (i, 0)),
        out_shape=jax.ShapeDtypeStruct((_E, 4), jnp.float32),
    )(hr, hc, wa, wb, b1, w2, b2, w3, b3)


def kernel(x, edge_index, datanorm, W1, b1, W2, b2, W3, b3,
           Wc1, bc1, Wc2, bc2, We1, be1, We2, be2, We3, be3):
    row2d = edge_index[0].reshape(_NBLK, 1, _L)
    col2d = edge_index[1].reshape(_NBLK, 1, _L)

    feat = _tc_node_mlp(x, datanorm.reshape(1, 5), W1, b1.reshape(1, -1),
                        W2, b2.reshape(1, -1), W3, b3.reshape(1, -1))

    xi, xj = _sc_gather_pairs(feat, row2d, col2d)

    wa = Wc1[:21] - Wc1[21:]
    wb = Wc1[21:]
    m2 = _tc_edge_mlp1(xi, xj, wa, wb, bc1.reshape(1, -1), Wc2, bc2.reshape(1, -1))

    partials = _sc_scatter_add(m2, col2d, jnp.zeros((_N, 16), jnp.float32))
    H = _tc_sum_partials(partials)

    hr, hc = _sc_gather_pairs(H, row2d, col2d)

    return _tc_edge_mlp2(hr, hc, We1[:16], We1[16:], be1.reshape(1, -1),
                         We2, be2.reshape(1, -1), We3, be3.reshape(1, -1))

# --- scband reference (transcript-rebuilt; emitter-appended) ---
"""Pipeline reference for scband-edge-net-with-categories-jittable-12670153523552 (READ-ONLY COPY).

The authoritative reference and input builder live on the scoring server;
editing this copy changes nothing except your own understanding.
"""

import jax, jax.numpy as jnp
import numpy as np

N = 50000
E = 1600000
IN = 5
HID = 16
OUT = 4
START = 2 * (HID + IN)
MID = (3 * HID + 2 * IN) // 2


def _lin(key, fan_in, fan_out):
    k1, k2 = jax.random.split(key)
    lim = 1.0 / np.sqrt(fan_in)
    W = jax.random.uniform(k1, (fan_in, fan_out), minval=-lim, maxval=lim, dtype=jnp.float32)
    b = jax.random.uniform(k2, (fan_out,), minval=-lim, maxval=lim, dtype=jnp.float32)
    return W, b


def setup_inputs(seed: int = 0):
    key = jax.random.key(seed)
    ks = jax.random.split(key, 10)
    x = jax.random.normal(ks[0], (N, IN), dtype=jnp.float32)
    edge_index = jax.random.randint(ks[1], (2, E), 0, N, dtype=jnp.int32)
    datanorm = jnp.array([1.0 / 500.0, 1.0 / 500.0, 1.0 / 54.0, 1.0 / 25.0, 1.0 / 1000.0], dtype=jnp.float32)
    W1, b1 = _lin(ks[2], IN, 2 * HID)
    W2, b2 = _lin(ks[3], 2 * HID, 2 * HID)
    W3, b3 = _lin(ks[4], 2 * HID, HID)
    Wc1, bc1 = _lin(ks[5], START, MID)
    Wc2, bc2 = _lin(ks[6], MID, HID)
    We1, be1 = _lin(ks[7], 2 * HID, 2 * HID)
    We2, be2 = _lin(ks[8], 2 * HID, 2 * HID)
    We3, be3 = _lin(ks[9], 2 * HID, OUT)
    return {"x": x, "edge_index": edge_index, "datanorm": datanorm,
            "W1": W1, "b1": b1, "W2": W2, "b2": b2, "W3": W3, "b3": b3,
            "Wc1": Wc1, "bc1": bc1, "Wc2": Wc2, "bc2": bc2,
            "We1": We1, "be1": be1, "We2": We2, "be2": be2, "We3": We3, "be3": be3}


def reference(x, edge_index, datanorm, W1, b1, W2, b2, W3, b3, Wc1, bc1, Wc2, bc2, We1, be1, We2, be2, We3, be3):
    row = edge_index[0]
    col = edge_index[1]
    x_norm = datanorm * x
    h = jnp.tanh(x_norm @ W1 + b1)
    h = jnp.tanh(h @ W2 + b2)
    H = jnp.tanh(h @ W3 + b3)
    feat = jnp.concatenate([H, x_norm], axis=-1)
    # EdgeConv (flow source_to_target): x_i = feat[col] (target), x_j = feat[row] (source)
    x_i = feat[col]
    x_j = feat[row]
    m = jnp.concatenate([x_i, x_j - x_i], axis=-1)
    m = jax.nn.elu(m @ Wc1 + bc1)
    m = jax.nn.elu(m @ Wc2 + bc2)
    # aggr='add' scatter onto target nodes
    H = jax.ops.segment_sum(m, col, num_segments=N)
    H_cat = H
    e = jnp.concatenate([H_cat[row], H_cat[col]], axis=-1)
    e = jax.nn.elu(e @ We1 + be1)
    e = jax.nn.elu(e @ We2 + be2)
    e = e @ We3 + be3
    return jax.nn.log_softmax(e, axis=-1)

if __name__ == "__main__":
    import jax
    _d = setup_inputs()
    print(jax.jit(kernel)(*tuple(_d.values())))

</pallas_src>

<mosaic_0001>
#map = affine_map<(d0, d1) -> (0, 0)>
#map1 = affine_map<(d0, d1) -> (0, 0, 0)>
module attributes {stable_mosaic.version = 14 : i64} {
  func.func @body(%arg0: i32, %arg1: i32, %arg2: memref<50000x21xf32, #tpu.memory_space<hbm>>, %arg3: memref<12500x1x128xi32, #tpu.memory_space<hbm>>, %arg4: memref<12500x1x128xi32, #tpu.memory_space<hbm>>, %arg5: memref<1600000x21xf32, #tpu.memory_space<hbm>>, %arg6: memref<1600000x21xf32, #tpu.memory_space<hbm>>, %arg7: memref<50000x21xf32, #tpu.memory_space<vmem_shared>>, %arg8: memref<10x1x128xi32, #tpu.memory_space<vmem>>, %arg9: memref<10x1x128xi32, #tpu.memory_space<vmem>>, %arg10: memref<1280x21xf32, #tpu.memory_space<vmem>>, %arg11: memref<1280x21xf32, #tpu.memory_space<vmem>>, %arg12: memref<!tpu.dma_semaphore, #tpu.memory_space<semaphore_mem>>) attributes {dimension_semantics = [#tpu.dimension_semantics<core_parallel>, #tpu.dimension_semantics<subcore_parallel>], iteration_bounds = array<i64: 2, 16>, scalar_prefetch = 0 : i64, scratch_operands = 6 : i64, tpu.core_type = #tpu.core_type<sc_vector_subcore>, window_params = [{transform_indices = #map}, {transform_indices = #map1}, {transform_indices = #map1}, {transform_indices = #map}, {transform_indices = #map}]} {
    %mul3A = arith.constant 2 : i32
    %mul3A_0 = arith.muli %arg1, %mul3A : i32
    %add3A = arith.addi %mul3A_0, %arg0 : i32
    %lt3A = arith.constant 15 : i32
    %lt3A_1 = arith.cmpi slt, %arg1, %lt3A : i32
    %convert_element_type3A = arith.extui %lt3A_1 : i1 to i32
    %cond3A = arith.constant 0 : i32
    %cond3A_2 = arith.cmpi ne, %convert_element_type3A, %cond3A : i32
    scf.if %cond3A_2 {
      %mul3A_17 = arith.constant 3128 : i32
      %mul3A_18 = arith.muli %arg1, %mul3A_17 : i32
      %mul3A_19 = arith.constant 3128 : i32
      %mul3A_20 = arith.muli %arg1, %mul3A_19 : i32
      "tpu.region"() ({
        %run_scoped3A = tpu.sem_alloc : memref<!tpu.dma_semaphore, #tpu.memory_space<semaphore_mem>>
        %dma_start3A = arith.constant 0 : i32
        %dma_start3A_21 = tpu.memref_slice %arg7[%mul3A_20, %dma_start3A] : memref<50000x21xf32, #tpu.memory_space<vmem_shared>> -> memref<3128x21xf32, #tpu.memory_space<vmem_shared>>
        %dma_start3A_22 = arith.constant 0 : i32
        %dma_start3A_23 = tpu.memref_slice %arg2[%mul3A_18, %dma_start3A_22] : memref<50000x21xf32, #tpu.memory_space<hbm>> -> memref<3128x21xf32, #tpu.memory_space<hbm>>
        tpu.enqueue_dma source(%dma_start3A_23 : memref<3128x21xf32, #tpu.memory_space<hbm>>) target(%dma_start3A_21 : memref<3128x21xf32, #tpu.memory_space<vmem_shared>>) target_semaphore(%run_scoped3A : memref<!tpu.dma_semaphore, #tpu.memory_space<semaphore_mem>>)
        %dma_wait3A = arith.constant 0 : i32
        %dma_wait3A_24 = tpu.memref_slice %arg7[%mul3A_20, %dma_wait3A] : memref<50000x21xf32, #tpu.memory_space<vmem_shared>> -> memref<3128x21xf32, #tpu.memory_space<vmem_shared>>
        %dma_wait3A_25 = arith.constant 0 : i32
        %dma_wait3A_26 = tpu.memref_slice %arg2[%mul3A_18, %dma_wait3A_25] : memref<50000x21xf32, #tpu.memory_space<hbm>> -> memref<3128x21xf32, #tpu.memory_space<hbm>>
        tpu.wait_dma2 semaphore(%run_scoped3A : memref<!tpu.dma_semaphore, #tpu.memory_space<semaphore_mem>>) src(%dma_wait3A_26 : memref<3128x21xf32, #tpu.memory_space<hbm>>) dst(%dma_wait3A_24 : memref<3128x21xf32, #tpu.memory_space<vmem_shared>>)
        tpu.yield
      }) : () -> ()
    } else {
    }
    %eq3A = arith.constant 15 : i32
    %eq3A_3 = arith.cmpi eq, %arg1, %eq3A : i32
    %convert_element_type3A_4 = arith.extui %eq3A_3 : i1 to i32
    %cond3A_5 = arith.constant 0 : i32
    %cond3A_6 = arith.cmpi ne, %convert_element_type3A_4, %cond3A_5 : i32
    scf.if %cond3A_6 {
      "tpu.region"() ({
        %run_scoped3A = tpu.sem_alloc : memref<!tpu.dma_semaphore, #tpu.memory_space<semaphore_mem>>
        %dma_start3A = arith.constant 46920 : i32
        %dma_start3A_17 = arith.constant 0 : i32
        %dma_start3A_18 = tpu.memref_slice %arg7[%dma_start3A, %dma_start3A_17] : memref<50000x21xf32, #tpu.memory_space<vmem_shared>> -> memref<3080x21xf32, #tpu.memory_space<vmem_shared>>
        %dma_start3A_19 = arith.constant 46920 : i32
        %dma_start3A_20 = arith.constant 0 : i32
        %dma_start3A_21 = tpu.memref_slice %arg2[%dma_start3A_19, %dma_start3A_20] : memref<50000x21xf32, #tpu.memory_space<hbm>> -> memref<3080x21xf32, #tpu.memory_space<hbm>>
        tpu.enqueue_dma source(%dma_start3A_21 : memref<3080x21xf32, #tpu.memory_space<hbm>>) target(%dma_start3A_18 : memref<3080x21xf32, #tpu.memory_space<vmem_shared>>) target_semaphore(%run_scoped3A : memref<!tpu.dma_semaphore, #tpu.memory_space<semaphore_mem>>)
        %dma_wait3A = arith.constant 46920 : i32
        %dma_wait3A_22 = arith.constant 0 : i32
        %dma_wait3A_23 = tpu.memref_slice %arg7[%dma_wait3A, %dma_wait3A_22] : memref<50000x21xf32, #tpu.memory_space<vmem_shared>> -> memref<3080x21xf32, #tpu.memory_space<vmem_shared>>
        %dma_wait3A_24 = arith.constant 46920 : i32
        %dma_wait3A_25 = arith.constant 0 : i32
        %dma_wait3A_26 = tpu.memref_slice %arg2[%dma_wait3A_24, %dma_wait3A_25] : memref<50000x21xf32, #tpu.memory_space<hbm>> -> memref<3080x21xf32, #tpu.memory_space<hbm>>
        tpu.wait_dma2 semaphore(%run_scoped3A : memref<!tpu.dma_semaphore, #tpu.memory_space<semaphore_mem>>) src(%dma_wait3A_26 : memref<3080x21xf32, #tpu.memory_space<hbm>>) dst(%dma_wait3A_23 : memref<3080x21xf32, #tpu.memory_space<vmem_shared>>)
        tpu.yield
      }) : () -> ()
    } else {
    }
    %barrier3A = arith.constant 0 : index
    tpu.barrier barrier_id(%barrier3A)
    %scan3A = arith.constant 0 : i32
    %scan3A_7 = arith.constant 0 : i32
    %scan3A_8 = arith.constant 39 : i32
    %scan3A_9 = arith.addi %scan3A_7, %scan3A_8 : i32
    %scan3A_10 = arith.constant 1 : i32
    scf.for %scan3A_17 = %scan3A_7 to %scan3A_9 step %scan3A_10  : i32 {
      %mul3A_18 = arith.constant 390 : i32
      %mul3A_19 = arith.muli %add3A, %mul3A_18 : i32
      %mul3A_20 = arith.constant 10 : i32
      %mul3A_21 = arith.muli %scan3A_17, %mul3A_20 : i32
      %add3A_22 = arith.addi %mul3A_19, %mul3A_21 : i32
      "tpu.region"() ({
        %run_scoped3A = tpu.sem_alloc : memref<!tpu.dma_semaphore, #tpu.memory_space<semaphore_mem>>
        %dma_start3A_465 = arith.constant 0 : i32
        %dma_start3A_466 = arith.constant 0 : i32
        %dma_start3A_467 = arith.constant 0 : i32
        %dma_start3A_468 = tpu.memref_slice %arg8[%dma_start3A_465, %dma_start3A_466, %dma_start3A_467] : memref<10x1x128xi32, #tpu.memory_space<vmem>> -> memref<10x1x128xi32, #tpu.memory_space<vmem>>
        %dma_start3A_469 = arith.constant 0 : i32
        %dma_start3A_470 = arith.constant 0 : i32
        %dma_start3A_471 = tpu.memref_slice %arg3[%add3A_22, %dma_start3A_469, %dma_start3A_470] : memref<12500x1x128xi32, #tpu.memory_space<hbm>> -> memref<10x1x128xi32, #tpu.memory_space<hbm>>
        %dma_start3A_472 = arith.constant 0 : i32
        %dma_start3A_473 = arith.constant 0 : i32
        %dma_start3A_474 = arith.constant 0 : i32
        %dma_start3A_475 = tpu.memref_slice %arg8[%dma_start3A_472, %dma_start3A_473, %dma_start3A_474] : memref<10x1x128xi32, #tpu.memory_space<vmem>> -> memref<10x1x128xi32, #tpu.memory_space<vmem>>
        %dma_start3A_476 = arith.constant 0 : i32
        %dma_start3A_477 = arith.constant 0 : i32
        %dma_start3A_478 = tpu.memref_slice %arg3[%add3A_22, %dma_start3A_476, %dma_start3A_477] : memref<12500x1x128xi32, #tpu.memory_space<hbm>> -> memref<10x1x128xi32, #tpu.memory_space<hbm>>
        tpu.enqueue_dma source(%dma_start3A_478 : memref<10x1x128xi32, #tpu.memory_space<hbm>>) target(%dma_start3A_475 : memref<10x1x128xi32, #tpu.memory_space<vmem>>) target_semaphore(%run_scoped3A : memref<!tpu.dma_semaphore, #tpu.memory_space<semaphore_mem>>)
        %dma_wait3A_479 = arith.constant 0 : i32
        %dma_wait3A_480 = arith.constant 0 : i32
        %dma_wait3A_481 = arith.constant 0 : i32
        %dma_wait3A_482 = tpu.memref_slice %arg8[%dma_wait3A_479, %dma_wait3A_480, %dma_wait3A_481] : memref<10x1x128xi32, #tpu.memory_space<vmem>> -> memref<10x1x128xi32, #tpu.memory_space<vmem>>
        %dma_wait3A_483 = arith.constant 0 : i32
        %dma_wait3A_484 = arith.constant 0 : i32
        %dma_wait3A_485 = tpu.memref_slice %arg3[%add3A_22, %dma_wait3A_483, %dma_wait3A_484] : memref<12500x1x128xi32, #tpu.memory_space<hbm>> -> memref<10x1x128xi32, #tpu.memory_space<hbm>>
        %dma_wait3A_486 = arith.constant 0 : i32
        %dma_wait3A_487 = arith.constant 0 : i32
        %dma_wait3A_488 = arith.constant 0 : i32
        %dma_wait3A_489 = tpu.memref_slice %arg8[%dma_wait3A_486, %dma_wait3A_487, %dma_wait3A_488] : memref<10x1x128xi32, #tpu.memory_space<vmem>> -> memref<10x1x128xi32, #tpu.memory_space<vmem>>
        %dma_wait3A_490 = arith.constant 0 : i32
        %dma_wait3A_491 = arith.constant 0 : i32
        %dma_wait3A_492 = tpu.memref_slice %arg3[%add3A_22, %dma_wait3A_490, %dma_wait3A_491] : memref<12500x1x128xi32, #tpu.memory_space<hbm>> -> memref<10x1x128xi32, #tpu.memory_space<hbm>>
        tpu.wait_dma2 semaphore(%run_scoped3A : memref<!tpu.dma_semaphore, #tpu.memory_space<semaphore_mem>>) src(%dma_wait3A_492 : memref<10x1x128xi32, #tpu.memory_space<hbm>>) dst(%dma_wait3A_489 : memref<10x1x128xi32, #tpu.memory_space<vmem>>)
        tpu.yield
      }) : () -> ()
      "tpu.region"() ({
        %run_scoped3A = tpu.sem_alloc : memref<!tpu.dma_semaphore, #tpu.memory_space<semaphore_mem>>
        %dma_start3A_465 = arith.constant 0 : i32
        %dma_start3A_466 = arith.constant 0 : i32
        %dma_start3A_467 = arith.constant 0 : i32
        %dma_start3A_468 = tpu.memref_slice %arg9[%dma_start3A_465, %dma_start3A_466, %dma_start3A_467] : memref<10x1x128xi32, #tpu.memory_space<vmem>> -> memref<10x1x128xi32, #tpu.memory_space<vmem>>
        %dma_start3A_469 = arith.constant 0 : i32
        %dma_start3A_470 = arith.constant 0 : i32
        %dma_start3A_471 = tpu.memref_slice %arg4[%add3A_22, %dma_start3A_469, %dma_start3A_470] : memref<12500x1x128xi32, #tpu.memory_space<hbm>> -> memref<10x1x128xi32, #tpu.memory_space<hbm>>
        %dma_start3A_472 = arith.constant 0 : i32
        %dma_start3A_473 = arith.constant 0 : i32
        %dma_start3A_474 = arith.constant 0 : i32
        %dma_start3A_475 = tpu.memref_slice %arg9[%dma_start3A_472, %dma_start3A_473, %dma_start3A_474] : memref<10x1x128xi32, #tpu.memory_space<vmem>> -> memref<10x1x128xi32, #tpu.memory_space<vmem>>
        %dma_start3A_476 = arith.constant 0 : i32
        %dma_start3A_477 = arith.constant 0 : i32
        %dma_start3A_478 = tpu.memref_slice %arg4[%add3A_22, %dma_start3A_476, %dma_start3A_477] : memref<12500x1x128xi32, #tpu.memory_space<hbm>> -> memref<10x1x128xi32, #tpu.memory_space<hbm>>
        tpu.enqueue_dma source(%dma_start3A_478 : memref<10x1x128xi32, #tpu.memory_space<hbm>>) target(%dma_start3A_475 : memref<10x1x128xi32, #tpu.memory_space<vmem>>) target_semaphore(%run_scoped3A : memref<!tpu.dma_semaphore, #tpu.memory_space<semaphore_mem>>)
        %dma_wait3A_479 = arith.constant 0 : i32
        %dma_wait3A_480 = arith.constant 0 : i32
        %dma_wait3A_481 = arith.constant 0 : i32
        %dma_wait3A_482 = tpu.memref_slice %arg9[%dma_wait3A_479, %dma_wait3A_480, %dma_wait3A_481] : memref<10x1x128xi32, #tpu.memory_space<vmem>> -> memref<10x1x128xi32, #tpu.memory_space<vmem>>
        %dma_wait3A_483 = arith.constant 0 : i32
        %dma_wait3A_484 = arith.constant 0 : i32
        %dma_wait3A_485 = tpu.memref_slice %arg4[%add3A_22, %dma_wait3A_483, %dma_wait3A_484] : memref<12500x1x128xi32, #tpu.memory_space<hbm>> -> memref<10x1x128xi32, #tpu.memory_space<hbm>>
        %dma_wait3A_486 = arith.constant 0 : i32
        %dma_wait3A_487 = arith.constant 0 : i32
        %dma_wait3A_488 = arith.constant 0 : i32
        %dma_wait3A_489 = tpu.memref_slice %arg9[%dma_wait3A_486, %dma_wait3A_487, %dma_wait3A_488] : memref<10x1x128xi32, #tpu.memory_space<vmem>> -> memref<10x1x128xi32, #tpu.memory_space<vmem>>
        %dma_wait3A_490 = arith.constant 0 : i32
        %dma_wait3A_491 = arith.constant 0 : i32
        %dma_wait3A_492 = tpu.memref_slice %arg4[%add3A_22, %dma_wait3A_490, %dma_wait3A_491] : memref<12500x1x128xi32, #tpu.memory_space<hbm>> -> memref<10x1x128xi32, #tpu.memory_space<hbm>>
        tpu.wait_dma2 semaphore(%run_scoped3A : memref<!tpu.dma_semaphore, #tpu.memory_space<semaphore_mem>>) src(%dma_wait3A_492 : memref<10x1x128xi32, #tpu.memory_space<hbm>>) dst(%dma_wait3A_489 : memref<10x1x128xi32, #tpu.memory_space<vmem>>)
        tpu.yield
      }) : () -> ()
      %dma_start3A = arith.constant 0 : i32
      %dma_start3A_23 = arith.constant 0 : i32
      %dma_start3A_24 = arith.constant 0 : i32
      %dma_start3A_25 = arith.constant 0 : i32
      %dma_start3A_26 = tpu.memref_slice %arg10[%dma_start3A_24, %dma_start3A_25] : memref<1280x21xf32, #tpu.memory_space<vmem>> -> memref<128x21xf32, #tpu.memory_space<vmem>>
      %dma_start3A_27 = arith.constant 0 : i32
      %dma_start3A_28 = tpu.memref_slice %arg9[%dma_start3A, %dma_start3A_23, %dma_start3A_27] : memref<10x1x128xi32, #tpu.memory_space<vmem>> -> memref<1x1x128xi32, #tpu.memory_space<vmem>>
      %dma_start3A_29 = tpu.memref_squeeze %dma_start3A_28 : memref<1x1x128xi32, #tpu.memory_space<vmem>> -> memref<128xi32, #tpu.memory_space<vmem>>
      %dma_start3A_30 = arith.constant 0 : i32
      %dma_start3A_31 = arith.constant 0 : i32
      %dma_start3A_32 = tpu.memref_slice %arg7[%dma_start3A_30, %dma_start3A_31] : memref<50000x21xf32, #tpu.memory_space<vmem_shared>> -> memref<50000x21xf32, #tpu.memory_space<vmem_shared>>
      tpu.enqueue_indirect_dma source(%dma_start3A_32 : memref<50000x21xf32, #tpu.memory_space<vmem_shared>>) target(%dma_start3A_26 : memref<128x21xf32, #tpu.memory_space<vmem>>) offsets(%dma_start3A_29 : memref<128xi32, #tpu.memory_space<vmem>>) semaphore(%arg12 : memref<!tpu.dma_semaphore, #tpu.memory_space<semaphore_mem>>)
      %dma_start3A_33 = arith.constant 0 : i32
      %dma_start3A_34 = arith.constant 0 : i32
      %dma_start3A_35 = arith.constant 0 : i32
      %dma_start3A_36 = arith.constant 0 : i32
      %dma_start3A_37 = tpu.memref_slice %arg11[%dma_start3A_35, %dma_start3A_36] : memref<1280x21xf32, #tpu.memory_space<vmem>> -> memref<128x21xf32, #tpu.memory_space<vmem>>
      %dma_start3A_38 = arith.constant 0 : i32
      %dma_start3A_39 = tpu.memref_slice %arg8[%dma_start3A_33, %dma_start3A_34, %dma_start3A_38] : memref<10x1x128xi32, #tpu.memory_space<vmem>> -> memref<1x1x128xi32, #tpu.memory_space<vmem>>
      %dma_start3A_40 = tpu.memref_squeeze %dma_start3A_39 : memref<1x1x128xi32, #tpu.memory_space<vmem>> -> memref<128xi32, #tpu.memory_space<vmem>>
      %dma_start3A_41 = arith.constant 0 : i32
      %dma_start3A_42 = arith.constant 0 : i32
      %dma_start3A_43 = tpu.memref_slice %arg7[%dma_start3A_41, %dma_start3A_42] : memref<50000x21xf32, #tpu.memory_space<vmem_shared>> -> memref<50000x21xf32, #tpu.memory_space<vmem_shared>>
      tpu.enqueue_indirect_dma source(%dma_start3A_43 : memref<50000x21xf32, #tpu.memory_space<vmem_shared>>) target(%dma_start3A_37 : memref<128x21xf32, #tpu.memory_space<vmem>>) offsets(%dma_start3A_40 : memref<128xi32, #tpu.memory_space<vmem>>) semaphore(%arg12 : memref<!tpu.dma_semaphore, #tpu.memory_space<semaphore_mem>>)
      %dma_start3A_44 = arith.constant 1 : i32
      %dma_start3A_45 = arith.constant 0 : i32
      %dma_start3A_46 = arith.constant 128 : i32
      %dma_start3A_47 = arith.constant 0 : i32
      %dma_start3A_48 = tpu.memref_slice %arg10[%dma_start3A_46, %dma_start3A_47] : memref<1280x21xf32, #tpu.memory_space<vmem>> -> memref<128x21xf32, #tpu.memory_space<vmem>>
      %dma_start3A_49 = arith.constant 0 : i32
      %dma_start3A_50 = tpu.memref_slice %arg9[%dma_start3A_44, %dma_start3A_45, %dma_start3A_49] : memref<10x1x128xi32, #tpu.memory_space<vmem>> -> memref<1x1x128xi32, #tpu.memory_space<vmem>>
      %dma_start3A_51 = tpu.memref_squeeze %dma_start3A_50 : memref<1x1x128xi32, #tpu.memory_space<vmem>> -> memref<128xi32, #tpu.memory_space<vmem>>
      %dma_start3A_52 = arith.constant 0 : i32
      %dma_start3A_53 = arith.constant 0 : i32
      %dma_start3A_54 = tpu.memref_slice %arg7[%dma_start3A_52, %dma_start3A_53] : memref<50000x21xf32, #tpu.memory_space<vmem_shared>> -> memref<50000x21xf32, #tpu.memory_space<vmem_shared>>
      tpu.enqueue_indirect_dma source(%dma_start3A_54 : memref<50000x21xf32, #tpu.memory_space<vmem_shared>>) target(%dma_start3A_48 : memref<128x21xf32, #tpu.memory_space<vmem>>) offsets(%dma_start3A_51 : memref<128xi32, #tpu.memory_space<vmem>>) semaphore(%arg12 : memref<!tpu.dma_semaphore, #tpu.memory_space<semaphore_mem>>)
      %dma_start3A_55 = arith.constant 1 : i32
      %dma_start3A_56 = arith.constant 0 : i32
      %dma_start3A_57 = arith.constant 128 : i32
      %dma_start3A_58 = arith.constant 0 : i32
      %dma_start3A_59 = tpu.memref_slice %arg11[%dma_start3A_57, %dma_start3A_58] : memref<1280x21xf32, #tpu.memory_space<vmem>> -> memref<128x21xf32, #tpu.memory_space<vmem>>
      %dma_start3A_60 = arith.constant 0 : i32
      %dma_start3A_61 = tpu.memref_slice %arg8[%dma_start3A_55, %dma_start3A_56, %dma_start3A_60] : memref<10x1x128xi32, #tpu.memory_space<vmem>> -> memref<1x1x128xi32, #tpu.memory_space<vmem>>
      %dma_start3A_62 = tpu.memref_squeeze %dma_start3A_61 : memref<1x1x128xi32, #tpu.memory_space<vmem>> -> memref<128xi32, #tpu.memory_space<vmem>>
      %dma_start3A_63 = arith.constant 0 : i32
      %dma_start3A_64 = arith.constant 0 : i32
      %dma_start3A_65 = tpu.memref_slice %arg7[%dma_start3A_63, %dma_start3A_64] : memref<50000x21xf32, #tpu.memory_space<vmem_shared>> -> memref<50000x21xf32, #tpu.memory_space<vmem_shared>>
      tpu.enqueue_indirect_dma source(%dma_start3A_65 : memref<50000x21xf32, #tpu.memory_space<vmem_shared>>) target(%dma_start3A_59 : memref<128x21xf32, #tpu.memory_space<vmem>>) offsets(%dma_start3A_62 : memref<128xi32, #tpu.memory_space<vmem>>) semaphore(%arg12 : memref<!tpu.dma_semaphore, #tpu.memory_space<semaphore_mem>>)
      %dma_start3A_66 = arith.constant 2 : i32
      %dma_start3A_67 = arith.constant 0 : i32
      %dma_start3A_68 = arith.constant 256 : i32
      %dma_start3A_69 = arith.constant 0 : i32
      %dma_start3A_70 = tpu.memref_slice %arg10[%dma_start3A_68, %dma_start3A_69] : memref<1280x21xf32, #tpu.memory_space<vmem>> -> memref<128x21xf32, #tpu.memory_space<vmem>>
      %dma_start3A_71 = arith.constant 0 : i32
      %dma_start3A_72 = tpu.memref_slice %arg9[%dma_start3A_66, %dma_start3A_67, %dma_start3A_71] : memref<10x1x128xi32, #tpu.memory_space<vmem>> -> memref<1x1x128xi32, #tpu.memory_space<vmem>>
      %dma_start3A_73 = tpu.memref_squeeze %dma_start3A_72 : memref<1x1x128xi32, #tpu.memory_space<vmem>> -> memref<128xi32, #tpu.memory_space<vmem>>
      %dma_start3A_74 = arith.constant 0 : i32
      %dma_start3A_75 = arith.constant 0 : i32
      %dma_start3A_76 = tpu.memref_slice %arg7[%dma_start3A_74, %dma_start3A_75] : memref<50000x21xf32, #tpu.memory_space<vmem_shared>> -> memref<50000x21xf32, #tpu.memory_space<vmem_shared>>
      tpu.enqueue_indirect_dma source(%dma_start3A_76 : memref<50000x21xf32, #tpu.memory_space<vmem_shared>>) target(%dma_start3A_70 : memref<128x21xf32, #tpu.memory_space<vmem>>) offsets(%dma_start3A_73 : memref<128xi32, #tpu.memory_space<vmem>>) semaphore(%arg12 : memref<!tpu.dma_semaphore, #tpu.memory_space<semaphore_mem>>)
      %dma_start3A_77 = arith.constant 2 : i32
      %dma_start3A_78 = arith.constant 0 : i32
      %dma_start3A_79 = arith.constant 256 : i32
      %dma_start3A_80 = arith.constant 0 : i32
      %dma_start3A_81 = tpu.memref_slice %arg11[%dma_start3A_79, %dma_start3A_80] : memref<1280x21xf32, #tpu.memory_space<vmem>> -> memref<128x21xf32, #tpu.memory_space<vmem>>
      %dma_start3A_82 = arith.constant 0 : i32
      %dma_start3A_83 = tpu.memref_slice %arg8[%dma_start3A_77, %dma_start3A_78, %dma_start3A_82] : memref<10x1x128xi32, #tpu.memory_space<vmem>> -> memref<1x1x128xi32, #tpu.memory_space<vmem>>
      %dma_start3A_84 = tpu.memref_squeeze %dma_start3A_83 : memref<1x1x128xi32, #tpu.memory_space<vmem>> -> memref<128xi32, #tpu.memory_space<vmem>>
      %dma_start3A_85 = arith.constant 0 : i32
      %dma_start3A_86 = arith.constant 0 : i32
      %dma_start3A_87 = tpu.memref_slice %arg7[%dma_start3A_85, %dma_start3A_86] : memref<50000x21xf32, #tpu.memory_space<vmem_shared>> -> memref<50000x21xf32, #tpu.memory_space<vmem_shared>>
      tpu.enqueue_indirect_dma source(%dma_start3A_87 : memref<50000x21xf32, #tpu.memory_space<vmem_shared>>) target(%dma_start3A_81 : memref<128x21xf32, #tpu.memory_space<vmem>>) offsets(%dma_start3A_84 : memref<128xi32, #tpu.memory_space<vmem>>) semaphore(%arg12 : memref<!tpu.dma_semaphore, #tpu.memory_space<semaphore_mem>>)
      %dma_start3A_88 = arith.constant 3 : i32
      %dma_start3A_89 = arith.constant 0 : i32
      %dma_start3A_90 = arith.constant 384 : i32
      %dma_start3A_91 = arith.constant 0 : i32
      %dma_start3A_92 = tpu.memref_slice %arg10[%dma_start3A_90, %dma_start3A_91] : memref<1280x21xf32, #tpu.memory_space<vmem>> -> memref<128x21xf32, #tpu.memory_space<vmem>>
      %dma_start3A_93 = arith.constant 0 : i32
      %dma_start3A_94 = tpu.memref_slice %arg9[%dma_start3A_88, %dma_start3A_89, %dma_start3A_93] : memref<10x1x128xi32, #tpu.memory_space<vmem>> -> memref<1x1x128xi32, #tpu.memory_space<vmem>>
      %dma_start3A_95 = tpu.memref_squeeze %dma_start3A_94 : memref<1x1x128xi32, #tpu.memory_space<vmem>> -> memref<128xi32, #tpu.memory_space<vmem>>
      %dma_start3A_96 = arith.constant 0 : i32
      %dma_start3A_97 = arith.constant 0 : i32
      %dma_start3A_98 = tpu.memref_slice %arg7[%dma_start3A_96, %dma_start3A_97] : memref<50000x21xf32, #tpu.memory_space<vmem_shared>> -> memref<50000x21xf32, #tpu.memory_space<vmem_shared>>
      tpu.enqueue_indirect_dma source(%dma_start3A_98 : memref<50000x21xf32, #tpu.memory_space<vmem_shared>>) target(%dma_start3A_92 : memref<128x21xf32, #tpu.memory_space<vmem>>) offsets(%dma_start3A_95 : memref<128xi32, #tpu.memory_space<vmem>>) semaphore(%arg12 : memref<!tpu.dma_semaphore, #tpu.memory_space<semaphore_mem>>)
      %dma_start3A_99 = arith.constant 3 : i32
      %dma_start3A_100 = arith.constant 0 : i32
      %dma_start3A_101 = arith.constant 384 : i32
      %dma_start3A_102 = arith.constant 0 : i32
      %dma_start3A_103 = tpu.memref_slice %arg11[%dma_start3A_101, %dma_start3A_102] : memref<1280x21xf32, #tpu.memory_space<vmem>> -> memref<128x21xf32, #tpu.memory_space<vmem>>
      %dma_start3A_104 = arith.constant 0 : i32
      %dma_start3A_105 = tpu.memref_slice %arg8[%dma_start3A_99, %dma_start3A_100, %dma_start3A_104] : memref<10x1x128xi32, #tpu.memory_space<vmem>> -> memref<1x1x128xi32, #tpu.memory_space<vmem>>
      %dma_start3A_106 = tpu.memref_squeeze %dma_start3A_105 : memref<1x1x128xi32, #tpu.memory_space<vmem>> -> memref<128xi32, #tpu.memory_space<vmem>>
      %dma_start3A_107 = arith.constant 0 : i32
      %dma_start3A_108 = arith.constant 0 : i32
      %dma_start3A_109 = tpu.memref_slice %arg7[%dma_start3A_107, %dma_start3A_108] : memref<50000x21xf32, #tpu.memory_space<vmem_shared>> -> memref<50000x21xf32, #tpu.memory_space<vmem_shared>>
      tpu.enqueue_indirect_dma source(%dma_start3A_109 : memref<50000x21xf32, #tpu.memory_space<vmem_shared>>) target(%dma_start3A_103 : memref<128x21xf32, #tpu.memory_space<vmem>>) offsets(%dma_start3A_106 : memref<128xi32, #tpu.memory_space<vmem>>) semaphore(%arg12 : memref<!tpu.dma_semaphore, #tpu.memory_space<semaphore_mem>>)
      %dma_start3A_110 = arith.constant 4 : i32
      %dma_start3A_111 = arith.constant 0 : i32
      %dma_start3A_112 = arith.constant 512 : i32
      %dma_start3A_113 = arith.constant 0 : i32
      %dma_start3A_114 = tpu.memref_slice %arg10[%dma_start3A_112, %dma_start3A_113] : memref<1280x21xf32, #tpu.memory_space<vmem>> -> memref<128x21xf32, #tpu.memory_space<vmem>>
      %dma_start3A_115 = arith.constant 0 : i32
      %dma_start3A_116 = tpu.memref_slice %arg9[%dma_start3A_110, %dma_start3A_111, %dma_start3A_115] : memref<10x1x128xi32, #tpu.memory_space<vmem>> -> memref<1x1x128xi32, #tpu.memory_space<vmem>>
      %dma_start3A_117 = tpu.memref_squeeze %dma_start3A_116 : memref<1x1x128xi32, #tpu.memory_space<vmem>> -> memref<128xi32, #tpu.memory_space<vmem>>
      %dma_start3A_118 = arith.constant 0 : i32
      %dma_start3A_119 = arith.constant 0 : i32
      %dma_start3A_120 = tpu.memref_slice %arg7[%dma_start3A_118, %dma_start3A_119] : memref<50000x21xf32, #tpu.memory_space<vmem_shared>> -> memref<50000x21xf32, #tpu.memory_space<vmem_shared>>
      tpu.enqueue_indirect_dma source(%dma_start3A_120 : memref<50000x21xf32, #tpu.memory_space<vmem_shared>>) target(%dma_start3A_114 : memref<128x21xf32, #tpu.memory_space<vmem>>) offsets(%dma_start3A_117 : memref<128xi32, #tpu.memory_space<vmem>>) semaphore(%arg12 : memref<!tpu.dma_semaphore, #tpu.memory_space<semaphore_mem>>)
      %dma_start3A_121 = arith.constant 4 : i32
      %dma_start3A_122 = arith.constant 0 : i32
      %dma_start3A_123 = arith.constant 512 : i32
      %dma_start3A_124 = arith.constant 0 : i32
      %dma_start3A_125 = tpu.memref_slice %arg11[%dma_start3A_123, %dma_start3A_124] : memref<1280x21xf32, #tpu.memory_space<vmem>> -> memref<128x21xf32, #tpu.memory_space<vmem>>
      %dma_start3A_126 = arith.constant 0 : i32
      %dma_start3A_127 = tpu.memref_slice %arg8[%dma_start3A_121, %dma_start3A_122, %dma_start3A_126] : memref<10x1x128xi32, #tpu.memory_space<vmem>> -> memref<1x1x128xi32, #tpu.memory_space<vmem>>
      %dma_start3A_128 = tpu.memref_squeeze %dma_start3A_127 : memref<1x1x128xi32, #tpu.memory_space<vmem>> -> memref<128xi32, #tpu.memory_space<vmem>>
      %dma_start3A_129 = arith.constant 0 : i32
      %dma_start3A_130 = arith.constant 0 : i32
      %dma_start3A_131 = tpu.memref_slice %arg7[%dma_start3A_129, %dma_start3A_130] : memref<50000x21xf32, #tpu.memory_space<vmem_shared>> -> memref<50000x21xf32, #tpu.memory_space<vmem_shared>>
      tpu.enqueue_indirect_dma source(%dma_start3A_131 : memref<50000x21xf32, #tpu.memory_space<vmem_shared>>) target(%dma_start3A_125 : memref<128x21xf32, #tpu.memory_space<vmem>>) offsets(%dma_start3A_128 : memref<128xi32, #tpu.memory_space<vmem>>) semaphore(%arg12 : memref<!tpu.dma_semaphore, #tpu.memory_space<semaphore_mem>>)
      %dma_start3A_132 = arith.constant 5 : i32
      %dma_start3A_133 = arith.constant 0 : i32
      %dma_start3A_134 = arith.constant 640 : i32
      %dma_start3A_135 = arith.constant 0 : i32
      %dma_start3A_136 = tpu.memref_slice %arg10[%dma_start3A_134, %dma_start3A_135] : memref<1280x21xf32, #tpu.memory_space<vmem>> -> memref<128x21xf32, #tpu.memory_space<vmem>>
      %dma_start3A_137 = arith.constant 0 : i32
      %dma_start3A_138 = tpu.memref_slice %arg9[%dma_start3A_132, %dma_start3A_133, %dma_start3A_137] : memref<10x1x128xi32, #tpu.memory_space<vmem>> -> memref<1x1x128xi32, #tpu.memory_space<vmem>>
      %dma_start3A_139 = tpu.memref_squeeze %dma_start3A_138 : memref<1x1x128xi32, #tpu.memory_space<vmem>> -> memref<128xi32, #tpu.memory_space<vmem>>
      %dma_start3A_140 = arith.constant 0 : i32
      %dma_start3A_141 = arith.constant 0 : i32
      %dma_start3A_142 = tpu.memref_slice %arg7[%dma_start3A_140, %dma_start3A_141] : memref<50000x21xf32, #tpu.memory_space<vmem_shared>> -> memref<50000x21xf32, #tpu.memory_space<vmem_shared>>
      tpu.enqueue_indirect_dma source(%dma_start3A_142 : memref<50000x21xf32, #tpu.memory_space<vmem_shared>>) target(%dma_start3A_136 : memref<128x21xf32, #tpu.memory_space<vmem>>) offsets(%dma_start3A_139 : memref<128xi32, #tpu.memory_space<vmem>>) semaphore(%arg12 : memref<!tpu.dma_semaphore, #tpu.memory_space<semaphore_mem>>)
      %dma_start3A_143 = arith.constant 5 : i32
      %dma_start3A_144 = arith.constant 0 : i32
      %dma_start3A_145 = arith.constant 640 : i32
      %dma_start3A_146 = arith.constant 0 : i32
      %dma_start3A_147 = tpu.memref_slice %arg11[%dma_start3A_145, %dma_start3A_146] : memref<1280x21xf32, #tpu.memory_space<vmem>> -> memref<128x21xf32, #tpu.memory_space<vmem>>
      %dma_start3A_148 = arith.constant 0 : i32
      %dma_start3A_149 = tpu.memref_slice %arg8[%dma_start3A_143, %dma_start3A_144, %dma_start3A_148] : memref<10x1x128xi32, #tpu.memory_space<vmem>> -> memref<1x1x128xi32, #tpu.memory_space<vmem>>
      %dma_start3A_150 = tpu.memref_squeeze %dma_start3A_149 : memref<1x1x128xi32, #tpu.memory_space<vmem>> -> memref<128xi32, #tpu.memory_space<vmem>>
      %dma_start3A_151 = arith.constant 0 : i32
      %dma_start3A_152 = arith.constant 0 : i32
      %dma_start3A_153 = tpu.memref_slice %arg7[%dma_start3A_151, %dma_start3A_152] : memref<50000x21xf32, #tpu.memory_space<vmem_shared>> -> memref<50000x21xf32, #tpu.memory_space<vmem_shared>>
      tpu.enqueue_indirect_dma source(%dma_start3A_153 : memref<50000x21xf32, #tpu.memory_space<vmem_shared>>) target(%dma_start3A_147 : memref<128x21xf32, #tpu.memory_space<vmem>>) offsets(%dma_start3A_150 : memref<128xi32, #tpu.memory_space<vmem>>) semaphore(%arg12 : memref<!tpu.dma_semaphore, #tpu.memory_space<semaphore_mem>>)
      %dma_start3A_154 = arith.constant 6 : i32
      %dma_start3A_155 = arith.constant 0 : i32
      %dma_start3A_156 = arith.constant 768 : i32
      %dma_start3A_157 = arith.constant 0 : i32
      %dma_start3A_158 = tpu.memref_slice %arg10[%dma_start3A_156, %dma_start3A_157] : memref<1280x21xf32, #tpu.memory_space<vmem>> -> memref<128x21xf32, #tpu.memory_space<vmem>>
      %dma_start3A_159 = arith.constant 0 : i32
      %dma_start3A_160 = tpu.memref_slice %arg9[%dma_start3A_154, %dma_start3A_155, %dma_start3A_159] : memref<10x1x128xi32, #tpu.memory_space<vmem>> -> memref<1x1x128xi32, #tpu.memory_space<vmem>>
      %dma_start3A_161 = tpu.memref_squeeze %dma_start3A_160 : memref<1x1x128xi32, #tpu.memory_space<vmem>> -> memref<128xi32, #tpu.memory_space<vmem>>
      %dma_start3A_162 = arith.constant 0 : i32
      %dma_start3A_163 = arith.constant 0 : i32
      %dma_start3A_164 = tpu.memref_slice %arg7[%dma_start3A_162, %dma_start3A_163] : memref<50000x21xf32, #tpu.memory_space<vmem_shared>> -> memref<50000x21xf32, #tpu.memory_space<vmem_shared>>
      tpu.enqueue_indirect_dma source(%dma_start3A_164 : memref<50000x21xf32, #tpu.memory_space<vmem_shared>>) target(%dma_start3A_158 : memref<128x21xf32, #tpu.memory_space<vmem>>) offsets(%dma_start3A_161 : memref<128xi32, #tpu.memory_space<vmem>>) semaphore(%arg12 : memref<!tpu.dma_semaphore, #tpu.memory_space<semaphore_mem>>)
      %dma_start3A_165 = arith.constant 6 : i32
      %dma_start3A_166 = arith.constant 0 : i32
      %dma_start3A_167 = arith.constant 768 : i32
      %dma_start3A_168 = arith.constant 0 : i32
      %dma_start3A_169 = tpu.memref_slice %arg11[%dma_start3A_167, %dma_start3A_168] : memref<1280x21xf32, #tpu.memory_space<vmem>> -> memref<128x21xf32, #tpu.memory_space<vmem>>
      %dma_start3A_170 = arith.constant 0 : i32
      %dma_start3A_171 = tpu.memref_slice %arg8[%dma_start3A_165, %dma_start3A_166, %dma_start3A_170] : memref<10x1x128xi32, #tpu.memory_space<vmem>> -> memref<1x1x128xi32, #tpu.memory_space<vmem>>
      %dma_start3A_172 = tpu.memref_squeeze %dma_start3A_171 : memref<1x1x128xi32, #tpu.memory_space<vmem>> -> memref<128xi32, #tpu.memory_space<vmem>>
      %dma_start3A_173 = arith.constant 0 : i32
      %dma_start3A_174 = arith.constant 0 : i32
      %dma_start3A_175 = tpu.memref_slice %arg7[%dma_start3A_173, %dma_start3A_174] : memref<50000x21xf32, #tpu.memory_space<vmem_shared>> -> memref<50000x21xf32, #tpu.memory_space<vmem_shared>>
      tpu.enqueue_indirect_dma source(%dma_start3A_175 : memref<50000x21xf32, #tpu.memory_space<vmem_shared>>) target(%dma_start3A_169 : memref<128x21xf32, #tpu.memory_space<vmem>>) offsets(%dma_start3A_172 : memref<128xi32, #tpu.memory_space<vmem>>) semaphore(%arg12 : memref<!tpu.dma_semaphore, #tpu.memory_space<semaphore_mem>>)
      %dma_start3A_176 = arith.constant 7 : i32
      %dma_start3A_177 = arith.constant 0 : i32
      %dma_start3A_178 = arith.constant 896 : i32
      %dma_start3A_179 = arith.constant 0 : i32
      %dma_start3A_180 = tpu.memref_slice %arg10[%dma_start3A_178, %dma_start3A_179] : memref<1280x21xf32, #tpu.memory_space<vmem>> -> memref<128x21xf32, #tpu.memory_space<vmem>>
      %dma_start3A_181 = arith.constant 0 : i32
      %dma_start3A_182 = tpu.memref_slice %arg9[%dma_start3A_176, %dma_start3A_177, %dma_start3A_181] : memref<10x1x128xi32, #tpu.memory_space<vmem>> -> memref<1x1x128xi32, #tpu.memory_space<vmem>>
      %dma_start3A_183 = tpu.memref_squeeze %dma_start3A_182 : memref<1x1x128xi32, #tpu.memory_space<vmem>> -> memref<128xi32, #tpu.memory_space<vmem>>
      %dma_start3A_184 = arith.constant 0 : i32
      %dma_start3A_185 = arith.constant 0 : i32
      %dma_start3A_186 = tpu.memref_slice %arg7[%dma_start3A_184, %dma_start3A_185] : memref<50000x21xf32, #tpu.memory_space<vmem_shared>> -> memref<50000x21xf32, #tpu.memory_space<vmem_shared>>
      tpu.enqueue_indirect_dma source(%dma_start3A_186 : memref<50000x21xf32, #tpu.memory_space<vmem_shared>>) target(%dma_start3A_180 : memref<128x21xf32, #tpu.memory_space<vmem>>) offsets(%dma_start3A_183 : memref<128xi32, #tpu.memory_space<vmem>>) semaphore(%arg12 : memref<!tpu.dma_semaphore, #tpu.memory_space<semaphore_mem>>)
      %dma_start3A_187 = arith.constant 7 : i32
      %dma_start3A_188 = arith.constant 0 : i32
      %dma_start3A_189 = arith.constant 896 : i32
      %dma_start3A_190 = arith.constant 0 : i32
      %dma_start3A_191 = tpu.memref_slice %arg11[%dma_start3A_189, %dma_start3A_190] : memref<1280x21xf32, #tpu.memory_space<vmem>> -> memref<128x21xf32, #tpu.memory_space<vmem>>
      %dma_start3A_192 = arith.constant 0 : i32
      %dma_start3A_193 = tpu.memref_slice %arg8[%dma_start3A_187, %dma_start3A_188, %dma_start3A_192] : memref<10x1x128xi32, #tpu.memory_space<vmem>> -> memref<1x1x128xi32, #tpu.memory_space<vmem>>
      %dma_start3A_194 = tpu.memref_squeeze %dma_start3A_193 : memref<1x1x128xi32, #tpu.memory_space<vmem>> -> memref<128xi32, #tpu.memory_space<vmem>>
      %dma_start3A_195 = arith.constant 0 : i32
      %dma_start3A_196 = arith.constant 0 : i32
      %dma_start3A_197 = tpu.memref_slice %arg7[%dma_start3A_195, %dma_start3A_196] : memref<50000x21xf32, #tpu.memory_space<vmem_shared>> -> memref<50000x21xf32, #tpu.memory_space<vmem_shared>>
      tpu.enqueue_indirect_dma source(%dma_start3A_197 : memref<50000x21xf32, #tpu.memory_space<vmem_shared>>) target(%dma_start3A_191 : memref<128x21xf32, #tpu.memory_space<vmem>>) offsets(%dma_start3A_194 : memref<128xi32, #tpu.memory_space<vmem>>) semaphore(%arg12 : memref<!tpu.dma_semaphore, #tpu.memory_space<semaphore_mem>>)
      %dma_start3A_198 = arith.constant 8 : i32
      %dma_start3A_199 = arith.constant 0 : i32
      %dma_start3A_200 = arith.constant 1024 : i32
      %dma_start3A_201 = arith.constant 0 : i32
      %dma_start3A_202 = tpu.memref_slice %arg10[%dma_start3A_200, %dma_start3A_201] : memref<1280x21xf32, #tpu.memory_space<vmem>> -> memref<128x21xf32, #tpu.memory_space<vmem>>
      %dma_start3A_203 = arith.constant 0 : i32
      %dma_start3A_204 = tpu.memref_slice %arg9[%dma_start3A_198, %dma_start3A_199, %dma_start3A_203] : memref<10x1x128xi32, #tpu.memory_space<vmem>> -> memref<1x1x128xi32, #tpu.memory_space<vmem>>
      %dma_start3A_205 = tpu.memref_squeeze %dma_start3A_204 : memref<1x1x128xi32, #tpu.memory_space<vmem>> -> memref<128xi32, #tpu.memory_space<vmem>>
      %dma_start3A_206 = arith.constant 0 : i32
      %dma_start3A_207 = arith.constant 0 : i32
      %dma_start3A_208 = tpu.memref_slice %arg7[%dma_start3A_206, %dma_start3A_207] : memref<50000x21xf32, #tpu.memory_space<vmem_shared>> -> memref<50000x21xf32, #tpu.memory_space<vmem_shared>>
      tpu.enqueue_indirect_dma source(%dma_start3A_208 : memref<50000x21xf32, #tpu.memory_space<vmem_shared>>) target(%dma_start3A_202 : memref<128x21xf32, #tpu.memory_space<vmem>>) offsets(%dma_start3A_205 : memref<128xi32, #tpu.memory_space<vmem>>) semaphore(%arg12 : memref<!tpu.dma_semaphore, #tpu.memory_space<semaphore_mem>>)
      %dma_start3A_209 = arith.constant 8 : i32
      %dma_start3A_210 = arith.constant 0 : i32
      %dma_start3A_211 = arith.constant 1024 : i32
      %dma_start3A_212 = arith.constant 0 : i32
      %dma_start3A_213 = tpu.memref_slice %arg11[%dma_start3A_211, %dma_start3A_212] : memref<1280x21xf32, #tpu.memory_space<vmem>> -> memref<128x21xf32, #tpu.memory_space<vmem>>
      %dma_start3A_214 = arith.constant 0 : i32
      %dma_start3A_215 = tpu.memref_slice %arg8[%dma_start3A_209, %dma_start3A_210, %dma_start3A_214] : memref<10x1x128xi32, #tpu.memory_space<vmem>> -> memref<1x1x128xi32, #tpu.memory_space<vmem>>
      %dma_start3A_216 = tpu.memref_squeeze %dma_start3A_215 : memref<1x1x128xi32, #tpu.memory_space<vmem>> -> memref<128xi32, #tpu.memory_space<vmem>>
      %dma_start3A_217 = arith.constant 0 : i32
      %dma_start3A_218 = arith.constant 0 : i32
      %dma_start3A_219 = tpu.memref_slice %arg7[%dma_start3A_217, %dma_start3A_218] : memref<50000x21xf32, #tpu.memory_space<vmem_shared>> -> memref<50000x21xf32, #tpu.memory_space<vmem_shared>>
      tpu.enqueue_indirect_dma source(%dma_start3A_219 : memref<50000x21xf32, #tpu.memory_space<vmem_shared>>) target(%dma_start3A_213 : memref<128x21xf32, #tpu.memory_space<vmem>>) offsets(%dma_start3A_216 : memref<128xi32, #tpu.memory_space<vmem>>) semaphore(%arg12 : memref<!tpu.dma_semaphore, #tpu.memory_space<semaphore_mem>>)
      %dma_start3A_220 = arith.constant 9 : i32
      %dma_start3A_221 = arith.constant 0 : i32
      %dma_start3A_222 = arith.constant 1152 : i32
      %dma_start3A_223 = arith.constant 0 : i32
      %dma_start3A_224 = tpu.memref_slice %arg10[%dma_start3A_222, %dma_start3A_223] : memref<1280x21xf32, #tpu.memory_space<vmem>> -> memref<128x21xf32, #tpu.memory_space<vmem>>
      %dma_start3A_225 = arith.constant 0 : i32
      %dma_start3A_226 = tpu.memref_slice %arg9[%dma_start3A_220, %dma_start3A_221, %dma_start3A_225] : memref<10x1x128xi32, #tpu.memory_space<vmem>> -> memref<1x1x128xi32, #tpu.memory_space<vmem>>
      %dma_start3A_227 = tpu.memref_squeeze %dma_start3A_226 : memref<1x1x128xi32, #tpu.memory_space<vmem>> -> memref<128xi32, #tpu.memory_space<vmem>>
      %dma_start3A_228 = arith.constant 0 : i32
      %dma_start3A_229 = arith.constant 0 : i32
      %dma_start3A_230 = tpu.memref_slice %arg7[%dma_start3A_228, %dma_start3A_229] : memref<50000x21xf32, #tpu.memory_space<vmem_shared>> -> memref<50000x21xf32, #tpu.memory_space<vmem_shared>>
      tpu.enqueue_indirect_dma source(%dma_start3A_230 : memref<50000x21xf32, #tpu.memory_space<vmem_shared>>) target(%dma_start3A_224 : memref<128x21xf32, #tpu.memory_space<vmem>>) offsets(%dma_start3A_227 : memref<128xi32, #tpu.memory_space<vmem>>) semaphore(%arg12 : memref<!tpu.dma_semaphore, #tpu.memory_space<semaphore_mem>>)
      %dma_start3A_231 = arith.constant 9 : i32
      %dma_start3A_232 = arith.constant 0 : i32
      %dma_start3A_233 = arith.constant 1152 : i32
      %dma_start3A_234 = arith.constant 0 : i32
      %dma_start3A_235 = tpu.memref_slice %arg11[%dma_start3A_233, %dma_start3A_234] : memref<1280x21xf32, #tpu.memory_space<vmem>> -> memref<128x21xf32, #tpu.memory_space<vmem>>
      %dma_start3A_236 = arith.constant 0 : i32
      %dma_start3A_237 = tpu.memref_slice %arg8[%dma_start3A_231, %dma_start3A_232, %dma_start3A_236] : memref<10x1x128xi32, #tpu.memory_space<vmem>> -> memref<1x1x128xi32, #tpu.memory_space<vmem>>
      %dma_start3A_238 = tpu.memref_squeeze %dma_start3A_237 : memref<1x1x128xi32, #tpu.memory_space<vmem>> -> memref<128xi32, #tpu.memory_space<vmem>>
      %dma_start3A_239 = arith.constant 0 : i32
      %dma_start3A_240 = arith.constant 0 : i32
      %dma_start3A_241 = tpu.memref_slice %arg7[%dma_start3A_239, %dma_start3A_240] : memref<50000x21xf32, #tpu.memory_space<vmem_shared>> -> memref<50000x21xf32, #tpu.memory_space<vmem_shared>>
      tpu.enqueue_indirect_dma source(%dma_start3A_241 : memref<50000x21xf32, #tpu.memory_space<vmem_shared>>) target(%dma_start3A_235 : memref<128x21xf32, #tpu.memory_space<vmem>>) offsets(%dma_start3A_238 : memref<128xi32, #tpu.memory_space<vmem>>) semaphore(%arg12 : memref<!tpu.dma_semaphore, #tpu.memory_space<semaphore_mem>>)
      %dma_wait3A = arith.constant 0 : i32
      %dma_wait3A_242 = arith.constant 0 : i32
      %dma_wait3A_243 = arith.constant 0 : i32
      %dma_wait3A_244 = arith.constant 0 : i32
      %dma_wait3A_245 = tpu.memref_slice %arg10[%dma_wait3A_243, %dma_wait3A_244] : memref<1280x21xf32, #tpu.memory_space<vmem>> -> memref<128x21xf32, #tpu.memory_space<vmem>>
      %dma_wait3A_246 = arith.constant 0 : i32
      %dma_wait3A_247 = tpu.memref_slice %arg9[%dma_wait3A, %dma_wait3A_242, %dma_wait3A_246] : memref<10x1x128xi32, #tpu.memory_space<vmem>> -> memref<1x1x128xi32, #tpu.memory_space<vmem>>
      %dma_wait3A_248 = tpu.memref_squeeze %dma_wait3A_247 : memref<1x1x128xi32, #tpu.memory_space<vmem>> -> memref<128xi32, #tpu.memory_space<vmem>>
      %dma_wait3A_249 = arith.constant 0 : i32
      %dma_wait3A_250 = arith.constant 0 : i32
      %dma_wait3A_251 = tpu.memref_slice %arg7[%dma_wait3A_249, %dma_wait3A_250] : memref<50000x21xf32, #tpu.memory_space<vmem_shared>> -> memref<50000x21xf32, #tpu.memory_space<vmem_shared>>
      tpu.wait_indirect_dma semaphore(%arg12 : memref<!tpu.dma_semaphore, #tpu.memory_space<semaphore_mem>>) src(%dma_wait3A_251 : memref<50000x21xf32, #tpu.memory_space<vmem_shared>>) dst(%dma_wait3A_245 : memref<128x21xf32, #tpu.memory_space<vmem>>)
      %dma_wait3A_252 = arith.constant 0 : i32
      %dma_wait3A_253 = arith.constant 0 : i32
      %dma_wait3A_254 = arith.constant 0 : i32
      %dma_wait3A_255 = arith.constant 0 : i32
      %dma_wait3A_256 = tpu.memref_slice %arg11[%dma_wait3A_254, %dma_wait3A_255] : memref<1280x21xf32, #tpu.memory_space<vmem>> -> memref<128x21xf32, #tpu.memory_space<vmem>>
      %dma_wait3A_257 = arith.constant 0 : i32
      %dma_wait3A_258 = tpu.memref_slice %arg8[%dma_wait3A_252, %dma_wait3A_253, %dma_wait3A_257] : memref<10x1x128xi32, #tpu.memory_space<vmem>> -> memref<1x1x128xi32, #tpu.memory_space<vmem>>
      %dma_wait3A_259 = tpu.memref_squeeze %dma_wait3A_258 : memref<1x1x128xi32, #tpu.memory_space<vmem>> -> memref<128xi32, #tpu.memory_space<vmem>>
      %dma_wait3A_260 = arith.constant 0 : i32
      %dma_wait3A_261 = arith.constant 0 : i32
      %dma_wait3A_262 = tpu.memref_slice %arg7[%dma_wait3A_260, %dma_wait3A_261] : memref<50000x21xf32, #tpu.memory_space<vmem_shared>> -> memref<50000x21xf32, #tpu.memory_space<vmem_shared>>
      tpu.wait_indirect_dma semaphore(%arg12 : memref<!tpu.dma_semaphore, #tpu.memory_space<semaphore_mem>>) src(%dma_wait3A_262 : memref<50000x21xf32, #tpu.memory_space<vmem_shared>>) dst(%dma_wait3A_256 : memref<128x21xf32, #tpu.memory_space<vmem>>)
      %dma_wait3A_263 = arith.constant 1 : i32
      %dma_wait3A_264 = arith.constant 0 : i32
      %dma_wait3A_265 = arith.constant 128 : i32
      %dma_wait3A_266 = arith.constant 0 : i32
      %dma_wait3A_267 = tpu.memref_slice %arg10[%dma_wait3A_265, %dma_wait3A_266] : memref<1280x21xf32, #tpu.memory_space<vmem>> -> memref<128x21xf32, #tpu.memory_space<vmem>>
      %dma_wait3A_268 = arith.constant 0 : i32
      %dma_wait3A_269 = tpu.memref_slice %arg9[%dma_wait3A_263, %dma_wait3A_264, %dma_wait3A_268] : memref<10x1x128xi32, #tpu.memory_space<vmem>> -> memref<1x1x128xi32, #tpu.memory_space<vmem>>
      %dma_wait3A_270 = tpu.memref_squeeze %dma_wait3A_269 : memref<1x1x128xi32, #tpu.memory_space<vmem>> -> memref<128xi32, #tpu.memory_space<vmem>>
      %dma_wait3A_271 = arith.constant 0 : i32
      %dma_wait3A_272 = arith.constant 0 : i32
      %dma_wait3A_273 = tpu.memref_slice %arg7[%dma_wait3A_271, %dma_wait3A_272] : memref<50000x21xf32, #tpu.memory_space<vmem_shared>> -> memref<50000x21xf32, #tpu.memory_space<vmem_shared>>
      tpu.wait_indirect_dma semaphore(%arg12 : memref<!tpu.dma_semaphore, #tpu.memory_space<semaphore_mem>>) src(%dma_wait3A_273 : memref<50000x21xf32, #tpu.memory_space<vmem_shared>>) dst(%dma_wait3A_267 : memref<128x21xf32, #tpu.memory_space<vmem>>)
      %dma_wait3A_274 = arith.constant 1 : i32
      %dma_wait3A_275 = arith.constant 0 : i32
      %dma_wait3A_276 = arith.constant 128 : i32
      %dma_wait3A_277 = arith.constant 0 : i32
      %dma_wait3A_278 = tpu.memref_slice %arg11[%dma_wait3A_276, %dma_wait3A_277] : memref<1280x21xf32, #tpu.memory_space<vmem>> -> memref<128x21xf32, #tpu.memory_space<vmem>>
      %dma_wait3A_279 = arith.constant 0 : i32
      %dma_wait3A_280 = tpu.memref_slice %arg8[%dma_wait3A_274, %dma_wait3A_275, %dma_wait3A_279] : memref<10x1x128xi32, #tpu.memory_space<vmem>> -> memref<1x1x128xi32, #tpu.memory_space<vmem>>
      %dma_wait3A_281 = tpu.memref_squeeze %dma_wait3A_280 : memref<1x1x128xi32, #tpu.memory_space<vmem>> -> memref<128xi32, #tpu.memory_space<vmem>>
      %dma_wait3A_282 = arith.constant 0 : i32
      %dma_wait3A_283 = arith.constant 0 : i32
      %dma_wait3A_284 = tpu.memref_slice %arg7[%dma_wait3A_282, %dma_wait3A_283] : memref<50000x21xf32, #tpu.memory_space<vmem_shared>> -> memref<50000x21xf32, #tpu.memory_space<vmem_shared>>
      tpu.wait_indirect_dma semaphore(%arg12 : memref<!tpu.dma_semaphore, #tpu.memory_space<semaphore_mem>>) src(%dma_wait3A_284 : memref<50000x21xf32, #tpu.memory_space<vmem_shared>>) dst(%dma_wait3A_278 : memref<128x21xf32, #tpu.memory_space<vmem>>)
      %dma_wait3A_285 = arith.constant 2 : i32
      %dma_wait3A_286 = arith.constant 0 : i32
      %dma_wait3A_287 = arith.constant 256 : i32
      %dma_wait3A_288 = arith.constant 0 : i32
      %dma_wait3A_289 = tpu.memref_slice %arg10[%dma_wait3A_287, %dma_wait3A_288] : memref<1280x21xf32, #tpu.memory_space<vmem>> -> memref<128x21xf32, #tpu.memory_space<vmem>>
      %dma_wait3A_290 = arith.constant 0 : i32
      %dma_wait3A_291 = tpu.memref_slice %arg9[%dma_wait3A_285, %dma_wait3A_286, %dma_wait3A_290] : memref<10x1x128xi32, #tpu.memory_space<vmem>> -> memref<1x1x128xi32, #tpu.memory_space<vmem>>
      %dma_wait3A_292 = tpu.memref_squeeze %dma_wait3A_291 : memref<1x1x128xi32, #tpu.memory_space<vmem>> -> memref<128xi32, #tpu.memory_space<vmem>>
      %dma_wait3A_293 = arith.constant 0 : i32
      %dma_wait3A_294 = arith.constant 0 : i32
      %dma_wait3A_295 = tpu.memref_slice %arg7[%dma_wait3A_293, %dma_wait3A_294] : memref<50000x21xf32, #tpu.memory_space<vmem_shared>> -> memref<50000x21xf32, #tpu.memory_space<vmem_shared>>
      tpu.wait_indirect_dma semaphore(%arg12 : memref<!tpu.dma_semaphore, #tpu.memory_space<semaphore_mem>>) src(%dma_wait3A_295 : memref<50000x21xf32, #tpu.memory_space<vmem_shared>>) dst(%dma_wait3A_289 : memref<128x21xf32, #tpu.memory_space<vmem>>)
      %dma_wait3A_296 = arith.constant 2 : i32
      %dma_wait3A_297 = arith.constant 0 : i32
      %dma_wait3A_298 = arith.constant 256 : i32
      %dma_wait3A_299 = arith.constant 0 : i32
      %dma_wait3A_300 = tpu.memref_slice %arg11[%dma_wait3A_298, %dma_wait3A_299] : memref<1280x21xf32, #tpu.memory_space<vmem>> -> memref<128x21xf32, #tpu.memory_space<vmem>>
      %dma_wait3A_301 = arith.constant 0 : i32
      %dma_wait3A_302 = tpu.memref_slice %arg8[%dma_wait3A_296, %dma_wait3A_297, %dma_wait3A_301] : memref<10x1x128xi32, #tpu.memory_space<vmem>> -> memref<1x1x128xi32, #tpu.memory_space<vmem>>
      %dma_wait3A_303 = tpu.memref_squeeze %dma_wait3A_302 : memref<1x1x128xi32, #tpu.memory_space<vmem>> -> memref<128xi32, #tpu.memory_space<vmem>>
      %dma_wait3A_304 = arith.constant 0 : i32
      %dma_wait3A_305 = arith.constant 0 : i32
      %dma_wait3A_306 = tpu.memref_slice %arg7[%dma_wait3A_304, %dma_wait3A_305] : memref<50000x21xf32, #tpu.memory_space<vmem_shared>> -> memref<50000x21xf32, #tpu.memory_space<vmem_shared>>
      tpu.wait_indirect_dma semaphore(%arg12 : memref<!tpu.dma_semaphore, #tpu.memory_space<semaphore_mem>>) src(%dma_wait3A_306 : memref<50000x21xf32, #tpu.memory_space<vmem_shared>>) dst(%dma_wait3A_300 : memref<128x21xf32, #tpu.memory_space<vmem>>)
      %dma_wait3A_307 = arith.constant 3 : i32
      %dma_wait3A_308 = arith.constant 0 : i32
      %dma_wait3A_309 = arith.constant 384 : i32
      %dma_wait3A_310 = arith.constant 0 : i32
      %dma_wait3A_311 = tpu.memref_slice %arg10[%dma_wait3A_309, %dma_wait3A_310] : memref<1280x21xf32, #tpu.memory_space<vmem>> -> memref<128x21xf32, #tpu.memory_space<vmem>>
      %dma_wait3A_312 = arith.constant 0 : i32
      %dma_wait3A_313 = tpu.memref_slice %arg9[%dma_wait3A_307, %dma_wait3A_308, %dma_wait3A_312] : memref<10x1x128xi32, #tpu.memory_space<vmem>> -> memref<1x1x128xi32, #tpu.memory_space<vmem>>
      %dma_wait3A_314 = tpu.memref_squeeze %dma_wait3A_313 : memref<1x1x128xi32, #tpu.memory_space<vmem>> -> memref<128xi32, #tpu.memory_space<vmem>>
      %dma_wait3A_315 = arith.constant 0 : i32
      %dma_wait3A_316 = arith.constant 0 : i32
      %dma_wait3A_317 = tpu.memref_slice %arg7[%dma_wait3A_315, %dma_wait3A_316] : memref<50000x21xf32, #tpu.memory_space<vmem_shared>> -> memref<50000x21xf32, #tpu.memory_space<vmem_shared>>
      tpu.wait_indirect_dma semaphore(%arg12 : memref<!tpu.dma_semaphore, #tpu.memory_space<semaphore_mem>>) src(%dma_wait3A_317 : memref<50000x21xf32, #tpu.memory_space<vmem_shared>>) dst(%dma_wait3A_311 : memref<128x21xf32, #tpu.memory_space<vmem>>)
      %dma_wait3A_318 = arith.constant 3 : i32
      %dma_wait3A_319 = arith.constant 0 : i32
      %dma_wait3A_320 = arith.constant 384 : i32
      %dma_wait3A_321 = arith.constant 0 : i32
      %dma_wait3A_322 = tpu.memref_slice %arg11[%dma_wait3A_320, %dma_wait3A_321] : memref<1280x21xf32, #tpu.memory_space<vmem>> -> memref<128x21xf32, #tpu.memory_space<vmem>>
      %dma_wait3A_323 = arith.constant 0 : i32
      %dma_wait3A_324 = tpu.memref_slice %arg8[%dma_wait3A_318, %dma_wait3A_319, %dma_wait3A_323] : memref<10x1x128xi32, #tpu.memory_space<vmem>> -> memref<1x1x128xi32, #tpu.memory_space<vmem>>
      %dma_wait3A_325 = tpu.memref_squeeze %dma_wait3A_324 : memref<1x1x128xi32, #tpu.memory_space<vmem>> -> memref<128xi32, #tpu.memory_space<vmem>>
      %dma_wait3A_326 = arith.constant 0 : i32
      %dma_wait3A_327 = arith.constant 0 : i32
      %dma_wait3A_328 = tpu.memref_slice %arg7[%dma_wait3A_326, %dma_wait3A_327] : memref<50000x21xf32, #tpu.memory_space<vmem_shared>> -> memref<50000x21xf32, #tpu.memory_space<vmem_shared>>
      tpu.wait_indirect_dma semaphore(%arg12 : memref<!tpu.dma_semaphore, #tpu.memory_space<semaphore_mem>>) src(%dma_wait3A_328 : memref<50000x21xf32, #tpu.memory_space<vmem_shared>>) dst(%dma_wait3A_322 : memref<128x21xf32, #tpu.memory_space<vmem>>)
      %dma_wait3A_329 = arith.constant 4 : i32
      %dma_wait3A_330 = arith.constant 0 : i32
      %dma_wait3A_331 = arith.constant 512 : i32
      %dma_wait3A_332 = arith.constant 0 : i32
      %dma_wait3A_333 = tpu.memref_slice %arg10[%dma_wait3A_331, %dma_wait3A_332] : memref<1280x21xf32, #tpu.memory_space<vmem>> -> memref<128x21xf32, #tpu.memory_space<vmem>>
      %dma_wait3A_334 = arith.constant 0 : i32
      %dma_wait3A_335 = tpu.memref_slice %arg9[%dma_wait3A_329, %dma_wait3A_330, %dma_wait3A_334] : memref<10x1x128xi32, #tpu.memory_space<vmem>> -> memref<1x1x128xi32, #tpu.memory_space<vmem>>
      %dma_wait3A_336 = tpu.memref_squeeze %dma_wait3A_335 : memref<1x1x128xi32, #tpu.memory_space<vmem>> -> memref<128xi32, #tpu.memory_space<vmem>>
      %dma_wait3A_337 = arith.constant 0 : i32
      %dma_wait3A_338 = arith.constant 0 : i32
      %dma_wait3A_339 = tpu.memref_slice %arg7[%dma_wait3A_337, %dma_wait3A_338] : memref<50000x21xf32, #tpu.memory_space<vmem_shared>> -> memref<50000x21xf32, #tpu.memory_space<vmem_shared>>
      tpu.wait_indirect_dma semaphore(%arg12 : memref<!tpu.dma_semaphore, #tpu.memory_space<semaphore_mem>>) src(%dma_wait3A_339 : memref<50000x21xf32, #tpu.memory_space<vmem_shared>>) dst(%dma_wait3A_333 : memref<128x21xf32, #tpu.memory_space<vmem>>)
      %dma_wait3A_340 = arith.constant 4 : i32
      %dma_wait3A_341 = arith.constant 0 : i32
      %dma_wait3A_342 = arith.constant 512 : i32
      %dma_wait3A_343 = arith.constant 0 : i32
      %dma_wait3A_344 = tpu.memref_slice %arg11[%dma_wait3A_342, %dma_wait3A_343] : memref<1280x21xf32, #tpu.memory_space<vmem>> -> memref<128x21xf32, #tpu.memory_space<vmem>>
      %dma_wait3A_345 = arith.constant 0 : i32
      %dma_wait3A_346 = tpu.memref_slice %arg8[%dma_wait3A_340, %dma_wait3A_341, %dma_wait3A_345] : memref<10x1x128xi32, #tpu.memory_space<vmem>> -> memref<1x1x128xi32, #tpu.memory_space<vmem>>
      %dma_wait3A_347 = tpu.memref_squeeze %dma_wait3A_346 : memref<1x1x128xi32, #tpu.memory_space<vmem>> -> memref<128xi32, #tpu.memory_space<vmem>>
      %dma_wait3A_348 = arith.constant 0 : i32
      %dma_wait3A_349 = arith.constant 0 : i32
      %dma_wait3A_350 = tpu.memref_slice %arg7[%dma_wait3A_348, %dma_wait3A_349] : memref<50000x21xf32, #tpu.memory_space<vmem_shared>> -> memref<50000x21xf32, #tpu.memory_space<vmem_shared>>
      tpu.wait_indirect_dma semaphore(%arg12 : memref<!tpu.dma_semaphore, #tpu.memory_space<semaphore_mem>>) src(%dma_wait3A_350 : memref<50000x21xf32, #tpu.memory_space<vmem_shared>>) dst(%dma_wait3A_344 : memref<128x21xf32, #tpu.memory_space<vmem>>)
      %dma_wait3A_351 = arith.constant 5 : i32
      %dma_wait3A_352 = arith.constant 0 : i32
      %dma_wait3A_353 = arith.constant 640 : i32
      %dma_wait3A_354 = arith.constant 0 : i32
      %dma_wait3A_355 = tpu.memref_slice %arg10[%dma_wait3A_353, %dma_wait3A_354] : memref<1280x21xf32, #tpu.memory_space<vmem>> -> memref<128x21xf32, #tpu.memory_space<vmem>>
      %dma_wait3A_356 = arith.constant 0 : i32
      %dma_wait3A_357 = tpu.memref_slice %arg9[%dma_wait3A_351, %dma_wait3A_352, %dma_wait3A_356] : memref<10x1x128xi32, #tpu.memory_space<vmem>> -> memref<1x1x128xi32, #tpu.memory_space<vmem>>
      %dma_wait3A_358 = tpu.memref_squeeze %dma_wait3A_357 : memref<1x1x128xi32, #tpu.memory_space<vmem>> -> memref<128xi32, #tpu.memory_space<vmem>>
      %dma_wait3A_359 = arith.constant 0 : i32
      %dma_wait3A_360 = arith.constant 0 : i32
      %dma_wait3A_361 = tpu.memref_slice %arg7[%dma_wait3A_359, %dma_wait3A_360] : memref<50000x21xf32, #tpu.memory_space<vmem_shared>> -> memref<50000x21xf32, #tpu.memory_space<vmem_shared>>
      tpu.wait_indirect_dma semaphore(%arg12 : memref<!tpu.dma_semaphore, #tpu.memory_space<semaphore_mem>>) src(%dma_wait3A_361 : memref<50000x21xf32, #tpu.memory_space<vmem_shared>>) dst(%dma_wait3A_355 : memref<128x21xf32, #tpu.memory_space<vmem>>)
      %dma_wait3A_362 = arith.constant 5 : i32
      %dma_wait3A_363 = arith.constant 0 : i32
      %dma_wait3A_364 = arith.constant 640 : i32
      %dma_wait3A_365 = arith.constant 0 : i32
      %dma_wait3A_366 = tpu.memref_slice %arg11[%dma_wait3A_364, %dma_wait3A_365] : memref<1280x21xf32, #tpu.memory_space<vmem>> -> memref<128x21xf32, #tpu.memory_space<vmem>>
      %dma_wait3A_367 = arith.constant 0 : i32
      %dma_wait3A_368 = tpu.memref_slice %arg8[%dma_wait3A_362, %dma_wait3A_363, %dma_wait3A_367] : memref<10x1x128xi32, #tpu.memory_space<vmem>> -> memref<1x1x128xi32, #tpu.memory_space<vmem>>
      %dma_wait3A_369 = tpu.memref_squeeze %dma_wait3A_368 : memref<1x1x128xi32, #tpu.memory_space<vmem>> -> memref<128xi32, #tpu.memory_space<vmem>>
      %dma_wait3A_370 = arith.constant 0 : i32
      %dma_wait3A_371 = arith.constant 0 : i32
      %dma_wait3A_372 = tpu.memref_slice %arg7[%dma_wait3A_370, %dma_wait3A_371] : memref<50000x21xf32, #tpu.memory_space<vmem_shared>> -> memref<50000x21xf32, #tpu.memory_space<vmem_shared>>
      tpu.wait_indirect_dma semaphore(%arg12 : memref<!tpu.dma_semaphore, #tpu.memory_space<semaphore_mem>>) src(%dma_wait3A_372 : memref<50000x21xf32, #tpu.memory_space<vmem_shared>>) dst(%dma_wait3A_366 : memref<128x21xf32, #tpu.memory_space<vmem>>)
      %dma_wait3A_373 = arith.constant 6 : i32
      %dma_wait3A_374 = arith.constant 0 : i32
      %dma_wait3A_375 = arith.constant 768 : i32
      %dma_wait3A_376 = arith.constant 0 : i32
      %dma_wait3A_377 = tpu.memref_slice %arg10[%dma_wait3A_375, %dma_wait3A_376] : memref<1280x21xf32, #tpu.memory_space<vmem>> -> memref<128x21xf32, #tpu.memory_space<vmem>>
      %dma_wait3A_378 = arith.constant 0 : i32
      %dma_wait3A_379 = tpu.memref_slice %arg9[%dma_wait3A_373, %dma_wait3A_374, %dma_wait3A_378] : memref<10x1x128xi32, #tpu.memory_space<vmem>> -> memref<1x1x128xi32, #tpu.memory_space<vmem>>
      %dma_wait3A_380 = tpu.memref_squeeze %dma_wait3A_379 : memref<1x1x128xi32, #tpu.memory_space<vmem>> -> memref<128xi32, #tpu.memory_space<vmem>>
      %dma_wait3A_381 = arith.constant 0 : i32
      %dma_wait3A_382 = arith.constant 0 : i32
      %dma_wait3A_383 = tpu.memref_slice %arg7[%dma_wait3A_381, %dma_wait3A_382] : memref<50000x21xf32, #tpu.memory_space<vmem_shared>> -> memref<50000x21xf32, #tpu.memory_space<vmem_shared>>
      tpu.wait_indirect_dma semaphore(%arg12 : memref<!tpu.dma_semaphore, #tpu.memory_space<semaphore_mem>>) src(%dma_wait3A_383 : memref<50000x21xf32, #tpu.memory_space<vmem_shared>>) dst(%dma_wait3A_377 : memref<128x21xf32, #tpu.memory_space<vmem>>)
      %dma_wait3A_384 = arith.constant 6 : i32
      %dma_wait3A_385 = arith.constant 0 : i32
      %dma_wait3A_386 = arith.constant 768 : i32
      %dma_wait3A_387 = arith.constant 0 : i32
      %dma_wait3A_388 = tpu.memref_slice %arg11[%dma_wait3A_386, %dma_wait3A_387] : memref<1280x21xf32, #tpu.memory_space<vmem>> -> memref<128x21xf32, #tpu.memory_space<vmem>>
      %dma_wait3A_389 = arith.constant 0 : i32
      %dma_wait3A_390 = tpu.memref_slice %arg8[%dma_wait3A_384, %dma_wait3A_385, %dma_wait3A_389] : memref<10x1x128xi32, #tpu.memory_space<vmem>> -> memref<1x1x128xi32, #tpu.memory_space<vmem>>
      %dma_wait3A_391 = tpu.memref_squeeze %dma_wait3A_390 : memref<1x1x128xi32, #tpu.memory_space<vmem>> -> memref<128xi32, #tpu.memory_space<vmem>>
      %dma_wait3A_392 = arith.constant 0 : i32
      %dma_wait3A_393 = arith.constant 0 : i32
      %dma_wait3A_394 = tpu.memref_slice %arg7[%dma_wait3A_392, %dma_wait3A_393] : memref<50000x21xf32, #tpu.memory_space<vmem_shared>> -> memref<50000x21xf32, #tpu.memory_space<vmem_shared>>
      tpu.wait_indirect_dma semaphore(%arg12 : memref<!tpu.dma_semaphore, #tpu.memory_space<semaphore_mem>>) src(%dma_wait3A_394 : memref<50000x21xf32, #tpu.memory_space<vmem_shared>>) dst(%dma_wait3A_388 : memref<128x21xf32, #tpu.memory_space<vmem>>)
      %dma_wait3A_395 = arith.constant 7 : i32
      %dma_wait3A_396 = arith.constant 0 : i32
      %dma_wait3A_397 = arith.constant 896 : i32
      %dma_wait3A_398 = arith.constant 0 : i32
      %dma_wait3A_399 = tpu.memref_slice %arg10[%dma_wait3A_397, %dma_wait3A_398] : memref<1280x21xf32, #tpu.memory_space<vmem>> -> memref<128x21xf32, #tpu.memory_space<vmem>>
      %dma_wait3A_400 = arith.constant 0 : i32
      %dma_wait3A_401 = tpu.memref_slice %arg9[%dma_wait3A_395, %dma_wait3A_396, %dma_wait3A_400] : memref<10x1x128xi32, #tpu.memory_space<vmem>> -> memref<1x1x128xi32, #tpu.memory_space<vmem>>
      %dma_wait3A_402 = tpu.memref_squeeze %dma_wait3A_401 : memref<1x1x128xi32, #tpu.memory_space<vmem>> -> memref<128xi32, #tpu.memory_space<vmem>>
      %dma_wait3A_403 = arith.constant 0 : i32
      %dma_wait3A_404 = arith.constant 0 : i32
      %dma_wait3A_405 = tpu.memref_slice %arg7[%dma_wait3A_403, %dma_wait3A_404] : memref<50000x21xf32, #tpu.memory_space<vmem_shared>> -> memref<50000x21xf32, #tpu.memory_space<vmem_shared>>
      tpu.wait_indirect_dma semaphore(%arg12 : memref<!tpu.dma_semaphore, #tpu.memory_space<semaphore_mem>>) src(%dma_wait3A_405 : memref<50000x21xf32, #tpu.memory_space<vmem_shared>>) dst(%dma_wait3A_399 : memref<128x21xf32, #tpu.memory_space<vmem>>)
      %dma_wait3A_406 = arith.constant 7 : i32
      %dma_wait3A_407 = arith.constant 0 : i32
      %dma_wait3A_408 = arith.constant 896 : i32
      %dma_wait3A_409 = arith.constant 0 : i32
      %dma_wait3A_410 = tpu.memref_slice %arg11[%dma_wait3A_408, %dma_wait3A_409] : memref<1280x21xf32, #tpu.memory_space<vmem>> -> memref<128x21xf32, #tpu.memory_space<vmem>>
      %dma_wait3A_411 = arith.constant 0 : i32
      %dma_wait3A_412 = tpu.memref_slice %arg8[%dma_wait3A_406, %dma_wait3A_407, %dma_wait3A_411] : memref<10x1x128xi32, #tpu.memory_space<vmem>> -> memref<1x1x128xi32, #tpu.memory_space<vmem>>
      %dma_wait3A_413 = tpu.memref_squeeze %dma_wait3A_412 : memref<1x1x128xi32, #tpu.memory_space<vmem>> -> memref<128xi32, #tpu.memory_space<vmem>>
      %dma_wait3A_414 = arith.constant 0 : i32
      %dma_wait3A_415 = arith.constant 0 : i32
      %dma_wait3A_416 = tpu.memref_slice %arg7[%dma_wait3A_414, %dma_wait3A_415] : memref<50000x21xf32, #tpu.memory_space<vmem_shared>> -> memref<50000x21xf32, #tpu.memory_space<vmem_shared>>
      tpu.wait_indirect_dma semaphore(%arg12 : memref<!tpu.dma_semaphore, #tpu.memory_space<semaphore_mem>>) src(%dma_wait3A_416 : memref<50000x21xf32, #tpu.memory_space<vmem_shared>>) dst(%dma_wait3A_410 : memref<128x21xf32, #tpu.memory_space<vmem>>)
      %dma_wait3A_417 = arith.constant 8 : i32
      %dma_wait3A_418 = arith.constant 0 : i32
      %dma_wait3A_419 = arith.constant 1024 : i32
      %dma_wait3A_420 = arith.constant 0 : i32
      %dma_wait3A_421 = tpu.memref_slice %arg10[%dma_wait3A_419, %dma_wait3A_420] : memref<1280x21xf32, #tpu.memory_space<vmem>> -> memref<128x21xf32, #tpu.memory_space<vmem>>
      %dma_wait3A_422 = arith.constant 0 : i32
      %dma_wait3A_423 = tpu.memref_slice %arg9[%dma_wait3A_417, %dma_wait3A_418, %dma_wait3A_422] : memref<10x1x128xi32, #tpu.memory_space<vmem>> -> memref<1x1x128xi32, #tpu.memory_space<vmem>>
      %dma_wait3A_424 = tpu.memref_squeeze %dma_wait3A_423 : memref<1x1x128xi32, #tpu.memory_space<vmem>> -> memref<128xi32, #tpu.memory_space<vmem>>
      %dma_wait3A_425 = arith.constant 0 : i32
      %dma_wait3A_426 = arith.constant 0 : i32
      %dma_wait3A_427 = tpu.memref_slice %arg7[%dma_wait3A_425, %dma_wait3A_426] : memref<50000x21xf32, #tpu.memory_space<vmem_shared>> -> memref<50000x21xf32, #tpu.memory_space<vmem_shared>>
      tpu.wait_indirect_dma semaphore(%arg12 : memref<!tpu.dma_semaphore, #tpu.memory_space<semaphore_mem>>) src(%dma_wait3A_427 : memref<50000x21xf32, #tpu.memory_space<vmem_shared>>) dst(%dma_wait3A_421 : memref<128x21xf32, #tpu.memory_space<vmem>>)
      %dma_wait3A_428 = arith.constant 8 : i32
      %dma_wait3A_429 = arith.constant 0 : i32
      %dma_wait3A_430 = arith.constant 1024 : i32
      %dma_wait3A_431 = arith.constant 0 : i32
      %dma_wait3A_432 = tpu.memref_slice %arg11[%dma_wait3A_430, %dma_wait3A_431] : memref<1280x21xf32, #tpu.memory_space<vmem>> -> memref<128x21xf32, #tpu.memory_space<vmem>>
      %dma_wait3A_433 = arith.constant 0 : i32
      %dma_wait3A_434 = tpu.memref_slice %arg8[%dma_wait3A_428, %dma_wait3A_429, %dma_wait3A_433] : memref<10x1x128xi32, #tpu.memory_space<vmem>> -> memref<1x1x128xi32, #tpu.memory_space<vmem>>
      %dma_wait3A_435 = tpu.memref_squeeze %dma_wait3A_434 : memref<1x1x128xi32, #tpu.memory_space<vmem>> -> memref<128xi32, #tpu.memory_space<vmem>>
      %dma_wait3A_436 = arith.constant 0 : i32
      %dma_wait3A_437 = arith.constant 0 : i32
      %dma_wait3A_438 = tpu.memref_slice %arg7[%dma_wait3A_436, %dma_wait3A_437] : memref<50000x21xf32, #tpu.memory_space<vmem_shared>> -> memref<50000x21xf32, #tpu.memory_space<vmem_shared>>
      tpu.wait_indirect_dma semaphore(%arg12 : memref<!tpu.dma_semaphore, #tpu.memory_space<semaphore_mem>>) src(%dma_wait3A_438 : memref<50000x21xf32, #tpu.memory_space<vmem_shared>>) dst(%dma_wait3A_432 : memref<128x21xf32, #tpu.memory_space<vmem>>)
      %dma_wait3A_439 = arith.constant 9 : i32
      %dma_wait3A_440 = arith.constant 0 : i32
      %dma_wait3A_441 = arith.constant 1152 : i32
      %dma_wait3A_442 = arith.constant 0 : i32
      %dma_wait3A_443 = tpu.memref_slice %arg10[%dma_wait3A_441, %dma_wait3A_442] : memref<1280x21xf32, #tpu.memory_space<vmem>> -> memref<128x21xf32, #tpu.memory_space<vmem>>
      %dma_wait3A_444 = arith.constant 0 : i32
      %dma_wait3A_445 = tpu.memref_slice %arg9[%dma_wait3A_439, %dma_wait3A_440, %dma_wait3A_444] : memref<10x1x128xi32, #tpu.memory_space<vmem>> -> memref<1x1x128xi32, #tpu.memory_space<vmem>>
      %dma_wait3A_446 = tpu.memref_squeeze %dma_wait3A_445 : memref<1x1x128xi32, #tpu.memory_space<vmem>> -> memref<128xi32, #tpu.memory_space<vmem>>
      %dma_wait3A_447 = arith.constant 0 : i32
      %dma_wait3A_448 = arith.constant 0 : i32
      %dma_wait3A_449 = tpu.memref_slice %arg7[%dma_wait3A_447, %dma_wait3A_448] : memref<50000x21xf32, #tpu.memory_space<vmem_shared>> -> memref<50000x21xf32, #tpu.memory_space<vmem_shared>>
      tpu.wait_indirect_dma semaphore(%arg12 : memref<!tpu.dma_semaphore, #tpu.memory_space<semaphore_mem>>) src(%dma_wait3A_449 : memref<50000x21xf32, #tpu.memory_space<vmem_shared>>) dst(%dma_wait3A_443 : memref<128x21xf32, #tpu.memory_space<vmem>>)
      %dma_wait3A_450 = arith.constant 9 : i32
      %dma_wait3A_451 = arith.constant 0 : i32
      %dma_wait3A_452 = arith.constant 1152 : i32
      %dma_wait3A_453 = arith.constant 0 : i32
      %dma_wait3A_454 = tpu.memref_slice %arg11[%dma_wait3A_452, %dma_wait3A_453] : memref<1280x21xf32, #tpu.memory_space<vmem>> -> memref<128x21xf32, #tpu.memory_space<vmem>>
      %dma_wait3A_455 = arith.constant 0 : i32
      %dma_wait3A_456 = tpu.memref_slice %arg8[%dma_wait3A_450, %dma_wait3A_451, %dma_wait3A_455] : memref<10x1x128xi32, #tpu.memory_space<vmem>> -> memref<1x1x128xi32, #tpu.memory_space<vmem>>
      %dma_wait3A_457 = tpu.memref_squeeze %dma_wait3A_456 : memref<1x1x128xi32, #tpu.memory_space<vmem>> -> memref<128xi32, #tpu.memory_space<vmem>>
      %dma_wait3A_458 = arith.constant 0 : i32
      %dma_wait3A_459 = arith.constant 0 : i32
      %dma_wait3A_460 = tpu.memref_slice %arg7[%dma_wait3A_458, %dma_wait3A_459] : memref<50000x21xf32, #tpu.memory_space<vmem_shared>> -> memref<50000x21xf32, #tpu.memory_space<vmem_shared>>
      tpu.wait_indirect_dma semaphore(%arg12 : memref<!tpu.dma_semaphore, #tpu.memory_space<semaphore_mem>>) src(%dma_wait3A_460 : memref<50000x21xf32, #tpu.memory_space<vmem_shared>>) dst(%dma_wait3A_454 : memref<128x21xf32, #tpu.memory_space<vmem>>)
      %mul3A_461 = arith.constant 128 : i32
      %mul3A_462 = arith.muli %add3A_22, %mul3A_461 : i32
      "tpu.region"() ({
        %run_scoped3A = tpu.sem_alloc : memref<!tpu.dma_semaphore, #tpu.memory_space<semaphore_mem>>
        %dma_start3A_465 = arith.constant 0 : i32
        %dma_start3A_466 = arith.constant 0 : i32
        %dma_start3A_467 = tpu.memref_slice %arg10[%dma_start3A_465, %dma_start3A_466] : memref<1280x21xf32, #tpu.memory_space<vmem>> -> memref<1280x21xf32, #tpu.memory_space<vmem>>
        %dma_start3A_468 = arith.constant 0 : i32
        %dma_start3A_469 = tpu.memref_slice %arg5[%mul3A_462, %dma_start3A_468] : memref<1600000x21xf32, #tpu.memory_space<hbm>> -> memref<1280x21xf32, #tpu.memory_space<hbm>>
        %dma_start3A_470 = arith.constant 0 : i32
        %dma_start3A_471 = tpu.memref_slice %arg5[%mul3A_462, %dma_start3A_470] : memref<1600000x21xf32, #tpu.memory_space<hbm>> -> memref<1280x21xf32, #tpu.memory_space<hbm>>
        %dma_start3A_472 = arith.constant 0 : i32
        %dma_start3A_473 = arith.constant 0 : i32
        %dma_start3A_474 = tpu.memref_slice %arg10[%dma_start3A_472, %dma_start3A_473] : memref<1280x21xf32, #tpu.memory_space<vmem>> -> memref<1280x21xf32, #tpu.memory_space<vmem>>
        tpu.enqueue_dma source(%dma_start3A_474 : memref<1280x21xf32, #tpu.memory_space<vmem>>) target(%dma_start3A_471 : memref<1280x21xf32, #tpu.memory_space<hbm>>) target_semaphore(%run_scoped3A : memref<!tpu.dma_semaphore, #tpu.memory_space<semaphore_mem>>)
        %dma_wait3A_475 = arith.constant 0 : i32
        %dma_wait3A_476 = arith.constant 0 : i32
        %dma_wait3A_477 = tpu.memref_slice %arg10[%dma_wait3A_475, %dma_wait3A_476] : memref<1280x21xf32, #tpu.memory_space<vmem>> -> memref<1280x21xf32, #tpu.memory_space<vmem>>
        %dma_wait3A_478 = arith.constant 0 : i32
        %dma_wait3A_479 = tpu.memref_slice %arg5[%mul3A_462, %dma_wait3A_478] : memref<1600000x21xf32, #tpu.memory_space<hbm>> -> memref<1280x21xf32, #tpu.memory_space<hbm>>
        %dma_wait3A_480 = arith.constant 0 : i32
        %dma_wait3A_481 = tpu.memref_slice %arg5[%mul3A_462, %dma_wait3A_480] : memref<1600000x21xf32, #tpu.memory_space<hbm>> -> memref<1280x21xf32, #tpu.memory_space<hbm>>
        %dma_wait3A_482 = arith.constant 0 : i32
        %dma_wait3A_483 = arith.constant 0 : i32
        %dma_wait3A_484 = tpu.memref_slice %arg10[%dma_wait3A_482, %dma_wait3A_483] : memref<1280x21xf32, #tpu.memory_space<vmem>> -> memref<1280x21xf32, #tpu.memory_space<vmem>>
        tpu.wait_dma2 semaphore(%run_scoped3A : memref<!tpu.dma_semaphore, #tpu.memory_space<semaphore_mem>>) src(%dma_wait3A_484 : memref<1280x21xf32, #tpu.memory_space<vmem>>) dst(%dma_wait3A_481 : memref<1280x21xf32, #tpu.memory_space<hbm>>)
        tpu.yield
      }) : () -> ()
      %mul3A_463 = arith.constant 128 : i32
      %mul3A_464 = arith.muli %add3A_22, %mul3A_463 : i32
      "tpu.region"() ({
        %run_scoped3A = tpu.sem_alloc : memref<!tpu.dma_semaphore, #tpu.memory_space<semaphore_mem>>
        %dma_start3A_465 = arith.constant 0 : i32
        %dma_start3A_466 = arith.constant 0 : i32
        %dma_start3A_467 = tpu.memref_slice %arg11[%dma_start3A_465, %dma_start3A_466] : memref<1280x21xf32, #tpu.memory_space<vmem>> -> memref<1280x21xf32, #tpu.memory_space<vmem>>
        %dma_start3A_468 = arith.constant 0 : i32
        %dma_start3A_469 = tpu.memref_slice %arg6[%mul3A_464, %dma_start3A_468] : memref<1600000x21xf32, #tpu.memory_space<hbm>> -> memref<1280x21xf32, #tpu.memory_space<hbm>>
        %dma_start3A_470 = arith.constant 0 : i32
        %dma_start3A_471 = tpu.memref_slice %arg6[%mul3A_464, %dma_start3A_470] : memref<1600000x21xf32, #tpu.memory_space<hbm>> -> memref<1280x21xf32, #tpu.memory_space<hbm>>
        %dma_start3A_472 = arith.constant 0 : i32
        %dma_start3A_473 = arith.constant 0 : i32
        %dma_start3A_474 = tpu.memref_slice %arg11[%dma_start3A_472, %dma_start3A_473] : memref<1280x21xf32, #tpu.memory_space<vmem>> -> memref<1280x21xf32, #tpu.memory_space<vmem>>
        tpu.enqueue_dma source(%dma_start3A_474 : memref<1280x21xf32, #tpu.memory_space<vmem>>) target(%dma_start3A_471 : memref<1280x21xf32, #tpu.memory_space<hbm>>) target_semaphore(%run_scoped3A : memref<!tpu.dma_semaphore, #tpu.memory_space<semaphore_mem>>)
        %dma_wait3A_475 = arith.constant 0 : i32
        %dma_wait3A_476 = arith.constant 0 : i32
        %dma_wait3A_477 = tpu.memref_slice %arg11[%dma_wait3A_475, %dma_wait3A_476] : memref<1280x21xf32, #tpu.memory_space<vmem>> -> memref<1280x21xf32, #tpu.memory_space<vmem>>
        %dma_wait3A_478 = arith.constant 0 : i32
        %dma_wait3A_479 = tpu.memref_slice %arg6[%mul3A_464, %dma_wait3A_478] : memref<1600000x21xf32, #tpu.memory_space<hbm>> -> memref<1280x21xf32, #tpu.memory_space<hbm>>
        %dma_wait3A_480 = arith.constant 0 : i32
        %dma_wait3A_481 = tpu.memref_slice %arg6[%mul3A_464, %dma_wait3A_480] : memref<1600000x21xf32, #tpu.memory_space<hbm>> -> memref<1280x21xf32, #tpu.memory_space<hbm>>
        %dma_wait3A_482 = arith.constant 0 : i32
        %dma_wait3A_483 = arith.constant 0 : i32
        %dma_wait3A_484 = tpu.memref_slice %arg11[%dma_wait3A_482, %dma_wait3A_483] : memref<1280x21xf32, #tpu.memory_space<vmem>> -> memref<1280x21xf32, #tpu.memory_space<vmem>>
        tpu.wait_dma2 semaphore(%run_scoped3A : memref<!tpu.dma_semaphore, #tpu.memory_space<semaphore_mem>>) src(%dma_wait3A_484 : memref<1280x21xf32, #tpu.memory_space<vmem>>) dst(%dma_wait3A_481 : memref<1280x21xf32, #tpu.memory_space<hbm>>)
        tpu.yield
      }) : () -> ()
    }
    %scan3A_11 = arith.constant 39 : i32
    %lt3A_12 = arith.constant 20 : i32
    %lt3A_13 = arith.cmpi slt, %add3A, %lt3A_12 : i32
    %convert_element_type3A_14 = arith.extui %lt3A_13 : i1 to i32
    %cond3A_15 = arith.constant 0 : i32
    %cond3A_16 = arith.cmpi ne, %convert_element_type3A_14, %cond3A_15 : i32
    scf.if %cond3A_16 {
      %add3A_17 = arith.constant 12480 : i32
      %add3A_18 = arith.addi %add3A_17, %add3A : i32
      "tpu.region"() ({
        %run_scoped3A = tpu.sem_alloc : memref<!tpu.dma_semaphore, #tpu.memory_space<semaphore_mem>>
        %dma_start3A_65 = arith.constant 0 : i32
        %dma_start3A_66 = arith.constant 0 : i32
        %dma_start3A_67 = arith.constant 0 : i32
        %dma_start3A_68 = tpu.memref_slice %arg8[%dma_start3A_65, %dma_start3A_66, %dma_start3A_67] : memref<10x1x128xi32, #tpu.memory_space<vmem>> -> memref<1x1x128xi32, #tpu.memory_space<vmem>>
        %dma_start3A_69 = arith.constant 0 : i32
        %dma_start3A_70 = arith.constant 0 : i32
        %dma_start3A_71 = tpu.memref_slice %arg3[%add3A_18, %dma_start3A_69, %dma_start3A_70] : memref<12500x1x128xi32, #tpu.memory_space<hbm>> -> memref<1x1x128xi32, #tpu.memory_space<hbm>>
        %dma_start3A_72 = arith.constant 0 : i32
        %dma_start3A_73 = arith.constant 0 : i32
        %dma_start3A_74 = arith.constant 0 : i32
        %dma_start3A_75 = tpu.memref_slice %arg8[%dma_start3A_72, %dma_start3A_73, %dma_start3A_74] : memref<10x1x128xi32, #tpu.memory_space<vmem>> -> memref<1x1x128xi32, #tpu.memory_space<vmem>>
        %dma_start3A_76 = arith.constant 0 : i32
        %dma_start3A_77 = arith.constant 0 : i32
        %dma_start3A_78 = tpu.memref_slice %arg3[%add3A_18, %dma_start3A_76, %dma_start3A_77] : memref<12500x1x128xi32, #tpu.memory_space<hbm>> -> memref<1x1x128xi32, #tpu.memory_space<hbm>>
        tpu.enqueue_dma source(%dma_start3A_78 : memref<1x1x128xi32, #tpu.memory_space<hbm>>) target(%dma_start3A_75 : memref<1x1x128xi32, #tpu.memory_space<vmem>>) target_semaphore(%run_scoped3A : memref<!tpu.dma_semaphore, #tpu.memory_space<semaphore_mem>>)
        %dma_wait3A_79 = arith.constant 0 : i32
        %dma_wait3A_80 = arith.constant 0 : i32
        %dma_wait3A_81 = arith.constant 0 : i32
        %dma_wait3A_82 = tpu.memref_slice %arg8[%dma_wait3A_79, %dma_wait3A_80, %dma_wait3A_81] : memref<10x1x128xi32, #tpu.memory_space<vmem>> -> memref<1x1x128xi32, #tpu.memory_space<vmem>>
        %dma_wait3A_83 = arith.constant 0 : i32
        %dma_wait3A_84 = arith.constant 0 : i32
        %dma_wait3A_85 = tpu.memref_slice %arg3[%add3A_18, %dma_wait3A_83, %dma_wait3A_84] : memref<12500x1x128xi32, #tpu.memory_space<hbm>> -> memref<1x1x128xi32, #tpu.memory_space<hbm>>
        %dma_wait3A_86 = arith.constant 0 : i32
        %dma_wait3A_87 = arith.constant 0 : i32
        %dma_wait3A_88 = arith.constant 0 : i32
        %dma_wait3A_89 = tpu.memref_slice %arg8[%dma_wait3A_86, %dma_wait3A_87, %dma_wait3A_88] : memref<10x1x128xi32, #tpu.memory_space<vmem>> -> memref<1x1x128xi32, #tpu.memory_space<vmem>>
        %dma_wait3A_90 = arith.constant 0 : i32
        %dma_wait3A_91 = arith.constant 0 : i32
        %dma_wait3A_92 = tpu.memref_slice %arg3[%add3A_18, %dma_wait3A_90, %dma_wait3A_91] : memref<12500x1x128xi32, #tpu.memory_space<hbm>> -> memref<1x1x128xi32, #tpu.memory_space<hbm>>
        tpu.wait_dma2 semaphore(%run_scoped3A : memref<!tpu.dma_semaphore, #tpu.memory_space<semaphore_mem>>) src(%dma_wait3A_92 : memref<1x1x128xi32, #tpu.memory_space<hbm>>) dst(%dma_wait3A_89 : memref<1x1x128xi32, #tpu.memory_space<vmem>>)
        tpu.yield
      }) : () -> ()
      "tpu.region"() ({
        %run_scoped3A = tpu.sem_alloc : memref<!tpu.dma_semaphore, #tpu.memory_space<semaphore_mem>>
        %dma_start3A_65 = arith.constant 0 : i32
        %dma_start3A_66 = arith.constant 0 : i32
        %dma_start3A_67 = arith.constant 0 : i32
        %dma_start3A_68 = tpu.memref_slice %arg9[%dma_start3A_65, %dma_start3A_66, %dma_start3A_67] : memref<10x1x128xi32, #tpu.memory_space<vmem>> -> memref<1x1x128xi32, #tpu.memory_space<vmem>>
        %dma_start3A_69 = arith.constant 0 : i32
        %dma_start3A_70 = arith.constant 0 : i32
        %dma_start3A_71 = tpu.memref_slice %arg4[%add3A_18, %dma_start3A_69, %dma_start3A_70] : memref<12500x1x128xi32, #tpu.memory_space<hbm>> -> memref<1x1x128xi32, #tpu.memory_space<hbm>>
        %dma_start3A_72 = arith.constant 0 : i32
        %dma_start3A_73 = arith.constant 0 : i32
        %dma_start3A_74 = arith.constant 0 : i32
        %dma_start3A_75 = tpu.memref_slice %arg9[%dma_start3A_72, %dma_start3A_73, %dma_start3A_74] : memref<10x1x128xi32, #tpu.memory_space<vmem>> -> memref<1x1x128xi32, #tpu.memory_space<vmem>>
        %dma_start3A_76 = arith.constant 0 : i32
        %dma_start3A_77 = arith.constant 0 : i32
        %dma_start3A_78 = tpu.memref_slice %arg4[%add3A_18, %dma_start3A_76, %dma_start3A_77] : memref<12500x1x128xi32, #tpu.memory_space<hbm>> -> memref<1x1x128xi32, #tpu.memory_space<hbm>>
        tpu.enqueue_dma source(%dma_start3A_78 : memref<1x1x128xi32, #tpu.memory_space<hbm>>) target(%dma_start3A_75 : memref<1x1x128xi32, #tpu.memory_space<vmem>>) target_semaphore(%run_scoped3A : memref<!tpu.dma_semaphore, #tpu.memory_space<semaphore_mem>>)
        %dma_wait3A_79 = arith.constant 0 : i32
        %dma_wait3A_80 = arith.constant 0 : i32
        %dma_wait3A_81 = arith.constant 0 : i32
        %dma_wait3A_82 = tpu.memref_slice %arg9[%dma_wait3A_79, %dma_wait3A_80, %dma_wait3A_81] : memref<10x1x128xi32, #tpu.memory_space<vmem>> -> memref<1x1x128xi32, #tpu.memory_space<vmem>>
        %dma_wait3A_83 = arith.constant 0 : i32
        %dma_wait3A_84 = arith.constant 0 : i32
        %dma_wait3A_85 = tpu.memref_slice %arg4[%add3A_18, %dma_wait3A_83, %dma_wait3A_84] : memref<12500x1x128xi32, #tpu.memory_space<hbm>> -> memref<1x1x128xi32, #tpu.memory_space<hbm>>
        %dma_wait3A_86 = arith.constant 0 : i32
        %dma_wait3A_87 = arith.constant 0 : i32
        %dma_wait3A_88 = arith.constant 0 : i32
        %dma_wait3A_89 = tpu.memref_slice %arg9[%dma_wait3A_86, %dma_wait3A_87, %dma_wait3A_88] : memref<10x1x128xi32, #tpu.memory_space<vmem>> -> memref<1x1x128xi32, #tpu.memory_space<vmem>>
        %dma_wait3A_90 = arith.constant 0 : i32
        %dma_wait3A_91 = arith.constant 0 : i32
        %dma_wait3A_92 = tpu.memref_slice %arg4[%add3A_18, %dma_wait3A_90, %dma_wait3A_91] : memref<12500x1x128xi32, #tpu.memory_space<hbm>> -> memref<1x1x128xi32, #tpu.memory_space<hbm>>
        tpu.wait_dma2 semaphore(%run_scoped3A : memref<!tpu.dma_semaphore, #tpu.memory_space<semaphore_mem>>) src(%dma_wait3A_92 : memref<1x1x128xi32, #tpu.memory_space<hbm>>) dst(%dma_wait3A_89 : memref<1x1x128xi32, #tpu.memory_space<vmem>>)
        tpu.yield
      }) : () -> ()
      %dma_start3A = arith.constant 0 : i32
      %dma_start3A_19 = arith.constant 0 : i32
      %dma_start3A_20 = arith.constant 0 : i32
      %dma_start3A_21 = arith.constant 0 : i32
      %dma_start3A_22 = tpu.memref_slice %arg10[%dma_start3A_20, %dma_start3A_21] : memref<1280x21xf32, #tpu.memory_space<vmem>> -> memref<128x21xf32, #tpu.memory_space<vmem>>
      %dma_start3A_23 = arith.constant 0 : i32
      %dma_start3A_24 = tpu.memref_slice %arg9[%dma_start3A, %dma_start3A_19, %dma_start3A_23] : memref<10x1x128xi32, #tpu.memory_space<vmem>> -> memref<1x1x128xi32, #tpu.memory_space<vmem>>
      %dma_start3A_25 = tpu.memref_squeeze %dma_start3A_24 : memref<1x1x128xi32, #tpu.memory_space<vmem>> -> memref<128xi32, #tpu.memory_space<vmem>>
      %dma_start3A_26 = arith.constant 0 : i32
      %dma_start3A_27 = arith.constant 0 : i32
      %dma_start3A_28 = tpu.memref_slice %arg7[%dma_start3A_26, %dma_start3A_27] : memref<50000x21xf32, #tpu.memory_space<vmem_shared>> -> memref<50000x21xf32, #tpu.memory_space<vmem_shared>>
      tpu.enqueue_indirect_dma source(%dma_start3A_28 : memref<50000x21xf32, #tpu.memory_space<vmem_shared>>) target(%dma_start3A_22 : memref<128x21xf32, #tpu.memory_space<vmem>>) offsets(%dma_start3A_25 : memref<128xi32, #tpu.memory_space<vmem>>) semaphore(%arg12 : memref<!tpu.dma_semaphore, #tpu.memory_space<semaphore_mem>>)
      %dma_start3A_29 = arith.constant 0 : i32
      %dma_start3A_30 = arith.constant 0 : i32
      %dma_start3A_31 = arith.constant 0 : i32
      %dma_start3A_32 = arith.constant 0 : i32
      %dma_start3A_33 = tpu.memref_slice %arg11[%dma_start3A_31, %dma_start3A_32] : memref<1280x21xf32, #tpu.memory_space<vmem>> -> memref<128x21xf32, #tpu.memory_space<vmem>>
      %dma_start3A_34 = arith.constant 0 : i32
      %dma_start3A_35 = tpu.memref_slice %arg8[%dma_start3A_29, %dma_start3A_30, %dma_start3A_34] : memref<10x1x128xi32, #tpu.memory_space<vmem>> -> memref<1x1x128xi32, #tpu.memory_space<vmem>>
      %dma_start3A_36 = tpu.memref_squeeze %dma_start3A_35 : memref<1x1x128xi32, #tpu.memory_space<vmem>> -> memref<128xi32, #tpu.memory_space<vmem>>
      %dma_start3A_37 = arith.constant 0 : i32
      %dma_start3A_38 = arith.constant 0 : i32
      %dma_start3A_39 = tpu.memref_slice %arg7[%dma_start3A_37, %dma_start3A_38] : memref<50000x21xf32, #tpu.memory_space<vmem_shared>> -> memref<50000x21xf32, #tpu.memory_space<vmem_shared>>
      tpu.enqueue_indirect_dma source(%dma_start3A_39 : memref<50000x21xf32, #tpu.memory_space<vmem_shared>>) target(%dma_start3A_33 : memref<128x21xf32, #tpu.memory_space<vmem>>) offsets(%dma_start3A_36 : memref<128xi32, #tpu.memory_space<vmem>>) semaphore(%arg12 : memref<!tpu.dma_semaphore, #tpu.memory_space<semaphore_mem>>)
      %dma_wait3A = arith.constant 0 : i32
      %dma_wait3A_40 = arith.constant 0 : i32
      %dma_wait3A_41 = arith.constant 0 : i32
      %dma_wait3A_42 = arith.constant 0 : i32
      %dma_wait3A_43 = tpu.memref_slice %arg10[%dma_wait3A_41, %dma_wait3A_42] : memref<1280x21xf32, #tpu.memory_space<vmem>> -> memref<128x21xf32, #tpu.memory_space<vmem>>
      %dma_wait3A_44 = arith.constant 0 : i32
      %dma_wait3A_45 = tpu.memref_slice %arg9[%dma_wait3A, %dma_wait3A_40, %dma_wait3A_44] : memref<10x1x128xi32, #tpu.memory_space<vmem>> -> memref<1x1x128xi32, #tpu.memory_space<vmem>>
      %dma_wait3A_46 = tpu.memref_squeeze %dma_wait3A_45 : memref<1x1x128xi32, #tpu.memory_space<vmem>> -> memref<128xi32, #tpu.memory_space<vmem>>
      %dma_wait3A_47 = arith.constant 0 : i32
      %dma_wait3A_48 = arith.constant 0 : i32
      %dma_wait3A_49 = tpu.memref_slice %arg7[%dma_wait3A_47, %dma_wait3A_48] : memref<50000x21xf32, #tpu.memory_space<vmem_shared>> -> memref<50000x21xf32, #tpu.memory_space<vmem_shared>>
      tpu.wait_indirect_dma semaphore(%arg12 : memref<!tpu.dma_semaphore, #tpu.memory_space<semaphore_mem>>) src(%dma_wait3A_49 : memref<50000x21xf32, #tpu.memory_space<vmem_shared>>) dst(%dma_wait3A_43 : memref<128x21xf32, #tpu.memory_space<vmem>>)
      %dma_wait3A_50 = arith.constant 0 : i32
      %dma_wait3A_51 = arith.constant 0 : i32
      %dma_wait3A_52 = arith.constant 0 : i32
      %dma_wait3A_53 = arith.constant 0 : i32
      %dma_wait3A_54 = tpu.memref_slice %arg11[%dma_wait3A_52, %dma_wait3A_53] : memref<1280x21xf32, #tpu.memory_space<vmem>> -> memref<128x21xf32, #tpu.memory_space<vmem>>
      %dma_wait3A_55 = arith.constant 0 : i32
      %dma_wait3A_56 = tpu.memref_slice %arg8[%dma_wait3A_50, %dma_wait3A_51, %dma_wait3A_55] : memref<10x1x128xi32, #tpu.memory_space<vmem>> -> memref<1x1x128xi32, #tpu.memory_space<vmem>>
      %dma_wait3A_57 = tpu.memref_squeeze %dma_wait3A_56 : memref<1x1x128xi32, #tpu.memory_space<vmem>> -> memref<128xi32, #tpu.memory_space<vmem>>
      %dma_wait3A_58 = arith.constant 0 : i32
      %dma_wait3A_59 = arith.constant 0 : i32
      %dma_wait3A_60 = tpu.memref_slice %arg7[%dma_wait3A_58, %dma_wait3A_59] : memref<50000x21xf32, #tpu.memory_space<vmem_shared>> -> memref<50000x21xf32, #tpu.memory_space<vmem_shared>>
      tpu.wait_indirect_dma semaphore(%arg12 : memref<!tpu.dma_semaphore, #tpu.memory_space<semaphore_mem>>) src(%dma_wait3A_60 : memref<50000x21xf32, #tpu.memory_space<vmem_shared>>) dst(%dma_wait3A_54 : memref<128x21xf32, #tpu.memory_space<vmem>>)
      %mul3A_61 = arith.constant 128 : i32
      %mul3A_62 = arith.muli %add3A_18, %mul3A_61 : i32
      "tpu.region"() ({
        %run_scoped3A = tpu.sem_alloc : memref<!tpu.dma_semaphore, #tpu.memory_space<semaphore_mem>>
        %dma_start3A_65 = arith.constant 0 : i32
        %dma_start3A_66 = arith.constant 0 : i32
        %dma_start3A_67 = tpu.memref_slice %arg10[%dma_start3A_65, %dma_start3A_66] : memref<1280x21xf32, #tpu.memory_space<vmem>> -> memref<128x21xf32, #tpu.memory_space<vmem>>
        %dma_start3A_68 = arith.constant 0 : i32
        %dma_start3A_69 = tpu.memref_slice %arg5[%mul3A_62, %dma_start3A_68] : memref<1600000x21xf32, #tpu.memory_space<hbm>> -> memref<128x21xf32, #tpu.memory_space<hbm>>
        %dma_start3A_70 = arith.constant 0 : i32
        %dma_start3A_71 = tpu.memref_slice %arg5[%mul3A_62, %dma_start3A_70] : memref<1600000x21xf32, #tpu.memory_space<hbm>> -> memref<128x21xf32, #tpu.memory_space<hbm>>
        %dma_start3A_72 = arith.constant 0 : i32
        %dma_start3A_73 = arith.constant 0 : i32
        %dma_start3A_74 = tpu.memref_slice %arg10[%dma_start3A_72, %dma_start3A_73] : memref<1280x21xf32, #tpu.memory_space<vmem>> -> memref<128x21xf32, #tpu.memory_space<vmem>>
        tpu.enqueue_dma source(%dma_start3A_74 : memref<128x21xf32, #tpu.memory_space<vmem>>) target(%dma_start3A_71 : memref<128x21xf32, #tpu.memory_space<hbm>>) target_semaphore(%run_scoped3A : memref<!tpu.dma_semaphore, #tpu.memory_space<semaphore_mem>>)
        %dma_wait3A_75 = arith.constant 0 : i32
        %dma_wait3A_76 = arith.constant 0 : i32
        %dma_wait3A_77 = tpu.memref_slice %arg10[%dma_wait3A_75, %dma_wait3A_76] : memref<1280x21xf32, #tpu.memory_space<vmem>> -> memref<128x21xf32, #tpu.memory_space<vmem>>
        %dma_wait3A_78 = arith.constant 0 : i32
        %dma_wait3A_79 = tpu.memref_slice %arg5[%mul3A_62, %dma_wait3A_78] : memref<1600000x21xf32, #tpu.memory_space<hbm>> -> memref<128x21xf32, #tpu.memory_space<hbm>>
        %dma_wait3A_80 = arith.constant 0 : i32
        %dma_wait3A_81 = tpu.memref_slice %arg5[%mul3A_62, %dma_wait3A_80] : memref<1600000x21xf32, #tpu.memory_space<hbm>> -> memref<128x21xf32, #tpu.memory_space<hbm>>
        %dma_wait3A_82 = arith.constant 0 : i32
        %dma_wait3A_83 = arith.constant 0 : i32
        %dma_wait3A_84 = tpu.memref_slice %arg10[%dma_wait3A_82, %dma_wait3A_83] : memref<1280x21xf32, #tpu.memory_space<vmem>> -> memref<128x21xf32, #tpu.memory_space<vmem>>
        tpu.wait_dma2 semaphore(%run_scoped3A : memref<!tpu.dma_semaphore, #tpu.memory_space<semaphore_mem>>) src(%dma_wait3A_84 : memref<128x21xf32, #tpu.memory_space<vmem>>) dst(%dma_wait3A_81 : memref<128x21xf32, #tpu.memory_space<hbm>>)
        tpu.yield
      }) : () -> ()
      %mul3A_63 = arith.constant 128 : i32
      %mul3A_64 = arith.muli %add3A_18, %mul3A_63 : i32
      "tpu.region"() ({
        %run_scoped3A = tpu.sem_alloc : memref<!tpu.dma_semaphore, #tpu.memory_space<semaphore_mem>>
        %dma_start3A_65 = arith.constant 0 : i32
        %dma_start3A_66 = arith.constant 0 : i32
        %dma_start3A_67 = tpu.memref_slice %arg11[%dma_start3A_65, %dma_start3A_66] : memref<1280x21xf32, #tpu.memory_space<vmem>> -> memref<128x21xf32, #tpu.memory_space<vmem>>
        %dma_start3A_68 = arith.constant 0 : i32
        %dma_start3A_69 = tpu.memref_slice %arg6[%mul3A_64, %dma_start3A_68] : memref<1600000x21xf32, #tpu.memory_space<hbm>> -> memref<128x21xf32, #tpu.memory_space<hbm>>
        %dma_start3A_70 = arith.constant 0 : i32
        %dma_start3A_71 = tpu.memref_slice %arg6[%mul3A_64, %dma_start3A_70] : memref<1600000x21xf32, #tpu.memory_space<hbm>> -> memref<128x21xf32, #tpu.memory_space<hbm>>
        %dma_start3A_72 = arith.constant 0 : i32
        %dma_start3A_73 = arith.constant 0 : i32
        %dma_start3A_74 = tpu.memref_slice %arg11[%dma_start3A_72, %dma_start3A_73] : memref<1280x21xf32, #tpu.memory_space<vmem>> -> memref<128x21xf32, #tpu.memory_space<vmem>>
        tpu.enqueue_dma source(%dma_start3A_74 : memref<128x21xf32, #tpu.memory_space<vmem>>) target(%dma_start3A_71 : memref<128x21xf32, #tpu.memory_space<hbm>>) target_semaphore(%run_scoped3A : memref<!tpu.dma_semaphore, #tpu.memory_space<semaphore_mem>>)
        %dma_wait3A_75 = arith.constant 0 : i32
        %dma_wait3A_76 = arith.constant 0 : i32
        %dma_wait3A_77 = tpu.memref_slice %arg11[%dma_wait3A_75, %dma_wait3A_76] : memref<1280x21xf32, #tpu.memory_space<vmem>> -> memref<128x21xf32, #tpu.memory_space<vmem>>
        %dma_wait3A_78 = arith.constant 0 : i32
        %dma_wait3A_79 = tpu.memref_slice %arg6[%mul3A_64, %dma_wait3A_78] : memref<1600000x21xf32, #tpu.memory_space<hbm>> -> memref<128x21xf32, #tpu.memory_space<hbm>>
        %dma_wait3A_80 = arith.constant 0 : i32
        %dma_wait3A_81 = tpu.memref_slice %arg6[%mul3A_64, %dma_wait3A_80] : memref<1600000x21xf32, #tpu.memory_space<hbm>> -> memref<128x21xf32, #tpu.memory_space<hbm>>
        %dma_wait3A_82 = arith.constant 0 : i32
        %dma_wait3A_83 = arith.constant 0 : i32
        %dma_wait3A_84 = tpu.memref_slice %arg11[%dma_wait3A_82, %dma_wait3A_83] : memref<1280x21xf32, #tpu.memory_space<vmem>> -> memref<128x21xf32, #tpu.memory_space<vmem>>
        tpu.wait_dma2 semaphore(%run_scoped3A : memref<!tpu.dma_semaphore, #tpu.memory_space<semaphore_mem>>) src(%dma_wait3A_84 : memref<128x21xf32, #tpu.memory_space<vmem>>) dst(%dma_wait3A_81 : memref<128x21xf32, #tpu.memory_space<hbm>>)
        tpu.yield
      }) : () -> ()
    } else {
    }
    return
  }
}

#map = affine_map<(d0, d1) -> (0, 0)>
#map1 = affine_map<(d0, d1) -> (0, 0, 0)>
module attributes {stable_mosaic.version = 14 : i64} {
  func.func @body(%arg0: i32, %arg1: i32, %arg2: memref<50000x16xf32, #tpu.memory_space<hbm>>, %arg3: memref<12500x1x128xi32, #tpu.memory_space<hbm>>, %arg4: memref<12500x1x128xi32, #tpu.memory_space<hbm>>, %arg5: memref<1600000x16xf32, #tpu.memory_space<hbm>>, %arg6: memref<1600000x16xf32, #tpu.memory_space<hbm>>, %arg7: memref<50000x16xf32, #tpu.memory_space<vmem_shared>>, %arg8: memref<10x1x128xi32, #tpu.memory_space<vmem>>, %arg9: memref<10x1x128xi32, #tpu.memory_space<vmem>>, %arg10: memref<1280x16xf32, #tpu.memory_space<vmem>>, %arg11: memref<1280x16xf32, #tpu.memory_space<vmem>>, %arg12: memref<!tpu.dma_semaphore, #tpu.memory_space<semaphore_mem>>) attributes {dimension_semantics = [#tpu.dimension_semantics<core_parallel>, #tpu.dimension_semantics<subcore_parallel>], iteration_bounds = array<i64: 2, 16>, scalar_prefetch = 0 : i64, scratch_operands = 6 : i64, tpu.core_type = #tpu.core_type<sc_vector_subcore>, window_params = [{transform_indices = #map}, {transform_indices = #map1}, {transform_indices = #map1}, {transform_indices = #map}, {transform_indices = #map}]} {
    %mul3A = arith.constant 2 : i32
    %mul3A_0 = arith.muli %arg1, %mul3A : i32
    %add3A = arith.addi %mul3A_0, %arg0 : i32
    %lt3A = arith.constant 15 : i32
    %lt3A_1 = arith.cmpi slt, %arg1, %lt3A : i32
    %convert_element_type3A = arith.extui %lt3A_1 : i1 to i32
    %cond3A = arith.constant 0 : i32
    %cond3A_2 = arith.cmpi ne, %convert_element_type3A, %cond3A : i32
    scf.if %cond3A_2 {
      %mul3A_17 = arith.constant 3128 : i32
      %mul3A_18 = arith.muli %arg1, %mul3A_17 : i32
      %mul3A_19 = arith.constant 3128 : i32
      %mul3A_20 = arith.muli %arg1, %mul3A_19 : i32
      "tpu.region"() ({
        %run_scoped3A = tpu.sem_alloc : memref<!tpu.dma_semaphore, #tpu.memory_space<semaphore_mem>>
        %dma_start3A = arith.constant 0 : i32
        %dma_start3A_21 = tpu.memref_slice %arg7[%mul3A_20, %dma_start3A] : memref<50000x16xf32, #tpu.memory_space<vmem_shared>> -> memref<3128x16xf32, #tpu.memory_space<vmem_shared>>
        %dma_start3A_22 = arith.constant 0 : i32
        %dma_start3A_23 = tpu.memref_slice %arg2[%mul3A_18, %dma_start3A_22] : memref<50000x16xf32, #tpu.memory_space<hbm>> -> memref<3128x16xf32, #tpu.memory_space<hbm>>
        tpu.enqueue_dma source(%dma_start3A_23 : memref<3128x16xf32, #tpu.memory_space<hbm>>) target(%dma_start3A_21 : memref<3128x16xf32, #tpu.memory_space<vmem_shared>>) target_semaphore(%run_scoped3A : memref<!tpu.dma_semaphore, #tpu.memory_space<semaphore_mem>>)
        %dma_wait3A = arith.constant 0 : i32
        %dma_wait3A_24 = tpu.memref_slice %arg7[%mul3A_20, %dma_wait3A] : memref<50000x16xf32, #tpu.memory_space<vmem_shared>> -> memref<3128x16xf32, #tpu.memory_space<vmem_shared>>
        %dma_wait3A_25 = arith.constant 0 : i32
        %dma_wait3A_26 = tpu.memref_slice %arg2[%mul3A_18, %dma_wait3A_25] : memref<50000x16xf32, #tpu.memory_space<hbm>> -> memref<3128x16xf32, #tpu.memory_space<hbm>>
        tpu.wait_dma2 semaphore(%run_scoped3A : memref<!tpu.dma_semaphore, #tpu.memory_space<semaphore_mem>>) src(%dma_wait3A_26 : memref<3128x16xf32, #tpu.memory_space<hbm>>) dst(%dma_wait3A_24 : memref<3128x16xf32, #tpu.memory_space<vmem_shared>>)
        tpu.yield
      }) : () -> ()
    } else {
    }
    %eq3A = arith.constant 15 : i32
    %eq3A_3 = arith.cmpi eq, %arg1, %eq3A : i32
    %convert_element_type3A_4 = arith.extui %eq3A_3 : i1 to i32
    %cond3A_5 = arith.constant 0 : i32
    %cond3A_6 = arith.cmpi ne, %convert_element_type3A_4, %cond3A_5 : i32
    scf.if %cond3A_6 {
      "tpu.region"() ({
        %run_scoped3A = tpu.sem_alloc : memref<!tpu.dma_semaphore, #tpu.memory_space<semaphore_mem>>
        %dma_start3A = arith.constant 46920 : i32
        %dma_start3A_17 = arith.constant 0 : i32
        %dma_start3A_18 = tpu.memref_slice %arg7[%dma_start3A, %dma_start3A_17] : memref<50000x16xf32, #tpu.memory_space<vmem_shared>> -> memref<3080x16xf32, #tpu.memory_space<vmem_shared>>
        %dma_start3A_19 = arith.constant 46920 : i32
        %dma_start3A_20 = arith.constant 0 : i32
        %dma_start3A_21 = tpu.memref_slice %arg2[%dma_start3A_19, %dma_start3A_20] : memref<50000x16xf32, #tpu.memory_space<hbm>> -> memref<3080x16xf32, #tpu.memory_space<hbm>>
        tpu.enqueue_dma source(%dma_start3A_21 : memref<3080x16xf32, #tpu.memory_space<hbm>>) target(%dma_start3A_18 : memref<3080x16xf32, #tpu.memory_space<vmem_shared>>) target_semaphore(%run_scoped3A : memref<!tpu.dma_semaphore, #tpu.memory_space<semaphore_mem>>)
        %dma_wait3A = arith.constant 46920 : i32
        %dma_wait3A_22 = arith.constant 0 : i32
        %dma_wait3A_23 = tpu.memref_slice %arg7[%dma_wait3A, %dma_wait3A_22] : memref<50000x16xf32, #tpu.memory_space<vmem_shared>> -> memref<3080x16xf32, #tpu.memory_space<vmem_shared>>
        %dma_wait3A_24 = arith.constant 46920 : i32
        %dma_wait3A_25 = arith.constant 0 : i32
        %dma_wait3A_26 = tpu.memref_slice %arg2[%dma_wait3A_24, %dma_wait3A_25] : memref<50000x16xf32, #tpu.memory_space<hbm>> -> memref<3080x16xf32, #tpu.memory_space<hbm>>
        tpu.wait_dma2 semaphore(%run_scoped3A : memref<!tpu.dma_semaphore, #tpu.memory_space<semaphore_mem>>) src(%dma_wait3A_26 : memref<3080x16xf32, #tpu.memory_space<hbm>>) dst(%dma_wait3A_23 : memref<3080x16xf32, #tpu.memory_space<vmem_shared>>)
        tpu.yield
      }) : () -> ()
    } else {
    }
    %barrier3A = arith.constant 0 : index
    tpu.barrier barrier_id(%barrier3A)
    %scan3A = arith.constant 0 : i32
    %scan3A_7 = arith.constant 0 : i32
    %scan3A_8 = arith.constant 39 : i32
    %scan3A_9 = arith.addi %scan3A_7, %scan3A_8 : i32
    %scan3A_10 = arith.constant 1 : i32
    scf.for %scan3A_17 = %scan3A_7 to %scan3A_9 step %scan3A_10  : i32 {
      %mul3A_18 = arith.constant 390 : i32
      %mul3A_19 = arith.muli %add3A, %mul3A_18 : i32
      %mul3A_20 = arith.constant 10 : i32
      %mul3A_21 = arith.muli %scan3A_17, %mul3A_20 : i32
      %add3A_22 = arith.addi %mul3A_19, %mul3A_21 : i32
      "tpu.region"() ({
        %run_scoped3A = tpu.sem_alloc : memref<!tpu.dma_semaphore, #tpu.memory_space<semaphore_mem>>
        %dma_start3A_465 = arith.constant 0 : i32
        %dma_start3A_466 = arith.constant 0 : i32
        %dma_start3A_467 = arith.constant 0 : i32
        %dma_start3A_468 = tpu.memref_slice %arg8[%dma_start3A_465, %dma_start3A_466, %dma_start3A_467] : memref<10x1x128xi32, #tpu.memory_space<vmem>> -> memref<10x1x128xi32, #tpu.memory_space<vmem>>
        %dma_start3A_469 = arith.constant 0 : i32
        %dma_start3A_470 = arith.constant 0 : i32
        %dma_start3A_471 = tpu.memref_slice %arg3[%add3A_22, %dma_start3A_469, %dma_start3A_470] : memref<12500x1x128xi32, #tpu.memory_space<hbm>> -> memref<10x1x128xi32, #tpu.memory_space<hbm>>
        %dma_start3A_472 = arith.constant 0 : i32
        %dma_start3A_473 = arith.constant 0 : i32
        %dma_start3A_474 = arith.constant 0 : i32
        %dma_start3A_475 = tpu.memref_slice %arg8[%dma_start3A_472, %dma_start3A_473, %dma_start3A_474] : memref<10x1x128xi32, #tpu.memory_space<vmem>> -> memref<10x1x128xi32, #tpu.memory_space<vmem>>
        %dma_start3A_476 = arith.constant 0 : i32
        %dma_start3A_477 = arith.constant 0 : i32
        %dma_start3A_478 = tpu.memref_slice %arg3[%add3A_22, %dma_start3A_476, %dma_start3A_477] : memref<12500x1x128xi32, #tpu.memory_space<hbm>> -> memref<10x1x128xi32, #tpu.memory_space<hbm>>
        tpu.enqueue_dma source(%dma_start3A_478 : memref<10x1x128xi32, #tpu.memory_space<hbm>>) target(%dma_start3A_475 : memref<10x1x128xi32, #tpu.memory_space<vmem>>) target_semaphore(%run_scoped3A : memref<!tpu.dma_semaphore, #tpu.memory_space<semaphore_mem>>)
        %dma_wait3A_479 = arith.constant 0 : i32
        %dma_wait3A_480 = arith.constant 0 : i32
        %dma_wait3A_481 = arith.constant 0 : i32
        %dma_wait3A_482 = tpu.memref_slice %arg8[%dma_wait3A_479, %dma_wait3A_480, %dma_wait3A_481] : memref<10x1x128xi32, #tpu.memory_space<vmem>> -> memref<10x1x128xi32, #tpu.memory_space<vmem>>
        %dma_wait3A_483 = arith.constant 0 : i32
        %dma_wait3A_484 = arith.constant 0 : i32
        %dma_wait3A_485 = tpu.memref_slice %arg3[%add3A_22, %dma_wait3A_483, %dma_wait3A_484] : memref<12500x1x128xi32, #tpu.memory_space<hbm>> -> memref<10x1x128xi32, #tpu.memory_space<hbm>>
        %dma_wait3A_486 = arith.constant 0 : i32
        %dma_wait3A_487 = arith.constant 0 : i32
        %dma_wait3A_488 = arith.constant 0 : i32
        %dma_wait3A_489 = tpu.memref_slice %arg8[%dma_wait3A_486, %dma_wait3A_487, %dma_wait3A_488] : memref<10x1x128xi32, #tpu.memory_space<vmem>> -> memref<10x1x128xi32, #tpu.memory_space<vmem>>
        %dma_wait3A_490 = arith.constant 0 : i32
        %dma_wait3A_491 = arith.constant 0 : i32
        %dma_wait3A_492 = tpu.memref_slice %arg3[%add3A_22, %dma_wait3A_490, %dma_wait3A_491] : memref<12500x1x128xi32, #tpu.memory_space<hbm>> -> memref<10x1x128xi32, #tpu.memory_space<hbm>>
        tpu.wait_dma2 semaphore(%run_scoped3A : memref<!tpu.dma_semaphore, #tpu.memory_space<semaphore_mem>>) src(%dma_wait3A_492 : memref<10x1x128xi32, #tpu.memory_space<hbm>>) dst(%dma_wait3A_489 : memref<10x1x128xi32, #tpu.memory_space<vmem>>)
        tpu.yield
      }) : () -> ()
      "tpu.region"() ({
        %run_scoped3A = tpu.sem_alloc : memref<!tpu.dma_semaphore, #tpu.memory_space<semaphore_mem>>
        %dma_start3A_465 = arith.constant 0 : i32
        %dma_start3A_466 = arith.constant 0 : i32
        %dma_start3A_467 = arith.constant 0 : i32
        %dma_start3A_468 = tpu.memref_slice %arg9[%dma_start3A_465, %dma_start3A_466, %dma_start3A_467] : memref<10x1x128xi32, #tpu.memory_space<vmem>> -> memref<10x1x128xi32, #tpu.memory_space<vmem>>
        %dma_start3A_469 = arith.constant 0 : i32
        %dma_start3A_470 = arith.constant 0 : i32
        %dma_start3A_471 = tpu.memref_slice %arg4[%add3A_22, %dma_start3A_469, %dma_start3A_470] : memref<12500x1x128xi32, #tpu.memory_space<hbm>> -> memref<10x1x128xi32, #tpu.memory_space<hbm>>
        %dma_start3A_472 = arith.constant 0 : i32
        %dma_start3A_473 = arith.constant 0 : i32
        %dma_start3A_474 = arith.constant 0 : i32
        %dma_start3A_475 = tpu.memref_slice %arg9[%dma_start3A_472, %dma_start3A_473, %dma_start3A_474] : memref<10x1x128xi32, #tpu.memory_space<vmem>> -> memref<10x1x128xi32, #tpu.memory_space<vmem>>
        %dma_start3A_476 = arith.constant 0 : i32
        %dma_start3A_477 = arith.constant 0 : i32
        %dma_start3A_478 = tpu.memref_slice %arg4[%add3A_22, %dma_start3A_476, %dma_start3A_477] : memref<12500x1x128xi32, #tpu.memory_space<hbm>> -> memref<10x1x128xi32, #tpu.memory_space<hbm>>
        tpu.enqueue_dma source(%dma_start3A_478 : memref<10x1x128xi32, #tpu.memory_space<hbm>>) target(%dma_start3A_475 : memref<10x1x128xi32, #tpu.memory_space<vmem>>) target_semaphore(%run_scoped3A : memref<!tpu.dma_semaphore, #tpu.memory_space<semaphore_mem>>)
        %dma_wait3A_479 = arith.constant 0 : i32
        %dma_wait3A_480 = arith.constant 0 : i32
        %dma_wait3A_481 = arith.constant 0 : i32
        %dma_wait3A_482 = tpu.memref_slice %arg9[%dma_wait3A_479, %dma_wait3A_480, %dma_wait3A_481] : memref<10x1x128xi32, #tpu.memory_space<vmem>> -> memref<10x1x128xi32, #tpu.memory_space<vmem>>
        %dma_wait3A_483 = arith.constant 0 : i32
        %dma_wait3A_484 = arith.constant 0 : i32
        %dma_wait3A_485 = tpu.memref_slice %arg4[%add3A_22, %dma_wait3A_483, %dma_wait3A_484] : memref<12500x1x128xi32, #tpu.memory_space<hbm>> -> memref<10x1x128xi32, #tpu.memory_space<hbm>>
        %dma_wait3A_486 = arith.constant 0 : i32
        %dma_wait3A_487 = arith.constant 0 : i32
        %dma_wait3A_488 = arith.constant 0 : i32
        %dma_wait3A_489 = tpu.memref_slice %arg9[%dma_wait3A_486, %dma_wait3A_487, %dma_wait3A_488] : memref<10x1x128xi32, #tpu.memory_space<vmem>> -> memref<10x1x128xi32, #tpu.memory_space<vmem>>
        %dma_wait3A_490 = arith.constant 0 : i32
        %dma_wait3A_491 = arith.constant 0 : i32
        %dma_wait3A_492 = tpu.memref_slice %arg4[%add3A_22, %dma_wait3A_490, %dma_wait3A_491] : memref<12500x1x128xi32, #tpu.memory_space<hbm>> -> memref<10x1x128xi32, #tpu.memory_space<hbm>>
        tpu.wait_dma2 semaphore(%run_scoped3A : memref<!tpu.dma_semaphore, #tpu.memory_space<semaphore_mem>>) src(%dma_wait3A_492 : memref<10x1x128xi32, #tpu.memory_space<hbm>>) dst(%dma_wait3A_489 : memref<10x1x128xi32, #tpu.memory_space<vmem>>)
        tpu.yield
      }) : () -> ()
      %dma_start3A = arith.constant 0 : i32
      %dma_start3A_23 = arith.constant 0 : i32
      %dma_start3A_24 = arith.constant 0 : i32
      %dma_start3A_25 = arith.constant 0 : i32
      %dma_start3A_26 = tpu.memref_slice %arg10[%dma_start3A_24, %dma_start3A_25] : memref<1280x16xf32, #tpu.memory_space<vmem>> -> memref<128x16xf32, #tpu.memory_space<vmem>>
      %dma_start3A_27 = arith.constant 0 : i32
      %dma_start3A_28 = tpu.memref_slice %arg9[%dma_start3A, %dma_start3A_23, %dma_start3A_27] : memref<10x1x128xi32, #tpu.memory_space<vmem>> -> memref<1x1x128xi32, #tpu.memory_space<vmem>>
      %dma_start3A_29 = tpu.memref_squeeze %dma_start3A_28 : memref<1x1x128xi32, #tpu.memory_space<vmem>> -> memref<128xi32, #tpu.memory_space<vmem>>
      %dma_start3A_30 = arith.constant 0 : i32
      %dma_start3A_31 = arith.constant 0 : i32
      %dma_start3A_32 = tpu.memref_slice %arg7[%dma_start3A_30, %dma_start3A_31] : memref<50000x16xf32, #tpu.memory_space<vmem_shared>> -> memref<50000x16xf32, #tpu.memory_space<vmem_shared>>
      tpu.enqueue_indirect_dma source(%dma_start3A_32 : memref<50000x16xf32, #tpu.memory_space<vmem_shared>>) target(%dma_start3A_26 : memref<128x16xf32, #tpu.memory_space<vmem>>) offsets(%dma_start3A_29 : memref<128xi32, #tpu.memory_space<vmem>>) semaphore(%arg12 : memref<!tpu.dma_semaphore, #tpu.memory_space<semaphore_mem>>)
      %dma_start3A_33 = arith.constant 0 : i32
      %dma_start3A_34 = arith.constant 0 : i32
      %dma_start3A_35 = arith.constant 0 : i32
      %dma_start3A_36 = arith.constant 0 : i32
      %dma_start3A_37 = tpu.memref_slice %arg11[%dma_start3A_35, %dma_start3A_36] : memref<1280x16xf32, #tpu.memory_space<vmem>> -> memref<128x16xf32, #tpu.memory_space<vmem>>
      %dma_start3A_38 = arith.constant 0 : i32
      %dma_start3A_39 = tpu.memref_slice %arg8[%dma_start3A_33, %dma_start3A_34, %dma_start3A_38] : memref<10x1x128xi32, #tpu.memory_space<vmem>> -> memref<1x1x128xi32, #tpu.memory_space<vmem>>
      %dma_start3A_40 = tpu.memref_squeeze %dma_start3A_39 : memref<1x1x128xi32, #tpu.memory_space<vmem>> -> memref<128xi32, #tpu.memory_space<vmem>>
      %dma_start3A_41 = arith.constant 0 : i32
      %dma_start3A_42 = arith.constant 0 : i32
      %dma_start3A_43 = tpu.memref_slice %arg7[%dma_start3A_41, %dma_start3A_42] : memref<50000x16xf32, #tpu.memory_space<vmem_shared>> -> memref<50000x16xf32, #tpu.memory_space<vmem_shared>>
      tpu.enqueue_indirect_dma source(%dma_start3A_43 : memref<50000x16xf32, #tpu.memory_space<vmem_shared>>) target(%dma_start3A_37 : memref<128x16xf32, #tpu.memory_space<vmem>>) offsets(%dma_start3A_40 : memref<128xi32, #tpu.memory_space<vmem>>) semaphore(%arg12 : memref<!tpu.dma_semaphore, #tpu.memory_space<semaphore_mem>>)
      %dma_start3A_44 = arith.constant 1 : i32
      %dma_start3A_45 = arith.constant 0 : i32
      %dma_start3A_46 = arith.constant 128 : i32
      %dma_start3A_47 = arith.constant 0 : i32
      %dma_start3A_48 = tpu.memref_slice %arg10[%dma_start3A_46, %dma_start3A_47] : memref<1280x16xf32, #tpu.memory_space<vmem>> -> memref<128x16xf32, #tpu.memory_space<vmem>>
      %dma_start3A_49 = arith.constant 0 : i32
      %dma_start3A_50 = tpu.memref_slice %arg9[%dma_start3A_44, %dma_start3A_45, %dma_start3A_49] : memref<10x1x128xi32, #tpu.memory_space<vmem>> -> memref<1x1x128xi32, #tpu.memory_space<vmem>>
      %dma_start3A_51 = tpu.memref_squeeze %dma_start3A_50 : memref<1x1x128xi32, #tpu.memory_space<vmem>> -> memref<128xi32, #tpu.memory_space<vmem>>
      %dma_start3A_52 = arith.constant 0 : i32
      %dma_start3A_53 = arith.constant 0 : i32
      %dma_start3A_54 = tpu.memref_slice %arg7[%dma_start3A_52, %dma_start3A_53] : memref<50000x16xf32, #tpu.memory_space<vmem_shared>> -> memref<50000x16xf32, #tpu.memory_space<vmem_shared>>
      tpu.enqueue_indirect_dma source(%dma_start3A_54 : memref<50000x16xf32, #tpu.memory_space<vmem_shared>>) target(%dma_start3A_48 : memref<128x16xf32, #tpu.memory_space<vmem>>) offsets(%dma_start3A_51 : memref<128xi32, #tpu.memory_space<vmem>>) semaphore(%arg12 : memref<!tpu.dma_semaphore, #tpu.memory_space<semaphore_mem>>)
      %dma_start3A_55 = arith.constant 1 : i32
      %dma_start3A_56 = arith.constant 0 : i32
      %dma_start3A_57 = arith.constant 128 : i32
      %dma_start3A_58 = arith.constant 0 : i32
      %dma_start3A_59 = tpu.memref_slice %arg11[%dma_start3A_57, %dma_start3A_58] : memref<1280x16xf32, #tpu.memory_space<vmem>> -> memref<128x16xf32, #tpu.memory_space<vmem>>
      %dma_start3A_60 = arith.constant 0 : i32
      %dma_start3A_61 = tpu.memref_slice %arg8[%dma_start3A_55, %dma_start3A_56, %dma_start3A_60] : memref<10x1x128xi32, #tpu.memory_space<vmem>> -> memref<1x1x128xi32, #tpu.memory_space<vmem>>
      %dma_start3A_62 = tpu.memref_squeeze %dma_start3A_61 : memref<1x1x128xi32, #tpu.memory_space<vmem>> -> memref<128xi32, #tpu.memory_space<vmem>>
      %dma_start3A_63 = arith.constant 0 : i32
      %dma_start3A_64 = arith.constant 0 : i32
      %dma_start3A_65 = tpu.memref_slice %arg7[%dma_start3A_63, %dma_start3A_64] : memref<50000x16xf32, #tpu.memory_space<vmem_shared>> -> memref<50000x16xf32, #tpu.memory_space<vmem_shared>>
      tpu.enqueue_indirect_dma source(%dma_start3A_65 : memref<50000x16xf32, #tpu.memory_space<vmem_shared>>) target(%dma_start3A_59 : memref<128x16xf32, #tpu.memory_space<vmem>>) offsets(%dma_start3A_62 : memref<128xi32, #tpu.memory_space<vmem>>) semaphore(%arg12 : memref<!tpu.dma_semaphore, #tpu.memory_space<semaphore_mem>>)
      %dma_start3A_66 = arith.constant 2 : i32
      %dma_start3A_67 = arith.constant 0 : i32
      %dma_start3A_68 = arith.constant 256 : i32
      %dma_start3A_69 = arith.constant 0 : i32
      %dma_start3A_70 = tpu.memref_slice %arg10[%dma_start3A_68, %dma_start3A_69] : memref<1280x16xf32, #tpu.memory_space<vmem>> -> memref<128x16xf32, #tpu.memory_space<vmem>>
      %dma_start3A_71 = arith.constant 0 : i32
      %dma_start3A_72 = tpu.memref_slice %arg9[%dma_start3A_66, %dma_start3A_67, %dma_start3A_71] : memref<10x1x128xi32, #tpu.memory_space<vmem>> -> memref<1x1x128xi32, #tpu.memory_space<vmem>>
      %dma_start3A_73 = tpu.memref_squeeze %dma_start3A_72 : memref<1x1x128xi32, #tpu.memory_space<vmem>> -> memref<128xi32, #tpu.memory_space<vmem>>
      %dma_start3A_74 = arith.constant 0 : i32
      %dma_start3A_75 = arith.constant 0 : i32
      %dma_start3A_76 = tpu.memref_slice %arg7[%dma_start3A_74, %dma_start3A_75] : memref<50000x16xf32, #tpu.memory_space<vmem_shared>> -> memref<50000x16xf32, #tpu.memory_space<vmem_shared>>
      tpu.enqueue_indirect_dma source(%dma_start3A_76 : memref<50000x16xf32, #tpu.memory_space<vmem_shared>>) target(%dma_start3A_70 : memref<128x16xf32, #tpu.memory_space<vmem>>) offsets(%dma_start3A_73 : memref<128xi32, #tpu.memory_space<vmem>>) semaphore(%arg12 : memref<!tpu.dma_semaphore, #tpu.memory_space<semaphore_mem>>)
      %dma_start3A_77 = arith.constant 2 : i32
      %dma_start3A_78 = arith.constant 0 : i32
      %dma_start3A_79 = arith.constant 256 : i32
      %dma_start3A_80 = arith.constant 0 : i32
      %dma_start3A_81 = tpu.memref_slice %arg11[%dma_start3A_79, %dma_start3A_80] : memref<1280x16xf32, #tpu.memory_space<vmem>> -> memref<128x16xf32, #tpu.memory_space<vmem>>
      %dma_start3A_82 = arith.constant 0 : i32
      %dma_start3A_83 = tpu.memref_slice %arg8[%dma_start3A_77, %dma_start3A_78, %dma_start3A_82] : memref<10x1x128xi32, #tpu.memory_space<vmem>> -> memref<1x1x128xi32, #tpu.memory_space<vmem>>
      %dma_start3A_84 = tpu.memref_squeeze %dma_start3A_83 : memref<1x1x128xi32, #tpu.memory_space<vmem>> -> memref<128xi32, #tpu.memory_space<vmem>>
      %dma_start3A_85 = arith.constant 0 : i32
      %dma_start3A_86 = arith.constant 0 : i32
      %dma_start3A_87 = tpu.memref_slice %arg7[%dma_start3A_85, %dma_start3A_86] : memref<50000x16xf32, #tpu.memory_space<vmem_shared>> -> memref<50000x16xf32, #tpu.memory_space<vmem_shared>>
      tpu.enqueue_indirect_dma source(%dma_start3A_87 : memref<50000x16xf32, #tpu.memory_space<vmem_shared>>) target(%dma_start3A_81 : memref<128x16xf32, #tpu.memory_space<vmem>>) offsets(%dma_start3A_84 : memref<128xi32, #tpu.memory_space<vmem>>) semaphore(%arg12 : memref<!tpu.dma_semaphore, #tpu.memory_space<semaphore_mem>>)
      %dma_start3A_88 = arith.constant 3 : i32
      %dma_start3A_89 = arith.constant 0 : i32
      %dma_start3A_90 = arith.constant 384 : i32
      %dma_start3A_91 = arith.constant 0 : i32
      %dma_start3A_92 = tpu.memref_slice %arg10[%dma_start3A_90, %dma_start3A_91] : memref<1280x16xf32, #tpu.memory_space<vmem>> -> memref<128x16xf32, #tpu.memory_space<vmem>>
      %dma_start3A_93 = arith.constant 0 : i32
      %dma_start3A_94 = tpu.memref_slice %arg9[%dma_start3A_88, %dma_start3A_89, %dma_start3A_93] : memref<10x1x128xi32, #tpu.memory_space<vmem>> -> memref<1x1x128xi32, #tpu.memory_space<vmem>>
      %dma_start3A_95 = tpu.memref_squeeze %dma_start3A_94 : memref<1x1x128xi32, #tpu.memory_space<vmem>> -> memref<128xi32, #tpu.memory_space<vmem>>
      %dma_start3A_96 = arith.constant 0 : i32
      %dma_start3A_97 = arith.constant 0 : i32
      %dma_start3A_98 = tpu.memref_slice %arg7[%dma_start3A_96, %dma_start3A_97] : memref<50000x16xf32, #tpu.memory_space<vmem_shared>> -> memref<50000x16xf32, #tpu.memory_space<vmem_shared>>
      tpu.enqueue_indirect_dma source(%dma_start3A_98 : memref<50000x16xf32, #tpu.memory_space<vmem_shared>>) target(%dma_start3A_92 : memref<128x16xf32, #tpu.memory_space<vmem>>) offsets(%dma_start3A_95 : memref<128xi32, #tpu.memory_space<vmem>>) semaphore(%arg12 : memref<!tpu.dma_semaphore, #tpu.memory_space<semaphore_mem>>)
      %dma_start3A_99 = arith.constant 3 : i32
      %dma_start3A_100 = arith.constant 0 : i32
      %dma_start3A_101 = arith.constant 384 : i32
      %dma_start3A_102 = arith.constant 0 : i32
      %dma_start3A_103 = tpu.memref_slice %arg11[%dma_start3A_101, %dma_start3A_102] : memref<1280x16xf32, #tpu.memory_space<vmem>> -> memref<128x16xf32, #tpu.memory_space<vmem>>
      %dma_start3A_104 = arith.constant 0 : i32
      %dma_start3A_105 = tpu.memref_slice %arg8[%dma_start3A_99, %dma_start3A_100, %dma_start3A_104] : memref<10x1x128xi32, #tpu.memory_space<vmem>> -> memref<1x1x128xi32, #tpu.memory_space<vmem>>
      %dma_start3A_106 = tpu.memref_squeeze %dma_start3A_105 : memref<1x1x128xi32, #tpu.memory_space<vmem>> -> memref<128xi32, #tpu.memory_space<vmem>>
      %dma_start3A_107 = arith.constant 0 : i32
      %dma_start3A_108 = arith.constant 0 : i32
      %dma_start3A_109 = tpu.memref_slice %arg7[%dma_start3A_107, %dma_start3A_108] : memref<50000x16xf32, #tpu.memory_space<vmem_shared>> -> memref<50000x16xf32, #tpu.memory_space<vmem_shared>>
      tpu.enqueue_indirect_dma source(%dma_start3A_109 : memref<50000x16xf32, #tpu.memory_space<vmem_shared>>) target(%dma_start3A_103 : memref<128x16xf32, #tpu.memory_space<vmem>>) offsets(%dma_start3A_106 : memref<128xi32, #tpu.memory_space<vmem>>) semaphore(%arg12 : memref<!tpu.dma_semaphore, #tpu.memory_space<semaphore_mem>>)
      %dma_start3A_110 = arith.constant 4 : i32
      %dma_start3A_111 = arith.constant 0 : i32
      %dma_start3A_112 = arith.constant 512 : i32
      %dma_start3A_113 = arith.constant 0 : i32
      %dma_start3A_114 = tpu.memref_slice %arg10[%dma_start3A_112, %dma_start3A_113] : memref<1280x16xf32, #tpu.memory_space<vmem>> -> memref<128x16xf32, #tpu.memory_space<vmem>>
      %dma_start3A_115 = arith.constant 0 : i32
      %dma_start3A_116 = tpu.memref_slice %arg9[%dma_start3A_110, %dma_start3A_111, %dma_start3A_115] : memref<10x1x128xi32, #tpu.memory_space<vmem>> -> memref<1x1x128xi32, #tpu.memory_space<vmem>>
      %dma_start3A_117 = tpu.memref_squeeze %dma_start3A_116 : memref<1x1x128xi32, #tpu.memory_space<vmem>> -> memref<128xi32, #tpu.memory_space<vmem>>
      %dma_start3A_118 = arith.constant 0 : i32
      %dma_start3A_119 = arith.constant 0 : i32
      %dma_start3A_120 = tpu.memref_slice %arg7[%dma_start3A_118, %dma_start3A_119] : memref<50000x16xf32, #tpu.memory_space<vmem_shared>> -> memref<50000x16xf32, #tpu.memory_space<vmem_shared>>
      tpu.enqueue_indirect_dma source(%dma_start3A_120 : memref<50000x16xf32, #tpu.memory_space<vmem_shared>>) target(%dma_start3A_114 : memref<128x16xf32, #tpu.memory_space<vmem>>) offsets(%dma_start3A_117 : memref<128xi32, #tpu.memory_space<vmem>>) semaphore(%arg12 : memref<!tpu.dma_semaphore, #tpu.memory_space<semaphore_mem>>)
      %dma_start3A_121 = arith.constant 4 : i32
      %dma_start3A_122 = arith.constant 0 : i32
      %dma_start3A_123 = arith.constant 512 : i32
      %dma_start3A_124 = arith.constant 0 : i32
      %dma_start3A_125 = tpu.memref_slice %arg11[%dma_start3A_123, %dma_start3A_124] : memref<1280x16xf32, #tpu.memory_space<vmem>> -> memref<128x16xf32, #tpu.memory_space<vmem>>
      %dma_start3A_126 = arith.constant 0 : i32
      %dma_start3A_127 = tpu.memref_slice %arg8[%dma_start3A_121, %dma_start3A_122, %dma_start3A_126] : memref<10x1x128xi32, #tpu.memory_space<vmem>> -> memref<1x1x128xi32, #tpu.memory_space<vmem>>
      %dma_start3A_128 = tpu.memref_squeeze %dma_start3A_127 : memref<1x1x128xi32, #tpu.memory_space<vmem>> -> memref<128xi32, #tpu.memory_space<vmem>>
      %dma_start3A_129 = arith.constant 0 : i32
      %dma_start3A_130 = arith.constant 0 : i32
      %dma_start3A_131 = tpu.memref_slice %arg7[%dma_start3A_129, %dma_start3A_130] : memref<50000x16xf32, #tpu.memory_space<vmem_shared>> -> memref<50000x16xf32, #tpu.memory_space<vmem_shared>>
      tpu.enqueue_indirect_dma source(%dma_start3A_131 : memref<50000x16xf32, #tpu.memory_space<vmem_shared>>) target(%dma_start3A_125 : memref<128x16xf32, #tpu.memory_space<vmem>>) offsets(%dma_start3A_128 : memref<128xi32, #tpu.memory_space<vmem>>) semaphore(%arg12 : memref<!tpu.dma_semaphore, #tpu.memory_space<semaphore_mem>>)
      %dma_start3A_132 = arith.constant 5 : i32
      %dma_start3A_133 = arith.constant 0 : i32
      %dma_start3A_134 = arith.constant 640 : i32
      %dma_start3A_135 = arith.constant 0 : i32
      %dma_start3A_136 = tpu.memref_slice %arg10[%dma_start3A_134, %dma_start3A_135] : memref<1280x16xf32, #tpu.memory_space<vmem>> -> memref<128x16xf32, #tpu.memory_space<vmem>>
      %dma_start3A_137 = arith.constant 0 : i32
      %dma_start3A_138 = tpu.memref_slice %arg9[%dma_start3A_132, %dma_start3A_133, %dma_start3A_137] : memref<10x1x128xi32, #tpu.memory_space<vmem>> -> memref<1x1x128xi32, #tpu.memory_space<vmem>>
      %dma_start3A_139 = tpu.memref_squeeze %dma_start3A_138 : memref<1x1x128xi32, #tpu.memory_space<vmem>> -> memref<128xi32, #tpu.memory_space<vmem>>
      %dma_start3A_140 = arith.constant 0 : i32
      %dma_start3A_141 = arith.constant 0 : i32
      %dma_start3A_142 = tpu.memref_slice %arg7[%dma_start3A_140, %dma_start3A_141] : memref<50000x16xf32, #tpu.memory_space<vmem_shared>> -> memref<50000x16xf32, #tpu.memory_space<vmem_shared>>
      tpu.enqueue_indirect_dma source(%dma_start3A_142 : memref<50000x16xf32, #tpu.memory_space<vmem_shared>>) target(%dma_start3A_136 : memref<128x16xf32, #tpu.memory_space<vmem>>) offsets(%dma_start3A_139 : memref<128xi32, #tpu.memory_space<vmem>>) semaphore(%arg12 : memref<!tpu.dma_semaphore, #tpu.memory_space<semaphore_mem>>)
      %dma_start3A_143 = arith.constant 5 : i32
      %dma_start3A_144 = arith.constant 0 : i32
      %dma_start3A_145 = arith.constant 640 : i32
      %dma_start3A_146 = arith.constant 0 : i32
      %dma_start3A_147 = tpu.memref_slice %arg11[%dma_start3A_145, %dma_start3A_146] : memref<1280x16xf32, #tpu.memory_space<vmem>> -> memref<128x16xf32, #tpu.memory_space<vmem>>
      %dma_start3A_148 = arith.constant 0 : i32
      %dma_start3A_149 = tpu.memref_slice %arg8[%dma_start3A_143, %dma_start3A_144, %dma_start3A_148] : memref<10x1x128xi32, #tpu.memory_space<vmem>> -> memref<1x1x128xi32, #tpu.memory_space<vmem>>
      %dma_start3A_150 = tpu.memref_squeeze %dma_start3A_149 : memref<1x1x128xi32, #tpu.memory_space<vmem>> -> memref<128xi32, #tpu.memory_space<vmem>>
      %dma_start3A_151 = arith.constant 0 : i32
      %dma_start3A_152 = arith.constant 0 : i32
      %dma_start3A_153 = tpu.memref_slice %arg7[%dma_start3A_151, %dma_start3A_152] : memref<50000x16xf32, #tpu.memory_space<vmem_shared>> -> memref<50000x16xf32, #tpu.memory_space<vmem_shared>>
      tpu.enqueue_indirect_dma source(%dma_start3A_153 : memref<50000x16xf32, #tpu.memory_space<vmem_shared>>) target(%dma_start3A_147 : memref<128x16xf32, #tpu.memory_space<vmem>>) offsets(%dma_start3A_150 : memref<128xi32, #tpu.memory_space<vmem>>) semaphore(%arg12 : memref<!tpu.dma_semaphore, #tpu.memory_space<semaphore_mem>>)
      %dma_start3A_154 = arith.constant 6 : i32
      %dma_start3A_155 = arith.constant 0 : i32
      %dma_start3A_156 = arith.constant 768 : i32
      %dma_start3A_157 = arith.constant 0 : i32
      %dma_start3A_158 = tpu.memref_slice %arg10[%dma_start3A_156, %dma_start3A_157] : memref<1280x16xf32, #tpu.memory_space<vmem>> -> memref<128x16xf32, #tpu.memory_space<vmem>>
      %dma_start3A_159 = arith.constant 0 : i32
      %dma_start3A_160 = tpu.memref_slice %arg9[%dma_start3A_154, %dma_start3A_155, %dma_start3A_159] : memref<10x1x128xi32, #tpu.memory_space<vmem>> -> memref<1x1x128xi32, #tpu.memory_space<vmem>>
      %dma_start3A_161 = tpu.memref_squeeze %dma_start3A_160 : memref<1x1x128xi32, #tpu.memory_space<vmem>> -> memref<128xi32, #tpu.memory_space<vmem>>
      %dma_start3A_162 = arith.constant 0 : i32
      %dma_start3A_163 = arith.constant 0 : i32
      %dma_start3A_164 = tpu.memref_slice %arg7[%dma_start3A_162, %dma_start3A_163] : memref<50000x16xf32, #tpu.memory_space<vmem_shared>> -> memref<50000x16xf32, #tpu.memory_space<vmem_shared>>
      tpu.enqueue_indirect_dma source(%dma_start3A_164 : memref<50000x16xf32, #tpu.memory_space<vmem_shared>>) target(%dma_start3A_158 : memref<128x16xf32, #tpu.memory_space<vmem>>) offsets(%dma_start3A_161 : memref<128xi32, #tpu.memory_space<vmem>>) semaphore(%arg12 : memref<!tpu.dma_semaphore, #tpu.memory_space<semaphore_mem>>)
      %dma_start3A_165 = arith.constant 6 : i32
      %dma_start3A_166 = arith.constant 0 : i32
      %dma_start3A_167 = arith.constant 768 : i32
      %dma_start3A_168 = arith.constant 0 : i32
      %dma_start3A_169 = tpu.memref_slice %arg11[%dma_start3A_167, %dma_start3A_168] : memref<1280x16xf32, #tpu.memory_space<vmem>> -> memref<128x16xf32, #tpu.memory_space<vmem>>
      %dma_start3A_170 = arith.constant 0 : i32
      %dma_start3A_171 = tpu.memref_slice %arg8[%dma_start3A_165, %dma_start3A_166, %dma_start3A_170] : memref<10x1x128xi32, #tpu.memory_space<vmem>> -> memref<1x1x128xi32, #tpu.memory_space<vmem>>
      %dma_start3A_172 = tpu.memref_squeeze %dma_start3A_171 : memref<1x1x128xi32, #tpu.memory_space<vmem>> -> memref<128xi32, #tpu.memory_space<vmem>>
      %dma_start3A_173 = arith.constant 0 : i32
      %dma_start3A_174 = arith.constant 0 : i32
      %dma_start3A_175 = tpu.memref_slice %arg7[%dma_start3A_173, %dma_start3A_174] : memref<50000x16xf32, #tpu.memory_space<vmem_shared>> -> memref<50000x16xf32, #tpu.memory_space<vmem_shared>>
      tpu.enqueue_indirect_dma source(%dma_start3A_175 : memref<50000x16xf32, #tpu.memory_space<vmem_shared>>) target(%dma_start3A_169 : memref<128x16xf32, #tpu.memory_space<vmem>>) offsets(%dma_start3A_172 : memref<128xi32, #tpu.memory_space<vmem>>) semaphore(%arg12 : memref<!tpu.dma_semaphore, #tpu.memory_space<semaphore_mem>>)
      %dma_start3A_176 = arith.constant 7 : i32
      %dma_start3A_177 = arith.constant 0 : i32
      %dma_start3A_178 = arith.constant 896 : i32
      %dma_start3A_179 = arith.constant 0 : i32
      %dma_start3A_180 = tpu.memref_slice %arg10[%dma_start3A_178, %dma_start3A_179] : memref<1280x16xf32, #tpu.memory_space<vmem>> -> memref<128x16xf32, #tpu.memory_space<vmem>>
      %dma_start3A_181 = arith.constant 0 : i32
      %dma_start3A_182 = tpu.memref_slice %arg9[%dma_start3A_176, %dma_start3A_177, %dma_start3A_181] : memref<10x1x128xi32, #tpu.memory_space<vmem>> -> memref<1x1x128xi32, #tpu.memory_space<vmem>>
      %dma_start3A_183 = tpu.memref_squeeze %dma_start3A_182 : memref<1x1x128xi32, #tpu.memory_space<vmem>> -> memref<128xi32, #tpu.memory_space<vmem>>
      %dma_start3A_184 = arith.constant 0 : i32
      %dma_start3A_185 = arith.constant 0 : i32
      %dma_start3A_186 = tpu.memref_slice %arg7[%dma_start3A_184, %dma_start3A_185] : memref<50000x16xf32, #tpu.memory_space<vmem_shared>> -> memref<50000x16xf32, #tpu.memory_space<vmem_shared>>
      tpu.enqueue_indirect_dma source(%dma_start3A_186 : memref<50000x16xf32, #tpu.memory_space<vmem_shared>>) target(%dma_start3A_180 : memref<128x16xf32, #tpu.memory_space<vmem>>) offsets(%dma_start3A_183 : memref<128xi32, #tpu.memory_space<vmem>>) semaphore(%arg12 : memref<!tpu.dma_semaphore, #tpu.memory_space<semaphore_mem>>)
      %dma_start3A_187 = arith.constant 7 : i32
      %dma_start3A_188 = arith.constant 0 : i32
      %dma_start3A_189 = arith.constant 896 : i32
      %dma_start3A_190 = arith.constant 0 : i32
      %dma_start3A_191 = tpu.memref_slice %arg11[%dma_start3A_189, %dma_start3A_190] : memref<1280x16xf32, #tpu.memory_space<vmem>> -> memref<128x16xf32, #tpu.memory_space<vmem>>
      %dma_start3A_192 = arith.constant 0 : i32
      %dma_start3A_193 = tpu.memref_slice %arg8[%dma_start3A_187, %dma_start3A_188, %dma_start3A_192] : memref<10x1x128xi32, #tpu.memory_space<vmem>> -> memref<1x1x128xi32, #tpu.memory_space<vmem>>
      %dma_start3A_194 = tpu.memref_squeeze %dma_start3A_193 : memref<1x1x128xi32, #tpu.memory_space<vmem>> -> memref<128xi32, #tpu.memory_space<vmem>>
      %dma_start3A_195 = arith.constant 0 : i32
      %dma_start3A_196 = arith.constant 0 : i32
      %dma_start3A_197 = tpu.memref_slice %arg7[%dma_start3A_195, %dma_start3A_196] : memref<50000x16xf32, #tpu.memory_space<vmem_shared>> -> memref<50000x16xf32, #tpu.memory_space<vmem_shared>>
      tpu.enqueue_indirect_dma source(%dma_start3A_197 : memref<50000x16xf32, #tpu.memory_space<vmem_shared>>) target(%dma_start3A_191 : memref<128x16xf32, #tpu.memory_space<vmem>>) offsets(%dma_start3A_194 : memref<128xi32, #tpu.memory_space<vmem>>) semaphore(%arg12 : memref<!tpu.dma_semaphore, #tpu.memory_space<semaphore_mem>>)
      %dma_start3A_198 = arith.constant 8 : i32
      %dma_start3A_199 = arith.constant 0 : i32
      %dma_start3A_200 = arith.constant 1024 : i32
      %dma_start3A_201 = arith.constant 0 : i32
      %dma_start3A_202 = tpu.memref_slice %arg10[%dma_start3A_200, %dma_start3A_201] : memref<1280x16xf32, #tpu.memory_space<vmem>> -> memref<128x16xf32, #tpu.memory_space<vmem>>
      %dma_start3A_203 = arith.constant 0 : i32
      %dma_start3A_204 = tpu.memref_slice %arg9[%dma_start3A_198, %dma_start3A_199, %dma_start3A_203] : memref<10x1x128xi32, #tpu.memory_space<vmem>> -> memref<1x1x128xi32, #tpu.memory_space<vmem>>
      %dma_start3A_205 = tpu.memref_squeeze %dma_start3A_204 : memref<1x1x128xi32, #tpu.memory_space<vmem>> -> memref<128xi32, #tpu.memory_space<vmem>>
      %dma_start3A_206 = arith.constant 0 : i32
      %dma_start3A_207 = arith.constant 0 : i32
      %dma_start3A_208 = tpu.memref_slice %arg7[%dma_start3A_206, %dma_start3A_207] : memref<50000x16xf32, #tpu.memory_space<vmem_shared>> -> memref<50000x16xf32, #tpu.memory_space<vmem_shared>>
      tpu.enqueue_indirect_dma source(%dma_start3A_208 : memref<50000x16xf32, #tpu.memory_space<vmem_shared>>) target(%dma_start3A_202 : memref<128x16xf32, #tpu.memory_space<vmem>>) offsets(%dma_start3A_205 : memref<128xi32, #tpu.memory_space<vmem>>) semaphore(%arg12 : memref<!tpu.dma_semaphore, #tpu.memory_space<semaphore_mem>>)
      %dma_start3A_209 = arith.constant 8 : i32
      %dma_start3A_210 = arith.constant 0 : i32
      %dma_start3A_211 = arith.constant 1024 : i32
      %dma_start3A_212 = arith.constant 0 : i32
      %dma_start3A_213 = tpu.memref_slice %arg11[%dma_start3A_211, %dma_start3A_212] : memref<1280x16xf32, #tpu.memory_space<vmem>> -> memref<128x16xf32, #tpu.memory_space<vmem>>
      %dma_start3A_214 = arith.constant 0 : i32
      %dma_start3A_215 = tpu.memref_slice %arg8[%dma_start3A_209, %dma_start3A_210, %dma_start3A_214] : memref<10x1x128xi32, #tpu.memory_space<vmem>> -> memref<1x1x128xi32, #tpu.memory_space<vmem>>
      %dma_start3A_216 = tpu.memref_squeeze %dma_start3A_215 : memref<1x1x128xi32, #tpu.memory_space<vmem>> -> memref<128xi32, #tpu.memory_space<vmem>>
      %dma_start3A_217 = arith.constant 0 : i32
      %dma_start3A_218 = arith.constant 0 : i32
      %dma_start3A_219 = tpu.memref_slice %arg7[%dma_start3A_217, %dma_start3A_218] : memref<50000x16xf32, #tpu.memory_space<vmem_shared>> -> memref<50000x16xf32, #tpu.memory_space<vmem_shared>>
      tpu.enqueue_indirect_dma source(%dma_start3A_219 : memref<50000x16xf32, #tpu.memory_space<vmem_shared>>) target(%dma_start3A_213 : memref<128x16xf32, #tpu.memory_space<vmem>>) offsets(%dma_start3A_216 : memref<128xi32, #tpu.memory_space<vmem>>) semaphore(%arg12 : memref<!tpu.dma_semaphore, #tpu.memory_space<semaphore_mem>>)
      %dma_start3A_220 = arith.constant 9 : i32
      %dma_start3A_221 = arith.constant 0 : i32
      %dma_start3A_222 = arith.constant 1152 : i32
      %dma_start3A_223 = arith.constant 0 : i32
      %dma_start3A_224 = tpu.memref_slice %arg10[%dma_start3A_222, %dma_start3A_223] : memref<1280x16xf32, #tpu.memory_space<vmem>> -> memref<128x16xf32, #tpu.memory_space<vmem>>
      %dma_start3A_225 = arith.constant 0 : i32
      %dma_start3A_226 = tpu.memref_slice %arg9[%dma_start3A_220, %dma_start3A_221, %dma_start3A_225] : memref<10x1x128xi32, #tpu.memory_space<vmem>> -> memref<1x1x128xi32, #tpu.memory_space<vmem>>
      %dma_start3A_227 = tpu.memref_squeeze %dma_start3A_226 : memref<1x1x128xi32, #tpu.memory_space<vmem>> -> memref<128xi32, #tpu.memory_space<vmem>>
      %dma_start3A_228 = arith.constant 0 : i32
      %dma_start3A_229 = arith.constant 0 : i32
      %dma_start3A_230 = tpu.memref_slice %arg7[%dma_start3A_228, %dma_start3A_229] : memref<50000x16xf32, #tpu.memory_space<vmem_shared>> -> memref<50000x16xf32, #tpu.memory_space<vmem_shared>>
      tpu.enqueue_indirect_dma source(%dma_start3A_230 : memref<50000x16xf32, #tpu.memory_space<vmem_shared>>) target(%dma_start3A_224 : memref<128x16xf32, #tpu.memory_space<vmem>>) offsets(%dma_start3A_227 : memref<128xi32, #tpu.memory_space<vmem>>) semaphore(%arg12 : memref<!tpu.dma_semaphore, #tpu.memory_space<semaphore_mem>>)
      %dma_start3A_231 = arith.constant 9 : i32
      %dma_start3A_232 = arith.constant 0 : i32
      %dma_start3A_233 = arith.constant 1152 : i32
      %dma_start3A_234 = arith.constant 0 : i32
      %dma_start3A_235 = tpu.memref_slice %arg11[%dma_start3A_233, %dma_start3A_234] : memref<1280x16xf32, #tpu.memory_space<vmem>> -> memref<128x16xf32, #tpu.memory_space<vmem>>
      %dma_start3A_236 = arith.constant 0 : i32
      %dma_start3A_237 = tpu.memref_slice %arg8[%dma_start3A_231, %dma_start3A_232, %dma_start3A_236] : memref<10x1x128xi32, #tpu.memory_space<vmem>> -> memref<1x1x128xi32, #tpu.memory_space<vmem>>
      %dma_start3A_238 = tpu.memref_squeeze %dma_start3A_237 : memref<1x1x128xi32, #tpu.memory_space<vmem>> -> memref<128xi32, #tpu.memory_space<vmem>>
      %dma_start3A_239 = arith.constant 0 : i32
      %dma_start3A_240 = arith.constant 0 : i32
      %dma_start3A_241 = tpu.memref_slice %arg7[%dma_start3A_239, %dma_start3A_240] : memref<50000x16xf32, #tpu.memory_space<vmem_shared>> -> memref<50000x16xf32, #tpu.memory_space<vmem_shared>>
      tpu.enqueue_indirect_dma source(%dma_start3A_241 : memref<50000x16xf32, #tpu.memory_space<vmem_shared>>) target(%dma_start3A_235 : memref<128x16xf32, #tpu.memory_space<vmem>>) offsets(%dma_start3A_238 : memref<128xi32, #tpu.memory_space<vmem>>) semaphore(%arg12 : memref<!tpu.dma_semaphore, #tpu.memory_space<semaphore_mem>>)
      %dma_wait3A = arith.constant 0 : i32
      %dma_wait3A_242 = arith.constant 0 : i32
      %dma_wait3A_243 = arith.constant 0 : i32
      %dma_wait3A_244 = arith.constant 0 : i32
      %dma_wait3A_245 = tpu.memref_slice %arg10[%dma_wait3A_243, %dma_wait3A_244] : memref<1280x16xf32, #tpu.memory_space<vmem>> -> memref<128x16xf32, #tpu.memory_space<vmem>>
      %dma_wait3A_246 = arith.constant 0 : i32
      %dma_wait3A_247 = tpu.memref_slice %arg9[%dma_wait3A, %dma_wait3A_242, %dma_wait3A_246] : memref<10x1x128xi32, #tpu.memory_space<vmem>> -> memref<1x1x128xi32, #tpu.memory_space<vmem>>
      %dma_wait3A_248 = tpu.memref_squeeze %dma_wait3A_247 : memref<1x1x128xi32, #tpu.memory_space<vmem>> -> memref<128xi32, #tpu.memory_space<vmem>>
      %dma_wait3A_249 = arith.constant 0 : i32
      %dma_wait3A_250 = arith.constant 0 : i32
      %dma_wait3A_251 = tpu.memref_slice %arg7[%dma_wait3A_249, %dma_wait3A_250] : memref<50000x16xf32, #tpu.memory_space<vmem_shared>> -> memref<50000x16xf32, #tpu.memory_space<vmem_shared>>
      tpu.wait_indirect_dma semaphore(%arg12 : memref<!tpu.dma_semaphore, #tpu.memory_space<semaphore_mem>>) src(%dma_wait3A_251 : memref<50000x16xf32, #tpu.memory_space<vmem_shared>>) dst(%dma_wait3A_245 : memref<128x16xf32, #tpu.memory_space<vmem>>)
      %dma_wait3A_252 = arith.constant 0 : i32
      %dma_wait3A_253 = arith.constant 0 : i32
      %dma_wait3A_254 = arith.constant 0 : i32
      %dma_wait3A_255 = arith.constant 0 : i32
      %dma_wait3A_256 = tpu.memref_slice %arg11[%dma_wait3A_254, %dma_wait3A_255] : memref<1280x16xf32, #tpu.memory_space<vmem>> -> memref<128x16xf32, #tpu.memory_space<vmem>>
      %dma_wait3A_257 = arith.constant 0 : i32
      %dma_wait3A_258 = tpu.memref_slice %arg8[%dma_wait3A_252, %dma_wait3A_253, %dma_wait3A_257] : memref<10x1x128xi32, #tpu.memory_space<vmem>> -> memref<1x1x128xi32, #tpu.memory_space<vmem>>
      %dma_wait3A_259 = tpu.memref_squeeze %dma_wait3A_258 : memref<1x1x128xi32, #tpu.memory_space<vmem>> -> memref<128xi32, #tpu.memory_space<vmem>>
      %dma_wait3A_260 = arith.constant 0 : i32
      %dma_wait3A_261 = arith.constant 0 : i32
      %dma_wait3A_262 = tpu.memref_slice %arg7[%dma_wait3A_260, %dma_wait3A_261] : memref<50000x16xf32, #tpu.memory_space<vmem_shared>> -> memref<50000x16xf32, #tpu.memory_space<vmem_shared>>
      tpu.wait_indirect_dma semaphore(%arg12 : memref<!tpu.dma_semaphore, #tpu.memory_space<semaphore_mem>>) src(%dma_wait3A_262 : memref<50000x16xf32, #tpu.memory_space<vmem_shared>>) dst(%dma_wait3A_256 : memref<128x16xf32, #tpu.memory_space<vmem>>)
      %dma_wait3A_263 = arith.constant 1 : i32
      %dma_wait3A_264 = arith.constant 0 : i32
      %dma_wait3A_265 = arith.constant 128 : i32
      %dma_wait3A_266 = arith.constant 0 : i32
      %dma_wait3A_267 = tpu.memref_slice %arg10[%dma_wait3A_265, %dma_wait3A_266] : memref<1280x16xf32, #tpu.memory_space<vmem>> -> memref<128x16xf32, #tpu.memory_space<vmem>>
      %dma_wait3A_268 = arith.constant 0 : i32
      %dma_wait3A_269 = tpu.memref_slice %arg9[%dma_wait3A_263, %dma_wait3A_264, %dma_wait3A_268] : memref<10x1x128xi32, #tpu.memory_space<vmem>> -> memref<1x1x128xi32, #tpu.memory_space<vmem>>
      %dma_wait3A_270 = tpu.memref_squeeze %dma_wait3A_269 : memref<1x1x128xi32, #tpu.memory_space<vmem>> -> memref<128xi32, #tpu.memory_space<vmem>>
      %dma_wait3A_271 = arith.constant 0 : i32
      %dma_wait3A_272 = arith.constant 0 : i32
      %dma_wait3A_273 = tpu.memref_slice %arg7[%dma_wait3A_271, %dma_wait3A_272] : memref<50000x16xf32, #tpu.memory_space<vmem_shared>> -> memref<50000x16xf32, #tpu.memory_space<vmem_shared>>
      tpu.wait_indirect_dma semaphore(%arg12 : memref<!tpu.dma_semaphore, #tpu.memory_space<semaphore_mem>>) src(%dma_wait3A_273 : memref<50000x16xf32, #tpu.memory_space<vmem_shared>>) dst(%dma_wait3A_267 : memref<128x16xf32, #tpu.memory_space<vmem>>)
      %dma_wait3A_274 = arith.constant 1 : i32
      %dma_wait3A_275 = arith.constant 0 : i32
      %dma_wait3A_276 = arith.constant 128 : i32
      %dma_wait3A_277 = arith.constant 0 : i32
      %dma_wait3A_278 = tpu.memref_slice %arg11[%dma_wait3A_276, %dma_wait3A_277] : memref<1280x16xf32, #tpu.memory_space<vmem>> -> memref<128x16xf32, #tpu.memory_space<vmem>>
      %dma_wait3A_279 = arith.constant 0 : i32
      %dma_wait3A_280 = tpu.memref_slice %arg8[%dma_wait3A_274, %dma_wait3A_275, %dma_wait3A_279] : memref<10x1x128xi32, #tpu.memory_space<vmem>> -> memref<1x1x128xi32, #tpu.memory_space<vmem>>
      %dma_wait3A_281 = tpu.memref_squeeze %dma_wait3A_280 : memref<1x1x128xi32, #tpu.memory_space<vmem>> -> memref<128xi32, #tpu.memory_space<vmem>>
      %dma_wait3A_282 = arith.constant 0 : i32
      %dma_wait3A_283 = arith.constant 0 : i32
      %dma_wait3A_284 = tpu.memref_slice %arg7[%dma_wait3A_282, %dma_wait3A_283] : memref<50000x16xf32, #tpu.memory_space<vmem_shared>> -> memref<50000x16xf32, #tpu.memory_space<vmem_shared>>
      tpu.wait_indirect_dma semaphore(%arg12 : memref<!tpu.dma_semaphore, #tpu.memory_space<semaphore_mem>>) src(%dma_wait3A_284 : memref<50000x16xf32, #tpu.memory_space<vmem_shared>>) dst(%dma_wait3A_278 : memref<128x16xf32, #tpu.memory_space<vmem>>)
      %dma_wait3A_285 = arith.constant 2 : i32
      %dma_wait3A_286 = arith.constant 0 : i32
      %dma_wait3A_287 = arith.constant 256 : i32
      %dma_wait3A_288 = arith.constant 0 : i32
      %dma_wait3A_289 = tpu.memref_slice %arg10[%dma_wait3A_287, %dma_wait3A_288] : memref<1280x16xf32, #tpu.memory_space<vmem>> -> memref<128x16xf32, #tpu.memory_space<vmem>>
      %dma_wait3A_290 = arith.constant 0 : i32
      %dma_wait3A_291 = tpu.memref_slice %arg9[%dma_wait3A_285, %dma_wait3A_286, %dma_wait3A_290] : memref<10x1x128xi32, #tpu.memory_space<vmem>> -> memref<1x1x128xi32, #tpu.memory_space<vmem>>
      %dma_wait3A_292 = tpu.memref_squeeze %dma_wait3A_291 : memref<1x1x128xi32, #tpu.memory_space<vmem>> -> memref<128xi32, #tpu.memory_space<vmem>>
      %dma_wait3A_293 = arith.constant 0 : i32
      %dma_wait3A_294 = arith.constant 0 : i32
      %dma_wait3A_295 = tpu.memref_slice %arg7[%dma_wait3A_293, %dma_wait3A_294] : memref<50000x16xf32, #tpu.memory_space<vmem_shared>> -> memref<50000x16xf32, #tpu.memory_space<vmem_shared>>
      tpu.wait_indirect_dma semaphore(%arg12 : memref<!tpu.dma_semaphore, #tpu.memory_space<semaphore_mem>>) src(%dma_wait3A_295 : memref<50000x16xf32, #tpu.memory_space<vmem_shared>>) dst(%dma_wait3A_289 : memref<128x16xf32, #tpu.memory_space<vmem>>)
      %dma_wait3A_296 = arith.constant 2 : i32
      %dma_wait3A_297 = arith.constant 0 : i32
      %dma_wait3A_298 = arith.constant 256 : i32
      %dma_wait3A_299 = arith.constant 0 : i32
      %dma_wait3A_300 = tpu.memref_slice %arg11[%dma_wait3A_298, %dma_wait3A_299] : memref<1280x16xf32, #tpu.memory_space<vmem>> -> memref<128x16xf32, #tpu.memory_space<vmem>>
      %dma_wait3A_301 = arith.constant 0 : i32
      %dma_wait3A_302 = tpu.memref_slice %arg8[%dma_wait3A_296, %dma_wait3A_297, %dma_wait3A_301] : memref<10x1x128xi32, #tpu.memory_space<vmem>> -> memref<1x1x128xi32, #tpu.memory_space<vmem>>
      %dma_wait3A_303 = tpu.memref_squeeze %dma_wait3A_302 : memref<1x1x128xi32, #tpu.memory_space<vmem>> -> memref<128xi32, #tpu.memory_space<vmem>>
      %dma_wait3A_304 = arith.constant 0 : i32
      %dma_wait3A_305 = arith.constant 0 : i32
      %dma_wait3A_306 = tpu.memref_slice %arg7[%dma_wait3A_304, %dma_wait3A_305] : memref<50000x16xf32, #tpu.memory_space<vmem_shared>> -> memref<50000x16xf32, #tpu.memory_space<vmem_shared>>
      tpu.wait_indirect_dma semaphore(%arg12 : memref<!tpu.dma_semaphore, #tpu.memory_space<semaphore_mem>>) src(%dma_wait3A_306 : memref<50000x16xf32, #tpu.memory_space<vmem_shared>>) dst(%dma_wait3A_300 : memref<128x16xf32, #tpu.memory_space<vmem>>)
      %dma_wait3A_307 = arith.constant 3 : i32
      %dma_wait3A_308 = arith.constant 0 : i32
      %dma_wait3A_309 = arith.constant 384 : i32
      %dma_wait3A_310 = arith.constant 0 : i32
      %dma_wait3A_311 = tpu.memref_slice %arg10[%dma_wait3A_309, %dma_wait3A_310] : memref<1280x16xf32, #tpu.memory_space<vmem>> -> memref<128x16xf32, #tpu.memory_space<vmem>>
      %dma_wait3A_312 = arith.constant 0 : i32
      %dma_wait3A_313 = tpu.memref_slice %arg9[%dma_wait3A_307, %dma_wait3A_308, %dma_wait3A_312] : memref<10x1x128xi32, #tpu.memory_space<vmem>> -> memref<1x1x128xi32, #tpu.memory_space<vmem>>
      %dma_wait3A_314 = tpu.memref_squeeze %dma_wait3A_313 : memref<1x1x128xi32, #tpu.memory_space<vmem>> -> memref<128xi32, #tpu.memory_space<vmem>>
      %dma_wait3A_315 = arith.constant 0 : i32
      %dma_wait3A_316 = arith.constant 0 : i32
      %dma_wait3A_317 = tpu.memref_slice %arg7[%dma_wait3A_315, %dma_wait3A_316] : memref<50000x16xf32, #tpu.memory_space<vmem_shared>> -> memref<50000x16xf32, #tpu.memory_space<vmem_shared>>
      tpu.wait_indirect_dma semaphore(%arg12 : memref<!tpu.dma_semaphore, #tpu.memory_space<semaphore_mem>>) src(%dma_wait3A_317 : memref<50000x16xf32, #tpu.memory_space<vmem_shared>>) dst(%dma_wait3A_311 : memref<128x16xf32, #tpu.memory_space<vmem>>)
      %dma_wait3A_318 = arith.constant 3 : i32
      %dma_wait3A_319 = arith.constant 0 : i32
      %dma_wait3A_320 = arith.constant 384 : i32
      %dma_wait3A_321 = arith.constant 0 : i32
      %dma_wait3A_322 = tpu.memref_slice %arg11[%dma_wait3A_320, %dma_wait3A_321] : memref<1280x16xf32, #tpu.memory_space<vmem>> -> memref<128x16xf32, #tpu.memory_space<vmem>>
      %dma_wait3A_323 = arith.constant 0 : i32
      %dma_wait3A_324 = tpu.memref_slice %arg8[%dma_wait3A_318, %dma_wait3A_319, %dma_wait3A_323] : memref<10x1x128xi32, #tpu.memory_space<vmem>> -> memref<1x1x128xi32, #tpu.memory_space<vmem>>
      %dma_wait3A_325 = tpu.memref_squeeze %dma_wait3A_324 : memref<1x1x128xi32, #tpu.memory_space<vmem>> -> memref<128xi32, #tpu.memory_space<vmem>>
      %dma_wait3A_326 = arith.constant 0 : i32
      %dma_wait3A_327 = arith.constant 0 : i32
      %dma_wait3A_328 = tpu.memref_slice %arg7[%dma_wait3A_326, %dma_wait3A_327] : memref<50000x16xf32, #tpu.memory_space<vmem_shared>> -> memref<50000x16xf32, #tpu.memory_space<vmem_shared>>
      tpu.wait_indirect_dma semaphore(%arg12 : memref<!tpu.dma_semaphore, #tpu.memory_space<semaphore_mem>>) src(%dma_wait3A_328 : memref<50000x16xf32, #tpu.memory_space<vmem_shared>>) dst(%dma_wait3A_322 : memref<128x16xf32, #tpu.memory_space<vmem>>)
      %dma_wait3A_329 = arith.constant 4 : i32
      %dma_wait3A_330 = arith.constant 0 : i32
      %dma_wait3A_331 = arith.constant 512 : i32
      %dma_wait3A_332 = arith.constant 0 : i32
      %dma_wait3A_333 = tpu.memref_slice %arg10[%dma_wait3A_331, %dma_wait3A_332] : memref<1280x16xf32, #tpu.memory_space<vmem>> -> memref<128x16xf32, #tpu.memory_space<vmem>>
      %dma_wait3A_334 = arith.constant 0 : i32
      %dma_wait3A_335 = tpu.memref_slice %arg9[%dma_wait3A_329, %dma_wait3A_330, %dma_wait3A_334] : memref<10x1x128xi32, #tpu.memory_space<vmem>> -> memref<1x1x128xi32, #tpu.memory_space<vmem>>
      %dma_wait3A_336 = tpu.memref_squeeze %dma_wait3A_335 : memref<1x1x128xi32, #tpu.memory_space<vmem>> -> memref<128xi32, #tpu.memory_space<vmem>>
      %dma_wait3A_337 = arith.constant 0 : i32
      %dma_wait3A_338 = arith.constant 0 : i32
      %dma_wait3A_339 = tpu.memref_slice %arg7[%dma_wait3A_337, %dma_wait3A_338] : memref<50000x16xf32, #tpu.memory_space<vmem_shared>> -> memref<50000x16xf32, #tpu.memory_space<vmem_shared>>
      tpu.wait_indirect_dma semaphore(%arg12 : memref<!tpu.dma_semaphore, #tpu.memory_space<semaphore_mem>>) src(%dma_wait3A_339 : memref<50000x16xf32, #tpu.memory_space<vmem_shared>>) dst(%dma_wait3A_333 : memref<128x16xf32, #tpu.memory_space<vmem>>)
      %dma_wait3A_340 = arith.constant 4 : i32
      %dma_wait3A_341 = arith.constant 0 : i32
      %dma_wait3A_342 = arith.constant 512 : i32
      %dma_wait3A_343 = arith.constant 0 : i32
      %dma_wait3A_344 = tpu.memref_slice %arg11[%dma_wait3A_342, %dma_wait3A_343] : memref<1280x16xf32, #tpu.memory_space<vmem>> -> memref<128x16xf32, #tpu.memory_space<vmem>>
      %dma_wait3A_345 = arith.constant 0 : i32
      %dma_wait3A_346 = tpu.memref_slice %arg8[%dma_wait3A_340, %dma_wait3A_341, %dma_wait3A_345] : memref<10x1x128xi32, #tpu.memory_space<vmem>> -> memref<1x1x128xi32, #tpu.memory_space<vmem>>
      %dma_wait3A_347 = tpu.memref_squeeze %dma_wait3A_346 : memref<1x1x128xi32, #tpu.memory_space<vmem>> -> memref<128xi32, #tpu.memory_space<vmem>>
      %dma_wait3A_348 = arith.constant 0 : i32
      %dma_wait3A_349 = arith.constant 0 : i32
      %dma_wait3A_350 = tpu.memref_slice %arg7[%dma_wait3A_348, %dma_wait3A_349] : memref<50000x16xf32, #tpu.memory_space<vmem_shared>> -> memref<50000x16xf32, #tpu.memory_space<vmem_shared>>
      tpu.wait_indirect_dma semaphore(%arg12 : memref<!tpu.dma_semaphore, #tpu.memory_space<semaphore_mem>>) src(%dma_wait3A_350 : memref<50000x16xf32, #tpu.memory_space<vmem_shared>>) dst(%dma_wait3A_344 : memref<128x16xf32, #tpu.memory_space<vmem>>)
      %dma_wait3A_351 = arith.constant 5 : i32
      %dma_wait3A_352 = arith.constant 0 : i32
      %dma_wait3A_353 = arith.constant 640 : i32
      %dma_wait3A_354 = arith.constant 0 : i32
      %dma_wait3A_355 = tpu.memref_slice %arg10[%dma_wait3A_353, %dma_wait3A_354] : memref<1280x16xf32, #tpu.memory_space<vmem>> -> memref<128x16xf32, #tpu.memory_space<vmem>>
      %dma_wait3A_356 = arith.constant 0 : i32
      %dma_wait3A_357 = tpu.memref_slice %arg9[%dma_wait3A_351, %dma_wait3A_352, %dma_wait3A_356] : memref<10x1x128xi32, #tpu.memory_space<vmem>> -> memref<1x1x128xi32, #tpu.memory_space<vmem>>
      %dma_wait3A_358 = tpu.memref_squeeze %dma_wait3A_357 : memref<1x1x128xi32, #tpu.memory_space<vmem>> -> memref<128xi32, #tpu.memory_space<vmem>>
      %dma_wait3A_359 = arith.constant 0 : i32
      %dma_wait3A_360 = arith.constant 0 : i32
      %dma_wait3A_361 = tpu.memref_slice %arg7[%dma_wait3A_359, %dma_wait3A_360] : memref<50000x16xf32, #tpu.memory_space<vmem_shared>> -> memref<50000x16xf32, #tpu.memory_space<vmem_shared>>
      tpu.wait_indirect_dma semaphore(%arg12 : memref<!tpu.dma_semaphore, #tpu.memory_space<semaphore_mem>>) src(%dma_wait3A_361 : memref<50000x16xf32, #tpu.memory_space<vmem_shared>>) dst(%dma_wait3A_355 : memref<128x16xf32, #tpu.memory_space<vmem>>)
      %dma_wait3A_362 = arith.constant 5 : i32
      %dma_wait3A_363 = arith.constant 0 : i32
      %dma_wait3A_364 = arith.constant 640 : i32
      %dma_wait3A_365 = arith.constant 0 : i32
      %dma_wait3A_366 = tpu.memref_slice %arg11[%dma_wait3A_364, %dma_wait3A_365] : memref<1280x16xf32, #tpu.memory_space<vmem>> -> memref<128x16xf32, #tpu.memory_space<vmem>>
      %dma_wait3A_367 = arith.constant 0 : i32
      %dma_wait3A_368 = tpu.memref_slice %arg8[%dma_wait3A_362, %dma_wait3A_363, %dma_wait3A_367] : memref<10x1x128xi32, #tpu.memory_space<vmem>> -> memref<1x1x128xi32, #tpu.memory_space<vmem>>
      %dma_wait3A_369 = tpu.memref_squeeze %dma_wait3A_368 : memref<1x1x128xi32, #tpu.memory_space<vmem>> -> memref<128xi32, #tpu.memory_space<vmem>>
      %dma_wait3A_370 = arith.constant 0 : i32
      %dma_wait3A_371 = arith.constant 0 : i32
      %dma_wait3A_372 = tpu.memref_slice %arg7[%dma_wait3A_370, %dma_wait3A_371] : memref<50000x16xf32, #tpu.memory_space<vmem_shared>> -> memref<50000x16xf32, #tpu.memory_space<vmem_shared>>
      tpu.wait_indirect_dma semaphore(%arg12 : memref<!tpu.dma_semaphore, #tpu.memory_space<semaphore_mem>>) src(%dma_wait3A_372 : memref<50000x16xf32, #tpu.memory_space<vmem_shared>>) dst(%dma_wait3A_366 : memref<128x16xf32, #tpu.memory_space<vmem>>)
      %dma_wait3A_373 = arith.constant 6 : i32
      %dma_wait3A_374 = arith.constant 0 : i32
      %dma_wait3A_375 = arith.constant 768 : i32
      %dma_wait3A_376 = arith.constant 0 : i32
      %dma_wait3A_377 = tpu.memref_slice %arg10[%dma_wait3A_375, %dma_wait3A_376] : memref<1280x16xf32, #tpu.memory_space<vmem>> -> memref<128x16xf32, #tpu.memory_space<vmem>>
      %dma_wait3A_378 = arith.constant 0 : i32
      %dma_wait3A_379 = tpu.memref_slice %arg9[%dma_wait3A_373, %dma_wait3A_374, %dma_wait3A_378] : memref<10x1x128xi32, #tpu.memory_space<vmem>> -> memref<1x1x128xi32, #tpu.memory_space<vmem>>
      %dma_wait3A_380 = tpu.memref_squeeze %dma_wait3A_379 : memref<1x1x128xi32, #tpu.memory_space<vmem>> -> memref<128xi32, #tpu.memory_space<vmem>>
      %dma_wait3A_381 = arith.constant 0 : i32
      %dma_wait3A_382 = arith.constant 0 : i32
      %dma_wait3A_383 = tpu.memref_slice %arg7[%dma_wait3A_381, %dma_wait3A_382] : memref<50000x16xf32, #tpu.memory_space<vmem_shared>> -> memref<50000x16xf32, #tpu.memory_space<vmem_shared>>
      tpu.wait_indirect_dma semaphore(%arg12 : memref<!tpu.dma_semaphore, #tpu.memory_space<semaphore_mem>>) src(%dma_wait3A_383 : memref<50000x16xf32, #tpu.memory_space<vmem_shared>>) dst(%dma_wait3A_377 : memref<128x16xf32, #tpu.memory_space<vmem>>)
      %dma_wait3A_384 = arith.constant 6 : i32
      %dma_wait3A_385 = arith.constant 0 : i32
      %dma_wait3A_386 = arith.constant 768 : i32
      %dma_wait3A_387 = arith.constant 0 : i32
      %dma_wait3A_388 = tpu.memref_slice %arg11[%dma_wait3A_386, %dma_wait3A_387] : memref<1280x16xf32, #tpu.memory_space<vmem>> -> memref<128x16xf32, #tpu.memory_space<vmem>>
      %dma_wait3A_389 = arith.constant 0 : i32
      %dma_wait3A_390 = tpu.memref_slice %arg8[%dma_wait3A_384, %dma_wait3A_385, %dma_wait3A_389] : memref<10x1x128xi32, #tpu.memory_space<vmem>> -> memref<1x1x128xi32, #tpu.memory_space<vmem>>
      %dma_wait3A_391 = tpu.memref_squeeze %dma_wait3A_390 : memref<1x1x128xi32, #tpu.memory_space<vmem>> -> memref<128xi32, #tpu.memory_space<vmem>>
      %dma_wait3A_392 = arith.constant 0 : i32
      %dma_wait3A_393 = arith.constant 0 : i32
      %dma_wait3A_394 = tpu.memref_slice %arg7[%dma_wait3A_392, %dma_wait3A_393] : memref<50000x16xf32, #tpu.memory_space<vmem_shared>> -> memref<50000x16xf32, #tpu.memory_space<vmem_shared>>
      tpu.wait_indirect_dma semaphore(%arg12 : memref<!tpu.dma_semaphore, #tpu.memory_space<semaphore_mem>>) src(%dma_wait3A_394 : memref<50000x16xf32, #tpu.memory_space<vmem_shared>>) dst(%dma_wait3A_388 : memref<128x16xf32, #tpu.memory_space<vmem>>)
      %dma_wait3A_395 = arith.constant 7 : i32
      %dma_wait3A_396 = arith.constant 0 : i32
      %dma_wait3A_397 = arith.constant 896 : i32
      %dma_wait3A_398 = arith.constant 0 : i32
      %dma_wait3A_399 = tpu.memref_slice %arg10[%dma_wait3A_397, %dma_wait3A_398] : memref<1280x16xf32, #tpu.memory_space<vmem>> -> memref<128x16xf32, #tpu.memory_space<vmem>>
      %dma_wait3A_400 = arith.constant 0 : i32
      %dma_wait3A_401 = tpu.memref_slice %arg9[%dma_wait3A_395, %dma_wait3A_396, %dma_wait3A_400] : memref<10x1x128xi32, #tpu.memory_space<vmem>> -> memref<1x1x128xi32, #tpu.memory_space<vmem>>
      %dma_wait3A_402 = tpu.memref_squeeze %dma_wait3A_401 : memref<1x1x128xi32, #tpu.memory_space<vmem>> -> memref<128xi32, #tpu.memory_space<vmem>>
      %dma_wait3A_403 = arith.constant 0 : i32
      %dma_wait3A_404 = arith.constant 0 : i32
      %dma_wait3A_405 = tpu.memref_slice %arg7[%dma_wait3A_403, %dma_wait3A_404] : memref<50000x16xf32, #tpu.memory_space<vmem_shared>> -> memref<50000x16xf32, #tpu.memory_space<vmem_shared>>
      tpu.wait_indirect_dma semaphore(%arg12 : memref<!tpu.dma_semaphore, #tpu.memory_space<semaphore_mem>>) src(%dma_wait3A_405 : memref<50000x16xf32, #tpu.memory_space<vmem_shared>>) dst(%dma_wait3A_399 : memref<128x16xf32, #tpu.memory_space<vmem>>)
      %dma_wait3A_406 = arith.constant 7 : i32
      %dma_wait3A_407 = arith.constant 0 : i32
      %dma_wait3A_408 = arith.constant 896 : i32
      %dma_wait3A_409 = arith.constant 0 : i32
      %dma_wait3A_410 = tpu.memref_slice %arg11[%dma_wait3A_408, %dma_wait3A_409] : memref<1280x16xf32, #tpu.memory_space<vmem>> -> memref<128x16xf32, #tpu.memory_space<vmem>>
      %dma_wait3A_411 = arith.constant 0 : i32
      %dma_wait3A_412 = tpu.memref_slice %arg8[%dma_wait3A_406, %dma_wait3A_407, %dma_wait3A_411] : memref<10x1x128xi32, #tpu.memory_space<vmem>> -> memref<1x1x128xi32, #tpu.memory_space<vmem>>
      %dma_wait3A_413 = tpu.memref_squeeze %dma_wait3A_412 : memref<1x1x128xi32, #tpu.memory_space<vmem>> -> memref<128xi32, #tpu.memory_space<vmem>>
      %dma_wait3A_414 = arith.constant 0 : i32
      %dma_wait3A_415 = arith.constant 0 : i32
      %dma_wait3A_416 = tpu.memref_slice %arg7[%dma_wait3A_414, %dma_wait3A_415] : memref<50000x16xf32, #tpu.memory_space<vmem_shared>> -> memref<50000x16xf32, #tpu.memory_space<vmem_shared>>
      tpu.wait_indirect_dma semaphore(%arg12 : memref<!tpu.dma_semaphore, #tpu.memory_space<semaphore_mem>>) src(%dma_wait3A_416 : memref<50000x16xf32, #tpu.memory_space<vmem_shared>>) dst(%dma_wait3A_410 : memref<128x16xf32, #tpu.memory_space<vmem>>)
      %dma_wait3A_417 = arith.constant 8 : i32
      %dma_wait3A_418 = arith.constant 0 : i32
      %dma_wait3A_419 = arith.constant 1024 : i32
      %dma_wait3A_420 = arith.constant 0 : i32
      %dma_wait3A_421 = tpu.memref_slice %arg10[%dma_wait3A_419, %dma_wait3A_420] : memref<1280x16xf32, #tpu.memory_space<vmem>> -> memref<128x16xf32, #tpu.memory_space<vmem>>
      %dma_wait3A_422 = arith.constant 0 : i32
      %dma_wait3A_423 = tpu.memref_slice %arg9[%dma_wait3A_417, %dma_wait3A_418, %dma_wait3A_422] : memref<10x1x128xi32, #tpu.memory_space<vmem>> -> memref<1x1x128xi32, #tpu.memory_space<vmem>>
      %dma_wait3A_424 = tpu.memref_squeeze %dma_wait3A_423 : memref<1x1x128xi32, #tpu.memory_space<vmem>> -> memref<128xi32, #tpu.memory_space<vmem>>
      %dma_wait3A_425 = arith.constant 0 : i32
      %dma_wait3A_426 = arith.constant 0 : i32
      %dma_wait3A_427 = tpu.memref_slice %arg7[%dma_wait3A_425, %dma_wait3A_426] : memref<50000x16xf32, #tpu.memory_space<vmem_shared>> -> memref<50000x16xf32, #tpu.memory_space<vmem_shared>>
      tpu.wait_indirect_dma semaphore(%arg12 : memref<!tpu.dma_semaphore, #tpu.memory_space<semaphore_mem>>) src(%dma_wait3A_427 : memref<50000x16xf32, #tpu.memory_space<vmem_shared>>) dst(%dma_wait3A_421 : memref<128x16xf32, #tpu.memory_space<vmem>>)
      %dma_wait3A_428 = arith.constant 8 : i32
      %dma_wait3A_429 = arith.constant 0 : i32
      %dma_wait3A_430 = arith.constant 1024 : i32
      %dma_wait3A_431 = arith.constant 0 : i32
      %dma_wait3A_432 = tpu.memref_slice %arg11[%dma_wait3A_430, %dma_wait3A_431] : memref<1280x16xf32, #tpu.memory_space<vmem>> -> memref<128x16xf32, #tpu.memory_space<vmem>>
      %dma_wait3A_433 = arith.constant 0 : i32
      %dma_wait3A_434 = tpu.memref_slice %arg8[%dma_wait3A_428, %dma_wait3A_429, %dma_wait3A_433] : memref<10x1x128xi32, #tpu.memory_space<vmem>> -> memref<1x1x128xi32, #tpu.memory_space<vmem>>
      %dma_wait3A_435 = tpu.memref_squeeze %dma_wait3A_434 : memref<1x1x128xi32, #tpu.memory_space<vmem>> -> memref<128xi32, #tpu.memory_space<vmem>>
      %dma_wait3A_436 = arith.constant 0 : i32
      %dma_wait3A_437 = arith.constant 0 : i32
      %dma_wait3A_438 = tpu.memref_slice %arg7[%dma_wait3A_436, %dma_wait3A_437] : memref<50000x16xf32, #tpu.memory_space<vmem_shared>> -> memref<50000x16xf32, #tpu.memory_space<vmem_shared>>
      tpu.wait_indirect_dma semaphore(%arg12 : memref<!tpu.dma_semaphore, #tpu.memory_space<semaphore_mem>>) src(%dma_wait3A_438 : memref<50000x16xf32, #tpu.memory_space<vmem_shared>>) dst(%dma_wait3A_432 : memref<128x16xf32, #tpu.memory_space<vmem>>)
      %dma_wait3A_439 = arith.constant 9 : i32
      %dma_wait3A_440 = arith.constant 0 : i32
      %dma_wait3A_441 = arith.constant 1152 : i32
      %dma_wait3A_442 = arith.constant 0 : i32
      %dma_wait3A_443 = tpu.memref_slice %arg10[%dma_wait3A_441, %dma_wait3A_442] : memref<1280x16xf32, #tpu.memory_space<vmem>> -> memref<128x16xf32, #tpu.memory_space<vmem>>
      %dma_wait3A_444 = arith.constant 0 : i32
      %dma_wait3A_445 = tpu.memref_slice %arg9[%dma_wait3A_439, %dma_wait3A_440, %dma_wait3A_444] : memref<10x1x128xi32, #tpu.memory_space<vmem>> -> memref<1x1x128xi32, #tpu.memory_space<vmem>>
      %dma_wait3A_446 = tpu.memref_squeeze %dma_wait3A_445 : memref<1x1x128xi32, #tpu.memory_space<vmem>> -> memref<128xi32, #tpu.memory_space<vmem>>
      %dma_wait3A_447 = arith.constant 0 : i32
      %dma_wait3A_448 = arith.constant 0 : i32
      %dma_wait3A_449 = tpu.memref_slice %arg7[%dma_wait3A_447, %dma_wait3A_448] : memref<50000x16xf32, #tpu.memory_space<vmem_shared>> -> memref<50000x16xf32, #tpu.memory_space<vmem_shared>>
      tpu.wait_indirect_dma semaphore(%arg12 : memref<!tpu.dma_semaphore, #tpu.memory_space<semaphore_mem>>) src(%dma_wait3A_449 : memref<50000x16xf32, #tpu.memory_space<vmem_shared>>) dst(%dma_wait3A_443 : memref<128x16xf32, #tpu.memory_space<vmem>>)
      %dma_wait3A_450 = arith.constant 9 : i32
      %dma_wait3A_451 = arith.constant 0 : i32
      %dma_wait3A_452 = arith.constant 1152 : i32
      %dma_wait3A_453 = arith.constant 0 : i32
      %dma_wait3A_454 = tpu.memref_slice %arg11[%dma_wait3A_452, %dma_wait3A_453] : memref<1280x16xf32, #tpu.memory_space<vmem>> -> memref<128x16xf32, #tpu.memory_space<vmem>>
      %dma_wait3A_455 = arith.constant 0 : i32
      %dma_wait3A_456 = tpu.memref_slice %arg8[%dma_wait3A_450, %dma_wait3A_451, %dma_wait3A_455] : memref<10x1x128xi32, #tpu.memory_space<vmem>> -> memref<1x1x128xi32, #tpu.memory_space<vmem>>
      %dma_wait3A_457 = tpu.memref_squeeze %dma_wait3A_456 : memref<1x1x128xi32, #tpu.memory_space<vmem>> -> memref<128xi32, #tpu.memory_space<vmem>>
      %dma_wait3A_458 = arith.constant 0 : i32
      %dma_wait3A_459 = arith.constant 0 : i32
      %dma_wait3A_460 = tpu.memref_slice %arg7[%dma_wait3A_458, %dma_wait3A_459] : memref<50000x16xf32, #tpu.memory_space<vmem_shared>> -> memref<50000x16xf32, #tpu.memory_space<vmem_shared>>
      tpu.wait_indirect_dma semaphore(%arg12 : memref<!tpu.dma_semaphore, #tpu.memory_space<semaphore_mem>>) src(%dma_wait3A_460 : memref<50000x16xf32, #tpu.memory_space<vmem_shared>>) dst(%dma_wait3A_454 : memref<128x16xf32, #tpu.memory_space<vmem>>)
      %mul3A_461 = arith.constant 128 : i32
      %mul3A_462 = arith.muli %add3A_22, %mul3A_461 : i32
      "tpu.region"() ({
        %run_scoped3A = tpu.sem_alloc : memref<!tpu.dma_semaphore, #tpu.memory_space<semaphore_mem>>
        %dma_start3A_465 = arith.constant 0 : i32
        %dma_start3A_466 = arith.constant 0 : i32
        %dma_start3A_467 = tpu.memref_slice %arg10[%dma_start3A_465, %dma_start3A_466] : memref<1280x16xf32, #tpu.memory_space<vmem>> -> memref<1280x16xf32, #tpu.memory_space<vmem>>
        %dma_start3A_468 = arith.constant 0 : i32
        %dma_start3A_469 = tpu.memref_slice %arg5[%mul3A_462, %dma_start3A_468] : memref<1600000x16xf32, #tpu.memory_space<hbm>> -> memref<1280x16xf32, #tpu.memory_space<hbm>>
        %dma_start3A_470 = arith.constant 0 : i32
        %dma_start3A_471 = tpu.memref_slice %arg5[%mul3A_462, %dma_start3A_470] : memref<1600000x16xf32, #tpu.memory_space<hbm>> -> memref<1280x16xf32, #tpu.memory_space<hbm>>
        %dma_start3A_472 = arith.constant 0 : i32
        %dma_start3A_473 = arith.constant 0 : i32
        %dma_start3A_474 = tpu.memref_slice %arg10[%dma_start3A_472, %dma_start3A_473] : memref<1280x16xf32, #tpu.memory_space<vmem>> -> memref<1280x16xf32, #tpu.memory_space<vmem>>
        tpu.enqueue_dma source(%dma_start3A_474 : memref<1280x16xf32, #tpu.memory_space<vmem>>) target(%dma_start3A_471 : memref<1280x16xf32, #tpu.memory_space<hbm>>) target_semaphore(%run_scoped3A : memref<!tpu.dma_semaphore, #tpu.memory_space<semaphore_mem>>)
        %dma_wait3A_475 = arith.constant 0 : i32
        %dma_wait3A_476 = arith.constant 0 : i32
        %dma_wait3A_477 = tpu.memref_slice %arg10[%dma_wait3A_475, %dma_wait3A_476] : memref<1280x16xf32, #tpu.memory_space<vmem>> -> memref<1280x16xf32, #tpu.memory_space<vmem>>
        %dma_wait3A_478 = arith.constant 0 : i32
        %dma_wait3A_479 = tpu.memref_slice %arg5[%mul3A_462, %dma_wait3A_478] : memref<1600000x16xf32, #tpu.memory_space<hbm>> -> memref<1280x16xf32, #tpu.memory_space<hbm>>
        %dma_wait3A_480 = arith.constant 0 : i32
        %dma_wait3A_481 = tpu.memref_slice %arg5[%mul3A_462, %dma_wait3A_480] : memref<1600000x16xf32, #tpu.memory_space<hbm>> -> memref<1280x16xf32, #tpu.memory_space<hbm>>
        %dma_wait3A_482 = arith.constant 0 : i32
        %dma_wait3A_483 = arith.constant 0 : i32
        %dma_wait3A_484 = tpu.memref_slice %arg10[%dma_wait3A_482, %dma_wait3A_483] : memref<1280x16xf32, #tpu.memory_space<vmem>> -> memref<1280x16xf32, #tpu.memory_space<vmem>>
        tpu.wait_dma2 semaphore(%run_scoped3A : memref<!tpu.dma_semaphore, #tpu.memory_space<semaphore_mem>>) src(%dma_wait3A_484 : memref<1280x16xf32, #tpu.memory_space<vmem>>) dst(%dma_wait3A_481 : memref<1280x16xf32, #tpu.memory_space<hbm>>)
        tpu.yield
      }) : () -> ()
      %mul3A_463 = arith.constant 128 : i32
      %mul3A_464 = arith.muli %add3A_22, %mul3A_463 : i32
      "tpu.region"() ({
        %run_scoped3A = tpu.sem_alloc : memref<!tpu.dma_semaphore, #tpu.memory_space<semaphore_mem>>
        %dma_start3A_465 = arith.constant 0 : i32
        %dma_start3A_466 = arith.constant 0 : i32
        %dma_start3A_467 = tpu.memref_slice %arg11[%dma_start3A_465, %dma_start3A_466] : memref<1280x16xf32, #tpu.memory_space<vmem>> -> memref<1280x16xf32, #tpu.memory_space<vmem>>
        %dma_start3A_468 = arith.constant 0 : i32
        %dma_start3A_469 = tpu.memref_slice %arg6[%mul3A_464, %dma_start3A_468] : memref<1600000x16xf32, #tpu.memory_space<hbm>> -> memref<1280x16xf32, #tpu.memory_space<hbm>>
        %dma_start3A_470 = arith.constant 0 : i32
        %dma_start3A_471 = tpu.memref_slice %arg6[%mul3A_464, %dma_start3A_470] : memref<1600000x16xf32, #tpu.memory_space<hbm>> -> memref<1280x16xf32, #tpu.memory_space<hbm>>
        %dma_start3A_472 = arith.constant 0 : i32
        %dma_start3A_473 = arith.constant 0 : i32
        %dma_start3A_474 = tpu.memref_slice %arg11[%dma_start3A_472, %dma_start3A_473] : memref<1280x16xf32, #tpu.memory_space<vmem>> -> memref<1280x16xf32, #tpu.memory_space<vmem>>
        tpu.enqueue_dma source(%dma_start3A_474 : memref<1280x16xf32, #tpu.memory_space<vmem>>) target(%dma_start3A_471 : memref<1280x16xf32, #tpu.memory_space<hbm>>) target_semaphore(%run_scoped3A : memref<!tpu.dma_semaphore, #tpu.memory_space<semaphore_mem>>)
        %dma_wait3A_475 = arith.constant 0 : i32
        %dma_wait3A_476 = arith.constant 0 : i32
        %dma_wait3A_477 = tpu.memref_slice %arg11[%dma_wait3A_475, %dma_wait3A_476] : memref<1280x16xf32, #tpu.memory_space<vmem>> -> memref<1280x16xf32, #tpu.memory_space<vmem>>
        %dma_wait3A_478 = arith.constant 0 : i32
        %dma_wait3A_479 = tpu.memref_slice %arg6[%mul3A_464, %dma_wait3A_478] : memref<1600000x16xf32, #tpu.memory_space<hbm>> -> memref<1280x16xf32, #tpu.memory_space<hbm>>
        %dma_wait3A_480 = arith.constant 0 : i32
        %dma_wait3A_481 = tpu.memref_slice %arg6[%mul3A_464, %dma_wait3A_480] : memref<1600000x16xf32, #tpu.memory_space<hbm>> -> memref<1280x16xf32, #tpu.memory_space<hbm>>
        %dma_wait3A_482 = arith.constant 0 : i32
        %dma_wait3A_483 = arith.constant 0 : i32
        %dma_wait3A_484 = tpu.memref_slice %arg11[%dma_wait3A_482, %dma_wait3A_483] : memref<1280x16xf32, #tpu.memory_space<vmem>> -> memref<1280x16xf32, #tpu.memory_space<vmem>>
        tpu.wait_dma2 semaphore(%run_scoped3A : memref<!tpu.dma_semaphore, #tpu.memory_space<semaphore_mem>>) src(%dma_wait3A_484 : memref<1280x16xf32, #tpu.memory_space<vmem>>) dst(%dma_wait3A_481 : memref<1280x16xf32, #tpu.memory_space<hbm>>)
        tpu.yield
      }) : () -> ()
    }
    %scan3A_11 = arith.constant 39 : i32
    %lt3A_12 = arith.constant 20 : i32
    %lt3A_13 = arith.cmpi slt, %add3A, %lt3A_12 : i32
    %convert_element_type3A_14 = arith.extui %lt3A_13 : i1 to i32
    %cond3A_15 = arith.constant 0 : i32
    %cond3A_16 = arith.cmpi ne, %convert_element_type3A_14, %cond3A_15 : i32
    scf.if %cond3A_16 {
      %add3A_17 = arith.constant 12480 : i32
      %add3A_18 = arith.addi %add3A_17, %add3A : i32
      "tpu.region"() ({
        %run_scoped3A = tpu.sem_alloc : memref<!tpu.dma_semaphore, #tpu.memory_space<semaphore_mem>>
        %dma_start3A_65 = arith.constant 0 : i32
        %dma_start3A_66 = arith.constant 0 : i32
        %dma_start3A_67 = arith.constant 0 : i32
        %dma_start3A_68 = tpu.memref_slice %arg8[%dma_start3A_65, %dma_start3A_66, %dma_start3A_67] : memref<10x1x128xi32, #tpu.memory_space<vmem>> -> memref<1x1x128xi32, #tpu.memory_space<vmem>>
        %dma_start3A_69 = arith.constant 0 : i32
        %dma_start3A_70 = arith.constant 0 : i32
        %dma_start3A_71 = tpu.memref_slice %arg3[%add3A_18, %dma_start3A_69, %dma_start3A_70] : memref<12500x1x128xi32, #tpu.memory_space<hbm>> -> memref<1x1x128xi32, #tpu.memory_space<hbm>>
        %dma_start3A_72 = arith.constant 0 : i32
        %dma_start3A_73 = arith.constant 0 : i32
        %dma_start3A_74 = arith.constant 0 : i32
        %dma_start3A_75 = tpu.memref_slice %arg8[%dma_start3A_72, %dma_start3A_73, %dma_start3A_74] : memref<10x1x128xi32, #tpu.memory_space<vmem>> -> memref<1x1x128xi32, #tpu.memory_space<vmem>>
        %dma_start3A_76 = arith.constant 0 : i32
        %dma_start3A_77 = arith.constant 0 : i32
        %dma_start3A_78 = tpu.memref_slice %arg3[%add3A_18, %dma_start3A_76, %dma_start3A_77] : memref<12500x1x128xi32, #tpu.memory_space<hbm>> -> memref<1x1x128xi32, #tpu.memory_space<hbm>>
        tpu.enqueue_dma source(%dma_start3A_78 : memref<1x1x128xi32, #tpu.memory_space<hbm>>) target(%dma_start3A_75 : memref<1x1x128xi32, #tpu.memory_space<vmem>>) target_semaphore(%run_scoped3A : memref<!tpu.dma_semaphore, #tpu.memory_space<semaphore_mem>>)
        %dma_wait3A_79 = arith.constant 0 : i32
        %dma_wait3A_80 = arith.constant 0 : i32
        %dma_wait3A_81 = arith.constant 0 : i32
        %dma_wait3A_82 = tpu.memref_slice %arg8[%dma_wait3A_79, %dma_wait3A_80, %dma_wait3A_81] : memref<10x1x128xi32, #tpu.memory_space<vmem>> -> memref<1x1x128xi32, #tpu.memory_space<vmem>>
        %dma_wait3A_83 = arith.constant 0 : i32
        %dma_wait3A_84 = arith.constant 0 : i32
        %dma_wait3A_85 = tpu.memref_slice %arg3[%add3A_18, %dma_wait3A_83, %dma_wait3A_84] : memref<12500x1x128xi32, #tpu.memory_space<hbm>> -> memref<1x1x128xi32, #tpu.memory_space<hbm>>
        %dma_wait3A_86 = arith.constant 0 : i32
        %dma_wait3A_87 = arith.constant 0 : i32
        %dma_wait3A_88 = arith.constant 0 : i32
        %dma_wait3A_89 = tpu.memref_slice %arg8[%dma_wait3A_86, %dma_wait3A_87, %dma_wait3A_88] : memref<10x1x128xi32, #tpu.memory_space<vmem>> -> memref<1x1x128xi32, #tpu.memory_space<vmem>>
        %dma_wait3A_90 = arith.constant 0 : i32
        %dma_wait3A_91 = arith.constant 0 : i32
        %dma_wait3A_92 = tpu.memref_slice %arg3[%add3A_18, %dma_wait3A_90, %dma_wait3A_91] : memref<12500x1x128xi32, #tpu.memory_space<hbm>> -> memref<1x1x128xi32, #tpu.memory_space<hbm>>
        tpu.wait_dma2 semaphore(%run_scoped3A : memref<!tpu.dma_semaphore, #tpu.memory_space<semaphore_mem>>) src(%dma_wait3A_92 : memref<1x1x128xi32, #tpu.memory_space<hbm>>) dst(%dma_wait3A_89 : memref<1x1x128xi32, #tpu.memory_space<vmem>>)
        tpu.yield
      }) : () -> ()
      "tpu.region"() ({
        %run_scoped3A = tpu.sem_alloc : memref<!tpu.dma_semaphore, #tpu.memory_space<semaphore_mem>>
        %dma_start3A_65 = arith.constant 0 : i32
        %dma_start3A_66 = arith.constant 0 : i32
        %dma_start3A_67 = arith.constant 0 : i32
        %dma_start3A_68 = tpu.memref_slice %arg9[%dma_start3A_65, %dma_start3A_66, %dma_start3A_67] : memref<10x1x128xi32, #tpu.memory_space<vmem>> -> memref<1x1x128xi32, #tpu.memory_space<vmem>>
        %dma_start3A_69 = arith.constant 0 : i32
        %dma_start3A_70 = arith.constant 0 : i32
        %dma_start3A_71 = tpu.memref_slice %arg4[%add3A_18, %dma_start3A_69, %dma_start3A_70] : memref<12500x1x128xi32, #tpu.memory_space<hbm>> -> memref<1x1x128xi32, #tpu.memory_space<hbm>>
        %dma_start3A_72 = arith.constant 0 : i32
        %dma_start3A_73 = arith.constant 0 : i32
        %dma_start3A_74 = arith.constant 0 : i32
        %dma_start3A_75 = tpu.memref_slice %arg9[%dma_start3A_72, %dma_start3A_73, %dma_start3A_74] : memref<10x1x128xi32, #tpu.memory_space<vmem>> -> memref<1x1x128xi32, #tpu.memory_space<vmem>>
        %dma_start3A_76 = arith.constant 0 : i32
        %dma_start3A_77 = arith.constant 0 : i32
        %dma_start3A_78 = tpu.memref_slice %arg4[%add3A_18, %dma_start3A_76, %dma_start3A_77] : memref<12500x1x128xi32, #tpu.memory_space<hbm>> -> memref<1x1x128xi32, #tpu.memory_space<hbm>>
        tpu.enqueue_dma source(%dma_start3A_78 : memref<1x1x128xi32, #tpu.memory_space<hbm>>) target(%dma_start3A_75 : memref<1x1x128xi32, #tpu.memory_space<vmem>>) target_semaphore(%run_scoped3A : memref<!tpu.dma_semaphore, #tpu.memory_space<semaphore_mem>>)
        %dma_wait3A_79 = arith.constant 0 : i32
        %dma_wait3A_80 = arith.constant 0 : i32
        %dma_wait3A_81 = arith.constant 0 : i32
        %dma_wait3A_82 = tpu.memref_slice %arg9[%dma_wait3A_79, %dma_wait3A_80, %dma_wait3A_81] : memref<10x1x128xi32, #tpu.memory_space<vmem>> -> memref<1x1x128xi32, #tpu.memory_space<vmem>>
        %dma_wait3A_83 = arith.constant 0 : i32
        %dma_wait3A_84 = arith.constant 0 : i32
        %dma_wait3A_85 = tpu.memref_slice %arg4[%add3A_18, %dma_wait3A_83, %dma_wait3A_84] : memref<12500x1x128xi32, #tpu.memory_space<hbm>> -> memref<1x1x128xi32, #tpu.memory_space<hbm>>
        %dma_wait3A_86 = arith.constant 0 : i32
        %dma_wait3A_87 = arith.constant 0 : i32
        %dma_wait3A_88 = arith.constant 0 : i32
        %dma_wait3A_89 = tpu.memref_slice %arg9[%dma_wait3A_86, %dma_wait3A_87, %dma_wait3A_88] : memref<10x1x128xi32, #tpu.memory_space<vmem>> -> memref<1x1x128xi32, #tpu.memory_space<vmem>>
        %dma_wait3A_90 = arith.constant 0 : i32
        %dma_wait3A_91 = arith.constant 0 : i32
        %dma_wait3A_92 = tpu.memref_slice %arg4[%add3A_18, %dma_wait3A_90, %dma_wait3A_91] : memref<12500x1x128xi32, #tpu.memory_space<hbm>> -> memref<1x1x128xi32, #tpu.memory_space<hbm>>
        tpu.wait_dma2 semaphore(%run_scoped3A : memref<!tpu.dma_semaphore, #tpu.memory_space<semaphore_mem>>) src(%dma_wait3A_92 : memref<1x1x128xi32, #tpu.memory_space<hbm>>) dst(%dma_wait3A_89 : memref<1x1x128xi32, #tpu.memory_space<vmem>>)
        tpu.yield
      }) : () -> ()
      %dma_start3A = arith.constant 0 : i32
      %dma_start3A_19 = arith.constant 0 : i32
      %dma_start3A_20 = arith.constant 0 : i32
      %dma_start3A_21 = arith.constant 0 : i32
      %dma_start3A_22 = tpu.memref_slice %arg10[%dma_start3A_20, %dma_start3A_21] : memref<1280x16xf32, #tpu.memory_space<vmem>> -> memref<128x16xf32, #tpu.memory_space<vmem>>
      %dma_start3A_23 = arith.constant 0 : i32
      %dma_start3A_24 = tpu.memref_slice %arg9[%dma_start3A, %dma_start3A_19, %dma_start3A_23] : memref<10x1x128xi32, #tpu.memory_space<vmem>> -> memref<1x1x128xi32, #tpu.memory_space<vmem>>
      %dma_start3A_25 = tpu.memref_squeeze %dma_start3A_24 : memref<1x1x128xi32, #tpu.memory_space<vmem>> -> memref<128xi32, #tpu.memory_space<vmem>>
      %dma_start3A_26 = arith.constant 0 : i32
      %dma_start3A_27 = arith.constant 0 : i32
      %dma_start3A_28 = tpu.memref_slice %arg7[%dma_start3A_26, %dma_start3A_27] : memref<50000x16xf32, #tpu.memory_space<vmem_shared>> -> memref<50000x16xf32, #tpu.memory_space<vmem_shared>>
      tpu.enqueue_indirect_dma source(%dma_start3A_28 : memref<50000x16xf32, #tpu.memory_space<vmem_shared>>) target(%dma_start3A_22 : memref<128x16xf32, #tpu.memory_space<vmem>>) offsets(%dma_start3A_25 : memref<128xi32, #tpu.memory_space<vmem>>) semaphore(%arg12 : memref<!tpu.dma_semaphore, #tpu.memory_space<semaphore_mem>>)
      %dma_start3A_29 = arith.constant 0 : i32
      %dma_start3A_30 = arith.constant 0 : i32
      %dma_start3A_31 = arith.constant 0 : i32
      %dma_start3A_32 = arith.constant 0 : i32
      %dma_start3A_33 = tpu.memref_slice %arg11[%dma_start3A_31, %dma_start3A_32] : memref<1280x16xf32, #tpu.memory_space<vmem>> -> memref<128x16xf32, #tpu.memory_space<vmem>>
      %dma_start3A_34 = arith.constant 0 : i32
      %dma_start3A_35 = tpu.memref_slice %arg8[%dma_start3A_29, %dma_start3A_30, %dma_start3A_34] : memref<10x1x128xi32, #tpu.memory_space<vmem>> -> memref<1x1x128xi32, #tpu.memory_space<vmem>>
      %dma_start3A_36 = tpu.memref_squeeze %dma_start3A_35 : memref<1x1x128xi32, #tpu.memory_space<vmem>> -> memref<128xi32, #tpu.memory_space<vmem>>
      %dma_start3A_37 = arith.constant 0 : i32
      %dma_start3A_38 = arith.constant 0 : i32
      %dma_start3A_39 = tpu.memref_slice %arg7[%dma_start3A_37, %dma_start3A_38] : memref<50000x16xf32, #tpu.memory_space<vmem_shared>> -> memref<50000x16xf32, #tpu.memory_space<vmem_shared>>
      tpu.enqueue_indirect_dma source(%dma_start3A_39 : memref<50000x16xf32, #tpu.memory_space<vmem_shared>>) target(%dma_start3A_33 : memref<128x16xf32, #tpu.memory_space<vmem>>) offsets(%dma_start3A_36 : memref<128xi32, #tpu.memory_space<vmem>>) semaphore(%arg12 : memref<!tpu.dma_semaphore, #tpu.memory_space<semaphore_mem>>)
      %dma_wait3A = arith.constant 0 : i32
      %dma_wait3A_40 = arith.constant 0 : i32
      %dma_wait3A_41 = arith.constant 0 : i32
      %dma_wait3A_42 = arith.constant 0 : i32
      %dma_wait3A_43 = tpu.memref_slice %arg10[%dma_wait3A_41, %dma_wait3A_42] : memref<1280x16xf32, #tpu.memory_space<vmem>> -> memref<128x16xf32, #tpu.memory_space<vmem>>
      %dma_wait3A_44 = arith.constant 0 : i32
      %dma_wait3A_45 = tpu.memref_slice %arg9[%dma_wait3A, %dma_wait3A_40, %dma_wait3A_44] : memref<10x1x128xi32, #tpu.memory_space<vmem>> -> memref<1x1x128xi32, #tpu.memory_space<vmem>>
      %dma_wait3A_46 = tpu.memref_squeeze %dma_wait3A_45 : memref<1x1x128xi32, #tpu.memory_space<vmem>> -> memref<128xi32, #tpu.memory_space<vmem>>
      %dma_wait3A_47 = arith.constant 0 : i32
      %dma_wait3A_48 = arith.constant 0 : i32
      %dma_wait3A_49 = tpu.memref_slice %arg7[%dma_wait3A_47, %dma_wait3A_48] : memref<50000x16xf32, #tpu.memory_space<vmem_shared>> -> memref<50000x16xf32, #tpu.memory_space<vmem_shared>>
      tpu.wait_indirect_dma semaphore(%arg12 : memref<!tpu.dma_semaphore, #tpu.memory_space<semaphore_mem>>) src(%dma_wait3A_49 : memref<50000x16xf32, #tpu.memory_space<vmem_shared>>) dst(%dma_wait3A_43 : memref<128x16xf32, #tpu.memory_space<vmem>>)
      %dma_wait3A_50 = arith.constant 0 : i32
      %dma_wait3A_51 = arith.constant 0 : i32
      %dma_wait3A_52 = arith.constant 0 : i32
      %dma_wait3A_53 = arith.constant 0 : i32
      %dma_wait3A_54 = tpu.memref_slice %arg11[%dma_wait3A_52, %dma_wait3A_53] : memref<1280x16xf32, #tpu.memory_space<vmem>> -> memref<128x16xf32, #tpu.memory_space<vmem>>
      %dma_wait3A_55 = arith.constant 0 : i32
      %dma_wait3A_56 = tpu.memref_slice %arg8[%dma_wait3A_50, %dma_wait3A_51, %dma_wait3A_55] : memref<10x1x128xi32, #tpu.memory_space<vmem>> -> memref<1x1x128xi32, #tpu.memory_space<vmem>>
      %dma_wait3A_57 = tpu.memref_squeeze %dma_wait3A_56 : memref<1x1x128xi32, #tpu.memory_space<vmem>> -> memref<128xi32, #tpu.memory_space<vmem>>
      %dma_wait3A_58 = arith.constant 0 : i32
      %dma_wait3A_59 = arith.constant 0 : i32
      %dma_wait3A_60 = tpu.memref_slice %arg7[%dma_wait3A_58, %dma_wait3A_59] : memref<50000x16xf32, #tpu.memory_space<vmem_shared>> -> memref<50000x16xf32, #tpu.memory_space<vmem_shared>>
      tpu.wait_indirect_dma semaphore(%arg12 : memref<!tpu.dma_semaphore, #tpu.memory_space<semaphore_mem>>) src(%dma_wait3A_60 : memref<50000x16xf32, #tpu.memory_space<vmem_shared>>) dst(%dma_wait3A_54 : memref<128x16xf32, #tpu.memory_space<vmem>>)
      %mul3A_61 = arith.constant 128 : i32
      %mul3A_62 = arith.muli %add3A_18, %mul3A_61 : i32
      "tpu.region"() ({
        %run_scoped3A = tpu.sem_alloc : memref<!tpu.dma_semaphore, #tpu.memory_space<semaphore_mem>>
        %dma_start3A_65 = arith.constant 0 : i32
        %dma_start3A_66 = arith.constant 0 : i32
        %dma_start3A_67 = tpu.memref_slice %arg10[%dma_start3A_65, %dma_start3A_66] : memref<1280x16xf32, #tpu.memory_space<vmem>> -> memref<128x16xf32, #tpu.memory_space<vmem>>
        %dma_start3A_68 = arith.constant 0 : i32
        %dma_start3A_69 = tpu.memref_slice %arg5[%mul3A_62, %dma_start3A_68] : memref<1600000x16xf32, #tpu.memory_space<hbm>> -> memref<128x16xf32, #tpu.memory_space<hbm>>
        %dma_start3A_70 = arith.constant 0 : i32
        %dma_start3A_71 = tpu.memref_slice %arg5[%mul3A_62, %dma_start3A_70] : memref<1600000x16xf32, #tpu.memory_space<hbm>> -> memref<128x16xf32, #tpu.memory_space<hbm>>
        %dma_start3A_72 = arith.constant 0 : i32
        %dma_start3A_73 = arith.constant 0 : i32
        %dma_start3A_74 = tpu.memref_slice %arg10[%dma_start3A_72, %dma_start3A_73] : memref<1280x16xf32, #tpu.memory_space<vmem>> -> memref<128x16xf32, #tpu.memory_space<vmem>>
        tpu.enqueue_dma source(%dma_start3A_74 : memref<128x16xf32, #tpu.memory_space<vmem>>) target(%dma_start3A_71 : memref<128x16xf32, #tpu.memory_space<hbm>>) target_semaphore(%run_scoped3A : memref<!tpu.dma_semaphore, #tpu.memory_space<semaphore_mem>>)
        %dma_wait3A_75 = arith.constant 0 : i32
        %dma_wait3A_76 = arith.constant 0 : i32
        %dma_wait3A_77 = tpu.memref_slice %arg10[%dma_wait3A_75, %dma_wait3A_76] : memref<1280x16xf32, #tpu.memory_space<vmem>> -> memref<128x16xf32, #tpu.memory_space<vmem>>
        %dma_wait3A_78 = arith.constant 0 : i32
        %dma_wait3A_79 = tpu.memref_slice %arg5[%mul3A_62, %dma_wait3A_78] : memref<1600000x16xf32, #tpu.memory_space<hbm>> -> memref<128x16xf32, #tpu.memory_space<hbm>>
        %dma_wait3A_80 = arith.constant 0 : i32
        %dma_wait3A_81 = tpu.memref_slice %arg5[%mul3A_62, %dma_wait3A_80] : memref<1600000x16xf32, #tpu.memory_space<hbm>> -> memref<128x16xf32, #tpu.memory_space<hbm>>
        %dma_wait3A_82 = arith.constant 0 : i32
        %dma_wait3A_83 = arith.constant 0 : i32
        %dma_wait3A_84 = tpu.memref_slice %arg10[%dma_wait3A_82, %dma_wait3A_83] : memref<1280x16xf32, #tpu.memory_space<vmem>> -> memref<128x16xf32, #tpu.memory_space<vmem>>
        tpu.wait_dma2 semaphore(%run_scoped3A : memref<!tpu.dma_semaphore, #tpu.memory_space<semaphore_mem>>) src(%dma_wait3A_84 : memref<128x16xf32, #tpu.memory_space<vmem>>) dst(%dma_wait3A_81 : memref<128x16xf32, #tpu.memory_space<hbm>>)
        tpu.yield
      }) : () -> ()
      %mul3A_63 = arith.constant 128 : i32
      %mul3A_64 = arith.muli %add3A_18, %mul3A_63 : i32
      "tpu.region"() ({
        %run_scoped3A = tpu.sem_alloc : memref<!tpu.dma_semaphore, #tpu.memory_space<semaphore_mem>>
        %dma_start3A_65 = arith.constant 0 : i32
        %dma_start3A_66 = arith.constant 0 : i32
        %dma_start3A_67 = tpu.memref_slice %arg11[%dma_start3A_65, %dma_start3A_66] : memref<1280x16xf32, #tpu.memory_space<vmem>> -> memref<128x16xf32, #tpu.memory_space<vmem>>
        %dma_start3A_68 = arith.constant 0 : i32
        %dma_start3A_69 = tpu.memref_slice %arg6[%mul3A_64, %dma_start3A_68] : memref<1600000x16xf32, #tpu.memory_space<hbm>> -> memref<128x16xf32, #tpu.memory_space<hbm>>
        %dma_start3A_70 = arith.constant 0 : i32
        %dma_start3A_71 = tpu.memref_slice %arg6[%mul3A_64, %dma_start3A_70] : memref<1600000x16xf32, #tpu.memory_space<hbm>> -> memref<128x16xf32, #tpu.memory_space<hbm>>
        %dma_start3A_72 = arith.constant 0 : i32
        %dma_start3A_73 = arith.constant 0 : i32
        %dma_start3A_74 = tpu.memref_slice %arg11[%dma_start3A_72, %dma_start3A_73] : memref<1280x16xf32, #tpu.memory_space<vmem>> -> memref<128x16xf32, #tpu.memory_space<vmem>>
        tpu.enqueue_dma source(%dma_start3A_74 : memref<128x16xf32, #tpu.memory_space<vmem>>) target(%dma_start3A_71 : memref<128x16xf32, #tpu.memory_space<hbm>>) target_semaphore(%run_scoped3A : memref<!tpu.dma_semaphore, #tpu.memory_space<semaphore_mem>>)
        %dma_wait3A_75 = arith.constant 0 : i32
        %dma_wait3A_76 = arith.constant 0 : i32
        %dma_wait3A_77 = tpu.memref_slice %arg11[%dma_wait3A_75, %dma_wait3A_76] : memref<1280x16xf32, #tpu.memory_space<vmem>> -> memref<128x16xf32, #tpu.memory_space<vmem>>
        %dma_wait3A_78 = arith.constant 0 : i32
        %dma_wait3A_79 = tpu.memref_slice %arg6[%mul3A_64, %dma_wait3A_78] : memref<1600000x16xf32, #tpu.memory_space<hbm>> -> memref<128x16xf32, #tpu.memory_space<hbm>>
        %dma_wait3A_80 = arith.constant 0 : i32
        %dma_wait3A_81 = tpu.memref_slice %arg6[%mul3A_64, %dma_wait3A_80] : memref<1600000x16xf32, #tpu.memory_space<hbm>> -> memref<128x16xf32, #tpu.memory_space<hbm>>
        %dma_wait3A_82 = arith.constant 0 : i32
        %dma_wait3A_83 = arith.constant 0 : i32
        %dma_wait3A_84 = tpu.memref_slice %arg11[%dma_wait3A_82, %dma_wait3A_83] : memref<1280x16xf32, #tpu.memory_space<vmem>> -> memref<128x16xf32, #tpu.memory_space<vmem>>
        tpu.wait_dma2 semaphore(%run_scoped3A : memref<!tpu.dma_semaphore, #tpu.memory_space<semaphore_mem>>) src(%dma_wait3A_84 : memref<128x16xf32, #tpu.memory_space<vmem>>) dst(%dma_wait3A_81 : memref<128x16xf32, #tpu.memory_space<hbm>>)
        tpu.yield
      }) : () -> ()
    } else {
    }
    return
  }
}

#map = affine_map<(d0, d1) -> (0, 0)>
#map1 = affine_map<(d0, d1) -> (0, 0, 0)>
module attributes {stable_mosaic.version = 14 : i64} {
  func.func @body(%arg0: i32, %arg1: i32, %arg2: memref<1600000x16xf32, #tpu.memory_space<hbm>>, %arg3: memref<12500x1x128xi32, #tpu.memory_space<hbm>>, %arg4: memref<50000x16xf32, #tpu.memory_space<hbm>>, %arg5: memref<2x50000x16xf32, #tpu.memory_space<hbm>>, %arg6: memref<50000x16xf32, #tpu.memory_space<vmem_shared>>, %arg7: memref<10x1x128xi32, #tpu.memory_space<vmem>>, %arg8: memref<1280x16xf32, #tpu.memory_space<vmem>>, %arg9: memref<!tpu.dma_semaphore, #tpu.memory_space<semaphore_mem>>) attributes {dimension_semantics = [#tpu.dimension_semantics<core_parallel>, #tpu.dimension_semantics<subcore_parallel>], iteration_bounds = array<i64: 2, 16>, scalar_prefetch = 0 : i64, scratch_operands = 4 : i64, tpu.core_type = #tpu.core_type<sc_vector_subcore>, window_params = [{transform_indices = #map}, {transform_indices = #map1}, {transform_indices = #map}, {transform_indices = #map1}]} {
    %mul3A = arith.constant 2 : i32
    %mul3A_0 = arith.muli %arg1, %mul3A : i32
    %add3A = arith.addi %mul3A_0, %arg0 : i32
    %lt3A = arith.constant 15 : i32
    %lt3A_1 = arith.cmpi slt, %arg1, %lt3A : i32
    %convert_element_type3A = arith.extui %lt3A_1 : i1 to i32
    %cond3A = arith.constant 0 : i32
    %cond3A_2 = arith.cmpi ne, %convert_element_type3A, %cond3A : i32
    scf.if %cond3A_2 {
      %mul3A_28 = arith.constant 3128 : i32
      %mul3A_29 = arith.muli %arg1, %mul3A_28 : i32
      %mul3A_30 = arith.constant 3128 : i32
      %mul3A_31 = arith.muli %arg1, %mul3A_30 : i32
      "tpu.region"() ({
        %run_scoped3A = tpu.sem_alloc : memref<!tpu.dma_semaphore, #tpu.memory_space<semaphore_mem>>
        %dma_start3A = arith.constant 0 : i32
        %dma_start3A_32 = tpu.memref_slice %arg6[%mul3A_31, %dma_start3A] : memref<50000x16xf32, #tpu.memory_space<vmem_shared>> -> memref<3128x16xf32, #tpu.memory_space<vmem_shared>>
        %dma_start3A_33 = arith.constant 0 : i32
        %dma_start3A_34 = tpu.memref_slice %arg4[%mul3A_29, %dma_start3A_33] : memref<50000x16xf32, #tpu.memory_space<hbm>> -> memref<3128x16xf32, #tpu.memory_space<hbm>>
        tpu.enqueue_dma source(%dma_start3A_34 : memref<3128x16xf32, #tpu.memory_space<hbm>>) target(%dma_start3A_32 : memref<3128x16xf32, #tpu.memory_space<vmem_shared>>) target_semaphore(%run_scoped3A : memref<!tpu.dma_semaphore, #tpu.memory_space<semaphore_mem>>)
        %dma_wait3A = arith.constant 0 : i32
        %dma_wait3A_35 = tpu.memref_slice %arg6[%mul3A_31, %dma_wait3A] : memref<50000x16xf32, #tpu.memory_space<vmem_shared>> -> memref<3128x16xf32, #tpu.memory_space<vmem_shared>>
        %dma_wait3A_36 = arith.constant 0 : i32
        %dma_wait3A_37 = tpu.memref_slice %arg4[%mul3A_29, %dma_wait3A_36] : memref<50000x16xf32, #tpu.memory_space<hbm>> -> memref<3128x16xf32, #tpu.memory_space<hbm>>
        tpu.wait_dma2 semaphore(%run_scoped3A : memref<!tpu.dma_semaphore, #tpu.memory_space<semaphore_mem>>) src(%dma_wait3A_37 : memref<3128x16xf32, #tpu.memory_space<hbm>>) dst(%dma_wait3A_35 : memref<3128x16xf32, #tpu.memory_space<vmem_shared>>)
        tpu.yield
      }) : () -> ()
    } else {
    }
    %eq3A = arith.constant 15 : i32
    %eq3A_3 = arith.cmpi eq, %arg1, %eq3A : i32
    %convert_element_type3A_4 = arith.extui %eq3A_3 : i1 to i32
    %cond3A_5 = arith.constant 0 : i32
    %cond3A_6 = arith.cmpi ne, %convert_element_type3A_4, %cond3A_5 : i32
    scf.if %cond3A_6 {
      "tpu.region"() ({
        %run_scoped3A = tpu.sem_alloc : memref<!tpu.dma_semaphore, #tpu.memory_space<semaphore_mem>>
        %dma_start3A = arith.constant 46920 : i32
        %dma_start3A_28 = arith.constant 0 : i32
        %dma_start3A_29 = tpu.memref_slice %arg6[%dma_start3A, %dma_start3A_28] : memref<50000x16xf32, #tpu.memory_space<vmem_shared>> -> memref<3080x16xf32, #tpu.memory_space<vmem_shared>>
        %dma_start3A_30 = arith.constant 46920 : i32
        %dma_start3A_31 = arith.constant 0 : i32
        %dma_start3A_32 = tpu.memref_slice %arg4[%dma_start3A_30, %dma_start3A_31] : memref<50000x16xf32, #tpu.memory_space<hbm>> -> memref<3080x16xf32, #tpu.memory_space<hbm>>
        tpu.enqueue_dma source(%dma_start3A_32 : memref<3080x16xf32, #tpu.memory_space<hbm>>) target(%dma_start3A_29 : memref<3080x16xf32, #tpu.memory_space<vmem_shared>>) target_semaphore(%run_scoped3A : memref<!tpu.dma_semaphore, #tpu.memory_space<semaphore_mem>>)
        %dma_wait3A = arith.constant 46920 : i32
        %dma_wait3A_33 = arith.constant 0 : i32
        %dma_wait3A_34 = tpu.memref_slice %arg6[%dma_wait3A, %dma_wait3A_33] : memref<50000x16xf32, #tpu.memory_space<vmem_shared>> -> memref<3080x16xf32, #tpu.memory_space<vmem_shared>>
        %dma_wait3A_35 = arith.constant 46920 : i32
        %dma_wait3A_36 = arith.constant 0 : i32
        %dma_wait3A_37 = tpu.memref_slice %arg4[%dma_wait3A_35, %dma_wait3A_36] : memref<50000x16xf32, #tpu.memory_space<hbm>> -> memref<3080x16xf32, #tpu.memory_space<hbm>>
        tpu.wait_dma2 semaphore(%run_scoped3A : memref<!tpu.dma_semaphore, #tpu.memory_space<semaphore_mem>>) src(%dma_wait3A_37 : memref<3080x16xf32, #tpu.memory_space<hbm>>) dst(%dma_wait3A_34 : memref<3080x16xf32, #tpu.memory_space<vmem_shared>>)
        tpu.yield
      }) : () -> ()
    } else {
    }
    %barrier3A = arith.constant 0 : index
    tpu.barrier barrier_id(%barrier3A)
    %scan3A = arith.constant 0 : i32
    %scan3A_7 = arith.constant 0 : i32
    %scan3A_8 = arith.constant 39 : i32
    %scan3A_9 = arith.addi %scan3A_7, %scan3A_8 : i32
    %scan3A_10 = arith.constant 1 : i32
    scf.for %scan3A_28 = %scan3A_7 to %scan3A_9 step %scan3A_10  : i32 {
      %mul3A_29 = arith.constant 390 : i32
      %mul3A_30 = arith.muli %add3A, %mul3A_29 : i32
      %mul3A_31 = arith.constant 10 : i32
      %mul3A_32 = arith.muli %scan3A_28, %mul3A_31 : i32
      %add3A_33 = arith.addi %mul3A_30, %mul3A_32 : i32
      "tpu.region"() ({
        %run_scoped3A_55 = tpu.sem_alloc : memref<!tpu.dma_semaphore, #tpu.memory_space<semaphore_mem>>
        %dma_start3A = arith.constant 0 : i32
        %dma_start3A_56 = arith.constant 0 : i32
        %dma_start3A_57 = arith.constant 0 : i32
        %dma_start3A_58 = tpu.memref_slice %arg7[%dma_start3A, %dma_start3A_56, %dma_start3A_57] : memref<10x1x128xi32, #tpu.memory_space<vmem>> -> memref<10x1x128xi32, #tpu.memory_space<vmem>>
        %dma_start3A_59 = arith.constant 0 : i32
        %dma_start3A_60 = arith.constant 0 : i32
        %dma_start3A_61 = tpu.memref_slice %arg3[%add3A_33, %dma_start3A_59, %dma_start3A_60] : memref<12500x1x128xi32, #tpu.memory_space<hbm>> -> memref<10x1x128xi32, #tpu.memory_space<hbm>>
        %dma_start3A_62 = arith.constant 0 : i32
        %dma_start3A_63 = arith.constant 0 : i32
        %dma_start3A_64 = arith.constant 0 : i32
        %dma_start3A_65 = tpu.memref_slice %arg7[%dma_start3A_62, %dma_start3A_63, %dma_start3A_64] : memref<10x1x128xi32, #tpu.memory_space<vmem>> -> memref<10x1x128xi32, #tpu.memory_space<vmem>>
        %dma_start3A_66 = arith.constant 0 : i32
        %dma_start3A_67 = arith.constant 0 : i32
        %dma_start3A_68 = tpu.memref_slice %arg3[%add3A_33, %dma_start3A_66, %dma_start3A_67] : memref<12500x1x128xi32, #tpu.memory_space<hbm>> -> memref<10x1x128xi32, #tpu.memory_space<hbm>>
        tpu.enqueue_dma source(%dma_start3A_68 : memref<10x1x128xi32, #tpu.memory_space<hbm>>) target(%dma_start3A_65 : memref<10x1x128xi32, #tpu.memory_space<vmem>>) target_semaphore(%run_scoped3A_55 : memref<!tpu.dma_semaphore, #tpu.memory_space<semaphore_mem>>)
        %dma_wait3A = arith.constant 0 : i32
        %dma_wait3A_69 = arith.constant 0 : i32
        %dma_wait3A_70 = arith.constant 0 : i32
        %dma_wait3A_71 = tpu.memref_slice %arg7[%dma_wait3A, %dma_wait3A_69, %dma_wait3A_70] : memref<10x1x128xi32, #tpu.memory_space<vmem>> -> memref<10x1x128xi32, #tpu.memory_space<vmem>>
        %dma_wait3A_72 = arith.constant 0 : i32
        %dma_wait3A_73 = arith.constant 0 : i32
        %dma_wait3A_74 = tpu.memref_slice %arg3[%add3A_33, %dma_wait3A_72, %dma_wait3A_73] : memref<12500x1x128xi32, #tpu.memory_space<hbm>> -> memref<10x1x128xi32, #tpu.memory_space<hbm>>
        %dma_wait3A_75 = arith.constant 0 : i32
        %dma_wait3A_76 = arith.constant 0 : i32
        %dma_wait3A_77 = arith.constant 0 : i32
        %dma_wait3A_78 = tpu.memref_slice %arg7[%dma_wait3A_75, %dma_wait3A_76, %dma_wait3A_77] : memref<10x1x128xi32, #tpu.memory_space<vmem>> -> memref<10x1x128xi32, #tpu.memory_space<vmem>>
        %dma_wait3A_79 = arith.constant 0 : i32
        %dma_wait3A_80 = arith.constant 0 : i32
        %dma_wait3A_81 = tpu.memref_slice %arg3[%add3A_33, %dma_wait3A_79, %dma_wait3A_80] : memref<12500x1x128xi32, #tpu.memory_space<hbm>> -> memref<10x1x128xi32, #tpu.memory_space<hbm>>
        tpu.wait_dma2 semaphore(%run_scoped3A_55 : memref<!tpu.dma_semaphore, #tpu.memory_space<semaphore_mem>>) src(%dma_wait3A_81 : memref<10x1x128xi32, #tpu.memory_space<hbm>>) dst(%dma_wait3A_78 : memref<10x1x128xi32, #tpu.memory_space<vmem>>)
        tpu.yield
      }) : () -> ()
      %mul3A_34 = arith.constant 128 : i32
      %mul3A_35 = arith.muli %add3A_33, %mul3A_34 : i32
      "tpu.region"() ({
        %run_scoped3A_55 = tpu.sem_alloc : memref<!tpu.dma_semaphore, #tpu.memory_space<semaphore_mem>>
        %dma_start3A = arith.constant 0 : i32
        %dma_start3A_56 = arith.constant 0 : i32
        %dma_start3A_57 = tpu.memref_slice %arg8[%dma_start3A, %dma_start3A_56] : memref<1280x16xf32, #tpu.memory_space<vmem>> -> memref<1280x16xf32, #tpu.memory_space<vmem>>
        %dma_start3A_58 = arith.constant 0 : i32
        %dma_start3A_59 = tpu.memref_slice %arg2[%mul3A_35, %dma_start3A_58] : memref<1600000x16xf32, #tpu.memory_space<hbm>> -> memref<1280x16xf32, #tpu.memory_space<hbm>>
        %dma_start3A_60 = arith.constant 0 : i32
        %dma_start3A_61 = arith.constant 0 : i32
        %dma_start3A_62 = tpu.memref_slice %arg8[%dma_start3A_60, %dma_start3A_61] : memref<1280x16xf32, #tpu.memory_space<vmem>> -> memref<1280x16xf32, #tpu.memory_space<vmem>>
        %dma_start3A_63 = arith.constant 0 : i32
        %dma_start3A_64 = tpu.memref_slice %arg2[%mul3A_35, %dma_start3A_63] : memref<1600000x16xf32, #tpu.memory_space<hbm>> -> memref<1280x16xf32, #tpu.memory_space<hbm>>
        tpu.enqueue_dma source(%dma_start3A_64 : memref<1280x16xf32, #tpu.memory_space<hbm>>) target(%dma_start3A_62 : memref<1280x16xf32, #tpu.memory_space<vmem>>) target_semaphore(%run_scoped3A_55 : memref<!tpu.dma_semaphore, #tpu.memory_space<semaphore_mem>>)
        %dma_wait3A = arith.constant 0 : i32
        %dma_wait3A_65 = arith.constant 0 : i32
        %dma_wait3A_66 = tpu.memref_slice %arg8[%dma_wait3A, %dma_wait3A_65] : memref<1280x16xf32, #tpu.memory_space<vmem>> -> memref<1280x16xf32, #tpu.memory_space<vmem>>
        %dma_wait3A_67 = arith.constant 0 : i32
        %dma_wait3A_68 = tpu.memref_slice %arg2[%mul3A_35, %dma_wait3A_67] : memref<1600000x16xf32, #tpu.memory_space<hbm>> -> memref<1280x16xf32, #tpu.memory_space<hbm>>
        %dma_wait3A_69 = arith.constant 0 : i32
        %dma_wait3A_70 = arith.constant 0 : i32
        %dma_wait3A_71 = tpu.memref_slice %arg8[%dma_wait3A_69, %dma_wait3A_70] : memref<1280x16xf32, #tpu.memory_space<vmem>> -> memref<1280x16xf32, #tpu.memory_space<vmem>>
        %dma_wait3A_72 = arith.constant 0 : i32
        %dma_wait3A_73 = tpu.memref_slice %arg2[%mul3A_35, %dma_wait3A_72] : memref<1600000x16xf32, #tpu.memory_space<hbm>> -> memref<1280x16xf32, #tpu.memory_space<hbm>>
        tpu.wait_dma2 semaphore(%run_scoped3A_55 : memref<!tpu.dma_semaphore, #tpu.memory_space<semaphore_mem>>) src(%dma_wait3A_73 : memref<1280x16xf32, #tpu.memory_space<hbm>>) dst(%dma_wait3A_71 : memref<1280x16xf32, #tpu.memory_space<vmem>>)
        tpu.yield
      }) : () -> ()
      %run_scoped3A = arith.constant 0 : i32
      %run_scoped3A_36 = arith.constant 0 : i32
      "tpu.region"() ({
        %run_scoped3A_55 = tpu.sem_alloc : memref<!tpu.dma_semaphore, #tpu.memory_space<semaphore_mem>>
        %dma_start3A = arith.constant 0 : i32
        %dma_start3A_56 = arith.constant 0 : i32
        %dma_start3A_57 = tpu.memref_slice %arg8[%dma_start3A, %dma_start3A_56] : memref<1280x16xf32, #tpu.memory_space<vmem>> -> memref<128x16xf32, #tpu.memory_space<vmem>>
        %dma_start3A_58 = arith.constant 0 : i32
        %dma_start3A_59 = tpu.memref_slice %arg7[%run_scoped3A, %run_scoped3A_36, %dma_start3A_58] : memref<10x1x128xi32, #tpu.memory_space<vmem>> -> memref<1x1x128xi32, #tpu.memory_space<vmem>>
        %dma_start3A_60 = tpu.memref_squeeze %dma_start3A_59 : memref<1x1x128xi32, #tpu.memory_space<vmem>> -> memref<128xi32, #tpu.memory_space<vmem>>
        %dma_start3A_61 = arith.constant 0 : i32
        %dma_start3A_62 = arith.constant 0 : i32
        %dma_start3A_63 = tpu.memref_slice %arg6[%dma_start3A_61, %dma_start3A_62] : memref<50000x16xf32, #tpu.memory_space<vmem_shared>> -> memref<50000x16xf32, #tpu.memory_space<vmem_shared>>
        tpu.enqueue_indirect_dma source(%dma_start3A_57 : memref<128x16xf32, #tpu.memory_space<vmem>>) target(%dma_start3A_63 : memref<50000x16xf32, #tpu.memory_space<vmem_shared>>) offsets(%dma_start3A_60 : memref<128xi32, #tpu.memory_space<vmem>>) semaphore(%run_scoped3A_55 : memref<!tpu.dma_semaphore, #tpu.memory_space<semaphore_mem>>) {add = true}
        %dma_wait3A = arith.constant 0 : i32
        %dma_wait3A_64 = arith.constant 0 : i32
        %dma_wait3A_65 = tpu.memref_slice %arg8[%dma_wait3A, %dma_wait3A_64] : memref<1280x16xf32, #tpu.memory_space<vmem>> -> memref<128x16xf32, #tpu.memory_space<vmem>>
        %dma_wait3A_66 = arith.constant 0 : i32
        %dma_wait3A_67 = tpu.memref_slice %arg7[%run_scoped3A, %run_scoped3A_36, %dma_wait3A_66] : memref<10x1x128xi32, #tpu.memory_space<vmem>> -> memref<1x1x128xi32, #tpu.memory_space<vmem>>
        %dma_wait3A_68 = tpu.memref_squeeze %dma_wait3A_67 : memref<1x1x128xi32, #tpu.memory_space<vmem>> -> memref<128xi32, #tpu.memory_space<vmem>>
        %dma_wait3A_69 = arith.constant 0 : i32
        %dma_wait3A_70 = arith.constant 0 : i32
        %dma_wait3A_71 = tpu.memref_slice %arg6[%dma_wait3A_69, %dma_wait3A_70] : memref<50000x16xf32, #tpu.memory_space<vmem_shared>> -> memref<50000x16xf32, #tpu.memory_space<vmem_shared>>
        tpu.wait_indirect_dma semaphore(%run_scoped3A_55 : memref<!tpu.dma_semaphore, #tpu.memory_space<semaphore_mem>>) src(%dma_wait3A_65 : memref<128x16xf32, #tpu.memory_space<vmem>>) dst(%dma_wait3A_71 : memref<50000x16xf32, #tpu.memory_space<vmem_shared>>)
        tpu.yield
      }) : () -> ()
      %run_scoped3A_37 = arith.constant 1 : i32
      %run_scoped3A_38 = arith.constant 0 : i32
      "tpu.region"() ({
        %run_scoped3A_55 = tpu.sem_alloc : memref<!tpu.dma_semaphore, #tpu.memory_space<semaphore_mem>>
        %dma_start3A = arith.constant 128 : i32
        %dma_start3A_56 = arith.constant 0 : i32
        %dma_start3A_57 = tpu.memref_slice %arg8[%dma_start3A, %dma_start3A_56] : memref<1280x16xf32, #tpu.memory_space<vmem>> -> memref<128x16xf32, #tpu.memory_space<vmem>>
        %dma_start3A_58 = arith.constant 0 : i32
        %dma_start3A_59 = tpu.memref_slice %arg7[%run_scoped3A_37, %run_scoped3A_38, %dma_start3A_58] : memref<10x1x128xi32, #tpu.memory_space<vmem>> -> memref<1x1x128xi32, #tpu.memory_space<vmem>>
        %dma_start3A_60 = tpu.memref_squeeze %dma_start3A_59 : memref<1x1x128xi32, #tpu.memory_space<vmem>> -> memref<128xi32, #tpu.memory_space<vmem>>
        %dma_start3A_61 = arith.constant 0 : i32
        %dma_start3A_62 = arith.constant 0 : i32
        %dma_start3A_63 = tpu.memref_slice %arg6[%dma_start3A_61, %dma_start3A_62] : memref<50000x16xf32, #tpu.memory_space<vmem_shared>> -> memref<50000x16xf32, #tpu.memory_space<vmem_shared>>
        tpu.enqueue_indirect_dma source(%dma_start3A_57 : memref<128x16xf32, #tpu.memory_space<vmem>>) target(%dma_start3A_63 : memref<50000x16xf32, #tpu.memory_space<vmem_shared>>) offsets(%dma_start3A_60 : memref<128xi32, #tpu.memory_space<vmem>>) semaphore(%run_scoped3A_55 : memref<!tpu.dma_semaphore, #tpu.memory_space<semaphore_mem>>) {add = true}
        %dma_wait3A = arith.constant 128 : i32
        %dma_wait3A_64 = arith.constant 0 : i32
        %dma_wait3A_65 = tpu.memref_slice %arg8[%dma_wait3A, %dma_wait3A_64] : memref<1280x16xf32, #tpu.memory_space<vmem>> -> memref<128x16xf32, #tpu.memory_space<vmem>>
        %dma_wait3A_66 = arith.constant 0 : i32
        %dma_wait3A_67 = tpu.memref_slice %arg7[%run_scoped3A_37, %run_scoped3A_38, %dma_wait3A_66] : memref<10x1x128xi32, #tpu.memory_space<vmem>> -> memref<1x1x128xi32, #tpu.memory_space<vmem>>
        %dma_wait3A_68 = tpu.memref_squeeze %dma_wait3A_67 : memref<1x1x128xi32, #tpu.memory_space<vmem>> -> memref<128xi32, #tpu.memory_space<vmem>>
        %dma_wait3A_69 = arith.constant 0 : i32
        %dma_wait3A_70 = arith.constant 0 : i32
        %dma_wait3A_71 = tpu.memref_slice %arg6[%dma_wait3A_69, %dma_wait3A_70] : memref<50000x16xf32, #tpu.memory_space<vmem_shared>> -> memref<50000x16xf32, #tpu.memory_space<vmem_shared>>
        tpu.wait_indirect_dma semaphore(%run_scoped3A_55 : memref<!tpu.dma_semaphore, #tpu.memory_space<semaphore_mem>>) src(%dma_wait3A_65 : memref<128x16xf32, #tpu.memory_space<vmem>>) dst(%dma_wait3A_71 : memref<50000x16xf32, #tpu.memory_space<vmem_shared>>)
        tpu.yield
      }) : () -> ()
      %run_scoped3A_39 = arith.constant 2 : i32
      %run_scoped3A_40 = arith.constant 0 : i32
      "tpu.region"() ({
        %run_scoped3A_55 = tpu.sem_alloc : memref<!tpu.dma_semaphore, #tpu.memory_space<semaphore_mem>>
        %dma_start3A = arith.constant 256 : i32
        %dma_start3A_56 = arith.constant 0 : i32
        %dma_start3A_57 = tpu.memref_slice %arg8[%dma_start3A, %dma_start3A_56] : memref<1280x16xf32, #tpu.memory_space<vmem>> -> memref<128x16xf32, #tpu.memory_space<vmem>>
        %dma_start3A_58 = arith.constant 0 : i32
        %dma_start3A_59 = tpu.memref_slice %arg7[%run_scoped3A_39, %run_scoped3A_40, %dma_start3A_58] : memref<10x1x128xi32, #tpu.memory_space<vmem>> -> memref<1x1x128xi32, #tpu.memory_space<vmem>>
        %dma_start3A_60 = tpu.memref_squeeze %dma_start3A_59 : memref<1x1x128xi32, #tpu.memory_space<vmem>> -> memref<128xi32, #tpu.memory_space<vmem>>
        %dma_start3A_61 = arith.constant 0 : i32
        %dma_start3A_62 = arith.constant 0 : i32
        %dma_start3A_63 = tpu.memref_slice %arg6[%dma_start3A_61, %dma_start3A_62] : memref<50000x16xf32, #tpu.memory_space<vmem_shared>> -> memref<50000x16xf32, #tpu.memory_space<vmem_shared>>
        tpu.enqueue_indirect_dma source(%dma_start3A_57 : memref<128x16xf32, #tpu.memory_space<vmem>>) target(%dma_start3A_63 : memref<50000x16xf32, #tpu.memory_space<vmem_shared>>) offsets(%dma_start3A_60 : memref<128xi32, #tpu.memory_space<vmem>>) semaphore(%run_scoped3A_55 : memref<!tpu.dma_semaphore, #tpu.memory_space<semaphore_mem>>) {add = true}
        %dma_wait3A = arith.constant 256 : i32
        %dma_wait3A_64 = arith.constant 0 : i32
        %dma_wait3A_65 = tpu.memref_slice %arg8[%dma_wait3A, %dma_wait3A_64] : memref<1280x16xf32, #tpu.memory_space<vmem>> -> memref<128x16xf32, #tpu.memory_space<vmem>>
        %dma_wait3A_66 = arith.constant 0 : i32
        %dma_wait3A_67 = tpu.memref_slice %arg7[%run_scoped3A_39, %run_scoped3A_40, %dma_wait3A_66] : memref<10x1x128xi32, #tpu.memory_space<vmem>> -> memref<1x1x128xi32, #tpu.memory_space<vmem>>
        %dma_wait3A_68 = tpu.memref_squeeze %dma_wait3A_67 : memref<1x1x128xi32, #tpu.memory_space<vmem>> -> memref<128xi32, #tpu.memory_space<vmem>>
        %dma_wait3A_69 = arith.constant 0 : i32
        %dma_wait3A_70 = arith.constant 0 : i32
        %dma_wait3A_71 = tpu.memref_slice %arg6[%dma_wait3A_69, %dma_wait3A_70] : memref<50000x16xf32, #tpu.memory_space<vmem_shared>> -> memref<50000x16xf32, #tpu.memory_space<vmem_shared>>
        tpu.wait_indirect_dma semaphore(%run_scoped3A_55 : memref<!tpu.dma_semaphore, #tpu.memory_space<semaphore_mem>>) src(%dma_wait3A_65 : memref<128x16xf32, #tpu.memory_space<vmem>>) dst(%dma_wait3A_71 : memref<50000x16xf32, #tpu.memory_space<vmem_shared>>)
        tpu.yield
      }) : () -> ()
      %run_scoped3A_41 = arith.constant 3 : i32
      %run_scoped3A_42 = arith.constant 0 : i32
      "tpu.region"() ({
        %run_scoped3A_55 = tpu.sem_alloc : memref<!tpu.dma_semaphore, #tpu.memory_space<semaphore_mem>>
        %dma_start3A = arith.constant 384 : i32
        %dma_start3A_56 = arith.constant 0 : i32
        %dma_start3A_57 = tpu.memref_slice %arg8[%dma_start3A, %dma_start3A_56] : memref<1280x16xf32, #tpu.memory_space<vmem>> -> memref<128x16xf32, #tpu.memory_space<vmem>>
        %dma_start3A_58 = arith.constant 0 : i32
        %dma_start3A_59 = tpu.memref_slice %arg7[%run_scoped3A_41, %run_scoped3A_42, %dma_start3A_58] : memref<10x1x128xi32, #tpu.memory_space<vmem>> -> memref<1x1x128xi32, #tpu.memory_space<vmem>>
        %dma_start3A_60 = tpu.memref_squeeze %dma_start3A_59 : memref<1x1x128xi32, #tpu.memory_space<vmem>> -> memref<128xi32, #tpu.memory_space<vmem>>
        %dma_start3A_61 = arith.constant 0 : i32
        %dma_start3A_62 = arith.constant 0 : i32
        %dma_start3A_63 = tpu.memref_slice %arg6[%dma_start3A_61, %dma_start3A_62] : memref<50000x16xf32, #tpu.memory_space<vmem_shared>> -> memref<50000x16xf32, #tpu.memory_space<vmem_shared>>
        tpu.enqueue_indirect_dma source(%dma_start3A_57 : memref<128x16xf32, #tpu.memory_space<vmem>>) target(%dma_start3A_63 : memref<50000x16xf32, #tpu.memory_space<vmem_shared>>) offsets(%dma_start3A_60 : memref<128xi32, #tpu.memory_space<vmem>>) semaphore(%run_scoped3A_55 : memref<!tpu.dma_semaphore, #tpu.memory_space<semaphore_mem>>) {add = true}
        %dma_wait3A = arith.constant 384 : i32
        %dma_wait3A_64 = arith.constant 0 : i32
        %dma_wait3A_65 = tpu.memref_slice %arg8[%dma_wait3A, %dma_wait3A_64] : memref<1280x16xf32, #tpu.memory_space<vmem>> -> memref<128x16xf32, #tpu.memory_space<vmem>>
        %dma_wait3A_66 = arith.constant 0 : i32
        %dma_wait3A_67 = tpu.memref_slice %arg7[%run_scoped3A_41, %run_scoped3A_42, %dma_wait3A_66] : memref<10x1x128xi32, #tpu.memory_space<vmem>> -> memref<1x1x128xi32, #tpu.memory_space<vmem>>
        %dma_wait3A_68 = tpu.memref_squeeze %dma_wait3A_67 : memref<1x1x128xi32, #tpu.memory_space<vmem>> -> memref<128xi32, #tpu.memory_space<vmem>>
        %dma_wait3A_69 = arith.constant 0 : i32
        %dma_wait3A_70 = arith.constant 0 : i32
        %dma_wait3A_71 = tpu.memref_slice %arg6[%dma_wait3A_69, %dma_wait3A_70] : memref<50000x16xf32, #tpu.memory_space<vmem_shared>> -> memref<50000x16xf32, #tpu.memory_space<vmem_shared>>
        tpu.wait_indirect_dma semaphore(%run_scoped3A_55 : memref<!tpu.dma_semaphore, #tpu.memory_space<semaphore_mem>>) src(%dma_wait3A_65 : memref<128x16xf32, #tpu.memory_space<vmem>>) dst(%dma_wait3A_71 : memref<50000x16xf32, #tpu.memory_space<vmem_shared>>)
        tpu.yield
      }) : () -> ()
      %run_scoped3A_43 = arith.constant 4 : i32
      %run_scoped3A_44 = arith.constant 0 : i32
      "tpu.region"() ({
        %run_scoped3A_55 = tpu.sem_alloc : memref<!tpu.dma_semaphore, #tpu.memory_space<semaphore_mem>>
        %dma_start3A = arith.constant 512 : i32
        %dma_start3A_56 = arith.constant 0 : i32
        %dma_start3A_57 = tpu.memref_slice %arg8[%dma_start3A, %dma_start3A_56] : memref<1280x16xf32, #tpu.memory_space<vmem>> -> memref<128x16xf32, #tpu.memory_space<vmem>>
        %dma_start3A_58 = arith.constant 0 : i32
        %dma_start3A_59 = tpu.memref_slice %arg7[%run_scoped3A_43, %run_scoped3A_44, %dma_start3A_58] : memref<10x1x128xi32, #tpu.memory_space<vmem>> -> memref<1x1x128xi32, #tpu.memory_space<vmem>>
        %dma_start3A_60 = tpu.memref_squeeze %dma_start3A_59 : memref<1x1x128xi32, #tpu.memory_space<vmem>> -> memref<128xi32, #tpu.memory_space<vmem>>
        %dma_start3A_61 = arith.constant 0 : i32
        %dma_start3A_62 = arith.constant 0 : i32
        %dma_start3A_63 = tpu.memref_slice %arg6[%dma_start3A_61, %dma_start3A_62] : memref<50000x16xf32, #tpu.memory_space<vmem_shared>> -> memref<50000x16xf32, #tpu.memory_space<vmem_shared>>
        tpu.enqueue_indirect_dma source(%dma_start3A_57 : memref<128x16xf32, #tpu.memory_space<vmem>>) target(%dma_start3A_63 : memref<50000x16xf32, #tpu.memory_space<vmem_shared>>) offsets(%dma_start3A_60 : memref<128xi32, #tpu.memory_space<vmem>>) semaphore(%run_scoped3A_55 : memref<!tpu.dma_semaphore, #tpu.memory_space<semaphore_mem>>) {add = true}
        %dma_wait3A = arith.constant 512 : i32
        %dma_wait3A_64 = arith.constant 0 : i32
        %dma_wait3A_65 = tpu.memref_slice %arg8[%dma_wait3A, %dma_wait3A_64] : memref<1280x16xf32, #tpu.memory_space<vmem>> -> memref<128x16xf32, #tpu.memory_space<vmem>>
        %dma_wait3A_66 = arith.constant 0 : i32
        %dma_wait3A_67 = tpu.memref_slice %arg7[%run_scoped3A_43, %run_scoped3A_44, %dma_wait3A_66] : memref<10x1x128xi32, #tpu.memory_space<vmem>> -> memref<1x1x128xi32, #tpu.memory_space<vmem>>
        %dma_wait3A_68 = tpu.memref_squeeze %dma_wait3A_67 : memref<1x1x128xi32, #tpu.memory_space<vmem>> -> memref<128xi32, #tpu.memory_space<vmem>>
        %dma_wait3A_69 = arith.constant 0 : i32
        %dma_wait3A_70 = arith.constant 0 : i32
        %dma_wait3A_71 = tpu.memref_slice %arg6[%dma_wait3A_69, %dma_wait3A_70] : memref<50000x16xf32, #tpu.memory_space<vmem_shared>> -> memref<50000x16xf32, #tpu.memory_space<vmem_shared>>
        tpu.wait_indirect_dma semaphore(%run_scoped3A_55 : memref<!tpu.dma_semaphore, #tpu.memory_space<semaphore_mem>>) src(%dma_wait3A_65 : memref<128x16xf32, #tpu.memory_space<vmem>>) dst(%dma_wait3A_71 : memref<50000x16xf32, #tpu.memory_space<vmem_shared>>)
        tpu.yield
      }) : () -> ()
      %run_scoped3A_45 = arith.constant 5 : i32
      %run_scoped3A_46 = arith.constant 0 : i32
      "tpu.region"() ({
        %run_scoped3A_55 = tpu.sem_alloc : memref<!tpu.dma_semaphore, #tpu.memory_space<semaphore_mem>>
        %dma_start3A = arith.constant 640 : i32
        %dma_start3A_56 = arith.constant 0 : i32
        %dma_start3A_57 = tpu.memref_slice %arg8[%dma_start3A, %dma_start3A_56] : memref<1280x16xf32, #tpu.memory_space<vmem>> -> memref<128x16xf32, #tpu.memory_space<vmem>>
        %dma_start3A_58 = arith.constant 0 : i32
        %dma_start3A_59 = tpu.memref_slice %arg7[%run_scoped3A_45, %run_scoped3A_46, %dma_start3A_58] : memref<10x1x128xi32, #tpu.memory_space<vmem>> -> memref<1x1x128xi32, #tpu.memory_space<vmem>>
        %dma_start3A_60 = tpu.memref_squeeze %dma_start3A_59 : memref<1x1x128xi32, #tpu.memory_space<vmem>> -> memref<128xi32, #tpu.memory_space<vmem>>
        %dma_start3A_61 = arith.constant 0 : i32
        %dma_start3A_62 = arith.constant 0 : i32
        %dma_start3A_63 = tpu.memref_slice %arg6[%dma_start3A_61, %dma_start3A_62] : memref<50000x16xf32, #tpu.memory_space<vmem_shared>> -> memref<50000x16xf32, #tpu.memory_space<vmem_shared>>
        tpu.enqueue_indirect_dma source(%dma_start3A_57 : memref<128x16xf32, #tpu.memory_space<vmem>>) target(%dma_start3A_63 : memref<50000x16xf32, #tpu.memory_space<vmem_shared>>) offsets(%dma_start3A_60 : memref<128xi32, #tpu.memory_space<vmem>>) semaphore(%run_scoped3A_55 : memref<!tpu.dma_semaphore, #tpu.memory_space<semaphore_mem>>) {add = true}
        %dma_wait3A = arith.constant 640 : i32
        %dma_wait3A_64 = arith.constant 0 : i32
        %dma_wait3A_65 = tpu.memref_slice %arg8[%dma_wait3A, %dma_wait3A_64] : memref<1280x16xf32, #tpu.memory_space<vmem>> -> memref<128x16xf32, #tpu.memory_space<vmem>>
        %dma_wait3A_66 = arith.constant 0 : i32
        %dma_wait3A_67 = tpu.memref_slice %arg7[%run_scoped3A_45, %run_scoped3A_46, %dma_wait3A_66] : memref<10x1x128xi32, #tpu.memory_space<vmem>> -> memref<1x1x128xi32, #tpu.memory_space<vmem>>
        %dma_wait3A_68 = tpu.memref_squeeze %dma_wait3A_67 : memref<1x1x128xi32, #tpu.memory_space<vmem>> -> memref<128xi32, #tpu.memory_space<vmem>>
        %dma_wait3A_69 = arith.constant 0 : i32
        %dma_wait3A_70 = arith.constant 0 : i32
        %dma_wait3A_71 = tpu.memref_slice %arg6[%dma_wait3A_69, %dma_wait3A_70] : memref<50000x16xf32, #tpu.memory_space<vmem_shared>> -> memref<50000x16xf32, #tpu.memory_space<vmem_shared>>
        tpu.wait_indirect_dma semaphore(%run_scoped3A_55 : memref<!tpu.dma_semaphore, #tpu.memory_space<semaphore_mem>>) src(%dma_wait3A_65 : memref<128x16xf32, #tpu.memory_space<vmem>>) dst(%dma_wait3A_71 : memref<50000x16xf32, #tpu.memory_space<vmem_shared>>)
        tpu.yield
      }) : () -> ()
      %run_scoped3A_47 = arith.constant 6 : i32
      %run_scoped3A_48 = arith.constant 0 : i32
      "tpu.region"() ({
        %run_scoped3A_55 = tpu.sem_alloc : memref<!tpu.dma_semaphore, #tpu.memory_space<semaphore_mem>>
        %dma_start3A = arith.constant 768 : i32
        %dma_start3A_56 = arith.constant 0 : i32
        %dma_start3A_57 = tpu.memref_slice %arg8[%dma_start3A, %dma_start3A_56] : memref<1280x16xf32, #tpu.memory_space<vmem>> -> memref<128x16xf32, #tpu.memory_space<vmem>>
        %dma_start3A_58 = arith.constant 0 : i32
        %dma_start3A_59 = tpu.memref_slice %arg7[%run_scoped3A_47, %run_scoped3A_48, %dma_start3A_58] : memref<10x1x128xi32, #tpu.memory_space<vmem>> -> memref<1x1x128xi32, #tpu.memory_space<vmem>>
        %dma_start3A_60 = tpu.memref_squeeze %dma_start3A_59 : memref<1x1x128xi32, #tpu.memory_space<vmem>> -> memref<128xi32, #tpu.memory_space<vmem>>
        %dma_start3A_61 = arith.constant 0 : i32
        %dma_start3A_62 = arith.constant 0 : i32
        %dma_start3A_63 = tpu.memref_slice %arg6[%dma_start3A_61, %dma_start3A_62] : memref<50000x16xf32, #tpu.memory_space<vmem_shared>> -> memref<50000x16xf32, #tpu.memory_space<vmem_shared>>
        tpu.enqueue_indirect_dma source(%dma_start3A_57 : memref<128x16xf32, #tpu.memory_space<vmem>>) target(%dma_start3A_63 : memref<50000x16xf32, #tpu.memory_space<vmem_shared>>) offsets(%dma_start3A_60 : memref<128xi32, #tpu.memory_space<vmem>>) semaphore(%run_scoped3A_55 : memref<!tpu.dma_semaphore, #tpu.memory_space<semaphore_mem>>) {add = true}
        %dma_wait3A = arith.constant 768 : i32
        %dma_wait3A_64 = arith.constant 0 : i32
        %dma_wait3A_65 = tpu.memref_slice %arg8[%dma_wait3A, %dma_wait3A_64] : memref<1280x16xf32, #tpu.memory_space<vmem>> -> memref<128x16xf32, #tpu.memory_space<vmem>>
        %dma_wait3A_66 = arith.constant 0 : i32
        %dma_wait3A_67 = tpu.memref_slice %arg7[%run_scoped3A_47, %run_scoped3A_48, %dma_wait3A_66] : memref<10x1x128xi32, #tpu.memory_space<vmem>> -> memref<1x1x128xi32, #tpu.memory_space<vmem>>
        %dma_wait3A_68 = tpu.memref_squeeze %dma_wait3A_67 : memref<1x1x128xi32, #tpu.memory_space<vmem>> -> memref<128xi32, #tpu.memory_space<vmem>>
        %dma_wait3A_69 = arith.constant 0 : i32
        %dma_wait3A_70 = arith.constant 0 : i32
        %dma_wait3A_71 = tpu.memref_slice %arg6[%dma_wait3A_69, %dma_wait3A_70] : memref<50000x16xf32, #tpu.memory_space<vmem_shared>> -> memref<50000x16xf32, #tpu.memory_space<vmem_shared>>
        tpu.wait_indirect_dma semaphore(%run_scoped3A_55 : memref<!tpu.dma_semaphore, #tpu.memory_space<semaphore_mem>>) src(%dma_wait3A_65 : memref<128x16xf32, #tpu.memory_space<vmem>>) dst(%dma_wait3A_71 : memref<50000x16xf32, #tpu.memory_space<vmem_shared>>)
        tpu.yield
      }) : () -> ()
      %run_scoped3A_49 = arith.constant 7 : i32
      %run_scoped3A_50 = arith.constant 0 : i32
      "tpu.region"() ({
        %run_scoped3A_55 = tpu.sem_alloc : memref<!tpu.dma_semaphore, #tpu.memory_space<semaphore_mem>>
        %dma_start3A = arith.constant 896 : i32
        %dma_start3A_56 = arith.constant 0 : i32
        %dma_start3A_57 = tpu.memref_slice %arg8[%dma_start3A, %dma_start3A_56] : memref<1280x16xf32, #tpu.memory_space<vmem>> -> memref<128x16xf32, #tpu.memory_space<vmem>>
        %dma_start3A_58 = arith.constant 0 : i32
        %dma_start3A_59 = tpu.memref_slice %arg7[%run_scoped3A_49, %run_scoped3A_50, %dma_start3A_58] : memref<10x1x128xi32, #tpu.memory_space<vmem>> -> memref<1x1x128xi32, #tpu.memory_space<vmem>>
        %dma_start3A_60 = tpu.memref_squeeze %dma_start3A_59 : memref<1x1x128xi32, #tpu.memory_space<vmem>> -> memref<128xi32, #tpu.memory_space<vmem>>
        %dma_start3A_61 = arith.constant 0 : i32
        %dma_start3A_62 = arith.constant 0 : i32
        %dma_start3A_63 = tpu.memref_slice %arg6[%dma_start3A_61, %dma_start3A_62] : memref<50000x16xf32, #tpu.memory_space<vmem_shared>> -> memref<50000x16xf32, #tpu.memory_space<vmem_shared>>
        tpu.enqueue_indirect_dma source(%dma_start3A_57 : memref<128x16xf32, #tpu.memory_space<vmem>>) target(%dma_start3A_63 : memref<50000x16xf32, #tpu.memory_space<vmem_shared>>) offsets(%dma_start3A_60 : memref<128xi32, #tpu.memory_space<vmem>>) semaphore(%run_scoped3A_55 : memref<!tpu.dma_semaphore, #tpu.memory_space<semaphore_mem>>) {add = true}
        %dma_wait3A = arith.constant 896 : i32
        %dma_wait3A_64 = arith.constant 0 : i32
        %dma_wait3A_65 = tpu.memref_slice %arg8[%dma_wait3A, %dma_wait3A_64] : memref<1280x16xf32, #tpu.memory_space<vmem>> -> memref<128x16xf32, #tpu.memory_space<vmem>>
        %dma_wait3A_66 = arith.constant 0 : i32
        %dma_wait3A_67 = tpu.memref_slice %arg7[%run_scoped3A_49, %run_scoped3A_50, %dma_wait3A_66] : memref<10x1x128xi32, #tpu.memory_space<vmem>> -> memref<1x1x128xi32, #tpu.memory_space<vmem>>
        %dma_wait3A_68 = tpu.memref_squeeze %dma_wait3A_67 : memref<1x1x128xi32, #tpu.memory_space<vmem>> -> memref<128xi32, #tpu.memory_space<vmem>>
        %dma_wait3A_69 = arith.constant 0 : i32
        %dma_wait3A_70 = arith.constant 0 : i32
        %dma_wait3A_71 = tpu.memref_slice %arg6[%dma_wait3A_69, %dma_wait3A_70] : memref<50000x16xf32, #tpu.memory_space<vmem_shared>> -> memref<50000x16xf32, #tpu.memory_space<vmem_shared>>
        tpu.wait_indirect_dma semaphore(%run_scoped3A_55 : memref<!tpu.dma_semaphore, #tpu.memory_space<semaphore_mem>>) src(%dma_wait3A_65 : memref<128x16xf32, #tpu.memory_space<vmem>>) dst(%dma_wait3A_71 : memref<50000x16xf32, #tpu.memory_space<vmem_shared>>)
        tpu.yield
      }) : () -> ()
      %run_scoped3A_51 = arith.constant 8 : i32
      %run_scoped3A_52 = arith.constant 0 : i32
      "tpu.region"() ({
        %run_scoped3A_55 = tpu.sem_alloc : memref<!tpu.dma_semaphore, #tpu.memory_space<semaphore_mem>>
        %dma_start3A = arith.constant 1024 : i32
        %dma_start3A_56 = arith.constant 0 : i32
        %dma_start3A_57 = tpu.memref_slice %arg8[%dma_start3A, %dma_start3A_56] : memref<1280x16xf32, #tpu.memory_space<vmem>> -> memref<128x16xf32, #tpu.memory_space<vmem>>
        %dma_start3A_58 = arith.constant 0 : i32
        %dma_start3A_59 = tpu.memref_slice %arg7[%run_scoped3A_51, %run_scoped3A_52, %dma_start3A_58] : memref<10x1x128xi32, #tpu.memory_space<vmem>> -> memref<1x1x128xi32, #tpu.memory_space<vmem>>
        %dma_start3A_60 = tpu.memref_squeeze %dma_start3A_59 : memref<1x1x128xi32, #tpu.memory_space<vmem>> -> memref<128xi32, #tpu.memory_space<vmem>>
        %dma_start3A_61 = arith.constant 0 : i32
        %dma_start3A_62 = arith.constant 0 : i32
        %dma_start3A_63 = tpu.memref_slice %arg6[%dma_start3A_61, %dma_start3A_62] : memref<50000x16xf32, #tpu.memory_space<vmem_shared>> -> memref<50000x16xf32, #tpu.memory_space<vmem_shared>>
        tpu.enqueue_indirect_dma source(%dma_start3A_57 : memref<128x16xf32, #tpu.memory_space<vmem>>) target(%dma_start3A_63 : memref<50000x16xf32, #tpu.memory_space<vmem_shared>>) offsets(%dma_start3A_60 : memref<128xi32, #tpu.memory_space<vmem>>) semaphore(%run_scoped3A_55 : memref<!tpu.dma_semaphore, #tpu.memory_space<semaphore_mem>>) {add = true}
        %dma_wait3A = arith.constant 1024 : i32
        %dma_wait3A_64 = arith.constant 0 : i32
        %dma_wait3A_65 = tpu.memref_slice %arg8[%dma_wait3A, %dma_wait3A_64] : memref<1280x16xf32, #tpu.memory_space<vmem>> -> memref<128x16xf32, #tpu.memory_space<vmem>>
        %dma_wait3A_66 = arith.constant 0 : i32
        %dma_wait3A_67 = tpu.memref_slice %arg7[%run_scoped3A_51, %run_scoped3A_52, %dma_wait3A_66] : memref<10x1x128xi32, #tpu.memory_space<vmem>> -> memref<1x1x128xi32, #tpu.memory_space<vmem>>
        %dma_wait3A_68 = tpu.memref_squeeze %dma_wait3A_67 : memref<1x1x128xi32, #tpu.memory_space<vmem>> -> memref<128xi32, #tpu.memory_space<vmem>>
        %dma_wait3A_69 = arith.constant 0 : i32
        %dma_wait3A_70 = arith.constant 0 : i32
        %dma_wait3A_71 = tpu.memref_slice %arg6[%dma_wait3A_69, %dma_wait3A_70] : memref<50000x16xf32, #tpu.memory_space<vmem_shared>> -> memref<50000x16xf32, #tpu.memory_space<vmem_shared>>
        tpu.wait_indirect_dma semaphore(%run_scoped3A_55 : memref<!tpu.dma_semaphore, #tpu.memory_space<semaphore_mem>>) src(%dma_wait3A_65 : memref<128x16xf32, #tpu.memory_space<vmem>>) dst(%dma_wait3A_71 : memref<50000x16xf32, #tpu.memory_space<vmem_shared>>)
        tpu.yield
      }) : () -> ()
      %run_scoped3A_53 = arith.constant 9 : i32
      %run_scoped3A_54 = arith.constant 0 : i32
      "tpu.region"() ({
        %run_scoped3A_55 = tpu.sem_alloc : memref<!tpu.dma_semaphore, #tpu.memory_space<semaphore_mem>>
        %dma_start3A = arith.constant 1152 : i32
        %dma_start3A_56 = arith.constant 0 : i32
        %dma_start3A_57 = tpu.memref_slice %arg8[%dma_start3A, %dma_start3A_56] : memref<1280x16xf32, #tpu.memory_space<vmem>> -> memref<128x16xf32, #tpu.memory_space<vmem>>
        %dma_start3A_58 = arith.constant 0 : i32
        %dma_start3A_59 = tpu.memref_slice %arg7[%run_scoped3A_53, %run_scoped3A_54, %dma_start3A_58] : memref<10x1x128xi32, #tpu.memory_space<vmem>> -> memref<1x1x128xi32, #tpu.memory_space<vmem>>
        %dma_start3A_60 = tpu.memref_squeeze %dma_start3A_59 : memref<1x1x128xi32, #tpu.memory_space<vmem>> -> memref<128xi32, #tpu.memory_space<vmem>>
        %dma_start3A_61 = arith.constant 0 : i32
        %dma_start3A_62 = arith.constant 0 : i32
        %dma_start3A_63 = tpu.memref_slice %arg6[%dma_start3A_61, %dma_start3A_62] : memref<50000x16xf32, #tpu.memory_space<vmem_shared>> -> memref<50000x16xf32, #tpu.memory_space<vmem_shared>>
        tpu.enqueue_indirect_dma source(%dma_start3A_57 : memref<128x16xf32, #tpu.memory_space<vmem>>) target(%dma_start3A_63 : memref<50000x16xf32, #tpu.memory_space<vmem_shared>>) offsets(%dma_start3A_60 : memref<128xi32, #tpu.memory_space<vmem>>) semaphore(%run_scoped3A_55 : memref<!tpu.dma_semaphore, #tpu.memory_space<semaphore_mem>>) {add = true}
        %dma_wait3A = arith.constant 1152 : i32
        %dma_wait3A_64 = arith.constant 0 : i32
        %dma_wait3A_65 = tpu.memref_slice %arg8[%dma_wait3A, %dma_wait3A_64] : memref<1280x16xf32, #tpu.memory_space<vmem>> -> memref<128x16xf32, #tpu.memory_space<vmem>>
        %dma_wait3A_66 = arith.constant 0 : i32
        %dma_wait3A_67 = tpu.memref_slice %arg7[%run_scoped3A_53, %run_scoped3A_54, %dma_wait3A_66] : memref<10x1x128xi32, #tpu.memory_space<vmem>> -> memref<1x1x128xi32, #tpu.memory_space<vmem>>
        %dma_wait3A_68 = tpu.memref_squeeze %dma_wait3A_67 : memref<1x1x128xi32, #tpu.memory_space<vmem>> -> memref<128xi32, #tpu.memory_space<vmem>>
        %dma_wait3A_69 = arith.constant 0 : i32
        %dma_wait3A_70 = arith.constant 0 : i32
        %dma_wait3A_71 = tpu.memref_slice %arg6[%dma_wait3A_69, %dma_wait3A_70] : memref<50000x16xf32, #tpu.memory_space<vmem_shared>> -> memref<50000x16xf32, #tpu.memory_space<vmem_shared>>
        tpu.wait_indirect_dma semaphore(%run_scoped3A_55 : memref<!tpu.dma_semaphore, #tpu.memory_space<semaphore_mem>>) src(%dma_wait3A_65 : memref<128x16xf32, #tpu.memory_space<vmem>>) dst(%dma_wait3A_71 : memref<50000x16xf32, #tpu.memory_space<vmem_shared>>)
        tpu.yield
      }) : () -> ()
    }
    %scan3A_11 = arith.constant 39 : i32
    %lt3A_12 = arith.constant 20 : i32
    %lt3A_13 = arith.cmpi slt, %add3A, %lt3A_12 : i32
    %convert_element_type3A_14 = arith.extui %lt3A_13 : i1 to i32
    %cond3A_15 = arith.constant 0 : i32
    %cond3A_16 = arith.cmpi ne, %convert_element_type3A_14, %cond3A_15 : i32
    scf.if %cond3A_16 {
      %add3A_28 = arith.constant 12480 : i32
      %add3A_29 = arith.addi %add3A_28, %add3A : i32
      "tpu.region"() ({
        %run_scoped3A_33 = tpu.sem_alloc : memref<!tpu.dma_semaphore, #tpu.memory_space<semaphore_mem>>
        %dma_start3A = arith.constant 0 : i32
        %dma_start3A_34 = arith.constant 0 : i32
        %dma_start3A_35 = arith.constant 0 : i32
        %dma_start3A_36 = tpu.memref_slice %arg7[%dma_start3A, %dma_start3A_34, %dma_start3A_35] : memref<10x1x128xi32, #tpu.memory_space<vmem>> -> memref<1x1x128xi32, #tpu.memory_space<vmem>>
        %dma_start3A_37 = arith.constant 0 : i32
        %dma_start3A_38 = arith.constant 0 : i32
        %dma_start3A_39 = tpu.memref_slice %arg3[%add3A_29, %dma_start3A_37, %dma_start3A_38] : memref<12500x1x128xi32, #tpu.memory_space<hbm>> -> memref<1x1x128xi32, #tpu.memory_space<hbm>>
        %dma_start3A_40 = arith.constant 0 : i32
        %dma_start3A_41 = arith.constant 0 : i32
        %dma_start3A_42 = arith.constant 0 : i32
        %dma_start3A_43 = tpu.memref_slice %arg7[%dma_start3A_40, %dma_start3A_41, %dma_start3A_42] : memref<10x1x128xi32, #tpu.memory_space<vmem>> -> memref<1x1x128xi32, #tpu.memory_space<vmem>>
        %dma_start3A_44 = arith.constant 0 : i32
        %dma_start3A_45 = arith.constant 0 : i32
        %dma_start3A_46 = tpu.memref_slice %arg3[%add3A_29, %dma_start3A_44, %dma_start3A_45] : memref<12500x1x128xi32, #tpu.memory_space<hbm>> -> memref<1x1x128xi32, #tpu.memory_space<hbm>>
        tpu.enqueue_dma source(%dma_start3A_46 : memref<1x1x128xi32, #tpu.memory_space<hbm>>) target(%dma_start3A_43 : memref<1x1x128xi32, #tpu.memory_space<vmem>>) target_semaphore(%run_scoped3A_33 : memref<!tpu.dma_semaphore, #tpu.memory_space<semaphore_mem>>)
        %dma_wait3A = arith.constant 0 : i32
        %dma_wait3A_47 = arith.constant 0 : i32
        %dma_wait3A_48 = arith.constant 0 : i32
        %dma_wait3A_49 = tpu.memref_slice %arg7[%dma_wait3A, %dma_wait3A_47, %dma_wait3A_48] : memref<10x1x128xi32, #tpu.memory_space<vmem>> -> memref<1x1x128xi32, #tpu.memory_space<vmem>>
        %dma_wait3A_50 = arith.constant 0 : i32
        %dma_wait3A_51 = arith.constant 0 : i32
        %dma_wait3A_52 = tpu.memref_slice %arg3[%add3A_29, %dma_wait3A_50, %dma_wait3A_51] : memref<12500x1x128xi32, #tpu.memory_space<hbm>> -> memref<1x1x128xi32, #tpu.memory_space<hbm>>
        %dma_wait3A_53 = arith.constant 0 : i32
        %dma_wait3A_54 = arith.constant 0 : i32
        %dma_wait3A_55 = arith.constant 0 : i32
        %dma_wait3A_56 = tpu.memref_slice %arg7[%dma_wait3A_53, %dma_wait3A_54, %dma_wait3A_55] : memref<10x1x128xi32, #tpu.memory_space<vmem>> -> memref<1x1x128xi32, #tpu.memory_space<vmem>>
        %dma_wait3A_57 = arith.constant 0 : i32
        %dma_wait3A_58 = arith.constant 0 : i32
        %dma_wait3A_59 = tpu.memref_slice %arg3[%add3A_29, %dma_wait3A_57, %dma_wait3A_58] : memref<12500x1x128xi32, #tpu.memory_space<hbm>> -> memref<1x1x128xi32, #tpu.memory_space<hbm>>
        tpu.wait_dma2 semaphore(%run_scoped3A_33 : memref<!tpu.dma_semaphore, #tpu.memory_space<semaphore_mem>>) src(%dma_wait3A_59 : memref<1x1x128xi32, #tpu.memory_space<hbm>>) dst(%dma_wait3A_56 : memref<1x1x128xi32, #tpu.memory_space<vmem>>)
        tpu.yield
      }) : () -> ()
      %mul3A_30 = arith.constant 128 : i32
      %mul3A_31 = arith.muli %add3A_29, %mul3A_30 : i32
      "tpu.region"() ({
        %run_scoped3A_33 = tpu.sem_alloc : memref<!tpu.dma_semaphore, #tpu.memory_space<semaphore_mem>>
        %dma_start3A = arith.constant 0 : i32
        %dma_start3A_34 = arith.constant 0 : i32
        %dma_start3A_35 = tpu.memref_slice %arg8[%dma_start3A, %dma_start3A_34] : memref<1280x16xf32, #tpu.memory_space<vmem>> -> memref<128x16xf32, #tpu.memory_space<vmem>>
        %dma_start3A_36 = arith.constant 0 : i32
        %dma_start3A_37 = tpu.memref_slice %arg2[%mul3A_31, %dma_start3A_36] : memref<1600000x16xf32, #tpu.memory_space<hbm>> -> memref<128x16xf32, #tpu.memory_space<hbm>>
        %dma_start3A_38 = arith.constant 0 : i32
        %dma_start3A_39 = arith.constant 0 : i32
        %dma_start3A_40 = tpu.memref_slice %arg8[%dma_start3A_38, %dma_start3A_39] : memref<1280x16xf32, #tpu.memory_space<vmem>> -> memref<128x16xf32, #tpu.memory_space<vmem>>
        %dma_start3A_41 = arith.constant 0 : i32
        %dma_start3A_42 = tpu.memref_slice %arg2[%mul3A_31, %dma_start3A_41] : memref<1600000x16xf32, #tpu.memory_space<hbm>> -> memref<128x16xf32, #tpu.memory_space<hbm>>
        tpu.enqueue_dma source(%dma_start3A_42 : memref<128x16xf32, #tpu.memory_space<hbm>>) target(%dma_start3A_40 : memref<128x16xf32, #tpu.memory_space<vmem>>) target_semaphore(%run_scoped3A_33 : memref<!tpu.dma_semaphore, #tpu.memory_space<semaphore_mem>>)
        %dma_wait3A = arith.constant 0 : i32
        %dma_wait3A_43 = arith.constant 0 : i32
        %dma_wait3A_44 = tpu.memref_slice %arg8[%dma_wait3A, %dma_wait3A_43] : memref<1280x16xf32, #tpu.memory_space<vmem>> -> memref<128x16xf32, #tpu.memory_space<vmem>>
        %dma_wait3A_45 = arith.constant 0 : i32
        %dma_wait3A_46 = tpu.memref_slice %arg2[%mul3A_31, %dma_wait3A_45] : memref<1600000x16xf32, #tpu.memory_space<hbm>> -> memref<128x16xf32, #tpu.memory_space<hbm>>
        %dma_wait3A_47 = arith.constant 0 : i32
        %dma_wait3A_48 = arith.constant 0 : i32
        %dma_wait3A_49 = tpu.memref_slice %arg8[%dma_wait3A_47, %dma_wait3A_48] : memref<1280x16xf32, #tpu.memory_space<vmem>> -> memref<128x16xf32, #tpu.memory_space<vmem>>
        %dma_wait3A_50 = arith.constant 0 : i32
        %dma_wait3A_51 = tpu.memref_slice %arg2[%mul3A_31, %dma_wait3A_50] : memref<1600000x16xf32, #tpu.memory_space<hbm>> -> memref<128x16xf32, #tpu.memory_space<hbm>>
        tpu.wait_dma2 semaphore(%run_scoped3A_33 : memref<!tpu.dma_semaphore, #tpu.memory_space<semaphore_mem>>) src(%dma_wait3A_51 : memref<128x16xf32, #tpu.memory_space<hbm>>) dst(%dma_wait3A_49 : memref<128x16xf32, #tpu.memory_space<vmem>>)
        tpu.yield
      }) : () -> ()
      %run_scoped3A = arith.constant 0 : i32
      %run_scoped3A_32 = arith.constant 0 : i32
      "tpu.region"() ({
        %run_scoped3A_33 = tpu.sem_alloc : memref<!tpu.dma_semaphore, #tpu.memory_space<semaphore_mem>>
        %dma_start3A = arith.constant 0 : i32
        %dma_start3A_34 = arith.constant 0 : i32
        %dma_start3A_35 = tpu.memref_slice %arg8[%dma_start3A, %dma_start3A_34] : memref<1280x16xf32, #tpu.memory_space<vmem>> -> memref<128x16xf32, #tpu.memory_space<vmem>>
        %dma_start3A_36 = arith.constant 0 : i32
        %dma_start3A_37 = tpu.memref_slice %arg7[%run_scoped3A, %run_scoped3A_32, %dma_start3A_36] : memref<10x1x128xi32, #tpu.memory_space<vmem>> -> memref<1x1x128xi32, #tpu.memory_space<vmem>>
        %dma_start3A_38 = tpu.memref_squeeze %dma_start3A_37 : memref<1x1x128xi32, #tpu.memory_space<vmem>> -> memref<128xi32, #tpu.memory_space<vmem>>
        %dma_start3A_39 = arith.constant 0 : i32
        %dma_start3A_40 = arith.constant 0 : i32
        %dma_start3A_41 = tpu.memref_slice %arg6[%dma_start3A_39, %dma_start3A_40] : memref<50000x16xf32, #tpu.memory_space<vmem_shared>> -> memref<50000x16xf32, #tpu.memory_space<vmem_shared>>
        tpu.enqueue_indirect_dma source(%dma_start3A_35 : memref<128x16xf32, #tpu.memory_space<vmem>>) target(%dma_start3A_41 : memref<50000x16xf32, #tpu.memory_space<vmem_shared>>) offsets(%dma_start3A_38 : memref<128xi32, #tpu.memory_space<vmem>>) semaphore(%run_scoped3A_33 : memref<!tpu.dma_semaphore, #tpu.memory_space<semaphore_mem>>) {add = true}
        %dma_wait3A = arith.constant 0 : i32
        %dma_wait3A_42 = arith.constant 0 : i32
        %dma_wait3A_43 = tpu.memref_slice %arg8[%dma_wait3A, %dma_wait3A_42] : memref<1280x16xf32, #tpu.memory_space<vmem>> -> memref<128x16xf32, #tpu.memory_space<vmem>>
        %dma_wait3A_44 = arith.constant 0 : i32
        %dma_wait3A_45 = tpu.memref_slice %arg7[%run_scoped3A, %run_scoped3A_32, %dma_wait3A_44] : memref<10x1x128xi32, #tpu.memory_space<vmem>> -> memref<1x1x128xi32, #tpu.memory_space<vmem>>
        %dma_wait3A_46 = tpu.memref_squeeze %dma_wait3A_45 : memref<1x1x128xi32, #tpu.memory_space<vmem>> -> memref<128xi32, #tpu.memory_space<vmem>>
        %dma_wait3A_47 = arith.constant 0 : i32
        %dma_wait3A_48 = arith.constant 0 : i32
        %dma_wait3A_49 = tpu.memref_slice %arg6[%dma_wait3A_47, %dma_wait3A_48] : memref<50000x16xf32, #tpu.memory_space<vmem_shared>> -> memref<50000x16xf32, #tpu.memory_space<vmem_shared>>
        tpu.wait_indirect_dma semaphore(%run_scoped3A_33 : memref<!tpu.dma_semaphore, #tpu.memory_space<semaphore_mem>>) src(%dma_wait3A_43 : memref<128x16xf32, #tpu.memory_space<vmem>>) dst(%dma_wait3A_49 : memref<50000x16xf32, #tpu.memory_space<vmem_shared>>)
        tpu.yield
      }) : () -> ()
    } else {
    }
    %barrier3A_17 = arith.constant 0 : index
    tpu.barrier barrier_id(%barrier3A_17)
    %lt3A_18 = arith.constant 15 : i32
    %lt3A_19 = arith.cmpi slt, %arg1, %lt3A_18 : i32
    %convert_element_type3A_20 = arith.extui %lt3A_19 : i1 to i32
    %cond3A_21 = arith.constant 0 : i32
    %cond3A_22 = arith.cmpi ne, %convert_element_type3A_20, %cond3A_21 : i32
    scf.if %cond3A_22 {
      %mul3A_28 = arith.constant 3128 : i32
      %mul3A_29 = arith.muli %arg1, %mul3A_28 : i32
      %mul3A_30 = arith.constant 3128 : i32
      %mul3A_31 = arith.muli %arg1, %mul3A_30 : i32
      "tpu.region"() ({
        %run_scoped3A = tpu.sem_alloc : memref<!tpu.dma_semaphore, #tpu.memory_space<semaphore_mem>>
        %dma_start3A = arith.constant 0 : i32
        %dma_start3A_32 = arith.constant 0 : i32
        %dma_start3A_33 = tpu.memref_slice %arg5[%arg0, %dma_start3A, %dma_start3A_32] : memref<2x50000x16xf32, #tpu.memory_space<hbm>> -> memref<1x50000x16xf32, #tpu.memory_space<hbm>>
        %dma_start3A_34 = tpu.memref_squeeze %dma_start3A_33 : memref<1x50000x16xf32, #tpu.memory_space<hbm>> -> memref<50000x16xf32, #tpu.memory_space<hbm>>
        %dma_start3A_35 = arith.constant 0 : i32
        %dma_start3A_36 = tpu.memref_slice %dma_start3A_34[%mul3A_31, %dma_start3A_35] : memref<50000x16xf32, #tpu.memory_space<hbm>> -> memref<3128x16xf32, #tpu.memory_space<hbm>>
        %dma_start3A_37 = arith.constant 0 : i32
        %dma_start3A_38 = tpu.memref_slice %arg6[%mul3A_29, %dma_start3A_37] : memref<50000x16xf32, #tpu.memory_space<vmem_shared>> -> memref<3128x16xf32, #tpu.memory_space<vmem_shared>>
        tpu.enqueue_dma source(%dma_start3A_38 : memref<3128x16xf32, #tpu.memory_space<vmem_shared>>) target(%dma_start3A_36 : memref<3128x16xf32, #tpu.memory_space<hbm>>) target_semaphore(%run_scoped3A : memref<!tpu.dma_semaphore, #tpu.memory_space<semaphore_mem>>)
        %dma_wait3A = arith.constant 0 : i32
        %dma_wait3A_39 = arith.constant 0 : i32
        %dma_wait3A_40 = tpu.memref_slice %arg5[%arg0, %dma_wait3A, %dma_wait3A_39] : memref<2x50000x16xf32, #tpu.memory_space<hbm>> -> memref<1x50000x16xf32, #tpu.memory_space<hbm>>
        %dma_wait3A_41 = tpu.memref_squeeze %dma_wait3A_40 : memref<1x50000x16xf32, #tpu.memory_space<hbm>> -> memref<50000x16xf32, #tpu.memory_space<hbm>>
        %dma_wait3A_42 = arith.constant 0 : i32
        %dma_wait3A_43 = tpu.memref_slice %dma_wait3A_41[%mul3A_31, %dma_wait3A_42] : memref<50000x16xf32, #tpu.memory_space<hbm>> -> memref<3128x16xf32, #tpu.memory_space<hbm>>
        %dma_wait3A_44 = arith.constant 0 : i32
        %dma_wait3A_45 = tpu.memref_slice %arg6[%mul3A_29, %dma_wait3A_44] : memref<50000x16xf32, #tpu.memory_space<vmem_shared>> -> memref<3128x16xf32, #tpu.memory_space<vmem_shared>>
        tpu.wait_dma2 semaphore(%run_scoped3A : memref<!tpu.dma_semaphore, #tpu.memory_space<semaphore_mem>>) src(%dma_wait3A_45 : memref<3128x16xf32, #tpu.memory_space<vmem_shared>>) dst(%dma_wait3A_43 : memref<3128x16xf32, #tpu.memory_space<hbm>>)
        tpu.yield
      }) : () -> ()
    } else {
    }
    %eq3A_23 = arith.constant 15 : i32
    %eq3A_24 = arith.cmpi eq, %arg1, %eq3A_23 : i32
    %convert_element_type3A_25 = arith.extui %eq3A_24 : i1 to i32
    %cond3A_26 = arith.constant 0 : i32
    %cond3A_27 = arith.cmpi ne, %convert_element_type3A_25, %cond3A_26 : i32
    scf.if %cond3A_27 {
      "tpu.region"() ({
        %run_scoped3A = tpu.sem_alloc : memref<!tpu.dma_semaphore, #tpu.memory_space<semaphore_mem>>
        %dma_start3A = arith.constant 0 : i32
        %dma_start3A_28 = arith.constant 0 : i32
        %dma_start3A_29 = tpu.memref_slice %arg5[%arg0, %dma_start3A, %dma_start3A_28] : memref<2x50000x16xf32, #tpu.memory_space<hbm>> -> memref<1x50000x16xf32, #tpu.memory_space<hbm>>
        %dma_start3A_30 = tpu.memref_squeeze %dma_start3A_29 : memref<1x50000x16xf32, #tpu.memory_space<hbm>> -> memref<50000x16xf32, #tpu.memory_space<hbm>>
        %dma_start3A_31 = arith.constant 46920 : i32
        %dma_start3A_32 = arith.constant 0 : i32
        %dma_start3A_33 = tpu.memref_slice %dma_start3A_30[%dma_start3A_31, %dma_start3A_32] : memref<50000x16xf32, #tpu.memory_space<hbm>> -> memref<3080x16xf32, #tpu.memory_space<hbm>>
        %dma_start3A_34 = arith.constant 46920 : i32
        %dma_start3A_35 = arith.constant 0 : i32
        %dma_start3A_36 = tpu.memref_slice %arg6[%dma_start3A_34, %dma_start3A_35] : memref<50000x16xf32, #tpu.memory_space<vmem_shared>> -> memref<3080x16xf32, #tpu.memory_space<vmem_shared>>
        tpu.enqueue_dma source(%dma_start3A_36 : memref<3080x16xf32, #tpu.memory_space<vmem_shared>>) target(%dma_start3A_33 : memref<3080x16xf32, #tpu.memory_space<hbm>>) target_semaphore(%run_scoped3A : memref<!tpu.dma_semaphore, #tpu.memory_space<semaphore_mem>>)
        %dma_wait3A = arith.constant 0 : i32
        %dma_wait3A_37 = arith.constant 0 : i32
        %dma_wait3A_38 = tpu.memref_slice %arg5[%arg0, %dma_wait3A, %dma_wait3A_37] : memref<2x50000x16xf32, #tpu.memory_space<hbm>> -> memref<1x50000x16xf32, #tpu.memory_space<hbm>>
        %dma_wait3A_39 = tpu.memref_squeeze %dma_wait3A_38 : memref<1x50000x16xf32, #tpu.memory_space<hbm>> -> memref<50000x16xf32, #tpu.memory_space<hbm>>
        %dma_wait3A_40 = arith.constant 46920 : i32
        %dma_wait3A_41 = arith.constant 0 : i32
        %dma_wait3A_42 = tpu.memref_slice %dma_wait3A_39[%dma_wait3A_40, %dma_wait3A_41] : memref<50000x16xf32, #tpu.memory_space<hbm>> -> memref<3080x16xf32, #tpu.memory_space<hbm>>
        %dma_wait3A_43 = arith.constant 46920 : i32
        %dma_wait3A_44 = arith.constant 0 : i32
        %dma_wait3A_45 = tpu.memref_slice %arg6[%dma_wait3A_43, %dma_wait3A_44] : memref<50000x16xf32, #tpu.memory_space<vmem_shared>> -> memref<3080x16xf32, #tpu.memory_space<vmem_shared>>
        tpu.wait_dma2 semaphore(%run_scoped3A : memref<!tpu.dma_semaphore, #tpu.memory_space<semaphore_mem>>) src(%dma_wait3A_45 : memref<3080x16xf32, #tpu.memory_space<vmem_shared>>) dst(%dma_wait3A_42 : memref<3080x16xf32, #tpu.memory_space<hbm>>)
        tpu.yield
      }) : () -> ()
    } else {
    }
    return
  }
}

module attributes {stable_mosaic.version = 14 : i64} {
  func.func @_node_mlp_body(%arg0: i32, %arg1: memref<5000x5xf32, #tpu.memory_space<vmem>>, %arg2: memref<1x5xf32, #tpu.memory_space<vmem>>, %arg3: memref<5x32xf32, #tpu.memory_space<vmem>>, %arg4: memref<1x32xf32, #tpu.memory_space<vmem>>, %arg5: memref<32x32xf32, #tpu.memory_space<vmem>>, %arg6: memref<1x32xf32, #tpu.memory_space<vmem>>, %arg7: memref<32x16xf32, #tpu.memory_space<vmem>>, %arg8: memref<1x16xf32, #tpu.memory_space<vmem>>, %arg9: memref<5000x21xf32, #tpu.memory_space<vmem>>) attributes {dimension_semantics = [#tpu.dimension_semantics<arbitrary>], iteration_bounds = array<i64: 10>, scalar_prefetch = 0 : i64, scratch_operands = 0 : i64, tpu.core_type = #tpu.core_type<tc>, window_params = [{transform_indices = @transform_0, window_bounds = array<i64: 5000, 5>}, {pipeline_mode = #tpu.pipeline_mode<synchronous>, transform_indices = @transform_1, window_bounds = array<i64: 1, 5>}, {pipeline_mode = #tpu.pipeline_mode<synchronous>, transform_indices = @transform_2, window_bounds = array<i64: 5, 32>}, {pipeline_mode = #tpu.pipeline_mode<synchronous>, transform_indices = @transform_3, window_bounds = array<i64: 1, 32>}, {pipeline_mode = #tpu.pipeline_mode<synchronous>, transform_indices = @transform_4, window_bounds = array<i64: 32, 32>}, {pipeline_mode = #tpu.pipeline_mode<synchronous>, transform_indices = @transform_5, window_bounds = array<i64: 1, 32>}, {pipeline_mode = #tpu.pipeline_mode<synchronous>, transform_indices = @transform_6, window_bounds = array<i64: 32, 16>}, {pipeline_mode = #tpu.pipeline_mode<synchronous>, transform_indices = @transform_7, window_bounds = array<i64: 1, 16>}, {transform_indices = @transform_8, window_bounds = array<i64: 5000, 21>}]} {
    %get3A = arith.constant 0 : index
    %get3A_0 = arith.constant 0 : index
    %get3A_1 = vector.load %arg1[%get3A, %get3A_0] : memref<5000x5xf32, #tpu.memory_space<vmem>>, vector<5000x5xf32>
    %get3A_2 = arith.constant 0 : index
    %get3A_3 = arith.constant 0 : index
    %get3A_4 = vector.load %arg2[%get3A_2, %get3A_3] : memref<1x5xf32, #tpu.memory_space<vmem>>, vector<1x5xf32>
    %mul3A = vector.broadcast %get3A_4 : vector<1x5xf32> to vector<5000x5xf32>
    %mul3A_5 = arith.mulf %get3A_1, %mul3A : vector<5000x5xf32>
    %get3A_6 = arith.constant 0 : index
    %get3A_7 = arith.constant 0 : index
    %get3A_8 = vector.load %arg3[%get3A_6, %get3A_7] : memref<5x32xf32, #tpu.memory_space<vmem>>, vector<5x32xf32>
    %dot_general3A = arith.constant dense<0.000000e+00> : vector<5000x32xf32>
    %dot_general3A_9 = tpu.matmul %mul3A_5, %get3A_8, %dot_general3A {dimension_numbers = #tpu.dot_dimension_numbers<[1], [0], [0], [1], [0, 0, 1, 1], [], []>, transpose_lhs_hint = false} : vector<5000x5xf32>, vector<5x32xf32>, vector<5000x32xf32> -> vector<5000x32xf32>
    %get3A_10 = arith.constant 0 : index
    %get3A_11 = arith.constant 0 : index
    %get3A_12 = vector.load %arg4[%get3A_10, %get3A_11] : memref<1x32xf32, #tpu.memory_space<vmem>>, vector<1x32xf32>
    %add3A = vector.broadcast %get3A_12 : vector<1x32xf32> to vector<5000x32xf32>
    %add3A_13 = arith.addf %dot_general3A_9, %add3A : vector<5000x32xf32>
    %tanh3A = math.tanh %add3A_13 : vector<5000x32xf32>
    %get3A_14 = arith.constant 0 : index
    %get3A_15 = arith.constant 0 : index
    %get3A_16 = vector.load %arg5[%get3A_14, %get3A_15] : memref<32x32xf32, #tpu.memory_space<vmem>>, vector<32x32xf32>
    %dot_general3A_17 = arith.constant dense<0.000000e+00> : vector<5000x32xf32>
    %dot_general3A_18 = tpu.matmul %tanh3A, %get3A_16, %dot_general3A_17 {dimension_numbers = #tpu.dot_dimension_numbers<[1], [0], [0], [1], [0, 0, 1, 1], [], []>, transpose_lhs_hint = false} : vector<5000x32xf32>, vector<32x32xf32>, vector<5000x32xf32> -> vector<5000x32xf32>
    %get3A_19 = arith.constant 0 : index
    %get3A_20 = arith.constant 0 : index
    %get3A_21 = vector.load %arg6[%get3A_19, %get3A_20] : memref<1x32xf32, #tpu.memory_space<vmem>>, vector<1x32xf32>
    %add3A_22 = vector.broadcast %get3A_21 : vector<1x32xf32> to vector<5000x32xf32>
    %add3A_23 = arith.addf %dot_general3A_18, %add3A_22 : vector<5000x32xf32>
    %tanh3A_24 = math.tanh %add3A_23 : vector<5000x32xf32>
    %get3A_25 = arith.constant 0 : index
    %get3A_26 = arith.constant 0 : index
    %get3A_27 = vector.load %arg7[%get3A_25, %get3A_26] : memref<32x16xf32, #tpu.memory_space<vmem>>, vector<32x16xf32>
    %dot_general3A_28 = arith.constant dense<0.000000e+00> : vector<5000x16xf32>
    %dot_general3A_29 = tpu.matmul %tanh3A_24, %get3A_27, %dot_general3A_28 {dimension_numbers = #tpu.dot_dimension_numbers<[1], [0], [0], [1], [0, 0, 1, 1], [], []>, transpose_lhs_hint = false} : vector<5000x32xf32>, vector<32x16xf32>, vector<5000x16xf32> -> vector<5000x16xf32>
    %get3A_30 = arith.constant 0 : index
    %get3A_31 = arith.constant 0 : index
    %get3A_32 = vector.load %arg8[%get3A_30, %get3A_31] : memref<1x16xf32, #tpu.memory_space<vmem>>, vector<1x16xf32>
    %add3A_33 = vector.broadcast %get3A_32 : vector<1x16xf32> to vector<5000x16xf32>
    %add3A_34 = arith.addf %dot_general3A_29, %add3A_33 : vector<5000x16xf32>
    %tanh3A_35 = math.tanh %add3A_34 : vector<5000x16xf32>
    %concatenate3A = tpu.concatenate %tanh3A_35, %mul3A_5 in 1 : vector<5000x16xf32>, vector<5000x5xf32> -> vector<5000x21xf32>
    %swap3A = arith.constant 0 : index
    %swap3A_36 = arith.constant 0 : index
    %swap3A_37 = vector.load %arg9[%swap3A, %swap3A_36] : memref<5000x21xf32, #tpu.memory_space<vmem>>, vector<5000x21xf32>
    tpu.vector_store %arg9[%swap3A, %swap3A_36], %concatenate3A {strides = array<i32>} : memref<5000x21xf32, #tpu.memory_space<vmem>>, vector<5000x21xf32>,
    return
  }
  func.func @transform_0(%arg0: i32) -> (i32, i32) {
    %c0_i32 = arith.constant 0 : i32
    %c0_i32_0 = arith.constant 0 : i32
    return %arg0, %c0_i32 : i32, i32
  }
  func.func @transform_1(%arg0: i32) -> (i32, i32) {
    %c0_i32 = arith.constant 0 : i32
    %c0_i32_0 = arith.constant 0 : i32
    %c0_i32_1 = arith.constant 0 : i32
    return %c0_i32, %c0_i32_0 : i32, i32
  }
  func.func @transform_2(%arg0: i32) -> (i32, i32) {
    %c0_i32 = arith.constant 0 : i32
    %c0_i32_0 = arith.constant 0 : i32
    %c0_i32_1 = arith.constant 0 : i32
    return %c0_i32, %c0_i32_0 : i32, i32
  }
  func.func @transform_3(%arg0: i32) -> (i32, i32) {
    %c0_i32 = arith.constant 0 : i32
    %c0_i32_0 = arith.constant 0 : i32
    %c0_i32_1 = arith.constant 0 : i32
    return %c0_i32, %c0_i32_0 : i32, i32
  }
  func.func @transform_4(%arg0: i32) -> (i32, i32) {
    %c0_i32 = arith.constant 0 : i32
    %c0_i32_0 = arith.constant 0 : i32
    %c0_i32_1 = arith.constant 0 : i32
    return %c0_i32, %c0_i32_0 : i32, i32
  }
  func.func @transform_5(%arg0: i32) -> (i32, i32) {
    %c0_i32 = arith.constant 0 : i32
    %c0_i32_0 = arith.constant 0 : i32
    %c0_i32_1 = arith.constant 0 : i32
    return %c0_i32, %c0_i32_0 : i32, i32
  }
  func.func @transform_6(%arg0: i32) -> (i32, i32) {
    %c0_i32 = arith.constant 0 : i32
    %c0_i32_0 = arith.constant 0 : i32
    %c0_i32_1 = arith.constant 0 : i32
    return %c0_i32, %c0_i32_0 : i32, i32
  }
  func.func @transform_7(%arg0: i32) -> (i32, i32) {
    %c0_i32 = arith.constant 0 : i32
    %c0_i32_0 = arith.constant 0 : i32
    %c0_i32_1 = arith.constant 0 : i32
    return %c0_i32, %c0_i32_0 : i32, i32
  }
  func.func @transform_8(%arg0: i32) -> (i32, i32) {
    %c0_i32 = arith.constant 0 : i32
    %c0_i32_0 = arith.constant 0 : i32
    return %arg0, %c0_i32 : i32, i32
  }
}

module attributes {stable_mosaic.version = 14 : i64} {
  func.func @_edge_mlp1_body(%arg0: i32, %arg1: memref<4000x21xf32, #tpu.memory_space<vmem>>, %arg2: memref<4000x21xf32, #tpu.memory_space<vmem>>, %arg3: memref<21x29xf32, #tpu.memory_space<vmem>>, %arg4: memref<21x29xf32, #tpu.memory_space<vmem>>, %arg5: memref<1x29xf32, #tpu.memory_space<vmem>>, %arg6: memref<29x16xf32, #tpu.memory_space<vmem>>, %arg7: memref<1x16xf32, #tpu.memory_space<vmem>>, %arg8: memref<4000x16xf32, #tpu.memory_space<vmem>>) attributes {dimension_semantics = [#tpu.dimension_semantics<arbitrary>], iteration_bounds = array<i64: 400>, scalar_prefetch = 0 : i64, scratch_operands = 0 : i64, tpu.core_type = #tpu.core_type<tc>, window_params = [{transform_indices = @transform_0, window_bounds = array<i64: 4000, 21>}, {transform_indices = @transform_1, window_bounds = array<i64: 4000, 21>}, {pipeline_mode = #tpu.pipeline_mode<synchronous>, transform_indices = @transform_2, window_bounds = array<i64: 21, 29>}, {pipeline_mode = #tpu.pipeline_mode<synchronous>, transform_indices = @transform_3, window_bounds = array<i64: 21, 29>}, {pipeline_mode = #tpu.pipeline_mode<synchronous>, transform_indices = @transform_4, window_bounds = array<i64: 1, 29>}, {pipeline_mode = #tpu.pipeline_mode<synchronous>, transform_indices = @transform_5, window_bounds = array<i64: 29, 16>}, {pipeline_mode = #tpu.pipeline_mode<synchronous>, transform_indices = @transform_6, window_bounds = array<i64: 1, 16>}, {transform_indices = @transform_7, window_bounds = array<i64: 4000, 16>}]} {
    %get3A = arith.constant 0 : index
    %get3A_0 = arith.constant 0 : index
    %get3A_1 = vector.load %arg1[%get3A, %get3A_0] : memref<4000x21xf32, #tpu.memory_space<vmem>>, vector<4000x21xf32>
    %get3A_2 = arith.constant 0 : index
    %get3A_3 = arith.constant 0 : index
    %get3A_4 = vector.load %arg3[%get3A_2, %get3A_3] : memref<21x29xf32, #tpu.memory_space<vmem>>, vector<21x29xf32>
    %dot_general3A = arith.constant dense<0.000000e+00> : vector<4000x29xf32>
    %dot_general3A_5 = tpu.matmul %get3A_1, %get3A_4, %dot_general3A {dimension_numbers = #tpu.dot_dimension_numbers<[1], [0], [0], [1], [0, 0, 1, 1], [], []>, transpose_lhs_hint = false} : vector<4000x21xf32>, vector<21x29xf32>, vector<4000x29xf32> -> vector<4000x29xf32>
    %get3A_6 = arith.constant 0 : index
    %get3A_7 = arith.constant 0 : index
    %get3A_8 = vector.load %arg2[%get3A_6, %get3A_7] : memref<4000x21xf32, #tpu.memory_space<vmem>>, vector<4000x21xf32>
    %get3A_9 = arith.constant 0 : index
    %get3A_10 = arith.constant 0 : index
    %get3A_11 = vector.load %arg4[%get3A_9, %get3A_10] : memref<21x29xf32, #tpu.memory_space<vmem>>, vector<21x29xf32>
    %dot_general3A_12 = arith.constant dense<0.000000e+00> : vector<4000x29xf32>
    %dot_general3A_13 = tpu.matmul %get3A_8, %get3A_11, %dot_general3A_12 {dimension_numbers = #tpu.dot_dimension_numbers<[1], [0], [0], [1], [0, 0, 1, 1], [], []>, transpose_lhs_hint = false} : vector<4000x21xf32>, vector<21x29xf32>, vector<4000x29xf32> -> vector<4000x29xf32>
    %add3A = arith.addf %dot_general3A_5, %dot_general3A_13 : vector<4000x29xf32>
    %get3A_14 = arith.constant 0 : index
    %get3A_15 = arith.constant 0 : index
    %get3A_16 = vector.load %arg5[%get3A_14, %get3A_15] : memref<1x29xf32, #tpu.memory_space<vmem>>, vector<1x29xf32>
    %add3A_17 = vector.broadcast %get3A_16 : vector<1x29xf32> to vector<4000x29xf32>
    %add3A_18 = arith.addf %add3A, %add3A_17 : vector<4000x29xf32>
    %gt3A = arith.constant 0.000000e+00 : f32
    %gt3A_19 = vector.broadcast %gt3A : f32 to vector<4000x29xf32>
    %gt3A_20 = arith.cmpf ogt, %add3A_18, %gt3A_19 : vector<4000x29xf32>
    %min3A = arith.constant 0.000000e+00 : f32
    %min3A_21 = vector.broadcast %min3A : f32 to vector<4000x29xf32>
    %min3A_22 = arith.minimumf %add3A_18, %min3A_21 : vector<4000x29xf32>
    %exp3A = math.exp %min3A_22 : vector<4000x29xf32>
    %sub3A = arith.constant 1.000000e+00 : f32
    %sub3A_23 = vector.broadcast %sub3A : f32 to vector<4000x29xf32>
    %sub3A_24 = arith.subf %exp3A, %sub3A_23 : vector<4000x29xf32>
    %select_n3A = arith.select %gt3A_20, %add3A_18, %sub3A_24 : vector<4000x29xi1>, vector<4000x29xf32>
    %get3A_25 = arith.constant 0 : index
    %get3A_26 = arith.constant 0 : index
    %get3A_27 = vector.load %arg6[%get3A_25, %get3A_26] : memref<29x16xf32, #tpu.memory_space<vmem>>, vector<29x16xf32>
    %dot_general3A_28 = arith.constant dense<0.000000e+00> : vector<4000x16xf32>
    %dot_general3A_29 = tpu.matmul %select_n3A, %get3A_27, %dot_general3A_28 {dimension_numbers = #tpu.dot_dimension_numbers<[1], [0], [0], [1], [0, 0, 1, 1], [], []>, transpose_lhs_hint = false} : vector<4000x29xf32>, vector<29x16xf32>, vector<4000x16xf32> -> vector<4000x16xf32>
    %get3A_30 = arith.constant 0 : index
    %get3A_31 = arith.constant 0 : index
    %get3A_32 = vector.load %arg7[%get3A_30, %get3A_31] : memref<1x16xf32, #tpu.memory_space<vmem>>, vector<1x16xf32>
    %add3A_33 = vector.broadcast %get3A_32 : vector<1x16xf32> to vector<4000x16xf32>
    %add3A_34 = arith.addf %dot_general3A_29, %add3A_33 : vector<4000x16xf32>
    %gt3A_35 = arith.constant 0.000000e+00 : f32
    %gt3A_36 = vector.broadcast %gt3A_35 : f32 to vector<4000x16xf32>
    %gt3A_37 = arith.cmpf ogt, %add3A_34, %gt3A_36 : vector<4000x16xf32>
    %min3A_38 = arith.constant 0.000000e+00 : f32
    %min3A_39 = vector.broadcast %min3A_38 : f32 to vector<4000x16xf32>
    %min3A_40 = arith.minimumf %add3A_34, %min3A_39 : vector<4000x16xf32>
    %exp3A_41 = math.exp %min3A_40 : vector<4000x16xf32>
    %sub3A_42 = arith.constant 1.000000e+00 : f32
    %sub3A_43 = vector.broadcast %sub3A_42 : f32 to vector<4000x16xf32>
    %sub3A_44 = arith.subf %exp3A_41, %sub3A_43 : vector<4000x16xf32>
    %select_n3A_45 = arith.select %gt3A_37, %add3A_34, %sub3A_44 : vector<4000x16xi1>, vector<4000x16xf32>
    %swap3A = arith.constant 0 : index
    %swap3A_46 = arith.constant 0 : index
    %swap3A_47 = vector.load %arg8[%swap3A, %swap3A_46] : memref<4000x16xf32, #tpu.memory_space<vmem>>, vector<4000x16xf32>
    tpu.vector_store %arg8[%swap3A, %swap3A_46], %select_n3A_45 {strides = array<i32>} : memref<4000x16xf32, #tpu.memory_space<vmem>>, vector<4000x16xf32>,
    return
  }
  func.func @transform_0(%arg0: i32) -> (i32, i32) {
    %c0_i32 = arith.constant 0 : i32
    %c0_i32_0 = arith.constant 0 : i32
    return %arg0, %c0_i32 : i32, i32
  }
  func.func @transform_1(%arg0: i32) -> (i32, i32) {
    %c0_i32 = arith.constant 0 : i32
    %c0_i32_0 = arith.constant 0 : i32
    return %arg0, %c0_i32 : i32, i32
  }
  func.func @transform_2(%arg0: i32) -> (i32, i32) {
    %c0_i32 = arith.constant 0 : i32
    %c0_i32_0 = arith.constant 0 : i32
    %c0_i32_1 = arith.constant 0 : i32
    return %c0_i32, %c0_i32_0 : i32, i32
  }
  func.func @transform_3(%arg0: i32) -> (i32, i32) {
    %c0_i32 = arith.constant 0 : i32
    %c0_i32_0 = arith.constant 0 : i32
    %c0_i32_1 = arith.constant 0 : i32
    return %c0_i32, %c0_i32_0 : i32, i32
  }
  func.func @transform_4(%arg0: i32) -> (i32, i32) {
    %c0_i32 = arith.constant 0 : i32
    %c0_i32_0 = arith.constant 0 : i32
    %c0_i32_1 = arith.constant 0 : i32
    return %c0_i32, %c0_i32_0 : i32, i32
  }
  func.func @transform_5(%arg0: i32) -> (i32, i32) {
    %c0_i32 = arith.constant 0 : i32
    %c0_i32_0 = arith.constant 0 : i32
    %c0_i32_1 = arith.constant 0 : i32
    return %c0_i32, %c0_i32_0 : i32, i32
  }
  func.func @transform_6(%arg0: i32) -> (i32, i32) {
    %c0_i32 = arith.constant 0 : i32
    %c0_i32_0 = arith.constant 0 : i32
    %c0_i32_1 = arith.constant 0 : i32
    return %c0_i32, %c0_i32_0 : i32, i32
  }
  func.func @transform_7(%arg0: i32) -> (i32, i32) {
    %c0_i32 = arith.constant 0 : i32
    %c0_i32_0 = arith.constant 0 : i32
    return %arg0, %c0_i32 : i32, i32
  }
}

module attributes {stable_mosaic.version = 14 : i64} {
  func.func @_sum_partials_body(%arg0: i32, %arg1: memref<2x5000x16xf32, #tpu.memory_space<vmem>>, %arg2: memref<5000x16xf32, #tpu.memory_space<vmem>>) attributes {dimension_semantics = [#tpu.dimension_semantics<arbitrary>], iteration_bounds = array<i64: 10>, scalar_prefetch = 0 : i64, scratch_operands = 0 : i64, tpu.core_type = #tpu.core_type<tc>, window_params = [{transform_indices = @transform_0, window_bounds = array<i64: 2, 5000, 16>}, {transform_indices = @transform_1, window_bounds = array<i64: 5000, 16>}]} {
    %get3A = arith.constant 0 : index
    %get3A_0 = arith.constant 0 : index
    %get3A_1 = arith.constant 0 : index
    %get3A_2 = vector.load %arg1[%get3A, %get3A_0, %get3A_1] : memref<2x5000x16xf32, #tpu.memory_space<vmem>>, vector<1x5000x16xf32>
    %get3A_3 = vector.shape_cast %get3A_2 : vector<1x5000x16xf32> to vector<5000x16xf32>
    %get3A_4 = arith.constant 1 : index
    %get3A_5 = arith.constant 0 : index
    %get3A_6 = arith.constant 0 : index
    %get3A_7 = vector.load %arg1[%get3A_4, %get3A_5, %get3A_6] : memref<2x5000x16xf32, #tpu.memory_space<vmem>>, vector<1x5000x16xf32>
    %get3A_8 = vector.shape_cast %get3A_7 : vector<1x5000x16xf32> to vector<5000x16xf32>
    %add3A = arith.addf %get3A_3, %get3A_8 : vector<5000x16xf32>
    %swap3A = arith.constant 0 : index
    %swap3A_9 = arith.constant 0 : index
    %swap3A_10 = vector.load %arg2[%swap3A, %swap3A_9] : memref<5000x16xf32, #tpu.memory_space<vmem>>, vector<5000x16xf32>
    tpu.vector_store %arg2[%swap3A, %swap3A_9], %add3A {strides = array<i32>} : memref<5000x16xf32, #tpu.memory_space<vmem>>, vector<5000x16xf32>,
    return
  }
  func.func @transform_0(%arg0: i32) -> (i32, i32, i32) {
    %c0_i32 = arith.constant 0 : i32
    %c0_i32_0 = arith.constant 0 : i32
    %c0_i32_1 = arith.constant 0 : i32
    return %c0_i32, %arg0, %c0_i32_0 : i32, i32, i32
  }
  func.func @transform_1(%arg0: i32) -> (i32, i32) {
    %c0_i32 = arith.constant 0 : i32
    %c0_i32_0 = arith.constant 0 : i32
    return %arg0, %c0_i32 : i32, i32
  }
}

module attributes {stable_mosaic.version = 14 : i64} {
  func.func @_edge_mlp2_body(%arg0: i32, %arg1: memref<4000x16xf32, #tpu.memory_space<vmem>>, %arg2: memref<4000x16xf32, #tpu.memory_space<vmem>>, %arg3: memref<16x32xf32, #tpu.memory_space<vmem>>, %arg4: memref<16x32xf32, #tpu.memory_space<vmem>>, %arg5: memref<1x32xf32, #tpu.memory_space<vmem>>, %arg6: memref<32x32xf32, #tpu.memory_space<vmem>>, %arg7: memref<1x32xf32, #tpu.memory_space<vmem>>, %arg8: memref<32x4xf32, #tpu.memory_space<vmem>>, %arg9: memref<1x4xf32, #tpu.memory_space<vmem>>, %arg10: memref<4000x4xf32, #tpu.memory_space<vmem>>) attributes {dimension_semantics = [#tpu.dimension_semantics<arbitrary>], iteration_bounds = array<i64: 400>, scalar_prefetch = 0 : i64, scratch_operands = 0 : i64, tpu.core_type = #tpu.core_type<tc>, window_params = [{transform_indices = @transform_0, window_bounds = array<i64: 4000, 16>}, {transform_indices = @transform_1, window_bounds = array<i64: 4000, 16>}, {pipeline_mode = #tpu.pipeline_mode<synchronous>, transform_indices = @transform_2, window_bounds = array<i64: 16, 32>}, {pipeline_mode = #tpu.pipeline_mode<synchronous>, transform_indices = @transform_3, window_bounds = array<i64: 16, 32>}, {pipeline_mode = #tpu.pipeline_mode<synchronous>, transform_indices = @transform_4, window_bounds = array<i64: 1, 32>}, {pipeline_mode = #tpu.pipeline_mode<synchronous>, transform_indices = @transform_5, window_bounds = array<i64: 32, 32>}, {pipeline_mode = #tpu.pipeline_mode<synchronous>, transform_indices = @transform_6, window_bounds = array<i64: 1, 32>}, {pipeline_mode = #tpu.pipeline_mode<synchronous>, transform_indices = @transform_7, window_bounds = array<i64: 32, 4>}, {pipeline_mode = #tpu.pipeline_mode<synchronous>, transform_indices = @transform_8, window_bounds = array<i64: 1, 4>}, {transform_indices = @transform_9, window_bounds = array<i64: 4000, 4>}]} {
    %get3A = arith.constant 0 : index
    %get3A_0 = arith.constant 0 : index
    %get3A_1 = vector.load %arg1[%get3A, %get3A_0] : memref<4000x16xf32, #tpu.memory_space<vmem>>, vector<4000x16xf32>
    %get3A_2 = arith.constant 0 : index
    %get3A_3 = arith.constant 0 : index
    %get3A_4 = vector.load %arg3[%get3A_2, %get3A_3] : memref<16x32xf32, #tpu.memory_space<vmem>>, vector<16x32xf32>
    %dot_general3A = arith.constant dense<0.000000e+00> : vector<4000x32xf32>
    %dot_general3A_5 = tpu.matmul %get3A_1, %get3A_4, %dot_general3A {dimension_numbers = #tpu.dot_dimension_numbers<[1], [0], [0], [1], [0, 0, 1, 1], [], []>, transpose_lhs_hint = false} : vector<4000x16xf32>, vector<16x32xf32>, vector<4000x32xf32> -> vector<4000x32xf32>
    %get3A_6 = arith.constant 0 : index
    %get3A_7 = arith.constant 0 : index
    %get3A_8 = vector.load %arg2[%get3A_6, %get3A_7] : memref<4000x16xf32, #tpu.memory_space<vmem>>, vector<4000x16xf32>
    %get3A_9 = arith.constant 0 : index
    %get3A_10 = arith.constant 0 : index
    %get3A_11 = vector.load %arg4[%get3A_9, %get3A_10] : memref<16x32xf32, #tpu.memory_space<vmem>>, vector<16x32xf32>
    %dot_general3A_12 = arith.constant dense<0.000000e+00> : vector<4000x32xf32>
    %dot_general3A_13 = tpu.matmul %get3A_8, %get3A_11, %dot_general3A_12 {dimension_numbers = #tpu.dot_dimension_numbers<[1], [0], [0], [1], [0, 0, 1, 1], [], []>, transpose_lhs_hint = false} : vector<4000x16xf32>, vector<16x32xf32>, vector<4000x32xf32> -> vector<4000x32xf32>
    %add3A = arith.addf %dot_general3A_5, %dot_general3A_13 : vector<4000x32xf32>
    %get3A_14 = arith.constant 0 : index
    %get3A_15 = arith.constant 0 : index
    %get3A_16 = vector.load %arg5[%get3A_14, %get3A_15] : memref<1x32xf32, #tpu.memory_space<vmem>>, vector<1x32xf32>
    %add3A_17 = vector.broadcast %get3A_16 : vector<1x32xf32> to vector<4000x32xf32>
    %add3A_18 = arith.addf %add3A, %add3A_17 : vector<4000x32xf32>
    %gt3A = arith.constant 0.000000e+00 : f32
    %gt3A_19 = vector.broadcast %gt3A : f32 to vector<4000x32xf32>
    %gt3A_20 = arith.cmpf ogt, %add3A_18, %gt3A_19 : vector<4000x32xf32>
    %min3A = arith.constant 0.000000e+00 : f32
    %min3A_21 = vector.broadcast %min3A : f32 to vector<4000x32xf32>
    %min3A_22 = arith.minimumf %add3A_18, %min3A_21 : vector<4000x32xf32>
    %exp3A = math.exp %min3A_22 : vector<4000x32xf32>
    %sub3A = arith.constant 1.000000e+00 : f32
    %sub3A_23 = vector.broadcast %sub3A : f32 to vector<4000x32xf32>
    %sub3A_24 = arith.subf %exp3A, %sub3A_23 : vector<4000x32xf32>
    %select_n3A = arith.select %gt3A_20, %add3A_18, %sub3A_24 : vector<4000x32xi1>, vector<4000x32xf32>
    %get3A_25 = arith.constant 0 : index
    %get3A_26 = arith.constant 0 : index
    %get3A_27 = vector.load %arg6[%get3A_25, %get3A_26] : memref<32x32xf32, #tpu.memory_space<vmem>>, vector<32x32xf32>
    %dot_general3A_28 = arith.constant dense<0.000000e+00> : vector<4000x32xf32>
    %dot_general3A_29 = tpu.matmul %select_n3A, %get3A_27, %dot_general3A_28 {dimension_numbers = #tpu.dot_dimension_numbers<[1], [0], [0], [1], [0, 0, 1, 1], [], []>, transpose_lhs_hint = false} : vector<4000x32xf32>, vector<32x32xf32>, vector<4000x32xf32> -> vector<4000x32xf32>
    %get3A_30 = arith.constant 0 : index
    %get3A_31 = arith.constant 0 : index
    %get3A_32 = vector.load %arg7[%get3A_30, %get3A_31] : memref<1x32xf32, #tpu.memory_space<vmem>>, vector<1x32xf32>
    %add3A_33 = vector.broadcast %get3A_32 : vector<1x32xf32> to vector<4000x32xf32>
    %add3A_34 = arith.addf %dot_general3A_29, %add3A_33 : vector<4000x32xf32>
    %gt3A_35 = arith.constant 0.000000e+00 : f32
    %gt3A_36 = vector.broadcast %gt3A_35 : f32 to vector<4000x32xf32>
    %gt3A_37 = arith.cmpf ogt, %add3A_34, %gt3A_36 : vector<4000x32xf32>
    %min3A_38 = arith.constant 0.000000e+00 : f32
    %min3A_39 = vector.broadcast %min3A_38 : f32 to vector<4000x32xf32>
    %min3A_40 = arith.minimumf %add3A_34, %min3A_39 : vector<4000x32xf32>
    %exp3A_41 = math.exp %min3A_40 : vector<4000x32xf32>
    %sub3A_42 = arith.constant 1.000000e+00 : f32
    %sub3A_43 = vector.broadcast %sub3A_42 : f32 to vector<4000x32xf32>
    %sub3A_44 = arith.subf %exp3A_41, %sub3A_43 : vector<4000x32xf32>
    %select_n3A_45 = arith.select %gt3A_37, %add3A_34, %sub3A_44 : vector<4000x32xi1>, vector<4000x32xf32>
    %get3A_46 = arith.constant 0 : index
    %get3A_47 = arith.constant 0 : index
    %get3A_48 = vector.load %arg8[%get3A_46, %get3A_47] : memref<32x4xf32, #tpu.memory_space<vmem>>, vector<32x4xf32>
    %dot_general3A_49 = arith.constant dense<0.000000e+00> : vector<4000x4xf32>
    %dot_general3A_50 = tpu.matmul %select_n3A_45, %get3A_48, %dot_general3A_49 {dimension_numbers = #tpu.dot_dimension_numbers<[1], [0], [0], [1], [0, 0, 1, 1], [], []>, transpose_lhs_hint = false} : vector<4000x32xf32>, vector<32x4xf32>, vector<4000x4xf32> -> vector<4000x4xf32>
    %get3A_51 = arith.constant 0 : index
    %get3A_52 = arith.constant 0 : index
    %get3A_53 = vector.load %arg9[%get3A_51, %get3A_52] : memref<1x4xf32, #tpu.memory_space<vmem>>, vector<1x4xf32>
    %add3A_54 = vector.broadcast %get3A_53 : vector<1x4xf32> to vector<4000x4xf32>
    %add3A_55 = arith.addf %dot_general3A_50, %add3A_54 : vector<4000x4xf32>
    %reduce_max3A = arith.constant dense<0xFF800000> : vector<4000xf32>
    %reduce_max3A_56 = vector.multi_reduction <maximumf>, %add3A_55, %reduce_max3A [1] : vector<4000x4xf32> to vector<4000xf32>
    %broadcast_in_dim3A = vector.shape_cast %reduce_max3A_56 : vector<4000xf32> to vector<4000x1xf32>
    %sub3A_57 = vector.broadcast %broadcast_in_dim3A : vector<4000x1xf32> to vector<4000x4xf32>
    %sub3A_58 = arith.subf %add3A_55, %sub3A_57 : vector<4000x4xf32>
    %exp3A_59 = math.exp %sub3A_58 : vector<4000x4xf32>
    %reduce_sum3A = arith.constant dense<0.000000e+00> : vector<4000xf32>
    %reduce_sum3A_60 = vector.multi_reduction <add>, %exp3A_59, %reduce_sum3A [1] : vector<4000x4xf32> to vector<4000xf32>
    %broadcast_in_dim3A_61 = vector.shape_cast %reduce_sum3A_60 : vector<4000xf32> to vector<4000x1xf32>
    %log3A = math.log %broadcast_in_dim3A_61 : vector<4000x1xf32>
    %sub3A_62 = vector.broadcast %log3A : vector<4000x1xf32> to vector<4000x4xf32>
    %sub3A_63 = arith.subf %sub3A_58, %sub3A_62 : vector<4000x4xf32>
    %swap3A = arith.constant 0 : index
    %swap3A_64 = arith.constant 0 : index
    %swap3A_65 = vector.load %arg10[%swap3A, %swap3A_64] : memref<4000x4xf32, #tpu.memory_space<vmem>>, vector<4000x4xf32>
    tpu.vector_store %arg10[%swap3A, %swap3A_64], %sub3A_63 {strides = array<i32>} : memref<4000x4xf32, #tpu.memory_space<vmem>>, vector<4000x4xf32>,
    return
  }
  func.func @transform_0(%arg0: i32) -> (i32, i32) {
    %c0_i32 = arith.constant 0 : i32
    %c0_i32_0 = arith.constant 0 : i32
    return %arg0, %c0_i32 : i32, i32
  }
  func.func @transform_1(%arg0: i32) -> (i32, i32) {
    %c0_i32 = arith.constant 0 : i32
    %c0_i32_0 = arith.constant 0 : i32
    return %arg0, %c0_i32 : i32, i32
  }
  func.func @transform_2(%arg0: i32) -> (i32, i32) {
    %c0_i32 = arith.constant 0 : i32
    %c0_i32_0 = arith.constant 0 : i32
    %c0_i32_1 = arith.constant 0 : i32
    return %c0_i32, %c0_i32_0 : i32, i32
  }
  func.func @transform_3(%arg0: i32) -> (i32, i32) {
    %c0_i32 = arith.constant 0 : i32
    %c0_i32_0 = arith.constant 0 : i32
    %c0_i32_1 = arith.constant 0 : i32
    return %c0_i32, %c0_i32_0 : i32, i32
  }
  func.func @transform_4(%arg0: i32) -> (i32, i32) {
    %c0_i32 = arith.constant 0 : i32
    %c0_i32_0 = arith.constant 0 : i32
    %c0_i32_1 = arith.constant 0 : i32
    return %c0_i32, %c0_i32_0 : i32, i32
  }
  func.func @transform_5(%arg0: i32) -> (i32, i32) {
    %c0_i32 = arith.constant 0 : i32
    %c0_i32_0 = arith.constant 0 : i32
    %c0_i32_1 = arith.constant 0 : i32
    return %c0_i32, %c0_i32_0 : i32, i32
  }
  func.func @transform_6(%arg0: i32) -> (i32, i32) {
    %c0_i32 = arith.constant 0 : i32
    %c0_i32_0 = arith.constant 0 : i32
    %c0_i32_1 = arith.constant 0 : i32
    return %c0_i32, %c0_i32_0 : i32, i32
  }
  func.func @transform_7(%arg0: i32) -> (i32, i32) {
    %c0_i32 = arith.constant 0 : i32
    %c0_i32_0 = arith.constant 0 : i32
    %c0_i32_1 = arith.constant 0 : i32
    return %c0_i32, %c0_i32_0 : i32, i32
  }
  func.func @transform_8(%arg0: i32) -> (i32, i32) {
    %c0_i32 = arith.constant 0 : i32
    %c0_i32_0 = arith.constant 0 : i32
    %c0_i32_1 = arith.constant 0 : i32
    return %c0_i32, %c0_i32_0 : i32, i32
  }
  func.func @transform_9(%arg0: i32) -> (i32, i32) {
    %c0_i32 = arith.constant 0 : i32
    %c0_i32_0 = arith.constant 0 : i32
    return %arg0, %c0_i32 : i32, i32
  }
}

</mosaic_0001>

<sc_bundles>
// kernel: kernel.12.cloned.1.call-start
scs
__scs_entry_jumppad:
0x0: {  	(pc) =	sbr.rel $0x88, $3  }
0x1: {  	(tag) =	ssettag $0x0;
	lr =	simm.s32 $0x1  }
0x2: {  	[smem:$0x3F8E] =	sst lr;
	_ =	strace $0xD0000000  }
0x3: {  	_ = 	snop  }
0x4: {  	_ = 	snop  }
0x5: {  	_ = 	snop  }
0x6: {  	_ = 	snop  }
0x7: {  	_ = 	snop  }
__scs_overlays_trampoline_lowered:
0x8: {  	[smem:$0x3F9D] =	sst s0  }
0x9: {  	[smem:$0x3F9E] =	sst s1  }
0xa: {  	[smem:$0x3F9F] =	sst s2  }
0xb: {  	[smem:$0x3FA0] =	sst s3  }
0xc: {  	[smem:$0x3FA1] =	sst s4  }
0xd: {  	[smem:$0x3FA2] =	sst s5  }
0xe: {  	[smem:$0x3FA3] =	sst s6  }
0xf: {  	[smem:$0x3FA4] =	sst s7  }
0x10: {  	[smem:$0x3FA5] =	sst s8  }
0x11: {  	[smem:$0x3FA6] =	sst s9;
	s0 =	simm.s32 @!p0 $0x0  }
0x12: {  	s1 =	sld [smem:$0x3F8C];
	s0 =	simm.s32 @p0 $0x1  }
0x13: {  	[smem:$0x3FA7] =	sst s0;
	s0 =	simm.s32 @!p1 $0x0  }
0x14: {  	s2 =	sld [smem:$0x3F8B];
	s0 =	simm.s32 @p1 $0x1  }
0x15: {  	[smem:$0x3FA8] =	sst s0;
	s0 =	simm.s32 @!p2 $0x0  }
0x16: {  	s3 =	sld [smem:$0x3FDB];
	s0 =	simm.s32 @p2 $0x1  }
0x17: {  	s4 =	simm.s32 $0x1BF5;
	[smem:$0x3FAA] =	sst s0  }
0x18: {  	s0 =	sld [smem:$0x3F8D];
	_ =	swait.ge [sflag:s4], $0x0  }
0x19: {  	s7 =	sld [smem:$0x3F8E]  }
0x1a: {  	s8 =	sadd.s32 $0xFFFFE003, lr  }
0x1b: {  	s9 =	sadd.s32 $0xFFFFFEF7, lr;
	s5 =	simm.s32 $0xFFFFFFFF;
	p2 =	slt.u32 s8, $0xFFFFF086  }
0x1c: {  	p1 =	slt.u32 s9, $0xF7A;
	s5 =	simm.s32 @!p2 $0x0  }
0x1d: {  	s5 =	simm.s32 @p1 $0x1;
	p0 =	seq.s32 s7, s2  }
0x1e: {  	s7 =	smul.u32 @!p0 $0xF7A, s2;
	p2 =	seq.s32 @!p0 s5, $0x0  }
0x1f: {  	s9 =	smul.u32 $0xF7A, s1;
	s8 =	simm.s32 @!p0 $0x1BF5;
	p2 =	por !p2, p0  }
0x20: {  	[sflag:s8] =	ssyncset.s32 @!p0 $0xFFFFF086;
	s6 =	sadd.s32 @!p0 s3, s7;
	s7 =	simm.s32 @!p0 $0x108  }
0x21: {  	s3 =	sadd.s32 s3, s9;
	s6 =	sadd.s32 @!p0 $0x88, s6;
	s7 =	simm.s32 @p2 $0x1082  }
0x22: {  	[simem:s7], [sflag:s8] =	dma.local @!p0 [hbm:s6], $0xF7A  }
0x23: {  	s9 =	sor.u32 $0xD0000000, s2;
	s6 =	simm.s32 $0x108;
	_ =	swait.ge @!p0 [sflag:s8], $0x0  }
0x24: {  	s3 =	sadd.s32 $0x88, s3;
	s6 =	simm.s32 @!p1 $0x1082;
	[sflag:s4] =	ssyncset.s32 $0xFFFFF086  }
0x25: {  	[simem:s6], [sflag:s4] =	dma.local [hbm:s3], $0xF7A  }
0x26: {  	[smem:$0x3F8E] =	sst s1;
	(tag) =	ssettag s2;
	_ =	strace s9  }
0x27: {  	s1 =	sld [smem:$0x3F9E]  }
0x28: {  	s2 =	sld [smem:$0x3F9F]  }
0x29: {  	s4 =	sld [smem:$0x3FA1]  }
0x2a: {  	p0 =	seq.s32 s5, $0x0;
	s5 =	sld [smem:$0x3FA2]  }
0x2b: {  	s6 =	sld [smem:$0x3FA3]  }
0x2c: {  	s7 =	sld [smem:$0x3FA4]  }
0x2d: {  	s3 =	simm.s32 $0x108;
	s8 =	sld [smem:$0x3FA5]  }
0x2e: {  	s3 =	simm.s32 @!p0 $0x1082;
	s9 =	sld [smem:$0x3FA6]  }
0x2f: {  	lr =	sadd.s32 s0, s3;
	s0 =	sld [smem:$0x3F9D]  }
0x30: {  	s3 =	sld [smem:$0x3FA0]  }
0x31: {  	[smem:$0x3FA9] =	sst s10  }
0x32: {  	s10 =	sld [smem:$0x3FA7];
	_ =	sdelay $0x3  }
0x33: {  	p0 =	seq.s32 s10, $0x1;
	s10 =	sld [smem:$0x3FA9];
	_ =	sdelay $0x3  }
0x34: {  	[smem:$0x3FA9] =	sst s10  }
0x35: {  	s10 =	sld [smem:$0x3FA8];
	_ =	sdelay $0x3  }
0x36: {  	p1 =	seq.s32 s10, $0x1;
	s10 =	sld [smem:$0x3FA9];
	_ =	sdelay $0x3  }
0x37: {  	[smem:$0x3FA9] =	sst s10  }
0x38: {  	s10 =	sld [smem:$0x3FAA]  }
0x39: {  	_ = 	snop;
	(pc) =	sbr.ind lr, $3  }
0x3a: {  	_ = 	snop  }
0x3b: {  	_ = 	snop  }
0x3c: {  	p2 =	seq.s32 s10, $0x1;
	s10 =	sld [smem:$0x3FA9]  }
0x3d: {  	_ =	shalt  }
0x3e: {  	_ =	shalt  }
0x3f: {  	_ =	shalt  }
0x40: {  	_ =	shalt  }
0x41: {  	_ =	shalt  }
0x42: {  	_ =	shalt  }
0x43: {  	_ =	shalt  }
0x44: {  	_ =	shalt  }
0x45: {  	_ =	shalt  }
0x46: {  	_ =	shalt  }
0x47: {  	_ =	shalt  }
0x48: {  	_ =	shalt  }
0x49: {  	_ =	shalt  }
0x4a: {  	_ =	shalt  }
0x4b: {  	_ =	shalt  }
0x4c: {  	_ =	shalt  }
0x4d: {  	_ =	shalt  }
0x4e: {  	_ =	shalt  }
0x4f: {  	_ =	shalt  }
0x50: {  	_ =	shalt  }
0x51: {  	_ =	shalt  }
0x52: {  	_ =	shalt  }
0x53: {  	_ =	shalt  }
0x54: {  	_ =	shalt  }
0x55: {  	_ =	shalt  }
0x56: {  	_ =	shalt  }
0x57: {  	_ =	shalt  }
0x58: {  	_ =	shalt  }
0x59: {  	_ =	shalt  }
0x5a: {  	_ =	shalt  }
0x5b: {  	_ =	shalt  }
0x5c: {  	_ =	shalt  }
0x5d: {  	_ =	shalt  }
0x5e: {  	_ =	shalt  }
0x5f: {  	_ =	shalt  }
0x60: {  	_ =	shalt  }
0x61: {  	_ =	shalt  }
0x62: {  	_ =	shalt  }
0x63: {  	_ =	shalt  }
0x64: {  	_ =	shalt  }
0x65: {  	_ =	shalt  }
0x66: {  	_ =	shalt  }
0x67: {  	_ =	shalt  }
0x68: {  	_ =	shalt  }
0x69: {  	_ =	shalt  }
0x6a: {  	_ =	shalt  }
0x6b: {  	_ =	shalt  }
0x6c: {  	_ =	shalt  }
0x6d: {  	_ =	shalt  }
0x6e: {  	_ =	shalt  }
0x6f: {  	_ =	shalt  }
0x70: {  	_ =	shalt  }
0x71: {  	_ =	shalt  }
0x72: {  	_ =	shalt  }
0x73: {  	_ =	shalt  }
0x74: {  	_ =	shalt  }
0x75: {  	_ =	shalt  }
0x76: {  	_ =	shalt  }
0x77: {  	_ =	shalt  }
0x78: {  	_ =	shalt  }
0x79: {  	_ =	shalt  }
0x7a: {  	_ =	shalt  }
0x7b: {  	_ =	shalt  }
0x7c: {  	_ =	shalt  }
0x7d: {  	_ =	shalt  }
0x7e: {  	_ =	shalt  }
0x7f: {  	_ =	shalt  }
0x80: {  	_ =	shalt  }
0x81: {  	_ =	shalt  }
0x82: {  	_ =	shalt  }
0x83: {  	_ =	shalt  }
0x84: {  	_ =	shalt  }
0x85: {  	_ =	shalt  }
0x86: {  	_ =	shalt  }
0x87: {  	_ =	shalt  }
.Lfunc_end0:
.L_simem_size_0:
called_computation.1_lowered:
.L_overlay_start_0:
0x88: {  	s2 =	sld [smem:$0x3FD9]  }
0x89: {  	s3 =	sld [smem:$0x3FFE];
	_ =	sdelay $0x1  }
0x8a: {  	s1 =	srdreg.scid  }
0x8b: {  	s0 =	sand.u32 $0x1, s1  }
0x8c: {  	s17 =	sshll.u32 s0, $0xA;
	s2 =	sadd.s32 s3, s2  }
0x8d: {  	s2 =	sadd.s32 s2, s17  }
0x8e: {  	[smem:$0x3FB5] =	sst s2  }
0x8f: {  	_ = 	snop  }
0x90: {  	s2 =	sld [smem:$0x3FD0];
	(tm) =	ssettm $0x1  }
0x91: {  	s18 =	sld [smem:$0x3FFB];
	_ =	sdelay $0x3  }
0x92: {  	_ =	strace s18  }
0x93: {  	s3 =	sld [smem:$0x3FFC];
	_ =	sdelay $0x3  }
0x94: {  	_ =	strace s3  }
0x95: {  	s3 =	sld [smem:$0x3FFD];
	_ =	sdelay $0x3  }
0x96: {  	_ =	strace s3  }
0x97: {  	_ =	strace $0x8FFFFFFF  }
0x98: {  	s19 =	sld [smem:$0x3FDB];
	_ =	sdelay $0x1  }
0x99: {  	s4 =	simm.s32 $_scs_section_size  }
0x9a: {  	s5 =	simm.s32 $_size__tile_overlayer_lowered;
	s6 =	simm.s32 $_tile_overlayer_lowered  }
0x9b: {  	s22 =	simm.s32 $0x1BFF;
	s21 =	sshll.u32 s6, $0x1;
	s3 =	sadd.s32 s4, s19  }
0x9c: {  	s7 =	simm.s32 $0x0;
	s20 =	sshll.u32 s5, $0x1;
	s5 =	sadd.s32 s21, s3  }
0x9d: {  	[timem:s7], [sflag:s22] =	dma.local [hbm:s5], s20  }
0x9e: {  	_ =	swait.ge [sflag:s22], s20  }
0x9f: {  	s4 =	ssub.s32 $0x0, s20;
	[sflag:s22] =	ssyncset.done $0x0  }
0xa0: {  	[sflag:s22] =	ssyncadd.s32 s4;
	_ =	sdelay $0x1  }
0xa1: {  	s23 =	simm.s32 $0x1B8B  }
0xa2: {  	_ =	swait.ge [sflag:s23], $0x1  }
0xa3: {  	[sflag:s23] =	ssyncset.done $0x0  }
0xa4: {  	s25 =	simm.s32 $0x1B8E;
	s24 =	sld [smem:$0x3FFE];
	[sflag:s23] =	ssyncadd.s32 $0xFFFFFFFF  }
0xa5: {  	s26 =	simm.s32 $execute0_lowered;
	[smem:$0x3FD2] =	sst s25  }
0xa6: {  	s5 =	sshll.u32 s26, $0x1;
	_ =	strace $0x80000049;
	[dreg:$0x1] =	wrdreg $0xFFFFFFFF  }
0xa7: {  	s28 =	simm.s32 $_size_execute0_lowered;
	s3 =	sadd.s32 s3, s5;
	[dreg:$0x0] =	wrdreg $0x0  }
0xa8: {  	s5 =	sshll.u32 s28, $0x1;
	[dreg:$0x2] =	wrdreg s3  }
0xa9: {  	[dreg:$0x3] =	wrdreg s5  }
0xaa: {  	[dreg:$0x4] =	wrdreg $0xC0  }
0xab: {  	_ =	task [dreg:s7], $0x5FFFF  }
0xac: {  	[dreg:$0x1] =	wrdreg $0xFFFFFFFF  }
0xad: {  	[dreg:$0x0] =	wrdreg $0x60  }
0xae: {  	[dreg:$0x2] =	wrdreg s24  }
0xaf: {  	[dreg:$0x3] =	wrdreg s2  }
0xb0: {  	[dreg:$0x4] =	wrdreg $0x0  }
0xb1: {  	[dreg:$0x5] =	wrdreg $0x9  }
0xb2: {  	_ =	task.clear_ibuf [dreg:s7], $0x6FFFF;
	_ =	strace $0x90000049  }
0xb3: {  	s29 =	simm.s32 $0x9;
	_ =	strace $0x8000004B  }
0xb4: {  	_ =	swait.ge [sflag:s29], $0x1  }
0xb5: {  	[sflag:s29] =	ssyncadd.s32 $0xFFFFFFFF  }
0xb6: {  	_ =	strace $0x9000004B  }
0xb7: {  	_ =	sfence  }
0xb8: {  	s30 =	sld [smem:$0x0];
	_ =	sdelay $0x2  }
0xb9: {  	s31 =	sshll.u32 s1, $0xD;
	s1 =	sshrl.u32 s1, $0x2  }
0xba: {  	s3 =	sand.u32 $0x4000, s31;
	s1 =	sadd.s32 s1, s30  }
0xbb: {  	s0 =	sor.u32 s3, s0;
	s1 =	sshll.u32 s1, $0x11  }
0xbc: {  	s0 =	sor.u32 s1, s0  }
0xbd: {  	s0 =	sadd.s32 $0x8F2B, s0  }
0xbe: {  	[sflag:s0] =	ssyncadd.remote.s32 $0x1  }
0xbf: {  	_ =	sfence.sel $0xFFFF  }
0xc0: {  	[dreg:$0x0] =	wrdreg $0xFFFFFFFF;
	(pc) =	sbr.abs _section_cstart, $3  }
0xc1: {  	[dreg:$0x1] =	wrdreg $0xFFFFFFFF  }
0xc2: {  	_ =	task.clear_ibuf [dreg:s7], $0x2FFFF;
	_ =	strace $0x9FFFFFFF  }
0xc3: {  	(tm) =	ssettm $0x7FFFFFFF  }
tec
execute0_lowered:
.L_overlay_start_1:
0x0: {  	(tag) =	ssettag $0x1  }
0x1: {  	s0 =	rddreg [dreg:$0x0]  }
0x2: {  	s1 =	rddreg [dreg:$0x1]  }
0x3: {  	s2 =	rddreg [dreg:$0x2];
	s3 =	simm.s32 $0x0;
	s11 =	stileid.u32  }
0x4: {  	s5 =	srdreg.scid;
	s28 =	simm.s32 $0xE050;
	s29 =	simm.s32 $0xC550  }
0x5: {  	s30 =	simm.s32 $0xE850;
	s31 =	simm.s32 $0xC5D0;
	[smem:$0x7FF] =	sst s3  }
0x6: {  	s4 =	smul.u32 $0xC380, s11;
	s5 =	sand.u32 $0x1, s5;
	s6 =	sadd.s32 $0x65E00, s0  }
0x7: {  	s8 =	sadd.s32 $0x4200, s0;
	s18 =	sshll.u32 s11, $0x8;
	s21 =	smul.u32 $0x30C00, s11  }
0x8: {  	s13 =	sadd.s32 $0xB7480, s2;
	s24 =	smul.u32 $0x30C0, s11;
	p0 =	seq.s32 s11, $0xF  }
0x9: {  	p1 =	sgt.u32 s11, $0x9;
	_ =	strace $0x8000004A;
	s17 =	smul.u32 $0x186A0, s5  }
0xa: {  	s7 =	ssub.s32 $0x2, s5;
	s19 =	sshll.u32 s5, $0x7;
	s23 =	smul.u32 $0x18600, s5  }
0xb: {  	s26 =	smul.u32 $0x1860, s5;
	[dreg:$0x7] =	wrdreg s13;
	s5 =	simm.s32 $0x10850  }
0xc: {  	s9 =	sshrl.u32 s4, $0x3;
	s10 =	sshrl.u32 s7, $0x1;
	s12 =	sadd.s32 s4, s2  }
0xd: {  	s20 =	sor.u32 s19, s18;
	s18 =	simm.s32 $0xC350;
	s19 =	simm.s32 $0x1  }
0xe: {  	[dreg:$0x4] =	wrdreg s9;
	s9 =	sadd.s32 s9, s0;
	s7 =	ssub.s32 s7, s10  }
0xf: {  	s0 =	sadd.s32 $0x38A090, s0;
	s1 =	sadd.s32 s1, s17;
	[dreg:$0x5] =	wrdreg s12  }
0x10: {  	s10 =	simm.s32 $0xC6D0;
	s16 =	sadd.s32 $0x373200, s9;
	[dreg:$0x8] =	wrdreg s0  }
0x11: {  	[dreg:$0x9] =	wrdreg s1;
	s0 =	sor.u32 $0x186000, s20;
	s25 =	smax.u32 s7, $0x1  }
0x12: {  	s1 =	sadd.s32 s21, s6;
	s20 =	simm.s32 $0xC850;
	s21 =	simm.s32 $0x80  }
0x13: {  	s7 =	simm.s32 $0xC650;
	s9 =	simm.s32 $0x0;
	[dreg:$0x6] =	wrdreg s16  }
0x14: {  	s22 =	sshrl.u32 s0, $0x3;
	s0 =	sshll.u32 s0, $0x1;
	[dreg:$0xc] =	wrdreg s25  }
0x15: {  	s1 =	sadd.s32 s23, s1;
	s23 =	simm.s32 $0xD050;
	s25 =	simm.s32 $0xD850  }
0x16: {  	s4 =	sadd.s32 s8, s22;
	s0 =	sadd.s32 s6, s0;
	[dreg:$0xd] =	wrdreg s1  }
0x17: {  	s22 =	simm.s32 $0xC3D0;
	s1 =	simm.s32 $0xF850;
	[dreg:$0xa] =	wrdreg s4  }
0x18: {  	s6 =	simm.s32 $0xC7D0;
	[dreg:$0xb] =	wrdreg s0;
	s0 =	sadd.s32 s24, s8  }
.Ltmp0:
0x19: {  	s14 =	sadd.s32 s26, s0;
	s0 =	sshrl.u32 @p0 s13, $0x3;
	(pc) =	sbr.rel .LBB2_1-.Ltmp0, $4  }
0x1a: {  	s24 =	simm.s32 $0xC450;
	[dreg:$0xe] =	wrdreg s0;
	s0 =	sshll.u32 @!p0 s11, $0x6  }
0x1b: {  	s4 =	simm.s32 $0xC750;
	s8 =	simm.s32 $0x11050;
	s0 =	sor.u32 @!p0 $0x1C01, s0  }
0x1c: {  	s26 =	simm.s32 $0xC4D0;
	[dreg:$0xf] =	wrdreg s0;
	s0 =	sshrl.u32 @!p0 s12, $0x3  }
0x1d: {  	s11 =	simm.s32 $0x10050;
	[dreg:$0x10] =	wrdreg s0;
	s0 =	simm.s32 $0xF050  }
.LBB2_7:
0x1e: {  	s12 =	rddreg [dreg:$0x9]  }
0x1f: {  	s13 =	rddreg [dreg:$0x7]  }
0x20: {  	s15 =	simm.s32 $0x1FC1;
	s12 =	sadd.s32 $0x16E90, s12;
	s13 =	sshrl.u32 s13, $0x3  }
0x21: {  	[hbm:s12], [sflag:s15] =	dma.local [spmem:s13], $0x1810  }
0x22: {  	_ =	swait.ge [sflag:s19], $0x1810  }
0x23: {  	[sflag:s19] =	ssyncset.done $0x0  }
0x24: {  	[sflag:s19] =	ssyncadd.s32 $0xFFFFE7F0  }
.LBB2_8:
0x25: {  	s9 =	sadd.s32 $0x1, s9;
	s12 =	rddreg [dreg:$0xc]  }
0x26: {  	p2 =	sne.s32 s9, s12  }
.Ltmp1:
0x27: {  	_ = 	snop;
	(pc) =	sbr.rel @!p2 .LBB2_9-.Ltmp1, $1  }
0x28: {  	_ =	sdelay $0x3  }
.LBB2_1:
0x29: {  	s13 =	rddreg [dreg:$0x8]  }
0x2a: {  	s12 =	simm.s32 @p0 $0x1FC1;
	s15 =	rddreg [dreg:$0xe]  }
0x2b: {  	[spmem:s15], [sflag:s12] =	dma.local @p0 [hbm:s13], $0x1810  }
0x2c: {  	s12 =	simm.s32 @p0 $0x1  }
0x2d: {  	_ =	swait.ge @p0 [sflag:s12], $0x1810  }
0x2e: {  	s13 =	rddreg [dreg:$0xf]  }
0x2f: {  	[sflag:s12] =	ssyncset.done @p0 $0x0;
	s15 =	rddreg [dreg:$0x10]  }
0x30: {  	[sflag:s12] =	ssyncadd.s32 @p0 $0xFFFFE7F0;
	s12 =	rddreg [dreg:$0x6]  }
0x31: {  	[spmem:s15], [sflag:s13] =	dma.local @!p0 [hbm:s12], $0x1870  }
0x32: {  	s12 =	simm.s32 @!p0 $0x1  }
0x33: {  	_ =	swait.ge @!p0 [sflag:s12], $0x1870  }
0x34: {  	[sflag:s12] =	ssyncset.done @!p0 $0x0  }
0x35: {  	[sflag:s12] =	ssyncadd.s32 @!p0 $0xFFFFE790  }
0x36: {  	s16 =	sadd.s32 $0x0, s14;
	[bflag:$0x0] =	sbarrier.arrive $0xFFFF  }
0x37: {  	[tilespmem:s18], [sflag:$0x1] =	stream.linear.gather [hbm4b:s16+s3], $0x500, $0x38;
	[tilespmem:$0x11850] =	vst v63  }
0x38: {  	_ =	swait.ge [sflag:s19], $0x500  }
0x39: {  	[sflag:s19] =	ssyncset.done $0x0  }
0x3a: {  	s17 =	rddreg [dreg:$0xd];
	[sflag:s19] =	ssyncadd.s32 $0xFFFFFB00  }
0x3b: {  	[tilespmem:s20], [sflag:$0x1] =	stream.linear.gather [hbm4b:s17+s3], $0x5000, $0x38;
	[tilespmem:$0x11850] =	vst v63  }
0x3c: {  	_ =	swait.ge [sflag:s19], $0x5000  }
0x3d: {  	[sflag:s19] =	ssyncset.done $0x0  }
0x3e: {  	[sflag:s19] =	ssyncadd.s32 $0xFFFFB000  }
0x3f: {  	[spmem:s2] =	stream.indirect.scatter.add.f32 [tilespmem:s20], [sflag:$0x1], $0x10, s18, s21, $0xb8;
	[tilespmem:$0x11850] =	vst v63  }
0x40: {  	_ =	swait.ge [sflag:s19], $0x800  }
0x41: {  	[sflag:s19] =	ssyncset.done $0x0  }
0x42: {  	[sflag:s19] =	ssyncadd.s32 $0xFFFFF800  }
0x43: {  	[spmem:s2] =	stream.indirect.scatter.add.f32 [tilespmem:s23], [sflag:$0x1], $0x10, s22, s21, $0xb8;
	[tilespmem:$0x11850] =	vst v63  }
0x44: {  	_ =	swait.ge [sflag:s19], $0x800  }
0x45: {  	[sflag:s19] =	ssyncset.done $0x0  }
0x46: {  	[sflag:s19] =	ssyncadd.s32 $0xFFFFF800  }
0x47: {  	[spmem:s2] =	stream.indirect.scatter.add.f32 [tilespmem:s25], [sflag:$0x1], $0x10, s24, s21, $0xb8;
	[tilespmem:$0x11850] =	vst v63  }
0x48: {  	_ =	swait.ge [sflag:s19], $0x800  }
0x49: {  	[sflag:s19] =	ssyncset.done $0x0  }
0x4a: {  	[sflag:s19] =	ssyncadd.s32 $0xFFFFF800  }
0x4b: {  	[spmem:s2] =	stream.indirect.scatter.add.f32 [tilespmem:s28], [sflag:$0x1], $0x10, s26, s21, $0xb8;
	[tilespmem:$0x11850] =	vst v63  }
0x4c: {  	_ =	swait.ge [sflag:s19], $0x800  }
0x4d: {  	[sflag:s19] =	ssyncset.done $0x0  }
0x4e: {  	[sflag:s19] =	ssyncadd.s32 $0xFFFFF800  }
0x4f: {  	[spmem:s2] =	stream.indirect.scatter.add.f32 [tilespmem:s30], [sflag:$0x1], $0x10, s29, s21, $0xb8;
	[tilespmem:$0x11850] =	vst v63  }
0x50: {  	_ =	swait.ge [sflag:s19], $0x800  }
0x51: {  	[sflag:s19] =	ssyncset.done $0x0  }
0x52: {  	[sflag:s19] =	ssyncadd.s32 $0xFFFFF800  }
0x53: {  	[spmem:s2] =	stream.indirect.scatter.add.f32 [tilespmem:s0], [sflag:$0x1], $0x10, s31, s21, $0xb8;
	[tilespmem:$0x11850] =	vst v63  }
0x54: {  	_ =	swait.ge [sflag:s19], $0x800  }
0x55: {  	[sflag:s19] =	ssyncset.done $0x0  }
0x56: {  	[sflag:s19] =	ssyncadd.s32 $0xFFFFF800  }
0x57: {  	[spmem:s2] =	stream.indirect.scatter.add.f32 [tilespmem:s1], [sflag:$0x1], $0x10, s7, s21, $0xb8;
	[tilespmem:$0x11850] =	vst v63  }
0x58: {  	_ =	swait.ge [sflag:s19], $0x800  }
0x59: {  	[sflag:s19] =	ssyncset.done $0x0  }
0x5a: {  	[sflag:s19] =	ssyncadd.s32 $0xFFFFF800  }
0x5b: {  	[spmem:s2] =	stream.indirect.scatter.add.f32 [tilespmem:s11], [sflag:$0x1], $0x10, s10, s21, $0xb8;
	[tilespmem:$0x11850] =	vst v63  }
0x5c: {  	_ =	swait.ge [sflag:s19], $0x800  }
0x5d: {  	[sflag:s19] =	ssyncset.done $0x0  }
0x5e: {  	[sflag:s19] =	ssyncadd.s32 $0xFFFFF800  }
0x5f: {  	[spmem:s2] =	stream.indirect.scatter.add.f32 [tilespmem:s5], [sflag:$0x1], $0x10, s4, s21, $0xb8;
	[tilespmem:$0x11850] =	vst v63  }
0x60: {  	_ =	swait.ge [sflag:s19], $0x800  }
0x61: {  	[sflag:s19] =	ssyncset.done $0x0  }
0x62: {  	[sflag:s19] =	ssyncadd.s32 $0xFFFFF800  }
0x63: {  	[spmem:s2] =	stream.indirect.scatter.add.f32 [tilespmem:s8], [sflag:$0x1], $0x10, s6, s21, $0xb8;
	[tilespmem:$0x11850] =	vst v63  }
0x64: {  	s15 =	simm.s32 $0xA0;
	_ =	swait.ge [sflag:s19], $0x800  }
0x65: {  	s16 =	simm.s32 $0x140;
	s12 =	sadd.s32 $0xA00, s17;
	[sflag:s19] =	ssyncset.done $0x0  }
.LBB2_2:
0x66: {  	s13 =	sadd.s32 s15, s14  }
0x67: {  	[sflag:s19] =	ssyncadd.s32 $0xFFFFF800;
	s15 =	smov.u32 s16;
	s17 =	sadd.s32 $0xA0, s16  }
0x68: {  	[tilespmem:s18], [sflag:$0x1] =	stream.linear.gather [hbm4b:s13+s3], $0x500, $0x38;
	[tilespmem:$0x11850] =	vst v63  }
0x69: {  	p2 =	sne.s32 s16, $0x17C0;
	_ =	swait.ge [sflag:s19], $0x500  }
0x6a: {  	[sflag:s19] =	ssyncset.done $0x0  }
0x6b: {  	[sflag:s19] =	ssyncadd.s32 $0xFFFFFB00  }
0x6c: {  	[tilespmem:s20], [sflag:$0x1] =	stream.linear.gather [hbm4b:s12+s3], $0x5000, $0x38;
	[tilespmem:$0x11850] =	vst v63  }
0x6d: {  	_ =	swait.ge [sflag:s19], $0x5000  }
0x6e: {  	[sflag:s19] =	ssyncset.done $0x0  }
0x6f: {  	[sflag:s19] =	ssyncadd.s32 $0xFFFFB000  }
0x70: {  	[spmem:s2] =	stream.indirect.scatter.add.f32 [tilespmem:s20], [sflag:$0x1], $0x10, s18, s21, $0xb8;
	[tilespmem:$0x11850] =	vst v63  }
0x71: {  	_ =	swait.ge [sflag:s19], $0x800  }
0x72: {  	[sflag:s19] =	ssyncset.done $0x0  }
0x73: {  	[sflag:s19] =	ssyncadd.s32 $0xFFFFF800  }
0x74: {  	[spmem:s2] =	stream.indirect.scatter.add.f32 [tilespmem:s23], [sflag:$0x1], $0x10, s22, s21, $0xb8;
	[tilespmem:$0x11850] =	vst v63  }
0x75: {  	_ =	swait.ge [sflag:s19], $0x800  }
0x76: {  	[sflag:s19] =	ssyncset.done $0x0  }
0x77: {  	[sflag:s19] =	ssyncadd.s32 $0xFFFFF800  }
0x78: {  	[spmem:s2] =	stream.indirect.scatter.add.f32 [tilespmem:s25], [sflag:$0x1], $0x10, s24, s21, $0xb8;
	[tilespmem:$0x11850] =	vst v63  }
0x79: {  	_ =	swait.ge [sflag:s19], $0x800  }
0x7a: {  	[sflag:s19] =	ssyncset.done $0x0  }
0x7b: {  	[sflag:s19] =	ssyncadd.s32 $0xFFFFF800  }
0x7c: {  	[spmem:s2] =	stream.indirect.scatter.add.f32 [tilespmem:s28], [sflag:$0x1], $0x10, s26, s21, $0xb8;
	[tilespmem:$0x11850] =	vst v63  }
0x7d: {  	_ =	swait.ge [sflag:s19], $0x800  }
0x7e: {  	[sflag:s19] =	ssyncset.done $0x0  }
0x7f: {  	[sflag:s19] =	ssyncadd.s32 $0xFFFFF800  }
0x80: {  	[spmem:s2] =	stream.indirect.scatter.add.f32 [tilespmem:s30], [sflag:$0x1], $0x10, s29, s21, $0xb8;
	[tilespmem:$0x11850] =	vst v63  }
0x81: {  	_ =	swait.ge [sflag:s19], $0x800  }
0x82: {  	[sflag:s19] =	ssyncset.done $0x0  }
0x83: {  	[sflag:s19] =	ssyncadd.s32 $0xFFFFF800  }
0x84: {  	[spmem:s2] =	stream.indirect.scatter.add.f32 [tilespmem:s0], [sflag:$0x1], $0x10, s31, s21, $0xb8;
	[tilespmem:$0x11850] =	vst v63  }
0x85: {  	_ =	swait.ge [sflag:s19], $0x800  }
0x86: {  	[sflag:s19] =	ssyncset.done $0x0  }
0x87: {  	[sflag:s19] =	ssyncadd.s32 $0xFFFFF800  }
0x88: {  	[spmem:s2] =	stream.indirect.scatter.add.f32 [tilespmem:s1], [sflag:$0x1], $0x10, s7, s21, $0xb8;
	[tilespmem:$0x11850] =	vst v63  }
0x89: {  	_ =	swait.ge [sflag:s19], $0x800  }
0x8a: {  	[sflag:s19] =	ssyncset.done $0x0  }
0x8b: {  	[sflag:s19] =	ssyncadd.s32 $0xFFFFF800  }
0x8c: {  	[spmem:s2] =	stream.indirect.scatter.add.f32 [tilespmem:s11], [sflag:$0x1], $0x10, s10, s21, $0xb8;
	[tilespmem:$0x11850] =	vst v63  }
0x8d: {  	_ =	swait.ge [sflag:s19], $0x800  }
0x8e: {  	[sflag:s19] =	ssyncset.done $0x0  }
0x8f: {  	[sflag:s19] =	ssyncadd.s32 $0xFFFFF800  }
0x90: {  	[spmem:s2] =	stream.indirect.scatter.add.f32 [tilespmem:s5], [sflag:$0x1], $0x10, s4, s21, $0xb8;
	[tilespmem:$0x11850] =	vst v63  }
0x91: {  	_ =	swait.ge [sflag:s19], $0x800  }
.Ltmp2:
0x92: {  	[sflag:s19] =	ssyncset.done $0x0;
	(pc) =	sbr.rel @p2 .LBB2_2-.Ltmp2, $4  }
0x93: {  	[sflag:s19] =	ssyncadd.s32 $0xFFFFF800  }
0x94: {  	[spmem:s2] =	stream.indirect.scatter.add.f32 [tilespmem:s8], [sflag:$0x1], $0x10, s6, s21, $0xb8;
	[tilespmem:$0x11850] =	vst v63  }
0x95: {  	_ =	swait.ge [sflag:s19], $0x800  }
0x96: {  	s16 =	smov.u32 s17;
	s12 =	sadd.s32 $0xA00, s12;
	[sflag:s19] =	ssyncset.done $0x0  }
0x97: {  	s13 =	sadd.s32 s15, s14;
	[sflag:s19] =	ssyncadd.s32 $0xFFFFF800  }
0x98: {  	[tilespmem:s18], [sflag:$0x1] =	stream.linear.gather [hbm4b:s13+s3], $0x500, $0x38;
	[tilespmem:$0x11850] =	vst v63  }
0x99: {  	_ =	swait.ge [sflag:s19], $0x500  }
0x9a: {  	[sflag:s19] =	ssyncset.done $0x0  }
0x9b: {  	[sflag:s19] =	ssyncadd.s32 $0xFFFFFB00  }
0x9c: {  	[tilespmem:s20], [sflag:$0x1] =	stream.linear.gather [hbm4b:s12+s3], $0x5000, $0x38;
	[tilespmem:$0x11850] =	vst v63  }
0x9d: {  	_ =	swait.ge [sflag:s19], $0x5000  }
0x9e: {  	[sflag:s19] =	ssyncset.done $0x0  }
0x9f: {  	[sflag:s19] =	ssyncadd.s32 $0xFFFFB000  }
0xa0: {  	[spmem:s2] =	stream.indirect.scatter.add.f32 [tilespmem:s20], [sflag:$0x1], $0x10, s18, s21, $0xb8;
	[tilespmem:$0x11850] =	vst v63  }
0xa1: {  	_ =	swait.ge [sflag:s19], $0x800  }
0xa2: {  	[sflag:s19] =	ssyncset.done $0x0  }
0xa3: {  	[sflag:s19] =	ssyncadd.s32 $0xFFFFF800  }
0xa4: {  	[spmem:s2] =	stream.indirect.scatter.add.f32 [tilespmem:s23], [sflag:$0x1], $0x10, s22, s21, $0xb8;
	[tilespmem:$0x11850] =	vst v63  }
0xa5: {  	_ =	swait.ge [sflag:s19], $0x800  }
0xa6: {  	[sflag:s19] =	ssyncset.done $0x0  }
0xa7: {  	[sflag:s19] =	ssyncadd.s32 $0xFFFFF800  }
0xa8: {  	[spmem:s2] =	stream.indirect.scatter.add.f32 [tilespmem:s25], [sflag:$0x1], $0x10, s24, s21, $0xb8;
	[tilespmem:$0x11850] =	vst v63  }
0xa9: {  	_ =	swait.ge [sflag:s19], $0x800  }
0xaa: {  	[sflag:s19] =	ssyncset.done $0x0  }
0xab: {  	[sflag:s19] =	ssyncadd.s32 $0xFFFFF800  }
0xac: {  	[spmem:s2] =	stream.indirect.scatter.add.f32 [tilespmem:s28], [sflag:$0x1], $0x10, s26, s21, $0xb8;
	[tilespmem:$0x11850] =	vst v63  }
0xad: {  	_ =	swait.ge [sflag:s19], $0x800  }
0xae: {  	[sflag:s19] =	ssyncset.done $0x0  }
0xaf: {  	[sflag:s19] =	ssyncadd.s32 $0xFFFFF800  }
0xb0: {  	[spmem:s2] =	stream.indirect.scatter.add.f32 [tilespmem:s30], [sflag:$0x1], $0x10, s29, s21, $0xb8;
	[tilespmem:$0x11850] =	vst v63  }
0xb1: {  	_ =	swait.ge [sflag:s19], $0x800  }
0xb2: {  	[sflag:s19] =	ssyncset.done $0x0  }
0xb3: {  	[sflag:s19] =	ssyncadd.s32 $0xFFFFF800  }
0xb4: {  	[spmem:s2] =	stream.indirect.scatter.add.f32 [tilespmem:s0], [sflag:$0x1], $0x10, s31, s21, $0xb8;
	[tilespmem:$0x11850] =	vst v63  }
0xb5: {  	_ =	swait.ge [sflag:s19], $0x800  }
0xb6: {  	[sflag:s19] =	ssyncset.done $0x0  }
0xb7: {  	[sflag:s19] =	ssyncadd.s32 $0xFFFFF800  }
0xb8: {  	[spmem:s2] =	stream.indirect.scatter.add.f32 [tilespmem:s1], [sflag:$0x1], $0x10, s7, s21, $0xb8;
	[tilespmem:$0x11850] =	vst v63  }
0xb9: {  	_ =	swait.ge [sflag:s19], $0x800  }
0xba: {  	[sflag:s19] =	ssyncset.done $0x0  }
0xbb: {  	[sflag:s19] =	ssyncadd.s32 $0xFFFFF800  }
0xbc: {  	[spmem:s2] =	stream.indirect.scatter.add.f32 [tilespmem:s11], [sflag:$0x1], $0x10, s10, s21, $0xb8;
	[tilespmem:$0x11850] =	vst v63  }
0xbd: {  	_ =	swait.ge [sflag:s19], $0x800  }
0xbe: {  	[sflag:s19] =	ssyncset.done $0x0  }
0xbf: {  	[sflag:s19] =	ssyncadd.s32 $0xFFFFF800  }
0xc0: {  	[spmem:s2] =	stream.indirect.scatter.add.f32 [tilespmem:s5], [sflag:$0x1], $0x10, s4, s21, $0xb8;
	[tilespmem:$0x11850] =	vst v63  }
0xc1: {  	_ =	swait.ge [sflag:s19], $0x800  }
0xc2: {  	[sflag:s19] =	ssyncset.done $0x0  }
.Ltmp3:
0xc3: {  	[sflag:s19] =	ssyncadd.s32 $0xFFFFF800;
	(pc) =	sbr.rel @p1 .LBB2_5-.Ltmp3, $4  }
0xc4: {  	[spmem:s2] =	stream.indirect.scatter.add.f32 [tilespmem:s8], [sflag:$0x1], $0x10, s6, s21, $0xb8;
	[tilespmem:$0x11850] =	vst v63  }
0xc5: {  	_ =	swait.ge [sflag:s19], $0x800  }
0xc6: {  	[sflag:s19] =	ssyncset.done $0x0  }
0xc7: {  	[sflag:s19] =	ssyncadd.s32 $0xFFFFF800  }
0xc8: {  	s12 =	rddreg [dreg:$0xa]  }
0xc9: {  	[tilespmem:s18], [sflag:$0x1] =	stream.linear.gather [hbm4b:s12+s3], $0x80, $0x38;
	[tilespmem:$0x11850] =	vst v63  }
0xca: {  	_ =	swait.ge [sflag:s19], $0x80  }
0xcb: {  	[sflag:s19] =	ssyncset.done $0x0  }
0xcc: {  	s17 =	rddreg [dreg:$0xb];
	[sflag:s19] =	ssyncadd.s32 $0xFFFFFF80  }
0xcd: {  	[tilespmem:s20], [sflag:$0x1] =	stream.linear.gather [hbm4b:s17+s3], $0x800, $0x38;
	[tilespmem:$0x11850] =	vst v63  }
0xce: {  	_ =	swait.ge [sflag:s19], $0x800  }
0xcf: {  	[sflag:s19] =	ssyncset.done $0x0  }
0xd0: {  	[sflag:s19] =	ssyncadd.s32 $0xFFFFF800  }
0xd1: {  	[spmem:s2] =	stream.indirect.scatter.add.f32 [tilespmem:s20], [sflag:$0x1], $0x10, s18, s21, $0xb8;
	[tilespmem:$0x11850] =	vst v63  }
.Ltmp4:
0xd2: {  	_ =	swait.ge [sflag:s19], $0x800;
	(pc) =	sbr.rel .LBB2_6-.Ltmp4, $3  }
0xd3: {  	[sflag:s19] =	ssyncset.done $0x0  }
0xd4: {  	[sflag:s19] =	ssyncadd.s32 $0xFFFFF800  }
0xd5: {  	[bflag:$0x0] =	sbarrier.arrive $0xFFFF;
	_ =	sdelay $0x1  }
.LBB2_5:
.Ltmp5:
0xd6: {  	(pc) =	sbr.rel @p0 .LBB2_7-.Ltmp5, $2  }
0xd7: {  	_ =	sdelay $0x1  }
0xd8: {  	[bflag:$0x0] =	sbarrier.arrive $0xFFFF;
	_ =	sdelay $0x1  }
.LBB2_6:
0xd9: {  	s13 =	rddreg [dreg:$0x4]  }
0xda: {  	s12 =	stileid.u32;
	s15 =	rddreg [dreg:$0x9]  }
0xdb: {  	s17 =	rddreg [dreg:$0x5];
	s12 =	sshll.u32 s12, $0x6;
	s13 =	sadd.s32 s13, s15  }
.Ltmp6:
0xdc: {  	s15 =	sshrl.u32 s17, $0x3;
	s12 =	sor.u32 $0x1C01, s12;
	(pc) =	sbr.rel .LBB2_8-.Ltmp6, $4  }
0xdd: {  	[hbm:s13], [sflag:s12] =	dma.local [spmem:s15], $0x1870  }
0xde: {  	_ =	swait.ge [sflag:s19], $0x1870  }
0xdf: {  	[sflag:s19] =	ssyncset.done $0x0  }
0xe0: {  	[sflag:s19] =	ssyncadd.s32 $0xFFFFE790  }
.LBB2_9:
0xe1: {  	_ =	sfence.sel $0x180000  }
0xe2: {  	[bflag:$0x0] =	sbarrier.arrive $0xFFFF  }
0xe3: {  	_ =	strace $0x9000004A  }
0xe4: {  	s0 =	stileid.u32;
	[bflag:$0x2] =	sbarrier.arrive $0xFFFF  }
0xe5: {  	p0 =	sne.s32 s0, $0x0;
	s0 =	rddreg [dreg:$0x3]  }
0xe6: {  	s0 =	sadd.s32 @!p0 $0x100000, s0  }
0xe7: {  	[sflag:s0] =	ssyncadd.tile.s32 @!p0 $0x1;
	_ =	shalt  }
.Lfunc_end2:
_tile_overlayer_lowered:
.L_overlay_start_2:
0xe8: {  	(tag) =	ssettag $0x2  }
0xe9: {  	s0 =	rddreg [dreg:$0x0];
	s2 =	stileid.u32  }
0xea: {  	s1 =	rddreg [dreg:$0x1];
	p0 =	sne.s32 s2, $0x0  }
0xeb: {  	s3 =	rddreg [dreg:$0x2];
	[bflag:$0x3] =	sbarrier.arrive $0xFFFF;
	s2 =	simm.s32 @!p0 $0x1C01  }
0xec: {  	[timem:s3], [sflag:s2] =	dma.local @!p0 [hbm:s0], s1  }
0xed: {  	s0 =	simm.s32 @!p0 $0x1  }
0xee: {  	_ =	swait.ge @!p0 [sflag:s0], s1  }
0xef: {  	s1 =	ssub.s32 @!p0 $0x0, s1;
	[sflag:s0] =	ssyncset.done @!p0 $0x0  }
0xf0: {  	[sflag:s0] =	ssyncadd.s32 @!p0 s1  }
0xf1: {  	[bflag:$0x3] =	sbarrier.arrive $0xFFFF  }
0xf2: {  	_ =	shalt  }

// kernel: kernel.15.cloned.1.call-start
scs
__scs_entry_jumppad:
0x0: {  	(pc) =	sbr.rel $0x88, $3  }
0x1: {  	(tag) =	ssettag $0x0;
	lr =	simm.s32 $0x1  }
0x2: {  	[smem:$0x3F8E] =	sst lr;
	_ =	strace $0xD0000000  }
0x3: {  	_ = 	snop  }
0x4: {  	_ = 	snop  }
0x5: {  	_ = 	snop  }
0x6: {  	_ = 	snop  }
0x7: {  	_ = 	snop  }
__scs_overlays_trampoline_lowered:
0x8: {  	[smem:$0x3F9D] =	sst s0  }
0x9: {  	[smem:$0x3F9E] =	sst s1  }
0xa: {  	[smem:$0x3F9F] =	sst s2  }
0xb: {  	[smem:$0x3FA0] =	sst s3  }
0xc: {  	[smem:$0x3FA1] =	sst s4  }
0xd: {  	[smem:$0x3FA2] =	sst s5  }
0xe: {  	[smem:$0x3FA3] =	sst s6  }
0xf: {  	[smem:$0x3FA4] =	sst s7  }
0x10: {  	[smem:$0x3FA5] =	sst s8  }
0x11: {  	[smem:$0x3FA6] =	sst s9;
	s0 =	simm.s32 @!p0 $0x0  }
0x12: {  	s1 =	sld [smem:$0x3F8C];
	s0 =	simm.s32 @p0 $0x1  }
0x13: {  	[smem:$0x3FA7] =	sst s0;
	s0 =	simm.s32 @!p1 $0x0  }
0x14: {  	s2 =	sld [smem:$0x3F8B];
	s0 =	simm.s32 @p1 $0x1  }
0x15: {  	[smem:$0x3FA8] =	sst s0;
	s0 =	simm.s32 @!p2 $0x0  }
0x16: {  	s3 =	sld [smem:$0x3FDB];
	s0 =	simm.s32 @p2 $0x1  }
0x17: {  	s4 =	simm.s32 $0x1BF5;
	[smem:$0x3FAA] =	sst s0  }
0x18: {  	s0 =	sld [smem:$0x3F8D];
	_ =	swait.ge [sflag:s4], $0x0  }
0x19: {  	s7 =	sld [smem:$0x3F8E]  }
0x1a: {  	s8 =	sadd.s32 $0xFFFFE003, lr  }
0x1b: {  	s9 =	sadd.s32 $0xFFFFFEF7, lr;
	s5 =	simm.s32 $0xFFFFFFFF;
	p2 =	slt.u32 s8, $0xFFFFF086  }
0x1c: {  	p1 =	slt.u32 s9, $0xF7A;
	s5 =	simm.s32 @!p2 $0x0  }
0x1d: {  	s5 =	simm.s32 @p1 $0x1;
	p0 =	seq.s32 s7, s2  }
0x1e: {  	s7 =	smul.u32 @!p0 $0xF7A, s2;
	p2 =	seq.s32 @!p0 s5, $0x0  }
0x1f: {  	s9 =	smul.u32 $0xF7A, s1;
	s8 =	simm.s32 @!p0 $0x1BF5;
	p2 =	por !p2, p0  }
0x20: {  	[sflag:s8] =	ssyncset.s32 @!p0 $0xFFFFF086;
	s6 =	sadd.s32 @!p0 s3, s7;
	s7 =	simm.s32 @!p0 $0x108  }
0x21: {  	s3 =	sadd.s32 s3, s9;
	s6 =	sadd.s32 @!p0 $0x88, s6;
	s7 =	simm.s32 @p2 $0x1082  }
0x22: {  	[simem:s7], [sflag:s8] =	dma.local @!p0 [hbm:s6], $0xF7A  }
0x23: {  	s9 =	sor.u32 $0xD0000000, s2;
	s6 =	simm.s32 $0x108;
	_ =	swait.ge @!p0 [sflag:s8], $0x0  }
0x24: {  	s3 =	sadd.s32 $0x88, s3;
	s6 =	simm.s32 @!p1 $0x1082;
	[sflag:s4] =	ssyncset.s32 $0xFFFFF086  }
0x25: {  	[simem:s6], [sflag:s4] =	dma.local [hbm:s3], $0xF7A  }
0x26: {  	[smem:$0x3F8E] =	sst s1;
	(tag) =	ssettag s2;
	_ =	strace s9  }
0x27: {  	s1 =	sld [smem:$0x3F9E]  }
0x28: {  	s2 =	sld [smem:$0x3F9F]  }
0x29: {  	s4 =	sld [smem:$0x3FA1]  }
0x2a: {  	p0 =	seq.s32 s5, $0x0;
	s5 =	sld [smem:$0x3FA2]  }
0x2b: {  	s6 =	sld [smem:$0x3FA3]  }
0x2c: {  	s7 =	sld [smem:$0x3FA4]  }
0x2d: {  	s3 =	simm.s32 $0x108;
	s8 =	sld [smem:$0x3FA5]  }
0x2e: {  	s3 =	simm.s32 @!p0 $0x1082;
	s9 =	sld [smem:$0x3FA6]  }
0x2f: {  	lr =	sadd.s32 s0, s3;
	s0 =	sld [smem:$0x3F9D]  }
0x30: {  	s3 =	sld [smem:$0x3FA0]  }
0x31: {  	[smem:$0x3FA9] =	sst s10  }
0x32: {  	s10 =	sld [smem:$0x3FA7];
	_ =	sdelay $0x3  }
0x33: {  	p0 =	seq.s32 s10, $0x1;
	s10 =	sld [smem:$0x3FA9];
	_ =	sdelay $0x3  }
0x34: {  	[smem:$0x3FA9] =	sst s10  }
0x35: {  	s10 =	sld [smem:$0x3FA8];
	_ =	sdelay $0x3  }
0x36: {  	p1 =	seq.s32 s10, $0x1;
	s10 =	sld [smem:$0x3FA9];
	_ =	sdelay $0x3  }
0x37: {  	[smem:$0x3FA9] =	sst s10  }
0x38: {  	s10 =	sld [smem:$0x3FAA]  }
0x39: {  	_ = 	snop;
	(pc) =	sbr.ind lr, $3  }
0x3a: {  	_ = 	snop  }
0x3b: {  	_ = 	snop  }
0x3c: {  	p2 =	seq.s32 s10, $0x1;
	s10 =	sld [smem:$0x3FA9]  }
0x3d: {  	_ =	shalt  }
0x3e: {  	_ =	shalt  }
0x3f: {  	_ =	shalt  }
0x40: {  	_ =	shalt  }
0x41: {  	_ =	shalt  }
0x42: {  	_ =	shalt  }
0x43: {  	_ =	shalt  }
0x44: {  	_ =	shalt  }
0x45: {  	_ =	shalt  }
0x46: {  	_ =	shalt  }
0x47: {  	_ =	shalt  }
0x48: {  	_ =	shalt  }
0x49: {  	_ =	shalt  }
0x4a: {  	_ =	shalt  }
0x4b: {  	_ =	shalt  }
0x4c: {  	_ =	shalt  }
0x4d: {  	_ =	shalt  }
0x4e: {  	_ =	shalt  }
0x4f: {  	_ =	shalt  }
0x50: {  	_ =	shalt  }
0x51: {  	_ =	shalt  }
0x52: {  	_ =	shalt  }
0x53: {  	_ =	shalt  }
0x54: {  	_ =	shalt  }
0x55: {  	_ =	shalt  }
0x56: {  	_ =	shalt  }
0x57: {  	_ =	shalt  }
0x58: {  	_ =	shalt  }
0x59: {  	_ =	shalt  }
0x5a: {  	_ =	shalt  }
0x5b: {  	_ =	shalt  }
0x5c: {  	_ =	shalt  }
0x5d: {  	_ =	shalt  }
0x5e: {  	_ =	shalt  }
0x5f: {  	_ =	shalt  }
0x60: {  	_ =	shalt  }
0x61: {  	_ =	shalt  }
0x62: {  	_ =	shalt  }
0x63: {  	_ =	shalt  }
0x64: {  	_ =	shalt  }
0x65: {  	_ =	shalt  }
0x66: {  	_ =	shalt  }
0x67: {  	_ =	shalt  }
0x68: {  	_ =	shalt  }
0x69: {  	_ =	shalt  }
0x6a: {  	_ =	shalt  }
0x6b: {  	_ =	shalt  }
0x6c: {  	_ =	shalt  }
0x6d: {  	_ =	shalt  }
0x6e: {  	_ =	shalt  }
0x6f: {  	_ =	shalt  }
0x70: {  	_ =	shalt  }
0x71: {  	_ =	shalt  }
0x72: {  	_ =	shalt  }
0x73: {  	_ =	shalt  }
0x74: {  	_ =	shalt  }
0x75: {  	_ =	shalt  }
0x76: {  	_ =	shalt  }
0x77: {  	_ =	shalt  }
0x78: {  	_ =	shalt  }
0x79: {  	_ =	shalt  }
0x7a: {  	_ =	shalt  }
0x7b: {  	_ =	shalt  }
0x7c: {  	_ =	shalt  }
0x7d: {  	_ =	shalt  }
0x7e: {  	_ =	shalt  }
0x7f: {  	_ =	shalt  }
0x80: {  	_ =	shalt  }
0x81: {  	_ =	shalt  }
0x82: {  	_ =	shalt  }
0x83: {  	_ =	shalt  }
0x84: {  	_ =	shalt  }
0x85: {  	_ =	shalt  }
0x86: {  	_ =	shalt  }
0x87: {  	_ =	shalt  }
.Lfunc_end0:
.L_simem_size_0:
called_computation.2_lowered:
.L_overlay_start_0:
0x88: {  	s2 =	sld [smem:$0x3FD9]  }
0x89: {  	s3 =	sld [smem:$0x3FFE];
	_ =	sdelay $0x1  }
0x8a: {  	s1 =	srdreg.scid  }
0x8b: {  	s0 =	sand.u32 $0x1, s1  }
0x8c: {  	s16 =	sshll.u32 s0, $0xA;
	s2 =	sadd.s32 s3, s2  }
0x8d: {  	s2 =	sadd.s32 s2, s16  }
0x8e: {  	[smem:$0x3FB5] =	sst s2  }
0x8f: {  	_ = 	snop  }
0x90: {  	(tm) =	ssettm $0x1  }
0x91: {  	s17 =	sld [smem:$0x3FFB];
	_ =	sdelay $0x3  }
0x92: {  	_ =	strace s17  }
0x93: {  	s2 =	sld [smem:$0x3FFC];
	_ =	sdelay $0x3  }
0x94: {  	_ =	strace s2  }
0x95: {  	s2 =	sld [smem:$0x3FFD];
	_ =	sdelay $0x3  }
0x96: {  	_ =	strace s2  }
0x97: {  	_ =	strace $0x8FFFFFFF  }
0x98: {  	s18 =	sld [smem:$0x3FDB];
	_ =	sdelay $0x1  }
0x99: {  	s19 =	simm.s32 $_scs_section_size  }
0x9a: {  	s4 =	simm.s32 $_size__tile_overlayer_lowered;
	s5 =	simm.s32 $_tile_overlayer_lowered  }
0x9b: {  	s22 =	simm.s32 $0x1BFF;
	s21 =	sshll.u32 s5, $0x1;
	s2 =	sadd.s32 s19, s18  }
0x9c: {  	s6 =	simm.s32 $0x0;
	s20 =	sshll.u32 s4, $0x1;
	s4 =	sadd.s32 s21, s2  }
0x9d: {  	[timem:s6], [sflag:s22] =	dma.local [hbm:s4], s20  }
0x9e: {  	_ =	swait.ge [sflag:s22], s20  }
0x9f: {  	s3 =	ssub.s32 $0x0, s20;
	[sflag:s22] =	ssyncset.done $0x0  }
0xa0: {  	[sflag:s22] =	ssyncadd.s32 s3;
	_ =	sdelay $0x1  }
0xa1: {  	s23 =	simm.s32 $0x1B8B  }
0xa2: {  	_ =	swait.ge [sflag:s23], $0x1  }
0xa3: {  	[sflag:s23] =	ssyncset.done $0x0  }
0xa4: {  	s25 =	simm.s32 $0x1B8E;
	s24 =	sld [smem:$0x3FFE];
	[sflag:s23] =	ssyncadd.s32 $0xFFFFFFFF  }
0xa5: {  	s26 =	simm.s32 $execute0_lowered;
	[smem:$0x3FD2] =	sst s25  }
0xa6: {  	s4 =	sshll.u32 s26, $0x1;
	_ =	strace $0x8000004C;
	[dreg:$0x1] =	wrdreg $0xFFFFFFFF  }
0xa7: {  	s28 =	simm.s32 $_size_execute0_lowered;
	s2 =	sadd.s32 s2, s4;
	[dreg:$0x0] =	wrdreg $0x0  }
0xa8: {  	s4 =	sshll.u32 s28, $0x1;
	[dreg:$0x2] =	wrdreg s2  }
0xa9: {  	[dreg:$0x3] =	wrdreg s4  }
0xaa: {  	[dreg:$0x4] =	wrdreg $0xC0  }
0xab: {  	_ =	task [dreg:s6], $0x5FFFF  }
0xac: {  	[dreg:$0x1] =	wrdreg $0xFFFFFFFF  }
0xad: {  	[dreg:$0x0] =	wrdreg $0x60  }
0xae: {  	[dreg:$0x2] =	wrdreg s24  }
0xaf: {  	[dreg:$0x3] =	wrdreg $0x0  }
0xb0: {  	[dreg:$0x4] =	wrdreg $0x9  }
0xb1: {  	_ =	task.clear_ibuf [dreg:s6], $0x5FFFF;
	_ =	strace $0x9000004C  }
0xb2: {  	s29 =	simm.s32 $0x9;
	_ =	strace $0x8000004E  }
0xb3: {  	_ =	swait.ge [sflag:s29], $0x1  }
0xb4: {  	[sflag:s29] =	ssyncadd.s32 $0xFFFFFFFF  }
0xb5: {  	_ =	strace $0x9000004E  }
0xb6: {  	_ =	sfence  }
0xb7: {  	s30 =	sld [smem:$0x0];
	_ =	sdelay $0x2  }
0xb8: {  	s31 =	sshll.u32 s1, $0xD;
	s1 =	sshrl.u32 s1, $0x2  }
0xb9: {  	s3 =	sand.u32 $0x4000, s31;
	s1 =	sadd.s32 s1, s30  }
0xba: {  	s0 =	sor.u32 s3, s0;
	s1 =	sshll.u32 s1, $0x11  }
0xbb: {  	s0 =	sor.u32 s1, s0  }
0xbc: {  	s0 =	sadd.s32 $0x8F2B, s0  }
0xbd: {  	[sflag:s0] =	ssyncadd.remote.s32 $0x1  }
0xbe: {  	_ =	sfence.sel $0xFFFF  }
0xbf: {  	[dreg:$0x0] =	wrdreg $0xFFFFFFFF;
	(pc) =	sbr.abs _section_cstart, $3  }
0xc0: {  	[dreg:$0x1] =	wrdreg $0xFFFFFFFF  }
0xc1: {  	_ =	task.clear_ibuf [dreg:s6], $0x2FFFF;
	_ =	strace $0x9FFFFFFF  }
0xc2: {  	(tm) =	ssettm $0x7FFFFFFF  }
0xc3: {  	_ =	shalt  }
tec
execute0_lowered:
.L_overlay_start_1:
0x0: {  	(tag) =	ssettag $0x1  }
0x1: {  	s0 =	rddreg [dreg:$0x0];
	s21 =	stileid.u32  }
0x2: {  	s2 =	rddreg [dreg:$0x1];
	s3 =	simm.s32 $0x0;
	s4 =	srdreg.scid  }
0x3: {  	s18 =	simm.s32 $0xC8D0;
	s19 =	simm.s32 $0xD550;
	s20 =	simm.s32 $0xC3D0  }
0x4: {  	s23 =	simm.s32 $0x12550;
	s25 =	simm.s32 $0xC950;
	s26 =	simm.s32 $0xDD50  }
0x5: {  	s28 =	simm.s32 $0x10D50;
	s29 =	simm.s32 $0xC750;
	s30 =	simm.s32 $0x15D50  }
0x6: {  	s1 =	smul.u32 $0xC380, s21;
	[smem:$0x7FF] =	sst s3;
	s4 =	sand.u32 $0x1, s4  }
0x7: {  	s7 =	sadd.s32 $0x35000, s0;
	_ =	strace $0x8000004D;
	[dreg:$0x5] =	wrdreg s18  }
0x8: {  	s8 =	sadd.s32 $0x4200, s0;
	s10 =	sadd.s32 $0x38BA00, s0;
	[dreg:$0x6] =	wrdreg s19  }
0x9: {  	s11 =	sadd.s32 $0x7E600, s0;
	s31 =	smul.u32 $0x30C0, s21;
	[dreg:$0x7] =	wrdreg s20  }
0xa: {  	s12 =	sshll.u32 s21, $0x8;
	p0 =	seq.s32 s21, $0xF;
	[dreg:$0x8] =	wrdreg s23  }
0xb: {  	p1 =	sgt.u32 s21, $0x9;
	s6 =	ssub.s32 $0x2, s4;
	[dreg:$0x9] =	wrdreg s25  }
0xc: {  	s15 =	smul.u32 $0x1860, s4;
	s13 =	sshll.u32 s4, $0x7;
	[dreg:$0xa] =	wrdreg s26  }
0xd: {  	s4 =	smul.u32 $0x18600, s4;
	s18 =	simm.s32 $0xED50;
	s19 =	simm.s32 $0xC550  }
0xe: {  	s20 =	simm.s32 $0x13D50;
	s23 =	simm.s32 $0xF550;
	[dreg:$0x12] =	wrdreg s18  }
0xf: {  	s25 =	simm.s32 $0x14550;
	s26 =	simm.s32 $0xCB50;
	[dreg:$0x13] =	wrdreg s19  }
0x10: {  	s5 =	sshrl.u32 s1, $0x3;
	s9 =	sshrl.u32 s6, $0x1;
	[dreg:$0x14] =	wrdreg s20  }
0x11: {  	s1 =	sadd.s32 s1, s2;
	s14 =	sadd.s32 s31, s8;
	[dreg:$0x16] =	wrdreg s23  }
0x12: {  	s12 =	sor.u32 s13, s12;
	s18 =	simm.s32 $0x80;
	[dreg:$0x18] =	wrdreg s25  }
0x13: {  	s19 =	simm.s32 $0xCD50;
	s20 =	simm.s32 $0x11D50;
	[dreg:$0x19] =	wrdreg s26  }
0x14: {  	s23 =	simm.s32 $0xCBD0;
	s5 =	sadd.s32 s5, s0;
	s0 =	sadd.s32 $0x7CC90, s0  }
0x15: {  	s25 =	simm.s32 $0xC6D0;
	s16 =	sadd.s32 s15, s14;
	[dreg:$0x1c] =	wrdreg s0  }
0x16: {  	s26 =	simm.s32 $0xCC50;
	s14 =	simm.s32 $0xE550;
	[dreg:$0x3] =	wrdreg s16  }
0x17: {  	s12 =	sor.u32 $0x186000, s12;
	s1 =	sshrl.u32 @!p0 s1, $0x3;
	[dreg:$0xe] =	wrdreg s14  }
0x18: {  	s5 =	sadd.s32 $0x65E00, s5;
	s17 =	sshrl.u32 s12, $0x3;
	[smem:$0x7FD] =	sst s1  }
0x19: {  	s22 =	sshll.u32 s12, $0x1;
	s12 =	simm.s32 $0xC9D0;
	[dreg:$0x1b] =	wrdreg s5  }
0x1a: {  	s6 =	ssub.s32 s6, s9;
	s16 =	simm.s32 $0x13550;
	[dreg:$0xd] =	wrdreg s12  }
0x1b: {  	s5 =	sadd.s32 s31, s7;
	s7 =	sadd.s32 s7, s17;
	[dreg:$0x10] =	wrdreg s16  }
0x1c: {  	s9 =	sadd.s32 $0xB7480, s2;
	s24 =	sadd.s32 s10, s22;
	[dreg:$0x1d] =	wrdreg s7  }
0x1d: {  	s14 =	simm.s32 $0xC650;
	s31 =	smax.u32 s6, $0x1;
	[dreg:$0x1f] =	wrdreg s24  }
0x1e: {  	s1 =	simm.s32 $0xCCD0;
	s6 =	simm.s32 $0xC450;
	[smem:$0x7F9] =	sst s31  }
0x1f: {  	s16 =	simm.s32 $0x2;
	s0 =	sadd.s32 s15, s5;
	[dreg:$0xb] =	wrdreg s6  }
0x20: {  	s5 =	sadd.s32 s8, s17;
	s7 =	smul.u32 $0x30C00, s21;
	[dreg:$0x4] =	wrdreg s0  }
0x21: {  	s8 =	simm.s32 $0x12D50;
	s15 =	simm.s32 $0xC4D0;
	[dreg:$0x1e] =	wrdreg s5  }
0x22: {  	s17 =	simm.s32 $0xCA50;
	s24 =	simm.s32 $0xC5D0;
	[dreg:$0xc] =	wrdreg s8  }
0x23: {  	s31 =	simm.s32 $0xFD50;
	s21 =	simm.s32 $0x15550;
	[dreg:$0xf] =	wrdreg s15  }
0x24: {  	s5 =	sadd.s32 s11, s22;
	[dreg:$0x11] =	wrdreg s17;
	s15 =	simm.s32 $0xC350  }
0x25: {  	s22 =	simm.s32 $0xCAD0;
	s17 =	simm.s32 $0xC850;
	[dreg:$0x17] =	wrdreg s24  }
0x26: {  	[dreg:$0x1a] =	wrdreg s31;
	s24 =	simm.s32 $0x10550;
	s0 =	simm.s32 $0x11550  }
0x27: {  	s8 =	simm.s32 $0x0;
	[smem:$0x7F8] =	sst s5;
	s13 =	sadd.s32 s7, s11  }
0x28: {  	s5 =	sadd.s32 s7, s10;
	[dreg:$0x15] =	wrdreg s22;
	s6 =	sadd.s32 s4, s13  }
0x29: {  	s22 =	simm.s32 $0x14D50;
	s4 =	sadd.s32 s4, s5;
	[smem:$0x7FA] =	sst s6  }
0x2a: {  	s5 =	simm.s32 $0x16550;
	[smem:$0x7FB] =	sst s4;
	s4 =	sshrl.u32 @p0 s9, $0x3  }
0x2b: {  	s6 =	simm.s32 $0x1;
	[smem:$0x7FC] =	sst s4;
	s4 =	simm.s32 $0xC7D0  }
.LBB2_1:
0x2c: {  	s9 =	sld [smem:$0x7FC]  }
0x2d: {  	[smem:$0x7F7] =	sst s8  }
0x2e: {  	s8 =	simm.s32 @p0 $0x1FC2;
	s7 =	rddreg [dreg:$0x1c]  }
0x2f: {  	[spmem:s9], [sflag:s8] =	dma.local @p0 [hbm:s7], $0x1810  }
0x30: {  	s8 =	simm.s32 @p0 $0x2  }
0x31: {  	s7 =	stileid.u32;
	_ =	swait.ge @p0 [sflag:s8], $0x1810  }
0x32: {  	s9 =	sshll.u32 @!p0 s7, $0x6;
	[sflag:s8] =	ssyncset.done @p0 $0x0  }
0x33: {  	[sflag:s8] =	ssyncadd.s32 @p0 $0xFFFFE7F0;
	s8 =	sor.u32 @!p0 $0x1C02, s9;
	s9 =	sld [smem:$0x7FD]  }
0x34: {  	_ = 	snop  }
0x35: {  	s7 =	rddreg [dreg:$0x1b]  }
0x36: {  	[spmem:s9], [sflag:s8] =	dma.local @!p0 [hbm:s7], $0x1870  }
0x37: {  	s8 =	simm.s32 @!p0 $0x2  }
0x38: {  	_ =	swait.ge @!p0 [sflag:s8], $0x1870  }
0x39: {  	[sflag:s8] =	ssyncset.done @!p0 $0x0  }
0x3a: {  	[sflag:s8] =	ssyncadd.s32 @!p0 $0xFFFFE790  }
0x3b: {  	[bflag:$0x0] =	sbarrier.arrive $0xFFFF  }
0x3c: {  	s11 =	rddreg [dreg:$0x4]  }
0x3d: {  	s8 =	sadd.s32 $0x0, s11  }
0x3e: {  	[tilespmem:s15], [sflag:$0x2] =	stream.linear.gather [hbm4b:s8+s3], $0x500, $0x38;
	[tilespmem:$0x16D50] =	vst v63  }
0x3f: {  	_ =	swait.ge [sflag:s16], $0x500  }
0x40: {  	s12 =	rddreg [dreg:$0x3];
	[sflag:s16] =	ssyncset.done $0x0  }
0x41: {  	[sflag:s16] =	ssyncadd.s32 $0xFFFFFB00;
	s8 =	sadd.s32 $0x0, s12  }
0x42: {  	[tilespmem:s17], [sflag:$0x2] =	stream.linear.gather [hbm4b:s8+s3], $0x500, $0x38;
	[tilespmem:$0x16D50] =	vst v63  }
0x43: {  	_ =	swait.ge [sflag:s16], $0x500  }
0x44: {  	s8 =	rddreg [dreg:$0x1a]  }
0x45: {  	s13 =	rddreg [dreg:$0x5]  }
0x46: {  	s10 =	rddreg [dreg:$0x6]  }
0x47: {  	[sflag:s16] =	ssyncset.done $0x0;
	s11 =	rddreg [dreg:$0x8]  }
0x48: {  	s12 =	rddreg [dreg:$0x7];
	[sflag:s16] =	ssyncadd.s32 $0xFFFFFB00  }
0x49: {  	[tilespmem:s19], [sflag:$0x1] =	stream.indirect.gather [spmem:s2], $0x10, s17, s18, $0xb8;
	[tilespmem:$0x16D50] =	vst v63  }
0x4a: {  	s31 =	rddreg [dreg:$0xa]  }
0x4b: {  	[tilespmem:s20], [sflag:$0x1] =	stream.indirect.gather [spmem:s2], $0x10, s15, s18, $0xb8;
	[tilespmem:$0x16D50] =	vst v63  }
0x4c: {  	s7 =	rddreg [dreg:$0x9]  }
0x4d: {  	[tilespmem:s10], [sflag:$0x1] =	stream.indirect.gather [spmem:s2], $0x10, s13, s18, $0xb8;
	[tilespmem:$0x16D50] =	vst v63  }
0x4e: {  	s13 =	rddreg [dreg:$0xb]  }
0x4f: {  	[tilespmem:s11], [sflag:$0x1] =	stream.indirect.gather [spmem:s2], $0x10, s12, s18, $0xb8;
	[tilespmem:$0x16D50] =	vst v63  }
0x50: {  	s12 =	rddreg [dreg:$0xc]  }
0x51: {  	[tilespmem:s31], [sflag:$0x1] =	stream.indirect.gather [spmem:s2], $0x10, s7, s18, $0xb8;
	[tilespmem:$0x16D50] =	vst v63  }
0x52: {  	s31 =	rddreg [dreg:$0xe]  }
0x53: {  	s7 =	rddreg [dreg:$0xd]  }
0x54: {  	[tilespmem:s12], [sflag:$0x1] =	stream.indirect.gather [spmem:s2], $0x10, s13, s18, $0xb8;
	[tilespmem:$0x16D50] =	vst v63  }
0x55: {  	s12 =	rddreg [dreg:$0x10]  }
0x56: {  	s13 =	rddreg [dreg:$0xf]  }
0x57: {  	[tilespmem:s31], [sflag:$0x1] =	stream.indirect.gather [spmem:s2], $0x10, s7, s18, $0xb8;
	[tilespmem:$0x16D50] =	vst v63  }
0x58: {  	s31 =	rddreg [dreg:$0x12]  }
0x59: {  	s7 =	rddreg [dreg:$0x11]  }
0x5a: {  	[tilespmem:s12], [sflag:$0x1] =	stream.indirect.gather [spmem:s2], $0x10, s13, s18, $0xb8;
	[tilespmem:$0x16D50] =	vst v63  }
0x5b: {  	s12 =	rddreg [dreg:$0x14]  }
0x5c: {  	s13 =	rddreg [dreg:$0x13]  }
0x5d: {  	[tilespmem:s31], [sflag:$0x1] =	stream.indirect.gather [spmem:s2], $0x10, s7, s18, $0xb8;
	[tilespmem:$0x16D50] =	vst v63  }
0x5e: {  	s31 =	rddreg [dreg:$0x16]  }
0x5f: {  	s7 =	rddreg [dreg:$0x15]  }
0x60: {  	[tilespmem:s12], [sflag:$0x1] =	stream.indirect.gather [spmem:s2], $0x10, s13, s18, $0xb8;
	[tilespmem:$0x16D50] =	vst v63  }
0x61: {  	s12 =	rddreg [dreg:$0x18]  }
0x62: {  	[tilespmem:s31], [sflag:$0x1] =	stream.indirect.gather [spmem:s2], $0x10, s7, s18, $0xb8;
	[tilespmem:$0x16D50] =	vst v63  }
0x63: {  	s13 =	rddreg [dreg:$0x17]  }
0x64: {  	[tilespmem:s12], [sflag:$0x1] =	stream.indirect.gather [spmem:s2], $0x10, s13, s18, $0xb8;
	[tilespmem:$0x16D50] =	vst v63  }
0x65: {  	s31 =	rddreg [dreg:$0x19]  }
0x66: {  	[tilespmem:s8], [sflag:$0x1] =	stream.indirect.gather [spmem:s2], $0x10, s31, s18, $0xb8;
	[tilespmem:$0x16D50] =	vst v63  }
0x67: {  	_ = 	snop  }
0x68: {  	[tilespmem:s22], [sflag:$0x1] =	stream.indirect.gather [spmem:s2], $0x10, s14, s18, $0xb8;
	[tilespmem:$0x16D50] =	vst v63  }
0x69: {  	_ = 	snop  }
0x6a: {  	[tilespmem:s24], [sflag:$0x1] =	stream.indirect.gather [spmem:s2], $0x10, s23, s18, $0xb8;
	[tilespmem:$0x16D50] =	vst v63  }
0x6b: {  	_ = 	snop  }
0x6c: {  	[tilespmem:s21], [sflag:$0x1] =	stream.indirect.gather [spmem:s2], $0x10, s25, s18, $0xb8;
	[tilespmem:$0x16D50] =	vst v63  }
0x6d: {  	_ = 	snop  }
0x6e: {  	[tilespmem:s28], [sflag:$0x1] =	stream.indirect.gather [spmem:s2], $0x10, s26, s18, $0xb8;
	[tilespmem:$0x16D50] =	vst v63  }
0x6f: {  	_ = 	snop  }
0x70: {  	[tilespmem:s30], [sflag:$0x1] =	stream.indirect.gather [spmem:s2], $0x10, s29, s18, $0xb8;
	[tilespmem:$0x16D50] =	vst v63  }
0x71: {  	_ = 	snop  }
0x72: {  	[tilespmem:s0], [sflag:$0x1] =	stream.indirect.gather [spmem:s2], $0x10, s1, s18, $0xb8;
	[tilespmem:$0x16D50] =	vst v63  }
0x73: {  	_ = 	snop  }
0x74: {  	[tilespmem:s5], [sflag:$0x1] =	stream.indirect.gather [spmem:s2], $0x10, s4, s18, $0xb8;
	[tilespmem:$0x16D50] =	vst v63  }
0x75: {  	_ =	swait.ge [sflag:s6], $0x800  }
0x76: {  	[sflag:s6] =	ssyncset.done $0x0  }
0x77: {  	[sflag:s6] =	ssyncadd.s32 $0xFFFFF800  }
0x78: {  	_ =	swait.ge [sflag:s6], $0x800  }
0x79: {  	[sflag:s6] =	ssyncset.done $0x0  }
0x7a: {  	[sflag:s6] =	ssyncadd.s32 $0xFFFFF800  }
0x7b: {  	_ =	swait.ge [sflag:s6], $0x800  }
0x7c: {  	[sflag:s6] =	ssyncset.done $0x0  }
0x7d: {  	[sflag:s6] =	ssyncadd.s32 $0xFFFFF800  }
0x7e: {  	_ =	swait.ge [sflag:s6], $0x800  }
0x7f: {  	[sflag:s6] =	ssyncset.done $0x0  }
0x80: {  	[sflag:s6] =	ssyncadd.s32 $0xFFFFF800  }
0x81: {  	_ =	swait.ge [sflag:s6], $0x800  }
0x82: {  	[sflag:s6] =	ssyncset.done $0x0  }
0x83: {  	[sflag:s6] =	ssyncadd.s32 $0xFFFFF800  }
0x84: {  	_ =	swait.ge [sflag:s6], $0x800  }
0x85: {  	[sflag:s6] =	ssyncset.done $0x0  }
0x86: {  	[sflag:s6] =	ssyncadd.s32 $0xFFFFF800  }
0x87: {  	_ =	swait.ge [sflag:s6], $0x800  }
0x88: {  	[sflag:s6] =	ssyncset.done $0x0  }
0x89: {  	[sflag:s6] =	ssyncadd.s32 $0xFFFFF800  }
0x8a: {  	_ =	swait.ge [sflag:s6], $0x800  }
0x8b: {  	[sflag:s6] =	ssyncset.done $0x0  }
0x8c: {  	[sflag:s6] =	ssyncadd.s32 $0xFFFFF800  }
0x8d: {  	_ =	swait.ge [sflag:s6], $0x800  }
0x8e: {  	[sflag:s6] =	ssyncset.done $0x0  }
0x8f: {  	[sflag:s6] =	ssyncadd.s32 $0xFFFFF800  }
0x90: {  	_ =	swait.ge [sflag:s6], $0x800  }
0x91: {  	[sflag:s6] =	ssyncset.done $0x0  }
0x92: {  	[sflag:s6] =	ssyncadd.s32 $0xFFFFF800  }
0x93: {  	_ =	swait.ge [sflag:s6], $0x800  }
0x94: {  	[sflag:s6] =	ssyncset.done $0x0  }
0x95: {  	[sflag:s6] =	ssyncadd.s32 $0xFFFFF800  }
0x96: {  	_ =	swait.ge [sflag:s6], $0x800  }
0x97: {  	[sflag:s6] =	ssyncset.done $0x0  }
0x98: {  	[sflag:s6] =	ssyncadd.s32 $0xFFFFF800  }
0x99: {  	_ =	swait.ge [sflag:s6], $0x800  }
0x9a: {  	[sflag:s6] =	ssyncset.done $0x0  }
0x9b: {  	[sflag:s6] =	ssyncadd.s32 $0xFFFFF800  }
0x9c: {  	_ =	swait.ge [sflag:s6], $0x800  }
0x9d: {  	[sflag:s6] =	ssyncset.done $0x0  }
0x9e: {  	[sflag:s6] =	ssyncadd.s32 $0xFFFFF800  }
0x9f: {  	_ =	swait.ge [sflag:s6], $0x800  }
0xa0: {  	[sflag:s6] =	ssyncset.done $0x0  }
0xa1: {  	[sflag:s6] =	ssyncadd.s32 $0xFFFFF800  }
0xa2: {  	_ =	swait.ge [sflag:s6], $0x800  }
0xa3: {  	[sflag:s6] =	ssyncset.done $0x0  }
0xa4: {  	[sflag:s6] =	ssyncadd.s32 $0xFFFFF800  }
0xa5: {  	_ =	swait.ge [sflag:s6], $0x800  }
0xa6: {  	[sflag:s6] =	ssyncset.done $0x0  }
0xa7: {  	[sflag:s6] =	ssyncadd.s32 $0xFFFFF800  }
0xa8: {  	_ =	swait.ge [sflag:s6], $0x800  }
0xa9: {  	[sflag:s6] =	ssyncset.done $0x0  }
0xaa: {  	[sflag:s6] =	ssyncadd.s32 $0xFFFFF800  }
0xab: {  	_ =	swait.ge [sflag:s6], $0x800  }
0xac: {  	[sflag:s6] =	ssyncset.done $0x0  }
0xad: {  	[sflag:s6] =	ssyncadd.s32 $0xFFFFF800  }
0xae: {  	_ =	swait.ge [sflag:s6], $0x800  }
0xaf: {  	s11 =	sld [smem:$0x7FA]  }
0xb0: {  	s13 =	sld [smem:$0x7FB];
	_ =	sdelay $0x2  }
0xb1: {  	s8 =	simm.s32 $0xA0;
	s9 =	smov.u32 s11;
	s12 =	smov.u32 s13  }
.LBB2_2:
0xb2: {  	[sflag:s6] =	ssyncset.done $0x0  }
0xb3: {  	[sflag:s6] =	ssyncadd.s32 $0xFFFFF800  }
0xb4: {  	[hbm4b:s13+s3] =	stream.linear.scatter [tilespmem:s19], [sflag:$0x2], $0x5000, $0x38;
	[tilespmem:$0x16D50] =	vst v63  }
0xb5: {  	_ =	swait.ge [sflag:s16], $0x5000  }
0xb6: {  	[sflag:s16] =	ssyncset.done $0x0  }
0xb7: {  	[sflag:s16] =	ssyncadd.s32 $0xFFFFB000  }
0xb8: {  	[hbm4b:s11+s3] =	stream.linear.scatter [tilespmem:s20], [sflag:$0x2], $0x5000, $0x38;
	[tilespmem:$0x16D50] =	vst v63  }
0xb9: {  	_ =	swait.ge [sflag:s16], $0x5000  }
0xba: {  	s10 =	smov.u32 s8;
	s14 =	rddreg [dreg:$0x4];
	[sflag:s16] =	ssyncset.done $0x0  }
0xbb: {  	[sflag:s16] =	ssyncadd.s32 $0xFFFFB000;
	s14 =	sadd.s32 s10, s14  }
0xbc: {  	[tilespmem:s15], [sflag:$0x2] =	stream.linear.gather [hbm4b:s14+s3], $0x500, $0x38;
	[tilespmem:$0x16D50] =	vst v63  }
0xbd: {  	_ =	swait.ge [sflag:s16], $0x500  }
0xbe: {  	s26 =	rddreg [dreg:$0x3];
	[sflag:s16] =	ssyncset.done $0x0  }
0xbf: {  	[sflag:s16] =	ssyncadd.s32 $0xFFFFFB00;
	s10 =	sadd.s32 s10, s26  }
0xc0: {  	[tilespmem:s17], [sflag:$0x2] =	stream.linear.gather [hbm4b:s10+s3], $0x500, $0x38;
	[tilespmem:$0x16D50] =	vst v63  }
0xc1: {  	_ =	swait.ge [sflag:s16], $0x500  }
0xc2: {  	s10 =	rddreg [dreg:$0x1a]  }
0xc3: {  	s14 =	rddreg [dreg:$0x18]  }
0xc4: {  	s7 =	rddreg [dreg:$0x16]  }
0xc5: {  	s21 =	rddreg [dreg:$0x14]  }
0xc6: {  	s22 =	rddreg [dreg:$0x12]  }
0xc7: {  	s23 =	rddreg [dreg:$0x10]  }
0xc8: {  	s24 =	rddreg [dreg:$0xe]  }
0xc9: {  	s25 =	rddreg [dreg:$0xc]  }
0xca: {  	[sflag:s16] =	ssyncset.done $0x0;
	s26 =	rddreg [dreg:$0x5]  }
0xcb: {  	s28 =	rddreg [dreg:$0x6];
	[sflag:s16] =	ssyncadd.s32 $0xFFFFFB00  }
0xcc: {  	[tilespmem:s19], [sflag:$0x1] =	stream.indirect.gather [spmem:s2], $0x10, s17, s18, $0xb8;
	[tilespmem:$0x16D50] =	vst v63  }
0xcd: {  	s29 =	rddreg [dreg:$0x8]  }
0xce: {  	[tilespmem:s20], [sflag:$0x1] =	stream.indirect.gather [spmem:s2], $0x10, s15, s18, $0xb8;
	[tilespmem:$0x16D50] =	vst v63  }
0xcf: {  	s30 =	rddreg [dreg:$0xa]  }
0xd0: {  	[tilespmem:s28], [sflag:$0x1] =	stream.indirect.gather [spmem:s2], $0x10, s26, s18, $0xb8;
	[tilespmem:$0x16D50] =	vst v63  }
0xd1: {  	s31 =	rddreg [dreg:$0x7]  }
0xd2: {  	[tilespmem:s29], [sflag:$0x1] =	stream.indirect.gather [spmem:s2], $0x10, s31, s18, $0xb8;
	[tilespmem:$0x16D50] =	vst v63  }
0xd3: {  	s26 =	rddreg [dreg:$0x9]  }
0xd4: {  	[tilespmem:s30], [sflag:$0x1] =	stream.indirect.gather [spmem:s2], $0x10, s26, s18, $0xb8;
	[tilespmem:$0x16D50] =	vst v63  }
0xd5: {  	s28 =	rddreg [dreg:$0xb]  }
0xd6: {  	[tilespmem:s25], [sflag:$0x1] =	stream.indirect.gather [spmem:s2], $0x10, s28, s18, $0xb8;
	[tilespmem:$0x16D50] =	vst v63  }
0xd7: {  	s31 =	rddreg [dreg:$0xd]  }
0xd8: {  	[tilespmem:s24], [sflag:$0x1] =	stream.indirect.gather [spmem:s2], $0x10, s31, s18, $0xb8;
	[tilespmem:$0x16D50] =	vst v63  }
0xd9: {  	s25 =	rddreg [dreg:$0xf]  }
0xda: {  	[tilespmem:s23], [sflag:$0x1] =	stream.indirect.gather [spmem:s2], $0x10, s25, s18, $0xb8;
	[tilespmem:$0x16D50] =	vst v63  }
0xdb: {  	s31 =	rddreg [dreg:$0x11]  }
0xdc: {  	[tilespmem:s22], [sflag:$0x1] =	stream.indirect.gather [spmem:s2], $0x10, s31, s18, $0xb8;
	[tilespmem:$0x16D50] =	vst v63  }
0xdd: {  	s23 =	rddreg [dreg:$0x13]  }
0xde: {  	[tilespmem:s21], [sflag:$0x1] =	stream.indirect.gather [spmem:s2], $0x10, s23, s18, $0xb8;
	[tilespmem:$0x16D50] =	vst v63  }
0xdf: {  	s31 =	rddreg [dreg:$0x15]  }
0xe0: {  	[tilespmem:s7], [sflag:$0x1] =	stream.indirect.gather [spmem:s2], $0x10, s31, s18, $0xb8;
	[tilespmem:$0x16D50] =	vst v63  }
0xe1: {  	s21 =	rddreg [dreg:$0x17]  }
0xe2: {  	[tilespmem:s14], [sflag:$0x1] =	stream.indirect.gather [spmem:s2], $0x10, s21, s18, $0xb8;
	[tilespmem:$0x16D50] =	vst v63  }
0xe3: {  	s31 =	rddreg [dreg:$0x19]  }
0xe4: {  	[tilespmem:s10], [sflag:$0x1] =	stream.indirect.gather [spmem:s2], $0x10, s31, s18, $0xb8;
	[tilespmem:$0x16D50] =	vst v63  }
0xe5: {  	s22 =	simm.s32 $0x14D50;
	s14 =	simm.s32 $0xC650  }
0xe6: {  	[tilespmem:s22], [sflag:$0x1] =	stream.indirect.gather [spmem:s2], $0x10, s14, s18, $0xb8;
	[tilespmem:$0x16D50] =	vst v63  }
0xe7: {  	s24 =	simm.s32 $0x10550;
	s23 =	simm.s32 $0xCBD0  }
0xe8: {  	[tilespmem:s24], [sflag:$0x1] =	stream.indirect.gather [spmem:s2], $0x10, s23, s18, $0xb8;
	[tilespmem:$0x16D50] =	vst v63  }
0xe9: {  	s25 =	simm.s32 $0xC6D0;
	s21 =	simm.s32 $0x15550  }
0xea: {  	[tilespmem:s21], [sflag:$0x1] =	stream.indirect.gather [spmem:s2], $0x10, s25, s18, $0xb8;
	[tilespmem:$0x16D50] =	vst v63  }
0xeb: {  	s26 =	simm.s32 $0xCC50;
	s28 =	simm.s32 $0x10D50  }
0xec: {  	[tilespmem:s28], [sflag:$0x1] =	stream.indirect.gather [spmem:s2], $0x10, s26, s18, $0xb8;
	[tilespmem:$0x16D50] =	vst v63  }
0xed: {  	s29 =	simm.s32 $0xC750;
	s30 =	simm.s32 $0x15D50  }
0xee: {  	[tilespmem:s30], [sflag:$0x1] =	stream.indirect.gather [spmem:s2], $0x10, s29, s18, $0xb8;
	[tilespmem:$0x16D50] =	vst v63  }
0xef: {  	_ = 	snop  }
0xf0: {  	[tilespmem:s0], [sflag:$0x1] =	stream.indirect.gather [spmem:s2], $0x10, s1, s18, $0xb8;
	[tilespmem:$0x16D50] =	vst v63  }
0xf1: {  	_ = 	snop  }
0xf2: {  	[tilespmem:s5], [sflag:$0x1] =	stream.indirect.gather [spmem:s2], $0x10, s4, s18, $0xb8;
	[tilespmem:$0x16D50] =	vst v63  }
0xf3: {  	_ =	swait.ge [sflag:s6], $0x800  }
0xf4: {  	[sflag:s6] =	ssyncset.done $0x0  }
0xf5: {  	[sflag:s6] =	ssyncadd.s32 $0xFFFFF800  }
0xf6: {  	_ =	swait.ge [sflag:s6], $0x800  }
0xf7: {  	[sflag:s6] =	ssyncset.done $0x0  }
0xf8: {  	[sflag:s6] =	ssyncadd.s32 $0xFFFFF800  }
0xf9: {  	_ =	swait.ge [sflag:s6], $0x800  }
0xfa: {  	[sflag:s6] =	ssyncset.done $0x0  }
0xfb: {  	[sflag:s6] =	ssyncadd.s32 $0xFFFFF800  }
0xfc: {  	_ =	swait.ge [sflag:s6], $0x800  }
0xfd: {  	[sflag:s6] =	ssyncset.done $0x0  }
0xfe: {  	[sflag:s6] =	ssyncadd.s32 $0xFFFFF800  }
0xff: {  	_ =	swait.ge [sflag:s6], $0x800  }
0x100: {  	[sflag:s6] =	ssyncset.done $0x0  }
0x101: {  	[sflag:s6] =	ssyncadd.s32 $0xFFFFF800  }
0x102: {  	_ =	swait.ge [sflag:s6], $0x800  }
0x103: {  	[sflag:s6] =	ssyncset.done $0x0  }
0x104: {  	[sflag:s6] =	ssyncadd.s32 $0xFFFFF800  }
0x105: {  	_ =	swait.ge [sflag:s6], $0x800  }
0x106: {  	[sflag:s6] =	ssyncset.done $0x0  }
0x107: {  	[sflag:s6] =	ssyncadd.s32 $0xFFFFF800  }
0x108: {  	_ =	swait.ge [sflag:s6], $0x800  }
0x109: {  	[sflag:s6] =	ssyncset.done $0x0  }
0x10a: {  	[sflag:s6] =	ssyncadd.s32 $0xFFFFF800  }
0x10b: {  	_ =	swait.ge [sflag:s6], $0x800  }
0x10c: {  	[sflag:s6] =	ssyncset.done $0x0  }
0x10d: {  	[sflag:s6] =	ssyncadd.s32 $0xFFFFF800  }
0x10e: {  	_ =	swait.ge [sflag:s6], $0x800  }
0x10f: {  	[sflag:s6] =	ssyncset.done $0x0  }
0x110: {  	[sflag:s6] =	ssyncadd.s32 $0xFFFFF800  }
0x111: {  	_ =	swait.ge [sflag:s6], $0x800  }
0x112: {  	[sflag:s6] =	ssyncset.done $0x0  }
0x113: {  	[sflag:s6] =	ssyncadd.s32 $0xFFFFF800  }
0x114: {  	_ =	swait.ge [sflag:s6], $0x800  }
0x115: {  	[sflag:s6] =	ssyncset.done $0x0  }
0x116: {  	[sflag:s6] =	ssyncadd.s32 $0xFFFFF800  }
0x117: {  	_ =	swait.ge [sflag:s6], $0x800  }
0x118: {  	[sflag:s6] =	ssyncset.done $0x0  }
0x119: {  	[sflag:s6] =	ssyncadd.s32 $0xFFFFF800  }
0x11a: {  	_ =	swait.ge [sflag:s6], $0x800  }
0x11b: {  	[sflag:s6] =	ssyncset.done $0x0  }
0x11c: {  	[sflag:s6] =	ssyncadd.s32 $0xFFFFF800  }
0x11d: {  	_ =	swait.ge [sflag:s6], $0x800  }
0x11e: {  	[sflag:s6] =	ssyncset.done $0x0  }
0x11f: {  	[sflag:s6] =	ssyncadd.s32 $0xFFFFF800  }
0x120: {  	_ =	swait.ge [sflag:s6], $0x800  }
0x121: {  	[sflag:s6] =	ssyncset.done $0x0  }
0x122: {  	[sflag:s6] =	ssyncadd.s32 $0xFFFFF800  }
0x123: {  	_ =	swait.ge [sflag:s6], $0x800  }
0x124: {  	[sflag:s6] =	ssyncset.done $0x0  }
0x125: {  	[sflag:s6] =	ssyncadd.s32 $0xFFFFF800  }
0x126: {  	_ =	swait.ge [sflag:s6], $0x800  }
0x127: {  	p2 =	sne.s32 s8, $0x17C0;
	[sflag:s6] =	ssyncset.done $0x0  }
.Ltmp0:
0x128: {  	[sflag:s6] =	ssyncadd.s32 $0xFFFFF800;
	(pc) =	sbr.rel @p2 .LBB2_2-.Ltmp0, $4  }
0x129: {  	_ =	swait.ge [sflag:s6], $0x800  }
0x12a: {  	s9 =	sadd.s32 $0xA00, s9;
	[sflag:s6] =	ssyncset.done $0x0  }
0x12b: {  	s12 =	sadd.s32 $0xA00, s12;
	s8 =	sadd.s32 $0xA0, s8;
	[sflag:s6] =	ssyncadd.s32 $0xFFFFF800  }
0x12c: {  	s13 =	smov.u32 s12;
	s11 =	smov.u32 s9;
	_ =	swait.ge [sflag:s6], $0x800  }
0x12d: {  	[sflag:s6] =	ssyncset.done $0x0  }
0x12e: {  	[sflag:s6] =	ssyncadd.s32 $0xFFFFF800  }
0x12f: {  	[hbm4b:s13+s3] =	stream.linear.scatter [tilespmem:s19], [sflag:$0x2], $0x5000, $0x38;
	[tilespmem:$0x16D50] =	vst v63  }
0x130: {  	_ =	swait.ge [sflag:s16], $0x5000  }
0x131: {  	[sflag:s16] =	ssyncset.done $0x0  }
0x132: {  	[sflag:s16] =	ssyncadd.s32 $0xFFFFB000  }
0x133: {  	[hbm4b:s11+s3] =	stream.linear.scatter [tilespmem:s20], [sflag:$0x2], $0x5000, $0x38;
	[tilespmem:$0x16D50] =	vst v63  }
0x134: {  	_ =	swait.ge [sflag:s16], $0x5000  }
0x135: {  	s7 =	simm.s32 @!p1 $0x0;
	[sflag:s16] =	ssyncset.done $0x0  }
0x136: {  	s8 =	simm.s32 @!p1 $0xC350;
	s9 =	rddreg [dreg:$0x1d];
	[sflag:s16] =	ssyncadd.s32 $0xFFFFB000  }
0x137: {  	[tilespmem:s8], [sflag:$0x2] =	stream.linear.gather @!p1 [hbm4b:s9+s7], $0x80, $0x38;
	[tilespmem:$0x16D50] =	vst v63  }
0x138: {  	s9 =	simm.s32 @!p1 $0x2  }
0x139: {  	_ =	swait.ge @!p1 [sflag:s9], $0x80  }
0x13a: {  	[sflag:s9] =	ssyncset.done @!p1 $0x0  }
0x13b: {  	s10 =	simm.s32 @!p1 $0xC850;
	s11 =	rddreg [dreg:$0x1e];
	[sflag:s9] =	ssyncadd.s32 @!p1 $0xFFFFFF80  }
0x13c: {  	[tilespmem:s10], [sflag:$0x2] =	stream.linear.gather @!p1 [hbm4b:s11+s7], $0x80, $0x38;
	[tilespmem:$0x16D50] =	vst v63  }
0x13d: {  	_ =	swait.ge @!p1 [sflag:s9], $0x80  }
0x13e: {  	[sflag:s9] =	ssyncset.done @!p1 $0x0  }
0x13f: {  	s12 =	simm.s32 @!p1 $0xCD50;
	s11 =	simm.s32 @!p1 $0x80;
	[sflag:s9] =	ssyncadd.s32 @!p1 $0xFFFFFF80  }
0x140: {  	[tilespmem:s12], [sflag:$0x1] =	stream.indirect.gather @!p1 [spmem:s2], $0x10, s10, s11, $0xb8;
	[tilespmem:$0x16D50] =	vst v63  }
0x141: {  	s10 =	simm.s32 @!p1 $0x11D50  }
0x142: {  	[tilespmem:s10], [sflag:$0x1] =	stream.indirect.gather @!p1 [spmem:s2], $0x10, s8, s11, $0xb8;
	[tilespmem:$0x16D50] =	vst v63  }
0x143: {  	s8 =	simm.s32 @!p1 $0x1  }
0x144: {  	_ =	swait.ge @!p1 [sflag:s8], $0x800  }
0x145: {  	[sflag:s8] =	ssyncset.done @!p1 $0x0  }
0x146: {  	[sflag:s8] =	ssyncadd.s32 @!p1 $0xFFFFF800  }
0x147: {  	_ =	swait.ge @!p1 [sflag:s8], $0x800  }
0x148: {  	[sflag:s8] =	ssyncset.done @!p1 $0x0  }
0x149: {  	[sflag:s8] =	ssyncadd.s32 @!p1 $0xFFFFF800;
	s8 =	rddreg [dreg:$0x1f]  }
0x14a: {  	[hbm4b:s8+s7] =	stream.linear.scatter @!p1 [tilespmem:s12], [sflag:$0x2], $0x800, $0x38;
	[tilespmem:$0x16D50] =	vst v63  }
0x14b: {  	_ =	swait.ge @!p1 [sflag:s9], $0x800  }
0x14c: {  	s8 =	sld [smem:$0x7F8]  }
0x14d: {  	[sflag:s9] =	ssyncset.done @!p1 $0x0  }
0x14e: {  	[sflag:s9] =	ssyncadd.s32 @!p1 $0xFFFFF800  }
0x14f: {  	[hbm4b:s8+s7] =	stream.linear.scatter @!p1 [tilespmem:s10], [sflag:$0x2], $0x800, $0x38;
	[tilespmem:$0x16D50] =	vst v63  }
0x150: {  	_ =	swait.ge @!p1 [sflag:s9], $0x800  }
0x151: {  	s13 =	sld [smem:$0x7F7]  }
0x152: {  	s31 =	sld [smem:$0x7F9];
	_ =	sdelay $0x1  }
0x153: {  	s8 =	sadd.s32 $0x1, s13  }
0x154: {  	p2 =	sne.s32 s8, s31  }
.Ltmp1:
0x155: {  	_ = 	snop;
	(pc) =	sbr.rel @p2 .LBB2_1-.Ltmp1, $3  }
0x156: {  	_ =	sdelay $0x1  }
0x157: {  	[sflag:s9] =	ssyncset.done @!p1 $0x0  }
0x158: {  	[sflag:s9] =	ssyncadd.s32 @!p1 $0xFFFFF800  }
0x159: {  	_ =	sfence.sel $0x180000  }
0x15a: {  	[bflag:$0x0] =	sbarrier.arrive $0xFFFF  }
0x15b: {  	_ =	strace $0x9000004D  }
0x15c: {  	s0 =	stileid.u32;
	[bflag:$0x2] =	sbarrier.arrive $0xFFFF  }
0x15d: {  	p0 =	sne.s32 s0, $0x0;
	s0 =	rddreg [dreg:$0x2]  }
0x15e: {  	s0 =	sadd.s32 @!p0 $0x100000, s0  }
0x15f: {  	[sflag:s0] =	ssyncadd.tile.s32 @!p0 $0x1;
	_ =	shalt  }
.Lfunc_end2:
_tile_overlayer_lowered:
.L_overlay_start_2:
0x160: {  	(tag) =	ssettag $0x2  }
0x161: {  	s0 =	rddreg [dreg:$0x0];
	s2 =	stileid.u32  }
0x162: {  	s1 =	rddreg [dreg:$0x1];
	p0 =	sne.s32 s2, $0x0  }
0x163: {  	s3 =	rddreg [dreg:$0x2];
	[bflag:$0x3] =	sbarrier.arrive $0xFFFF;
	s2 =	simm.s32 @!p0 $0x1C02  }
0x164: {  	[timem:s3], [sflag:s2] =	dma.local @!p0 [hbm:s0], s1  }
0x165: {  	s0 =	simm.s32 @!p0 $0x2  }
0x166: {  	_ =	swait.ge @!p0 [sflag:s0], s1  }
0x167: {  	s1 =	ssub.s32 @!p0 $0x0, s1;
	[sflag:s0] =	ssyncset.done @!p0 $0x0  }
0x168: {  	[sflag:s0] =	ssyncadd.s32 @!p0 s1  }
0x169: {  	[bflag:$0x3] =	sbarrier.arrive $0xFFFF  }
0x16a: {  	_ =	shalt  }

// kernel: kernel.9.cloned.1.call-start
scs
__scs_entry_jumppad:
0x0: {  	(pc) =	sbr.rel $0x88, $3  }
0x1: {  	(tag) =	ssettag $0x0;
	lr =	simm.s32 $0x1  }
0x2: {  	[smem:$0x3F8E] =	sst lr;
	_ =	strace $0xD0000000  }
0x3: {  	_ = 	snop  }
0x4: {  	_ = 	snop  }
0x5: {  	_ = 	snop  }
0x6: {  	_ = 	snop  }
0x7: {  	_ = 	snop  }
__scs_overlays_trampoline_lowered:
0x8: {  	[smem:$0x3F9D] =	sst s0  }
0x9: {  	[smem:$0x3F9E] =	sst s1  }
0xa: {  	[smem:$0x3F9F] =	sst s2  }
0xb: {  	[smem:$0x3FA0] =	sst s3  }
0xc: {  	[smem:$0x3FA1] =	sst s4  }
0xd: {  	[smem:$0x3FA2] =	sst s5  }
0xe: {  	[smem:$0x3FA3] =	sst s6  }
0xf: {  	[smem:$0x3FA4] =	sst s7  }
0x10: {  	[smem:$0x3FA5] =	sst s8  }
0x11: {  	[smem:$0x3FA6] =	sst s9;
	s0 =	simm.s32 @!p0 $0x0  }
0x12: {  	s1 =	sld [smem:$0x3F8C];
	s0 =	simm.s32 @p0 $0x1  }
0x13: {  	[smem:$0x3FA7] =	sst s0;
	s0 =	simm.s32 @!p1 $0x0  }
0x14: {  	s2 =	sld [smem:$0x3F8B];
	s0 =	simm.s32 @p1 $0x1  }
0x15: {  	[smem:$0x3FA8] =	sst s0;
	s0 =	simm.s32 @!p2 $0x0  }
0x16: {  	s3 =	sld [smem:$0x3FDB];
	s0 =	simm.s32 @p2 $0x1  }
0x17: {  	s4 =	simm.s32 $0x1BF5;
	[smem:$0x3FAA] =	sst s0  }
0x18: {  	s0 =	sld [smem:$0x3F8D];
	_ =	swait.ge [sflag:s4], $0x0  }
0x19: {  	s7 =	sld [smem:$0x3F8E]  }
0x1a: {  	s8 =	sadd.s32 $0xFFFFE003, lr  }
0x1b: {  	s9 =	sadd.s32 $0xFFFFFEF7, lr;
	s5 =	simm.s32 $0xFFFFFFFF;
	p2 =	slt.u32 s8, $0xFFFFF086  }
0x1c: {  	p1 =	slt.u32 s9, $0xF7A;
	s5 =	simm.s32 @!p2 $0x0  }
0x1d: {  	s5 =	simm.s32 @p1 $0x1;
	p0 =	seq.s32 s7, s2  }
0x1e: {  	s7 =	smul.u32 @!p0 $0xF7A, s2;
	p2 =	seq.s32 @!p0 s5, $0x0  }
0x1f: {  	s9 =	smul.u32 $0xF7A, s1;
	s8 =	simm.s32 @!p0 $0x1BF5;
	p2 =	por !p2, p0  }
0x20: {  	[sflag:s8] =	ssyncset.s32 @!p0 $0xFFFFF086;
	s6 =	sadd.s32 @!p0 s3, s7;
	s7 =	simm.s32 @!p0 $0x108  }
0x21: {  	s3 =	sadd.s32 s3, s9;
	s6 =	sadd.s32 @!p0 $0x88, s6;
	s7 =	simm.s32 @p2 $0x1082  }
0x22: {  	[simem:s7], [sflag:s8] =	dma.local @!p0 [hbm:s6], $0xF7A  }
0x23: {  	s9 =	sor.u32 $0xD0000000, s2;
	s6 =	simm.s32 $0x108;
	_ =	swait.ge @!p0 [sflag:s8], $0x0  }
0x24: {  	s3 =	sadd.s32 $0x88, s3;
	s6 =	simm.s32 @!p1 $0x1082;
	[sflag:s4] =	ssyncset.s32 $0xFFFFF086  }
0x25: {  	[simem:s6], [sflag:s4] =	dma.local [hbm:s3], $0xF7A  }
0x26: {  	[smem:$0x3F8E] =	sst s1;
	(tag) =	ssettag s2;
	_ =	strace s9  }
0x27: {  	s1 =	sld [smem:$0x3F9E]  }
0x28: {  	s2 =	sld [smem:$0x3F9F]  }
0x29: {  	s4 =	sld [smem:$0x3FA1]  }
0x2a: {  	p0 =	seq.s32 s5, $0x0;
	s5 =	sld [smem:$0x3FA2]  }
0x2b: {  	s6 =	sld [smem:$0x3FA3]  }
0x2c: {  	s7 =	sld [smem:$0x3FA4]  }
0x2d: {  	s3 =	simm.s32 $0x108;
	s8 =	sld [smem:$0x3FA5]  }
0x2e: {  	s3 =	simm.s32 @!p0 $0x1082;
	s9 =	sld [smem:$0x3FA6]  }
0x2f: {  	lr =	sadd.s32 s0, s3;
	s0 =	sld [smem:$0x3F9D]  }
0x30: {  	s3 =	sld [smem:$0x3FA0]  }
0x31: {  	[smem:$0x3FA9] =	sst s10  }
0x32: {  	s10 =	sld [smem:$0x3FA7];
	_ =	sdelay $0x3  }
0x33: {  	p0 =	seq.s32 s10, $0x1;
	s10 =	sld [smem:$0x3FA9];
	_ =	sdelay $0x3  }
0x34: {  	[smem:$0x3FA9] =	sst s10  }
0x35: {  	s10 =	sld [smem:$0x3FA8];
	_ =	sdelay $0x3  }
0x36: {  	p1 =	seq.s32 s10, $0x1;
	s10 =	sld [smem:$0x3FA9];
	_ =	sdelay $0x3  }
0x37: {  	[smem:$0x3FA9] =	sst s10  }
0x38: {  	s10 =	sld [smem:$0x3FAA]  }
0x39: {  	_ = 	snop;
	(pc) =	sbr.ind lr, $3  }
0x3a: {  	_ = 	snop  }
0x3b: {  	_ = 	snop  }
0x3c: {  	p2 =	seq.s32 s10, $0x1;
	s10 =	sld [smem:$0x3FA9]  }
0x3d: {  	_ =	shalt  }
0x3e: {  	_ =	shalt  }
0x3f: {  	_ =	shalt  }
0x40: {  	_ =	shalt  }
0x41: {  	_ =	shalt  }
0x42: {  	_ =	shalt  }
0x43: {  	_ =	shalt  }
0x44: {  	_ =	shalt  }
0x45: {  	_ =	shalt  }
0x46: {  	_ =	shalt  }
0x47: {  	_ =	shalt  }
0x48: {  	_ =	shalt  }
0x49: {  	_ =	shalt  }
0x4a: {  	_ =	shalt  }
0x4b: {  	_ =	shalt  }
0x4c: {  	_ =	shalt  }
0x4d: {  	_ =	shalt  }
0x4e: {  	_ =	shalt  }
0x4f: {  	_ =	shalt  }
0x50: {  	_ =	shalt  }
0x51: {  	_ =	shalt  }
0x52: {  	_ =	shalt  }
0x53: {  	_ =	shalt  }
0x54: {  	_ =	shalt  }
0x55: {  	_ =	shalt  }
0x56: {  	_ =	shalt  }
0x57: {  	_ =	shalt  }
0x58: {  	_ =	shalt  }
0x59: {  	_ =	shalt  }
0x5a: {  	_ =	shalt  }
0x5b: {  	_ =	shalt  }
0x5c: {  	_ =	shalt  }
0x5d: {  	_ =	shalt  }
0x5e: {  	_ =	shalt  }
0x5f: {  	_ =	shalt  }
0x60: {  	_ =	shalt  }
0x61: {  	_ =	shalt  }
0x62: {  	_ =	shalt  }
0x63: {  	_ =	shalt  }
0x64: {  	_ =	shalt  }
0x65: {  	_ =	shalt  }
0x66: {  	_ =	shalt  }
0x67: {  	_ =	shalt  }
0x68: {  	_ =	shalt  }
0x69: {  	_ =	shalt  }
0x6a: {  	_ =	shalt  }
0x6b: {  	_ =	shalt  }
0x6c: {  	_ =	shalt  }
0x6d: {  	_ =	shalt  }
0x6e: {  	_ =	shalt  }
0x6f: {  	_ =	shalt  }
0x70: {  	_ =	shalt  }
0x71: {  	_ =	shalt  }
0x72: {  	_ =	shalt  }
0x73: {  	_ =	shalt  }
0x74: {  	_ =	shalt  }
0x75: {  	_ =	shalt  }
0x76: {  	_ =	shalt  }
0x77: {  	_ =	shalt  }
0x78: {  	_ =	shalt  }
0x79: {  	_ =	shalt  }
0x7a: {  	_ =	shalt  }
0x7b: {  	_ =	shalt  }
0x7c: {  	_ =	shalt  }
0x7d: {  	_ =	shalt  }
0x7e: {  	_ =	shalt  }
0x7f: {  	_ =	shalt  }
0x80: {  	_ =	shalt  }
0x81: {  	_ =	shalt  }
0x82: {  	_ =	shalt  }
0x83: {  	_ =	shalt  }
0x84: {  	_ =	shalt  }
0x85: {  	_ =	shalt  }
0x86: {  	_ =	shalt  }
0x87: {  	_ =	shalt  }
.Lfunc_end0:
.L_simem_size_0:
called_computation_lowered:
.L_overlay_start_0:
0x88: {  	s2 =	sld [smem:$0x3FD9]  }
0x89: {  	s3 =	sld [smem:$0x3FFE];
	_ =	sdelay $0x1  }
0x8a: {  	s1 =	srdreg.scid  }
0x8b: {  	s0 =	sand.u32 $0x1, s1  }
0x8c: {  	s17 =	sshll.u32 s0, $0xA;
	s2 =	sadd.s32 s3, s2  }
0x8d: {  	s2 =	sadd.s32 s2, s17  }
0x8e: {  	[smem:$0x3FB5] =	sst s2  }
0x8f: {  	_ = 	snop  }
0x90: {  	s2 =	sld [smem:$0x3FD0];
	(tm) =	ssettm $0x1  }
0x91: {  	s18 =	sld [smem:$0x3FFB];
	_ =	sdelay $0x3  }
0x92: {  	_ =	strace s18  }
0x93: {  	s3 =	sld [smem:$0x3FFC];
	_ =	sdelay $0x3  }
0x94: {  	_ =	strace s3  }
0x95: {  	s3 =	sld [smem:$0x3FFD];
	_ =	sdelay $0x3  }
0x96: {  	_ =	strace s3  }
0x97: {  	_ =	strace $0x8FFFFFFF  }
0x98: {  	s19 =	sld [smem:$0x3FDB];
	_ =	sdelay $0x1  }
0x99: {  	s4 =	simm.s32 $_scs_section_size  }
0x9a: {  	s5 =	simm.s32 $_size__tile_overlayer_lowered;
	s6 =	simm.s32 $_tile_overlayer_lowered  }
0x9b: {  	s22 =	simm.s32 $0x1BFF;
	s21 =	sshll.u32 s6, $0x1;
	s3 =	sadd.s32 s4, s19  }
0x9c: {  	s7 =	simm.s32 $0x0;
	s20 =	sshll.u32 s5, $0x1;
	s5 =	sadd.s32 s21, s3  }
0x9d: {  	[timem:s7], [sflag:s22] =	dma.local [hbm:s5], s20  }
0x9e: {  	_ =	swait.ge [sflag:s22], s20  }
0x9f: {  	s4 =	ssub.s32 $0x0, s20;
	[sflag:s22] =	ssyncset.done $0x0  }
0xa0: {  	[sflag:s22] =	ssyncadd.s32 s4;
	_ =	sdelay $0x1  }
0xa1: {  	s23 =	simm.s32 $0x1B8B  }
0xa2: {  	_ =	swait.ge [sflag:s23], $0x1  }
0xa3: {  	[sflag:s23] =	ssyncset.done $0x0  }
0xa4: {  	s25 =	simm.s32 $0x1B8E;
	s24 =	sld [smem:$0x3FFE];
	[sflag:s23] =	ssyncadd.s32 $0xFFFFFFFF  }
0xa5: {  	s26 =	simm.s32 $execute0_lowered;
	[smem:$0x3FD2] =	sst s25  }
0xa6: {  	s5 =	sshll.u32 s26, $0x1;
	_ =	strace $0x80000046;
	[dreg:$0x1] =	wrdreg $0xFFFFFFFF  }
0xa7: {  	s28 =	simm.s32 $_size_execute0_lowered;
	s3 =	sadd.s32 s3, s5;
	[dreg:$0x0] =	wrdreg $0x0  }
0xa8: {  	s5 =	sshll.u32 s28, $0x1;
	[dreg:$0x2] =	wrdreg s3  }
0xa9: {  	[dreg:$0x3] =	wrdreg s5  }
0xaa: {  	[dreg:$0x4] =	wrdreg $0xC0  }
0xab: {  	_ =	task [dreg:s7], $0x5FFFF  }
0xac: {  	[dreg:$0x1] =	wrdreg $0xFFFFFFFF  }
0xad: {  	[dreg:$0x0] =	wrdreg $0x60  }
0xae: {  	[dreg:$0x2] =	wrdreg s2  }
0xaf: {  	[dreg:$0x3] =	wrdreg s24  }
0xb0: {  	[dreg:$0x4] =	wrdreg $0x0  }
0xb1: {  	[dreg:$0x5] =	wrdreg $0x9  }
0xb2: {  	_ =	task.clear_ibuf [dreg:s7], $0x6FFFF;
	_ =	strace $0x90000046  }
0xb3: {  	s29 =	simm.s32 $0x9;
	_ =	strace $0x80000048  }
0xb4: {  	_ =	swait.ge [sflag:s29], $0x1  }
0xb5: {  	[sflag:s29] =	ssyncadd.s32 $0xFFFFFFFF  }
0xb6: {  	_ =	strace $0x90000048  }
0xb7: {  	_ =	sfence  }
0xb8: {  	s30 =	sld [smem:$0x0];
	_ =	sdelay $0x2  }
0xb9: {  	s31 =	sshll.u32 s1, $0xD;
	s1 =	sshrl.u32 s1, $0x2  }
0xba: {  	s3 =	sand.u32 $0x4000, s31;
	s1 =	sadd.s32 s1, s30  }
0xbb: {  	s0 =	sor.u32 s3, s0;
	s1 =	sshll.u32 s1, $0x11  }
0xbc: {  	s0 =	sor.u32 s1, s0  }
0xbd: {  	s0 =	sadd.s32 $0x8F2B, s0  }
0xbe: {  	[sflag:s0] =	ssyncadd.remote.s32 $0x1  }
0xbf: {  	_ =	sfence.sel $0xFFFF  }
0xc0: {  	[dreg:$0x0] =	wrdreg $0xFFFFFFFF;
	(pc) =	sbr.abs _section_cstart, $3  }
0xc1: {  	[dreg:$0x1] =	wrdreg $0xFFFFFFFF  }
0xc2: {  	_ =	task.clear_ibuf [dreg:s7], $0x2FFFF;
	_ =	strace $0x9FFFFFFF  }
0xc3: {  	(tm) =	ssettm $0x7FFFFFFF  }
tec
execute0_lowered:
.L_overlay_start_1:
0x0: {  	(tag) =	ssettag $0x1  }
0x1: {  	s0 =	rddreg [dreg:$0x0]  }
0x2: {  	s2 =	rddreg [dreg:$0x1]  }
0x3: {  	s1 =	rddreg [dreg:$0x2];
	s3 =	simm.s32 $0x0;
	s4 =	srdreg.scid  }
0x4: {  	s21 =	stileid.u32;
	s20 =	simm.s32 $0x105E0;
	s22 =	simm.s32 $0x11660  }
0x5: {  	s24 =	simm.s32 $0x100E0;
	s25 =	simm.s32 $0x18E60;
	s30 =	simm.s32 $0x10660  }
0x6: {  	s31 =	simm.s32 $0x12260;
	s28 =	simm.s32 $0x10460;
	s29 =	simm.s32 $0x1E260  }
0x7: {  	[smem:$0x7FF] =	sst s3;
	s4 =	sand.u32 $0x1, s4;
	s5 =	sadd.s32 $0x35000, s2  }
0x8: {  	s7 =	smul.u32 $0x12540, s21;
	s8 =	sadd.s32 $0x4200, s2;
	s9 =	sadd.s32 $0x65E00, s2  }
0x9: {  	s2 =	sadd.s32 $0x4F9C00, s2;
	_ =	strace $0x80000047;
	[dreg:$0x6] =	wrdreg s20  }
0xa: {  	s16 =	smul.u32 $0x30C0, s21;
	s11 =	sadd.s32 $0x112EC0, s1;
	[dreg:$0x7] =	wrdreg s22  }
0xb: {  	s12 =	sshll.u32 s21, $0x8;
	p0 =	seq.s32 s21, $0xF;
	[dreg:$0x8] =	wrdreg s24  }
0xc: {  	p1 =	sgt.u32 s21, $0x9;
	s6 =	ssub.s32 $0x2, s4;
	[dreg:$0x9] =	wrdreg s25  }
0xd: {  	s17 =	smul.u32 $0x1860, s4;
	s13 =	sshll.u32 s4, $0x7;
	[dreg:$0xa] =	wrdreg s30  }
0xe: {  	[dreg:$0xb] =	wrdreg s31;
	s4 =	smul.u32 $0x24900, s4;
	s20 =	simm.s32 $0x10260  }
0xf: {  	s22 =	simm.s32 $0x1B260;
	s24 =	simm.s32 $0x14660;
	[dreg:$0x14] =	wrdreg s20  }
0x10: {  	s25 =	simm.s32 $0x102E0;
	s30 =	simm.s32 $0x10860;
	[dreg:$0x15] =	wrdreg s22  }
0x11: {  	s31 =	simm.s32 $0x15260;
	s10 =	sshrl.u32 s6, $0x1;
	[dreg:$0x17] =	wrdreg s24  }
0x12: {  	s15 =	sshrl.u32 s7, $0x3;
	s7 =	sadd.s32 s7, s1;
	[dreg:$0x18] =	wrdreg s25  }
0x13: {  	s14 =	sadd.s32 s16, s8;
	s12 =	sor.u32 s13, s12;
	[dreg:$0x1a] =	wrdreg s30  }
0x14: {  	s13 =	simm.s32 $0x106E0;
	s20 =	simm.s32 $0x18260;
	[dreg:$0x1b] =	wrdreg s31  }
0x15: {  	s6 =	ssub.s32 s6, s10;
	s10 =	sadd.s32 s0, s15;
	[dreg:$0xe] =	wrdreg s13  }
0x16: {  	s22 =	simm.s32 $0x108E0;
	s0 =	sadd.s32 $0x225D8, s0;
	[dreg:$0x1c] =	wrdreg s10  }
0x17: {  	s24 =	simm.s32 $0x103E0;
	s18 =	sadd.s32 s17, s14;
	[dreg:$0x1d] =	wrdreg s0  }
0x18: {  	s12 =	sor.u32 $0x186000, s12;
	s15 =	simm.s32 $0x12E60;
	[dreg:$0x4] =	wrdreg s18  }
0x19: {  	s19 =	sshrl.u32 s12, $0x3;
	s6 =	smax.u32 s6, $0x1;
	[dreg:$0xf] =	wrdreg s15  }
0x1a: {  	s23 =	smul.u32 $0x3, s12;
	s12 =	simm.s32 $0x19A60;
	[smem:$0x7F9] =	sst s6  }
0x1b: {  	s10 =	sadd.s32 s16, s5;
	s16 =	simm.s32 $0x101E0;
	[dreg:$0xd] =	wrdreg s12  }
0x1c: {  	s25 =	simm.s32 $0x10960;
	s18 =	simm.s32 $0x10760;
	[dreg:$0x10] =	wrdreg s16  }
0x1d: {  	s13 =	simm.s32 $0x10360;
	s0 =	sadd.s32 s17, s10;
	[dreg:$0x12] =	wrdreg s18  }
0x1e: {  	s15 =	simm.s32 $0x10060;
	s5 =	sadd.s32 s5, s19;
	[dreg:$0x5] =	wrdreg s0  }
0x1f: {  	s8 =	sadd.s32 s8, s19;
	s10 =	smul.u32 $0x49200, s21;
	[dreg:$0x1e] =	wrdreg s5  }
0x20: {  	s17 =	simm.s32 $0x1A660;
	s19 =	simm.s32 $0x13A60;
	[dreg:$0x1f] =	wrdreg s8  }
0x21: {  	s16 =	simm.s32 $0x2;
	s18 =	simm.s32 $0x80;
	[dreg:$0x11] =	wrdreg s17  }
0x22: {  	s21 =	simm.s32 $0x1D660;
	s26 =	sadd.s32 s9, s23;
	[dreg:$0x13] =	wrdreg s19  }
0x23: {  	s5 =	sadd.s32 s2, s23;
	s8 =	simm.s32 $0x10160;
	[smem:$0x7F7] =	sst s26  }
0x24: {  	s23 =	simm.s32 $0x107E0;
	s17 =	simm.s32 $0x10560;
	[smem:$0x7F8] =	sst s5  }
0x25: {  	s19 =	simm.s32 $0x10A60;
	s0 =	simm.s32 $0x109E0;
	[dreg:$0xc] =	wrdreg s8  }
0x26: {  	s14 =	sadd.s32 s10, s9;
	s2 =	sadd.s32 s10, s2;
	[dreg:$0x16] =	wrdreg s23  }
0x27: {  	s26 =	simm.s32 $0x1BE60;
	s23 =	simm.s32 $0x15E60;
	s5 =	simm.s32 $0x1EE60  }
0x28: {  	s8 =	simm.s32 $0x0;
	s6 =	sadd.s32 s4, s14;
	[dreg:$0x19] =	wrdreg s26  }
0x29: {  	s2 =	sadd.s32 s4, s2;
	s14 =	simm.s32 $0x1CA60;
	[smem:$0x7FA] =	sst s6  }
0x2a: {  	s26 =	simm.s32 $0x16A60;
	[smem:$0x7FB] =	sst s2;
	s2 =	sshrl.u32 @p0 s11, $0x3  }
0x2b: {  	s4 =	simm.s32 $0x104E0;
	[smem:$0x7FC] =	sst s2;
	s2 =	sshrl.u32 @!p0 s7, $0x3  }
0x2c: {  	s6 =	simm.s32 $0x1;
	[smem:$0x7FD] =	sst s2;
	s2 =	simm.s32 $0x17660  }
.LBB2_1:
0x2d: {  	s9 =	sld [smem:$0x7FC]  }
0x2e: {  	[smem:$0x7F6] =	sst s8  }
0x2f: {  	s8 =	simm.s32 @p0 $0x1FC2;
	s7 =	rddreg [dreg:$0x1d]  }
0x30: {  	[spmem:s9], [sflag:s8] =	dma.local @p0 [hbm:s7], $0x2418  }
0x31: {  	s8 =	simm.s32 @p0 $0x2  }
0x32: {  	s7 =	stileid.u32;
	_ =	swait.ge @p0 [sflag:s8], $0x2418  }
0x33: {  	s9 =	sshll.u32 @!p0 s7, $0x6;
	[sflag:s8] =	ssyncset.done @p0 $0x0  }
0x34: {  	[sflag:s8] =	ssyncadd.s32 @p0 $0xFFFFDBE8;
	s8 =	sor.u32 @!p0 $0x1C02, s9;
	s9 =	sld [smem:$0x7FD]  }
0x35: {  	_ = 	snop  }
0x36: {  	s7 =	rddreg [dreg:$0x1c]  }
0x37: {  	[spmem:s9], [sflag:s8] =	dma.local @!p0 [hbm:s7], $0x24A8  }
0x38: {  	s8 =	simm.s32 @!p0 $0x2  }
0x39: {  	_ =	swait.ge @!p0 [sflag:s8], $0x24A8  }
0x3a: {  	[sflag:s8] =	ssyncset.done @!p0 $0x0  }
0x3b: {  	[sflag:s8] =	ssyncadd.s32 @!p0 $0xFFFFDB58  }
0x3c: {  	[bflag:$0x0] =	sbarrier.arrive $0xFFFF  }
0x3d: {  	s11 =	rddreg [dreg:$0x5]  }
0x3e: {  	s8 =	sadd.s32 $0x0, s11  }
0x3f: {  	[tilespmem:s15], [sflag:$0x2] =	stream.linear.gather [hbm4b:s8+s3], $0x500, $0x38;
	[tilespmem:$0x1FA60] =	vst v63  }
0x40: {  	_ =	swait.ge [sflag:s16], $0x500  }
0x41: {  	s12 =	rddreg [dreg:$0x4];
	[sflag:s16] =	ssyncset.done $0x0  }
0x42: {  	[sflag:s16] =	ssyncadd.s32 $0xFFFFFB00;
	s8 =	sadd.s32 $0x0, s12  }
0x43: {  	[tilespmem:s17], [sflag:$0x2] =	stream.linear.gather [hbm4b:s8+s3], $0x500, $0x38;
	[tilespmem:$0x1FA60] =	vst v63  }
0x44: {  	_ =	swait.ge [sflag:s16], $0x500  }
0x45: {  	s8 =	rddreg [dreg:$0x1b]  }
0x46: {  	s30 =	rddreg [dreg:$0x6]  }
0x47: {  	s10 =	rddreg [dreg:$0x7]  }
0x48: {  	[sflag:s16] =	ssyncset.done $0x0;
	s11 =	rddreg [dreg:$0x9]  }
0x49: {  	s12 =	rddreg [dreg:$0x8];
	[sflag:s16] =	ssyncadd.s32 $0xFFFFFB00  }
0x4a: {  	[tilespmem:s19], [sflag:$0x1] =	stream.indirect.gather [spmem:s1], $0x15, s17, s18, $0xb8;
	[tilespmem:$0x1FA60] =	vst v63  }
0x4b: {  	s31 =	rddreg [dreg:$0xb]  }
0x4c: {  	[tilespmem:s20], [sflag:$0x1] =	stream.indirect.gather [spmem:s1], $0x15, s15, s18, $0xb8;
	[tilespmem:$0x1FA60] =	vst v63  }
0x4d: {  	s7 =	rddreg [dreg:$0xa]  }
0x4e: {  	[tilespmem:s10], [sflag:$0x1] =	stream.indirect.gather [spmem:s1], $0x15, s30, s18, $0xb8;
	[tilespmem:$0x1FA60] =	vst v63  }
0x4f: {  	s30 =	rddreg [dreg:$0xc]  }
0x50: {  	[tilespmem:s11], [sflag:$0x1] =	stream.indirect.gather [spmem:s1], $0x15, s12, s18, $0xb8;
	[tilespmem:$0x1FA60] =	vst v63  }
0x51: {  	s12 =	rddreg [dreg:$0xd]  }
0x52: {  	[tilespmem:s31], [sflag:$0x1] =	stream.indirect.gather [spmem:s1], $0x15, s7, s18, $0xb8;
	[tilespmem:$0x1FA60] =	vst v63  }
0x53: {  	s31 =	rddreg [dreg:$0xf]  }
0x54: {  	s7 =	rddreg [dreg:$0xe]  }
0x55: {  	[tilespmem:s12], [sflag:$0x1] =	stream.indirect.gather [spmem:s1], $0x15, s30, s18, $0xb8;
	[tilespmem:$0x1FA60] =	vst v63  }
0x56: {  	s12 =	rddreg [dreg:$0x11]  }
0x57: {  	s30 =	rddreg [dreg:$0x10]  }
0x58: {  	[tilespmem:s31], [sflag:$0x1] =	stream.indirect.gather [spmem:s1], $0x15, s7, s18, $0xb8;
	[tilespmem:$0x1FA60] =	vst v63  }
0x59: {  	s31 =	rddreg [dreg:$0x13]  }
0x5a: {  	s7 =	rddreg [dreg:$0x12]  }
0x5b: {  	[tilespmem:s12], [sflag:$0x1] =	stream.indirect.gather [spmem:s1], $0x15, s30, s18, $0xb8;
	[tilespmem:$0x1FA60] =	vst v63  }
0x5c: {  	s12 =	rddreg [dreg:$0x15]  }
0x5d: {  	s30 =	rddreg [dreg:$0x14]  }
0x5e: {  	[tilespmem:s31], [sflag:$0x1] =	stream.indirect.gather [spmem:s1], $0x15, s7, s18, $0xb8;
	[tilespmem:$0x1FA60] =	vst v63  }
0x5f: {  	s31 =	rddreg [dreg:$0x17]  }
0x60: {  	s7 =	rddreg [dreg:$0x16]  }
0x61: {  	[tilespmem:s12], [sflag:$0x1] =	stream.indirect.gather [spmem:s1], $0x15, s30, s18, $0xb8;
	[tilespmem:$0x1FA60] =	vst v63  }
0x62: {  	s12 =	rddreg [dreg:$0x19]  }
0x63: {  	[tilespmem:s31], [sflag:$0x1] =	stream.indirect.gather [spmem:s1], $0x15, s7, s18, $0xb8;
	[tilespmem:$0x1FA60] =	vst v63  }
0x64: {  	s30 =	rddreg [dreg:$0x18]  }
0x65: {  	[tilespmem:s12], [sflag:$0x1] =	stream.indirect.gather [spmem:s1], $0x15, s30, s18, $0xb8;
	[tilespmem:$0x1FA60] =	vst v63  }
0x66: {  	s31 =	rddreg [dreg:$0x1a]  }
0x67: {  	[tilespmem:s8], [sflag:$0x1] =	stream.indirect.gather [spmem:s1], $0x15, s31, s18, $0xb8;
	[tilespmem:$0x1FA60] =	vst v63  }
0x68: {  	_ = 	snop  }
0x69: {  	[tilespmem:s14], [sflag:$0x1] =	stream.indirect.gather [spmem:s1], $0x15, s13, s18, $0xb8;
	[tilespmem:$0x1FA60] =	vst v63  }
0x6a: {  	_ = 	snop  }
0x6b: {  	[tilespmem:s23], [sflag:$0x1] =	stream.indirect.gather [spmem:s1], $0x15, s22, s18, $0xb8;
	[tilespmem:$0x1FA60] =	vst v63  }
0x6c: {  	_ = 	snop  }
0x6d: {  	[tilespmem:s21], [sflag:$0x1] =	stream.indirect.gather [spmem:s1], $0x15, s24, s18, $0xb8;
	[tilespmem:$0x1FA60] =	vst v63  }
0x6e: {  	_ = 	snop  }
0x6f: {  	[tilespmem:s26], [sflag:$0x1] =	stream.indirect.gather [spmem:s1], $0x15, s25, s18, $0xb8;
	[tilespmem:$0x1FA60] =	vst v63  }
0x70: {  	_ = 	snop  }
0x71: {  	[tilespmem:s29], [sflag:$0x1] =	stream.indirect.gather [spmem:s1], $0x15, s28, s18, $0xb8;
	[tilespmem:$0x1FA60] =	vst v63  }
0x72: {  	_ = 	snop  }
0x73: {  	[tilespmem:s2], [sflag:$0x1] =	stream.indirect.gather [spmem:s1], $0x15, s0, s18, $0xb8;
	[tilespmem:$0x1FA60] =	vst v63  }
0x74: {  	_ = 	snop  }
0x75: {  	[tilespmem:s5], [sflag:$0x1] =	stream.indirect.gather [spmem:s1], $0x15, s4, s18, $0xb8;
	[tilespmem:$0x1FA60] =	vst v63  }
0x76: {  	_ =	swait.ge [sflag:s6], $0xA80  }
0x77: {  	[sflag:s6] =	ssyncset.done $0x0  }
0x78: {  	[sflag:s6] =	ssyncadd.s32 $0xFFFFF580  }
0x79: {  	_ =	swait.ge [sflag:s6], $0xA80  }
0x7a: {  	[sflag:s6] =	ssyncset.done $0x0  }
0x7b: {  	[sflag:s6] =	ssyncadd.s32 $0xFFFFF580  }
0x7c: {  	_ =	swait.ge [sflag:s6], $0xA80  }
0x7d: {  	[sflag:s6] =	ssyncset.done $0x0  }
0x7e: {  	[sflag:s6] =	ssyncadd.s32 $0xFFFFF580  }
0x7f: {  	_ =	swait.ge [sflag:s6], $0xA80  }
0x80: {  	[sflag:s6] =	ssyncset.done $0x0  }
0x81: {  	[sflag:s6] =	ssyncadd.s32 $0xFFFFF580  }
0x82: {  	_ =	swait.ge [sflag:s6], $0xA80  }
0x83: {  	[sflag:s6] =	ssyncset.done $0x0  }
0x84: {  	[sflag:s6] =	ssyncadd.s32 $0xFFFFF580  }
0x85: {  	_ =	swait.ge [sflag:s6], $0xA80  }
0x86: {  	[sflag:s6] =	ssyncset.done $0x0  }
0x87: {  	[sflag:s6] =	ssyncadd.s32 $0xFFFFF580  }
0x88: {  	_ =	swait.ge [sflag:s6], $0xA80  }
0x89: {  	[sflag:s6] =	ssyncset.done $0x0  }
0x8a: {  	[sflag:s6] =	ssyncadd.s32 $0xFFFFF580  }
0x8b: {  	_ =	swait.ge [sflag:s6], $0xA80  }
0x8c: {  	[sflag:s6] =	ssyncset.done $0x0  }
0x8d: {  	[sflag:s6] =	ssyncadd.s32 $0xFFFFF580  }
0x8e: {  	_ =	swait.ge [sflag:s6], $0xA80  }
0x8f: {  	[sflag:s6] =	ssyncset.done $0x0  }
0x90: {  	[sflag:s6] =	ssyncadd.s32 $0xFFFFF580  }
0x91: {  	_ =	swait.ge [sflag:s6], $0xA80  }
0x92: {  	[sflag:s6] =	ssyncset.done $0x0  }
0x93: {  	[sflag:s6] =	ssyncadd.s32 $0xFFFFF580  }
0x94: {  	_ =	swait.ge [sflag:s6], $0xA80  }
0x95: {  	[sflag:s6] =	ssyncset.done $0x0  }
0x96: {  	[sflag:s6] =	ssyncadd.s32 $0xFFFFF580  }
0x97: {  	_ =	swait.ge [sflag:s6], $0xA80  }
0x98: {  	[sflag:s6] =	ssyncset.done $0x0  }
0x99: {  	[sflag:s6] =	ssyncadd.s32 $0xFFFFF580  }
0x9a: {  	_ =	swait.ge [sflag:s6], $0xA80  }
0x9b: {  	[sflag:s6] =	ssyncset.done $0x0  }
0x9c: {  	[sflag:s6] =	ssyncadd.s32 $0xFFFFF580  }
0x9d: {  	_ =	swait.ge [sflag:s6], $0xA80  }
0x9e: {  	[sflag:s6] =	ssyncset.done $0x0  }
0x9f: {  	[sflag:s6] =	ssyncadd.s32 $0xFFFFF580  }
0xa0: {  	_ =	swait.ge [sflag:s6], $0xA80  }
0xa1: {  	[sflag:s6] =	ssyncset.done $0x0  }
0xa2: {  	[sflag:s6] =	ssyncadd.s32 $0xFFFFF580  }
0xa3: {  	_ =	swait.ge [sflag:s6], $0xA80  }
0xa4: {  	[sflag:s6] =	ssyncset.done $0x0  }
0xa5: {  	[sflag:s6] =	ssyncadd.s32 $0xFFFFF580  }
0xa6: {  	_ =	swait.ge [sflag:s6], $0xA80  }
0xa7: {  	[sflag:s6] =	ssyncset.done $0x0  }
0xa8: {  	[sflag:s6] =	ssyncadd.s32 $0xFFFFF580  }
0xa9: {  	_ =	swait.ge [sflag:s6], $0xA80  }
0xaa: {  	[sflag:s6] =	ssyncset.done $0x0  }
0xab: {  	[sflag:s6] =	ssyncadd.s32 $0xFFFFF580  }
0xac: {  	_ =	swait.ge [sflag:s6], $0xA80  }
0xad: {  	[sflag:s6] =	ssyncset.done $0x0  }
0xae: {  	[sflag:s6] =	ssyncadd.s32 $0xFFFFF580  }
0xaf: {  	_ =	swait.ge [sflag:s6], $0xA80  }
0xb0: {  	s10 =	sld [smem:$0x7FA]  }
0xb1: {  	s12 =	sld [smem:$0x7FB];
	_ =	sdelay $0x2  }
0xb2: {  	s8 =	simm.s32 $0xA0;
	s11 =	smov.u32 s10;
	s9 =	smov.u32 s12  }
.LBB2_2:
0xb3: {  	[sflag:s6] =	ssyncset.done $0x0  }
0xb4: {  	[sflag:s6] =	ssyncadd.s32 $0xFFFFF580  }
0xb5: {  	[hbm4b:s10+s3] =	stream.linear.scatter [tilespmem:s19], [sflag:$0x2], $0x7800, $0x38;
	[tilespmem:$0x1FA60] =	vst v63  }
0xb6: {  	_ =	swait.ge [sflag:s16], $0x7800  }
0xb7: {  	[sflag:s16] =	ssyncset.done $0x0  }
0xb8: {  	[sflag:s16] =	ssyncadd.s32 $0xFFFF8800  }
0xb9: {  	[hbm4b:s12+s3] =	stream.linear.scatter [tilespmem:s20], [sflag:$0x2], $0x7800, $0x38;
	[tilespmem:$0x1FA60] =	vst v63  }
0xba: {  	_ =	swait.ge [sflag:s16], $0x7800  }
0xbb: {  	s13 =	smov.u32 s8;
	s14 =	rddreg [dreg:$0x5];
	[sflag:s16] =	ssyncset.done $0x0  }
0xbc: {  	[sflag:s16] =	ssyncadd.s32 $0xFFFF8800;
	s14 =	sadd.s32 s13, s14  }
0xbd: {  	[tilespmem:s15], [sflag:$0x2] =	stream.linear.gather [hbm4b:s14+s3], $0x500, $0x38;
	[tilespmem:$0x1FA60] =	vst v63  }
0xbe: {  	_ =	swait.ge [sflag:s16], $0x500  }
0xbf: {  	s30 =	rddreg [dreg:$0x4];
	[sflag:s16] =	ssyncset.done $0x0  }
0xc0: {  	[sflag:s16] =	ssyncadd.s32 $0xFFFFFB00;
	s13 =	sadd.s32 s13, s30  }
0xc1: {  	[tilespmem:s17], [sflag:$0x2] =	stream.linear.gather [hbm4b:s13+s3], $0x500, $0x38;
	[tilespmem:$0x1FA60] =	vst v63  }
0xc2: {  	_ =	swait.ge [sflag:s16], $0x500  }
0xc3: {  	s14 =	rddreg [dreg:$0x1b]  }
0xc4: {  	s13 =	rddreg [dreg:$0x19]  }
0xc5: {  	s7 =	rddreg [dreg:$0x17]  }
0xc6: {  	s21 =	rddreg [dreg:$0x15]  }
0xc7: {  	s22 =	rddreg [dreg:$0x13]  }
0xc8: {  	s23 =	rddreg [dreg:$0x11]  }
0xc9: {  	s24 =	rddreg [dreg:$0xf]  }
0xca: {  	s25 =	rddreg [dreg:$0xd]  }
0xcb: {  	[sflag:s16] =	ssyncset.done $0x0;
	s26 =	rddreg [dreg:$0x6]  }
0xcc: {  	s28 =	rddreg [dreg:$0x7];
	[sflag:s16] =	ssyncadd.s32 $0xFFFFFB00  }
0xcd: {  	[tilespmem:s19], [sflag:$0x1] =	stream.indirect.gather [spmem:s1], $0x15, s17, s18, $0xb8;
	[tilespmem:$0x1FA60] =	vst v63  }
0xce: {  	s29 =	rddreg [dreg:$0x9]  }
0xcf: {  	[tilespmem:s20], [sflag:$0x1] =	stream.indirect.gather [spmem:s1], $0x15, s15, s18, $0xb8;
	[tilespmem:$0x1FA60] =	vst v63  }
0xd0: {  	s30 =	rddreg [dreg:$0xb]  }
0xd1: {  	[tilespmem:s28], [sflag:$0x1] =	stream.indirect.gather [spmem:s1], $0x15, s26, s18, $0xb8;
	[tilespmem:$0x1FA60] =	vst v63  }
0xd2: {  	s31 =	rddreg [dreg:$0x8]  }
0xd3: {  	[tilespmem:s29], [sflag:$0x1] =	stream.indirect.gather [spmem:s1], $0x15, s31, s18, $0xb8;
	[tilespmem:$0x1FA60] =	vst v63  }
0xd4: {  	s26 =	rddreg [dreg:$0xa]  }
0xd5: {  	[tilespmem:s30], [sflag:$0x1] =	stream.indirect.gather [spmem:s1], $0x15, s26, s18, $0xb8;
	[tilespmem:$0x1FA60] =	vst v63  }
0xd6: {  	s28 =	rddreg [dreg:$0xc]  }
0xd7: {  	[tilespmem:s25], [sflag:$0x1] =	stream.indirect.gather [spmem:s1], $0x15, s28, s18, $0xb8;
	[tilespmem:$0x1FA60] =	vst v63  }
0xd8: {  	s31 =	rddreg [dreg:$0xe]  }
0xd9: {  	[tilespmem:s24], [sflag:$0x1] =	stream.indirect.gather [spmem:s1], $0x15, s31, s18, $0xb8;
	[tilespmem:$0x1FA60] =	vst v63  }
0xda: {  	s30 =	rddreg [dreg:$0x10]  }
0xdb: {  	[tilespmem:s23], [sflag:$0x1] =	stream.indirect.gather [spmem:s1], $0x15, s30, s18, $0xb8;
	[tilespmem:$0x1FA60] =	vst v63  }
0xdc: {  	s31 =	rddreg [dreg:$0x12]  }
0xdd: {  	[tilespmem:s22], [sflag:$0x1] =	stream.indirect.gather [spmem:s1], $0x15, s31, s18, $0xb8;
	[tilespmem:$0x1FA60] =	vst v63  }
0xde: {  	s30 =	rddreg [dreg:$0x14]  }
0xdf: {  	[tilespmem:s21], [sflag:$0x1] =	stream.indirect.gather [spmem:s1], $0x15, s30, s18, $0xb8;
	[tilespmem:$0x1FA60] =	vst v63  }
0xe0: {  	s31 =	rddreg [dreg:$0x16]  }
0xe1: {  	[tilespmem:s7], [sflag:$0x1] =	stream.indirect.gather [spmem:s1], $0x15, s31, s18, $0xb8;
	[tilespmem:$0x1FA60] =	vst v63  }
0xe2: {  	s30 =	rddreg [dreg:$0x18]  }
0xe3: {  	[tilespmem:s13], [sflag:$0x1] =	stream.indirect.gather [spmem:s1], $0x15, s30, s18, $0xb8;
	[tilespmem:$0x1FA60] =	vst v63  }
0xe4: {  	s31 =	rddreg [dreg:$0x1a]  }
0xe5: {  	[tilespmem:s14], [sflag:$0x1] =	stream.indirect.gather [spmem:s1], $0x15, s31, s18, $0xb8;
	[tilespmem:$0x1FA60] =	vst v63  }
0xe6: {  	s13 =	simm.s32 $0x10360;
	s14 =	simm.s32 $0x1CA60  }
0xe7: {  	[tilespmem:s14], [sflag:$0x1] =	stream.indirect.gather [spmem:s1], $0x15, s13, s18, $0xb8;
	[tilespmem:$0x1FA60] =	vst v63  }
0xe8: {  	s23 =	simm.s32 $0x15E60;
	s22 =	simm.s32 $0x108E0  }
0xe9: {  	[tilespmem:s23], [sflag:$0x1] =	stream.indirect.gather [spmem:s1], $0x15, s22, s18, $0xb8;
	[tilespmem:$0x1FA60] =	vst v63  }
0xea: {  	s24 =	simm.s32 $0x103E0;
	s21 =	simm.s32 $0x1D660  }
0xeb: {  	[tilespmem:s21], [sflag:$0x1] =	stream.indirect.gather [spmem:s1], $0x15, s24, s18, $0xb8;
	[tilespmem:$0x1FA60] =	vst v63  }
0xec: {  	s26 =	simm.s32 $0x16A60;
	s25 =	simm.s32 $0x10960  }
0xed: {  	[tilespmem:s26], [sflag:$0x1] =	stream.indirect.gather [spmem:s1], $0x15, s25, s18, $0xb8;
	[tilespmem:$0x1FA60] =	vst v63  }
0xee: {  	s29 =	simm.s32 $0x1E260;
	s28 =	simm.s32 $0x10460  }
0xef: {  	[tilespmem:s29], [sflag:$0x1] =	stream.indirect.gather [spmem:s1], $0x15, s28, s18, $0xb8;
	[tilespmem:$0x1FA60] =	vst v63  }
0xf0: {  	_ = 	snop  }
0xf1: {  	[tilespmem:s2], [sflag:$0x1] =	stream.indirect.gather [spmem:s1], $0x15, s0, s18, $0xb8;
	[tilespmem:$0x1FA60] =	vst v63  }
0xf2: {  	_ = 	snop  }
0xf3: {  	[tilespmem:s5], [sflag:$0x1] =	stream.indirect.gather [spmem:s1], $0x15, s4, s18, $0xb8;
	[tilespmem:$0x1FA60] =	vst v63  }
0xf4: {  	_ =	swait.ge [sflag:s6], $0xA80  }
0xf5: {  	[sflag:s6] =	ssyncset.done $0x0  }
0xf6: {  	[sflag:s6] =	ssyncadd.s32 $0xFFFFF580  }
0xf7: {  	_ =	swait.ge [sflag:s6], $0xA80  }
0xf8: {  	[sflag:s6] =	ssyncset.done $0x0  }
0xf9: {  	[sflag:s6] =	ssyncadd.s32 $0xFFFFF580  }
0xfa: {  	_ =	swait.ge [sflag:s6], $0xA80  }
0xfb: {  	[sflag:s6] =	ssyncset.done $0x0  }
0xfc: {  	[sflag:s6] =	ssyncadd.s32 $0xFFFFF580  }
0xfd: {  	_ =	swait.ge [sflag:s6], $0xA80  }
0xfe: {  	[sflag:s6] =	ssyncset.done $0x0  }
0xff: {  	[sflag:s6] =	ssyncadd.s32 $0xFFFFF580  }
0x100: {  	_ =	swait.ge [sflag:s6], $0xA80  }
0x101: {  	[sflag:s6] =	ssyncset.done $0x0  }
0x102: {  	[sflag:s6] =	ssyncadd.s32 $0xFFFFF580  }
0x103: {  	_ =	swait.ge [sflag:s6], $0xA80  }
0x104: {  	[sflag:s6] =	ssyncset.done $0x0  }
0x105: {  	[sflag:s6] =	ssyncadd.s32 $0xFFFFF580  }
0x106: {  	_ =	swait.ge [sflag:s6], $0xA80  }
0x107: {  	[sflag:s6] =	ssyncset.done $0x0  }
0x108: {  	[sflag:s6] =	ssyncadd.s32 $0xFFFFF580  }
0x109: {  	_ =	swait.ge [sflag:s6], $0xA80  }
0x10a: {  	[sflag:s6] =	ssyncset.done $0x0  }
0x10b: {  	[sflag:s6] =	ssyncadd.s32 $0xFFFFF580  }
0x10c: {  	_ =	swait.ge [sflag:s6], $0xA80  }
0x10d: {  	[sflag:s6] =	ssyncset.done $0x0  }
0x10e: {  	[sflag:s6] =	ssyncadd.s32 $0xFFFFF580  }
0x10f: {  	_ =	swait.ge [sflag:s6], $0xA80  }
0x110: {  	[sflag:s6] =	ssyncset.done $0x0  }
0x111: {  	[sflag:s6] =	ssyncadd.s32 $0xFFFFF580  }
0x112: {  	_ =	swait.ge [sflag:s6], $0xA80  }
0x113: {  	[sflag:s6] =	ssyncset.done $0x0  }
0x114: {  	[sflag:s6] =	ssyncadd.s32 $0xFFFFF580  }
0x115: {  	_ =	swait.ge [sflag:s6], $0xA80  }
0x116: {  	[sflag:s6] =	ssyncset.done $0x0  }
0x117: {  	[sflag:s6] =	ssyncadd.s32 $0xFFFFF580  }
0x118: {  	_ =	swait.ge [sflag:s6], $0xA80  }
0x119: {  	[sflag:s6] =	ssyncset.done $0x0  }
0x11a: {  	[sflag:s6] =	ssyncadd.s32 $0xFFFFF580  }
0x11b: {  	_ =	swait.ge [sflag:s6], $0xA80  }
0x11c: {  	[sflag:s6] =	ssyncset.done $0x0  }
0x11d: {  	[sflag:s6] =	ssyncadd.s32 $0xFFFFF580  }
0x11e: {  	_ =	swait.ge [sflag:s6], $0xA80  }
0x11f: {  	[sflag:s6] =	ssyncset.done $0x0  }
0x120: {  	[sflag:s6] =	ssyncadd.s32 $0xFFFFF580  }
0x121: {  	_ =	swait.ge [sflag:s6], $0xA80  }
0x122: {  	[sflag:s6] =	ssyncset.done $0x0  }
0x123: {  	[sflag:s6] =	ssyncadd.s32 $0xFFFFF580  }
0x124: {  	_ =	swait.ge [sflag:s6], $0xA80  }
0x125: {  	[sflag:s6] =	ssyncset.done $0x0  }
0x126: {  	[sflag:s6] =	ssyncadd.s32 $0xFFFFF580  }
0x127: {  	_ =	swait.ge [sflag:s6], $0xA80  }
0x128: {  	p2 =	sne.s32 s8, $0x17C0;
	[sflag:s6] =	ssyncset.done $0x0  }
.Ltmp0:
0x129: {  	[sflag:s6] =	ssyncadd.s32 $0xFFFFF580;
	(pc) =	sbr.rel @p2 .LBB2_2-.Ltmp0, $4  }
0x12a: {  	_ =	swait.ge [sflag:s6], $0xA80  }
0x12b: {  	s11 =	sadd.s32 $0xF00, s11;
	[sflag:s6] =	ssyncset.done $0x0  }
0x12c: {  	s9 =	sadd.s32 $0xF00, s9;
	s8 =	sadd.s32 $0xA0, s8;
	[sflag:s6] =	ssyncadd.s32 $0xFFFFF580  }
0x12d: {  	s10 =	smov.u32 s11;
	s12 =	smov.u32 s9;
	_ =	swait.ge [sflag:s6], $0xA80  }
0x12e: {  	[sflag:s6] =	ssyncset.done $0x0  }
0x12f: {  	[sflag:s6] =	ssyncadd.s32 $0xFFFFF580  }
0x130: {  	[hbm4b:s10+s3] =	stream.linear.scatter [tilespmem:s19], [sflag:$0x2], $0x7800, $0x38;
	[tilespmem:$0x1FA60] =	vst v63  }
0x131: {  	_ =	swait.ge [sflag:s16], $0x7800  }
0x132: {  	[sflag:s16] =	ssyncset.done $0x0  }
0x133: {  	[sflag:s16] =	ssyncadd.s32 $0xFFFF8800  }
0x134: {  	[hbm4b:s12+s3] =	stream.linear.scatter [tilespmem:s20], [sflag:$0x2], $0x7800, $0x38;
	[tilespmem:$0x1FA60] =	vst v63  }
0x135: {  	_ =	swait.ge [sflag:s16], $0x7800  }
0x136: {  	s7 =	simm.s32 @!p1 $0x0;
	[sflag:s16] =	ssyncset.done $0x0  }
0x137: {  	s8 =	simm.s32 @!p1 $0x10060;
	s9 =	rddreg [dreg:$0x1e];
	[sflag:s16] =	ssyncadd.s32 $0xFFFF8800  }
0x138: {  	[tilespmem:s8], [sflag:$0x2] =	stream.linear.gather @!p1 [hbm4b:s9+s7], $0x80, $0x38;
	[tilespmem:$0x1FA60] =	vst v63  }
0x139: {  	s9 =	simm.s32 @!p1 $0x2  }
0x13a: {  	_ =	swait.ge @!p1 [sflag:s9], $0x80  }
0x13b: {  	[sflag:s9] =	ssyncset.done @!p1 $0x0  }
0x13c: {  	s10 =	simm.s32 @!p1 $0x10560;
	s11 =	rddreg [dreg:$0x1f];
	[sflag:s9] =	ssyncadd.s32 @!p1 $0xFFFFFF80  }
0x13d: {  	[tilespmem:s10], [sflag:$0x2] =	stream.linear.gather @!p1 [hbm4b:s11+s7], $0x80, $0x38;
	[tilespmem:$0x1FA60] =	vst v63  }
0x13e: {  	_ =	swait.ge @!p1 [sflag:s9], $0x80  }
0x13f: {  	[sflag:s9] =	ssyncset.done @!p1 $0x0  }
0x140: {  	s12 =	simm.s32 @!p1 $0x10A60;
	s11 =	simm.s32 @!p1 $0x80;
	[sflag:s9] =	ssyncadd.s32 @!p1 $0xFFFFFF80  }
0x141: {  	[tilespmem:s12], [sflag:$0x1] =	stream.indirect.gather @!p1 [spmem:s1], $0x15, s10, s11, $0xb8;
	[tilespmem:$0x1FA60] =	vst v63  }
0x142: {  	s10 =	simm.s32 @!p1 $0x18260  }
0x143: {  	[tilespmem:s10], [sflag:$0x1] =	stream.indirect.gather @!p1 [spmem:s1], $0x15, s8, s11, $0xb8;
	[tilespmem:$0x1FA60] =	vst v63  }
0x144: {  	s8 =	simm.s32 @!p1 $0x1  }
0x145: {  	_ =	swait.ge @!p1 [sflag:s8], $0xA80  }
0x146: {  	[sflag:s8] =	ssyncset.done @!p1 $0x0  }
0x147: {  	[sflag:s8] =	ssyncadd.s32 @!p1 $0xFFFFF580  }
0x148: {  	_ =	swait.ge @!p1 [sflag:s8], $0xA80  }
0x149: {  	[sflag:s8] =	ssyncset.done @!p1 $0x0  }
0x14a: {  	[sflag:s8] =	ssyncadd.s32 @!p1 $0xFFFFF580;
	s8 =	sld [smem:$0x7F7];
	_ =	sdelay $0x2  }
0x14b: {  	[hbm4b:s8+s7] =	stream.linear.scatter @!p1 [tilespmem:s12], [sflag:$0x2], $0xC00, $0x38;
	[tilespmem:$0x1FA60] =	vst v63  }
0x14c: {  	_ =	swait.ge @!p1 [sflag:s9], $0xC00  }
0x14d: {  	s8 =	sld [smem:$0x7F8]  }
0x14e: {  	[sflag:s9] =	ssyncset.done @!p1 $0x0  }
0x14f: {  	[sflag:s9] =	ssyncadd.s32 @!p1 $0xFFFFF400  }
0x150: {  	[hbm4b:s8+s7] =	stream.linear.scatter @!p1 [tilespmem:s10], [sflag:$0x2], $0xC00, $0x38;
	[tilespmem:$0x1FA60] =	vst v63  }
0x151: {  	_ =	swait.ge @!p1 [sflag:s9], $0xC00  }
0x152: {  	s30 =	sld [smem:$0x7F6]  }
0x153: {  	s31 =	sld [smem:$0x7F9];
	_ =	sdelay $0x1  }
0x154: {  	s8 =	sadd.s32 $0x1, s30  }
0x155: {  	p2 =	sne.s32 s8, s31  }
.Ltmp1:
0x156: {  	_ = 	snop;
	(pc) =	sbr.rel @p2 .LBB2_1-.Ltmp1, $3  }
0x157: {  	_ =	sdelay $0x1  }
0x158: {  	[sflag:s9] =	ssyncset.done @!p1 $0x0  }
0x159: {  	[sflag:s9] =	ssyncadd.s32 @!p1 $0xFFFFF400  }
0x15a: {  	_ =	sfence.sel $0x180000  }
0x15b: {  	[bflag:$0x0] =	sbarrier.arrive $0xFFFF  }
0x15c: {  	_ =	strace $0x90000047  }
0x15d: {  	s0 =	stileid.u32;
	[bflag:$0x2] =	sbarrier.arrive $0xFFFF  }
0x15e: {  	p0 =	sne.s32 s0, $0x0;
	s0 =	rddreg [dreg:$0x3]  }
0x15f: {  	s0 =	sadd.s32 @!p0 $0x100000, s0  }
0x160: {  	[sflag:s0] =	ssyncadd.tile.s32 @!p0 $0x1;
	_ =	shalt  }
.Lfunc_end2:
_tile_overlayer_lowered:
.L_overlay_start_2:
0x161: {  	(tag) =	ssettag $0x2  }
0x162: {  	s0 =	rddreg [dreg:$0x0];
	s2 =	stileid.u32  }
0x163: {  	s1 =	rddreg [dreg:$0x1];
	p0 =	sne.s32 s2, $0x0  }
0x164: {  	s3 =	rddreg [dreg:$0x2];
	[bflag:$0x3] =	sbarrier.arrive $0xFFFF;
	s2 =	simm.s32 @!p0 $0x1C02  }
0x165: {  	[timem:s3], [sflag:s2] =	dma.local @!p0 [hbm:s0], s1  }
0x166: {  	s0 =	simm.s32 @!p0 $0x2  }
0x167: {  	_ =	swait.ge @!p0 [sflag:s0], s1  }
0x168: {  	s1 =	ssub.s32 @!p0 $0x0, s1;
	[sflag:s0] =	ssyncset.done @!p0 $0x0  }
0x169: {  	[sflag:s0] =	ssyncadd.s32 @!p0 s1  }
0x16a: {  	[bflag:$0x3] =	sbarrier.arrive $0xFFFF  }
0x16b: {  	_ =	shalt  }

</sc_bundles>
